<compile_context>
chip_gen: v7x
topology: tpu7x:2x2x1
jax: 0.10.2.dev20260603
libtpu: 0.0.44.dev20260713+nightly
codegen_flags: <defaults>
</compile_context>

<pallas_src>
import functools

import jax
import jax.numpy as jnp
from jax import lax
from jax.experimental import pallas as pl
from jax.experimental.pallas import tpu as pltpu
from jax.experimental.pallas import tpu_sc as plsc

DIM = 32
LANES = 16
NC, NS = 2, 16
NW = NC * NS
NBUF = 2
CHUNK = 8
UNROLL = 8


def _sc_body(n_seq_per_w, seq, idx_hbm, tok_hbm, pos_hbm, out_hbm,
             pos_v, idx_v, rows_v, *sems):
    gsems = sems[:NBUF]
    osems = sems[NBUF:]
    wid = lax.axis_index("s") * NC + lax.axis_index("c")
    w0 = wid * n_seq_per_w
    crows = CHUNK * seq
    pltpu.sync_copy(pos_hbm, pos_v)

    for b in range(NBUF):
        pltpu.sync_copy(idx_hbm.at[pl.ds(w0 * seq + b * crows, crows)],
                        idx_v.at[b])
        pltpu.async_copy(tok_hbm.at[idx_v.at[b]], rows_v.at[b], gsems[b])

    n_outer = n_seq_per_w // CHUNK // NBUF

    def outer(r, carry):
        for b in range(NBUF):
            s = r * NBUF + b
            base = w0 * seq + s * crows
            pltpu.make_async_copy(
                tok_hbm.at[idx_v.at[b]], rows_v.at[b], gsems[b]).wait()

            def add_rows(i, c, b=b):
                for dj in range(UNROLL):
                    row = i * UNROLL + dj
                    for j in range(DIM // LANES):
                        sl = pl.ds(j * LANES, LANES)
                        p = pos_v[row, sl]
                        for q in range(CHUNK):
                            rq = q * seq + row
                            rows_v[b, rq, sl] = rows_v[b, rq, sl] + p
                return c

            lax.fori_loop(0, seq // UNROLL, add_rows, 0)
            pltpu.async_copy(rows_v.at[b], out_hbm.at[pl.ds(base, crows)],
                             osems[b])

            @pl.when(r < n_outer - 1)
            def _(b=b, s=s, base=base):
                nbase = base + NBUF * crows
                pltpu.sync_copy(idx_hbm.at[pl.ds(nbase, crows)], idx_v.at[b])
                pltpu.make_async_copy(
                    rows_v.at[b], out_hbm.at[pl.ds(base, crows)],
                    osems[b]).wait()
                pltpu.async_copy(tok_hbm.at[idx_v.at[b]], rows_v.at[b],
                                 gsems[b])
        return carry

    lax.fori_loop(0, n_outer, outer, 0)
    for b in range(NBUF):
        pltpu.make_async_copy(rows_v.at[b], out_hbm.at[pl.ds(0, crows)],
                              osems[b]).wait()


def kernel(inputs, token_table, position_table):
    b, l = inputs.shape
    n = b * l
    flat_idx = inputs.reshape(n).astype(jnp.int32)
    n_seq_per_w = b // NW

    mesh = plsc.VectorSubcoreMesh(core_axis_name="c", subcore_axis_name="s",
                                  num_cores=NC, num_subcores=NS)
    out = pl.kernel(
        functools.partial(_sc_body, n_seq_per_w, l),
        out_type=jax.ShapeDtypeStruct((n, DIM), jnp.float32),
        mesh=mesh,
        scratch_types=[
            pltpu.VMEM((l, DIM), jnp.float32),
            pltpu.VMEM((NBUF, CHUNK * l), jnp.int32),
            pltpu.VMEM((NBUF, CHUNK * l, DIM), jnp.float32),
        ] + [pltpu.SemaphoreType.DMA] * (2 * NBUF),
        compiler_params=pltpu.CompilerParams(use_tc_tiling_on_sc=False),
    )(flat_idx, token_table, position_table)
    return out.reshape(b, l, DIM)

# --- scband reference (transcript-rebuilt; emitter-appended) ---
"""Pipeline reference for scband-basic-positional-embeddings-84610855731590 (READ-ONLY COPY).

The authoritative reference and input builder live on the scoring server;
editing this copy changes nothing except your own understanding.
"""

import jax, jax.numpy as jnp
import numpy as np

DIM_EMB = 32
MAX_TOKENS = 1000000
MAX_SEQ_LENGTH = 200
BATCH = 4096
SEQ = 200


def setup_inputs(seed: int = 0) -> dict:
    key = jax.random.key(seed)
    k_inp, k_tok, k_pos = jax.random.split(key, 3)
    inputs = jax.random.randint(k_inp, (BATCH, SEQ), 0, MAX_TOKENS, dtype=jnp.int64 if jax.config.jax_enable_x64 else jnp.int32)
    token_table = jax.random.normal(k_tok, (MAX_TOKENS, DIM_EMB), dtype=jnp.float32) * 0.05
    position_table = jax.random.normal(k_pos, (MAX_SEQ_LENGTH, DIM_EMB), dtype=jnp.float32) * 0.05
    return {"inputs": inputs, "token_table": token_table, "position_table": position_table}


def reference(inputs, token_table, position_table):
    # token embedding lookup: gather rows from the token table
    tok_emb = jnp.take(token_table, inputs, axis=0)  # [B, L, D]
    # positional embedding for positions 0..L-1
    length = inputs.shape[-1]
    ordinal_positions = jnp.arange(length)
    pos_emb = jnp.take(position_table, ordinal_positions, axis=0)  # [L, D]
    # broadcast add over batch dim
    return tok_emb + pos_emb[None, :, :]

if __name__ == "__main__":
    import jax
    _d = setup_inputs()
    print(jax.jit(kernel)(*tuple(_d.values())))

</pallas_src>

<mosaic_0001>
#map = affine_map<(d0, d1) -> (0)>
#map1 = affine_map<(d0, d1) -> (0, 0)>
module attributes {stable_mosaic.version = 14 : i64} {
  func.func @_sc_body(%arg0: i32, %arg1: i32, %arg2: memref<819200xi32, #tpu.memory_space<hbm>>, %arg3: memref<1000000x32xf32, #tpu.memory_space<hbm>>, %arg4: memref<200x32xf32, #tpu.memory_space<hbm>>, %arg5: memref<819200x32xf32, #tpu.memory_space<hbm>>, %arg6: memref<200x32xf32, #tpu.memory_space<vmem>>, %arg7: memref<2x1600xi32, #tpu.memory_space<vmem>>, %arg8: memref<2x1600x32xf32, #tpu.memory_space<vmem>>, %arg9: memref<!tpu.dma_semaphore, #tpu.memory_space<semaphore_mem>>, %arg10: memref<!tpu.dma_semaphore, #tpu.memory_space<semaphore_mem>>, %arg11: memref<!tpu.dma_semaphore, #tpu.memory_space<semaphore_mem>>, %arg12: memref<!tpu.dma_semaphore, #tpu.memory_space<semaphore_mem>>) attributes {dimension_semantics = [#tpu.dimension_semantics<core_parallel>, #tpu.dimension_semantics<subcore_parallel>], iteration_bounds = array<i64: 2, 16>, scalar_prefetch = 0 : i64, scratch_operands = 7 : i64, tpu.core_type = #tpu.core_type<sc_vector_subcore>, window_params = [{transform_indices = #map}, {transform_indices = #map1}, {transform_indices = #map1}, {transform_indices = #map1}]} {
    %mul3A = arith.constant 2 : i32
    %mul3A_0 = arith.muli %arg1, %mul3A : i32
    %add3A = arith.addi %mul3A_0, %arg0 : i32
    %mul3A_1 = arith.constant 128 : i32
    %mul3A_2 = arith.muli %add3A, %mul3A_1 : i32
    "tpu.region"() ({
      %run_scoped3A_69 = tpu.sem_alloc : memref<!tpu.dma_semaphore, #tpu.memory_space<semaphore_mem>>
      tpu.enqueue_dma source(%arg4 : memref<200x32xf32, #tpu.memory_space<hbm>>) target(%arg6 : memref<200x32xf32, #tpu.memory_space<vmem>>) target_semaphore(%run_scoped3A_69 : memref<!tpu.dma_semaphore, #tpu.memory_space<semaphore_mem>>)
      tpu.wait_dma2 semaphore(%run_scoped3A_69 : memref<!tpu.dma_semaphore, #tpu.memory_space<semaphore_mem>>) src(%arg4 : memref<200x32xf32, #tpu.memory_space<hbm>>) dst(%arg6 : memref<200x32xf32, #tpu.memory_space<vmem>>)
      tpu.yield
    }) : () -> ()
    %mul3A_3 = arith.constant 200 : i32
    %mul3A_4 = arith.muli %mul3A_2, %mul3A_3 : i32
    %add3A_5 = arith.constant 0 : i32
    %add3A_6 = arith.addi %mul3A_4, %add3A_5 : i32
    %run_scoped3A = arith.constant 0 : i32
    "tpu.region"() ({
      %run_scoped3A_69 = tpu.sem_alloc : memref<!tpu.dma_semaphore, #tpu.memory_space<semaphore_mem>>
      %dma_start3A_70 = arith.constant 0 : i32
      %dma_start3A_71 = tpu.memref_slice %arg7[%run_scoped3A, %dma_start3A_70] : memref<2x1600xi32, #tpu.memory_space<vmem>> -> memref<1x1600xi32, #tpu.memory_space<vmem>>
      %dma_start3A_72 = tpu.memref_squeeze %dma_start3A_71 : memref<1x1600xi32, #tpu.memory_space<vmem>> -> memref<1600xi32, #tpu.memory_space<vmem>>
      %dma_start3A_73 = tpu.memref_slice %arg2[%add3A_6] : memref<819200xi32, #tpu.memory_space<hbm>> -> memref<1600xi32, #tpu.memory_space<hbm>>
      %dma_start3A_74 = arith.constant 0 : i32
      %dma_start3A_75 = tpu.memref_slice %arg7[%run_scoped3A, %dma_start3A_74] : memref<2x1600xi32, #tpu.memory_space<vmem>> -> memref<1x1600xi32, #tpu.memory_space<vmem>>
      %dma_start3A_76 = tpu.memref_squeeze %dma_start3A_75 : memref<1x1600xi32, #tpu.memory_space<vmem>> -> memref<1600xi32, #tpu.memory_space<vmem>>
      %dma_start3A_77 = tpu.memref_slice %arg2[%add3A_6] : memref<819200xi32, #tpu.memory_space<hbm>> -> memref<1600xi32, #tpu.memory_space<hbm>>
      tpu.enqueue_dma source(%dma_start3A_77 : memref<1600xi32, #tpu.memory_space<hbm>>) target(%dma_start3A_76 : memref<1600xi32, #tpu.memory_space<vmem>>) target_semaphore(%run_scoped3A_69 : memref<!tpu.dma_semaphore, #tpu.memory_space<semaphore_mem>>)
      %dma_wait3A_78 = arith.constant 0 : i32
      %dma_wait3A_79 = tpu.memref_slice %arg7[%run_scoped3A, %dma_wait3A_78] : memref<2x1600xi32, #tpu.memory_space<vmem>> -> memref<1x1600xi32, #tpu.memory_space<vmem>>
      %dma_wait3A_80 = tpu.memref_squeeze %dma_wait3A_79 : memref<1x1600xi32, #tpu.memory_space<vmem>> -> memref<1600xi32, #tpu.memory_space<vmem>>
      %dma_wait3A_81 = tpu.memref_slice %arg2[%add3A_6] : memref<819200xi32, #tpu.memory_space<hbm>> -> memref<1600xi32, #tpu.memory_space<hbm>>
      %dma_wait3A_82 = arith.constant 0 : i32
      %dma_wait3A_83 = tpu.memref_slice %arg7[%run_scoped3A, %dma_wait3A_82] : memref<2x1600xi32, #tpu.memory_space<vmem>> -> memref<1x1600xi32, #tpu.memory_space<vmem>>
      %dma_wait3A_84 = tpu.memref_squeeze %dma_wait3A_83 : memref<1x1600xi32, #tpu.memory_space<vmem>> -> memref<1600xi32, #tpu.memory_space<vmem>>
      %dma_wait3A_85 = tpu.memref_slice %arg2[%add3A_6] : memref<819200xi32, #tpu.memory_space<hbm>> -> memref<1600xi32, #tpu.memory_space<hbm>>
      tpu.wait_dma2 semaphore(%run_scoped3A_69 : memref<!tpu.dma_semaphore, #tpu.memory_space<semaphore_mem>>) src(%dma_wait3A_85 : memref<1600xi32, #tpu.memory_space<hbm>>) dst(%dma_wait3A_84 : memref<1600xi32, #tpu.memory_space<vmem>>)
      tpu.yield
    }) : () -> ()
    %dma_start3A = arith.constant 0 : i32
    %dma_start3A_7 = arith.constant 0 : i32
    %dma_start3A_8 = arith.constant 0 : i32
    %dma_start3A_9 = arith.constant 0 : i32
    %dma_start3A_10 = tpu.memref_slice %arg8[%dma_start3A_7, %dma_start3A_8, %dma_start3A_9] : memref<2x1600x32xf32, #tpu.memory_space<vmem>> -> memref<1x1600x32xf32, #tpu.memory_space<vmem>>
    %dma_start3A_11 = tpu.memref_squeeze %dma_start3A_10 : memref<1x1600x32xf32, #tpu.memory_space<vmem>> -> memref<1600x32xf32, #tpu.memory_space<vmem>>
    %dma_start3A_12 = arith.constant 0 : i32
    %dma_start3A_13 = tpu.memref_slice %arg7[%dma_start3A, %dma_start3A_12] : memref<2x1600xi32, #tpu.memory_space<vmem>> -> memref<1x1600xi32, #tpu.memory_space<vmem>>
    %dma_start3A_14 = tpu.memref_squeeze %dma_start3A_13 : memref<1x1600xi32, #tpu.memory_space<vmem>> -> memref<1600xi32, #tpu.memory_space<vmem>>
    %dma_start3A_15 = arith.constant 0 : i32
    %dma_start3A_16 = arith.constant 0 : i32
    %dma_start3A_17 = tpu.memref_slice %arg3[%dma_start3A_15, %dma_start3A_16] : memref<1000000x32xf32, #tpu.memory_space<hbm>> -> memref<1000000x32xf32, #tpu.memory_space<hbm>>
    tpu.enqueue_indirect_dma source(%dma_start3A_17 : memref<1000000x32xf32, #tpu.memory_space<hbm>>) target(%dma_start3A_11 : memref<1600x32xf32, #tpu.memory_space<vmem>>) offsets(%dma_start3A_14 : memref<1600xi32, #tpu.memory_space<vmem>>) semaphore(%arg9 : memref<!tpu.dma_semaphore, #tpu.memory_space<semaphore_mem>>)
    %mul3A_18 = arith.constant 200 : i32
    %mul3A_19 = arith.muli %mul3A_2, %mul3A_18 : i32
    %add3A_20 = arith.constant 1600 : i32
    %add3A_21 = arith.addi %mul3A_19, %add3A_20 : i32
    %run_scoped3A_22 = arith.constant 1 : i32
    "tpu.region"() ({
      %run_scoped3A_69 = tpu.sem_alloc : memref<!tpu.dma_semaphore, #tpu.memory_space<semaphore_mem>>
      %dma_start3A_70 = arith.constant 0 : i32
      %dma_start3A_71 = tpu.memref_slice %arg7[%run_scoped3A_22, %dma_start3A_70] : memref<2x1600xi32, #tpu.memory_space<vmem>> -> memref<1x1600xi32, #tpu.memory_space<vmem>>
      %dma_start3A_72 = tpu.memref_squeeze %dma_start3A_71 : memref<1x1600xi32, #tpu.memory_space<vmem>> -> memref<1600xi32, #tpu.memory_space<vmem>>
      %dma_start3A_73 = tpu.memref_slice %arg2[%add3A_21] : memref<819200xi32, #tpu.memory_space<hbm>> -> memref<1600xi32, #tpu.memory_space<hbm>>
      %dma_start3A_74 = arith.constant 0 : i32
      %dma_start3A_75 = tpu.memref_slice %arg7[%run_scoped3A_22, %dma_start3A_74] : memref<2x1600xi32, #tpu.memory_space<vmem>> -> memref<1x1600xi32, #tpu.memory_space<vmem>>
      %dma_start3A_76 = tpu.memref_squeeze %dma_start3A_75 : memref<1x1600xi32, #tpu.memory_space<vmem>> -> memref<1600xi32, #tpu.memory_space<vmem>>
      %dma_start3A_77 = tpu.memref_slice %arg2[%add3A_21] : memref<819200xi32, #tpu.memory_space<hbm>> -> memref<1600xi32, #tpu.memory_space<hbm>>
      tpu.enqueue_dma source(%dma_start3A_77 : memref<1600xi32, #tpu.memory_space<hbm>>) target(%dma_start3A_76 : memref<1600xi32, #tpu.memory_space<vmem>>) target_semaphore(%run_scoped3A_69 : memref<!tpu.dma_semaphore, #tpu.memory_space<semaphore_mem>>)
      %dma_wait3A_78 = arith.constant 0 : i32
      %dma_wait3A_79 = tpu.memref_slice %arg7[%run_scoped3A_22, %dma_wait3A_78] : memref<2x1600xi32, #tpu.memory_space<vmem>> -> memref<1x1600xi32, #tpu.memory_space<vmem>>
      %dma_wait3A_80 = tpu.memref_squeeze %dma_wait3A_79 : memref<1x1600xi32, #tpu.memory_space<vmem>> -> memref<1600xi32, #tpu.memory_space<vmem>>
      %dma_wait3A_81 = tpu.memref_slice %arg2[%add3A_21] : memref<819200xi32, #tpu.memory_space<hbm>> -> memref<1600xi32, #tpu.memory_space<hbm>>
      %dma_wait3A_82 = arith.constant 0 : i32
      %dma_wait3A_83 = tpu.memref_slice %arg7[%run_scoped3A_22, %dma_wait3A_82] : memref<2x1600xi32, #tpu.memory_space<vmem>> -> memref<1x1600xi32, #tpu.memory_space<vmem>>
      %dma_wait3A_84 = tpu.memref_squeeze %dma_wait3A_83 : memref<1x1600xi32, #tpu.memory_space<vmem>> -> memref<1600xi32, #tpu.memory_space<vmem>>
      %dma_wait3A_85 = tpu.memref_slice %arg2[%add3A_21] : memref<819200xi32, #tpu.memory_space<hbm>> -> memref<1600xi32, #tpu.memory_space<hbm>>
      tpu.wait_dma2 semaphore(%run_scoped3A_69 : memref<!tpu.dma_semaphore, #tpu.memory_space<semaphore_mem>>) src(%dma_wait3A_85 : memref<1600xi32, #tpu.memory_space<hbm>>) dst(%dma_wait3A_84 : memref<1600xi32, #tpu.memory_space<vmem>>)
      tpu.yield
    }) : () -> ()
    %dma_start3A_23 = arith.constant 1 : i32
    %dma_start3A_24 = arith.constant 1 : i32
    %dma_start3A_25 = arith.constant 0 : i32
    %dma_start3A_26 = arith.constant 0 : i32
    %dma_start3A_27 = tpu.memref_slice %arg8[%dma_start3A_24, %dma_start3A_25, %dma_start3A_26] : memref<2x1600x32xf32, #tpu.memory_space<vmem>> -> memref<1x1600x32xf32, #tpu.memory_space<vmem>>
    %dma_start3A_28 = tpu.memref_squeeze %dma_start3A_27 : memref<1x1600x32xf32, #tpu.memory_space<vmem>> -> memref<1600x32xf32, #tpu.memory_space<vmem>>
    %dma_start3A_29 = arith.constant 0 : i32
    %dma_start3A_30 = tpu.memref_slice %arg7[%dma_start3A_23, %dma_start3A_29] : memref<2x1600xi32, #tpu.memory_space<vmem>> -> memref<1x1600xi32, #tpu.memory_space<vmem>>
    %dma_start3A_31 = tpu.memref_squeeze %dma_start3A_30 : memref<1x1600xi32, #tpu.memory_space<vmem>> -> memref<1600xi32, #tpu.memory_space<vmem>>
    %dma_start3A_32 = arith.constant 0 : i32
    %dma_start3A_33 = arith.constant 0 : i32
    %dma_start3A_34 = tpu.memref_slice %arg3[%dma_start3A_32, %dma_start3A_33] : memref<1000000x32xf32, #tpu.memory_space<hbm>> -> memref<1000000x32xf32, #tpu.memory_space<hbm>>
    tpu.enqueue_indirect_dma source(%dma_start3A_34 : memref<1000000x32xf32, #tpu.memory_space<hbm>>) target(%dma_start3A_28 : memref<1600x32xf32, #tpu.memory_space<vmem>>) offsets(%dma_start3A_31 : memref<1600xi32, #tpu.memory_space<vmem>>) semaphore(%arg10 : memref<!tpu.dma_semaphore, #tpu.memory_space<semaphore_mem>>)
    %scan3A = arith.constant 0 : i32
    %scan3A_35 = arith.constant 0 : i32
    %scan3A_36 = arith.constant 8 : i32
    %scan3A_37 = arith.addi %scan3A_35, %scan3A_36 : i32
    %scan3A_38 = arith.constant 1 : i32
    scf.for %scan3A_69 = %scan3A_35 to %scan3A_37 step %scan3A_38  : i32 {
      %mul3A_70 = arith.constant 2 : i32
      %mul3A_71 = arith.muli %scan3A_69, %mul3A_70 : i32
      %add3A_72 = arith.constant 0 : i32
      %add3A_73 = arith.addi %mul3A_71, %add3A_72 : i32
      %mul3A_74 = arith.constant 200 : i32
      %mul3A_75 = arith.muli %mul3A_2, %mul3A_74 : i32
      %mul3A_76 = arith.constant 1600 : i32
      %mul3A_77 = arith.muli %add3A_73, %mul3A_76 : i32
      %add3A_78 = arith.addi %mul3A_75, %mul3A_77 : i32
      %dma_wait3A_79 = arith.constant 0 : i32
      %dma_wait3A_80 = arith.constant 0 : i32
      %dma_wait3A_81 = arith.constant 0 : i32
      %dma_wait3A_82 = arith.constant 0 : i32
      %dma_wait3A_83 = tpu.memref_slice %arg8[%dma_wait3A_80, %dma_wait3A_81, %dma_wait3A_82] : memref<2x1600x32xf32, #tpu.memory_space<vmem>> -> memref<1x1600x32xf32, #tpu.memory_space<vmem>>
      %dma_wait3A_84 = tpu.memref_squeeze %dma_wait3A_83 : memref<1x1600x32xf32, #tpu.memory_space<vmem>> -> memref<1600x32xf32, #tpu.memory_space<vmem>>
      %dma_wait3A_85 = arith.constant 0 : i32
      %dma_wait3A_86 = tpu.memref_slice %arg7[%dma_wait3A_79, %dma_wait3A_85] : memref<2x1600xi32, #tpu.memory_space<vmem>> -> memref<1x1600xi32, #tpu.memory_space<vmem>>
      %dma_wait3A_87 = tpu.memref_squeeze %dma_wait3A_86 : memref<1x1600xi32, #tpu.memory_space<vmem>> -> memref<1600xi32, #tpu.memory_space<vmem>>
      %dma_wait3A_88 = arith.constant 0 : i32
      %dma_wait3A_89 = arith.constant 0 : i32
      %dma_wait3A_90 = tpu.memref_slice %arg3[%dma_wait3A_88, %dma_wait3A_89] : memref<1000000x32xf32, #tpu.memory_space<hbm>> -> memref<1000000x32xf32, #tpu.memory_space<hbm>>
      tpu.wait_indirect_dma semaphore(%arg9 : memref<!tpu.dma_semaphore, #tpu.memory_space<semaphore_mem>>) src(%dma_wait3A_90 : memref<1000000x32xf32, #tpu.memory_space<hbm>>) dst(%dma_wait3A_84 : memref<1600x32xf32, #tpu.memory_space<vmem>>)
      %scan3A_91 = arith.constant 0 : i32
      %scan3A_92 = arith.constant 0 : i32
      %scan3A_93 = arith.constant 25 : i32
      %scan3A_94 = arith.addi %scan3A_92, %scan3A_93 : i32
      %scan3A_95 = arith.constant 1 : i32
      scf.for %scan3A_157 = %scan3A_92 to %scan3A_94 step %scan3A_95  : i32 {
        %mul3A_158 = arith.constant 8 : i32
        %mul3A_159 = arith.muli %scan3A_157, %mul3A_158 : i32
        %add3A_160 = arith.constant 0 : i32
        %add3A_161 = arith.addi %mul3A_159, %add3A_160 : i32
        %get3A = arith.index_cast %add3A_161 : i32 to index
        %get3A_162 = arith.constant 0 : index
        %get3A_163 = tpu.vector_load %arg6[%get3A, %get3A_162] {strides = array<i32>} : memref<200x32xf32, #tpu.memory_space<vmem>>, vector<1x16xf32>,
        %get3A_164 = vector.shape_cast %get3A_163 : vector<1x16xf32> to vector<16xf32>
        %add3A_165 = arith.constant 0 : i32
        %add3A_166 = arith.addi %add3A_165, %add3A_161 : i32
        %get3A_167 = arith.constant 0 : i32
        %get3A_168 = arith.index_cast %get3A_167 : i32 to index
        %get3A_169 = arith.index_cast %add3A_166 : i32 to index
        %get3A_170 = arith.constant 0 : index
        %get3A_171 = tpu.vector_load %arg8[%get3A_168, %get3A_169, %get3A_170] {strides = array<i32>} : memref<2x1600x32xf32, #tpu.memory_space<vmem>>, vector<1x1x16xf32>,
        %get3A_172 = vector.shape_cast %get3A_171 : vector<1x1x16xf32> to vector<16xf32>
        %add3A_173 = arith.addf %get3A_172, %get3A_164 : vector<16xf32>
        %swap3A = arith.constant 0 : i32
        %swap3A_174 = arith.index_cast %swap3A : i32 to index
        %swap3A_175 = arith.index_cast %add3A_166 : i32 to index
        %swap3A_176 = arith.constant 0 : index
        %swap3A_177 = tpu.vector_load %arg8[%swap3A_174, %swap3A_175, %swap3A_176] {strides = array<i32>} : memref<2x1600x32xf32, #tpu.memory_space<vmem>>, vector<1x1x16xf32>,
        %swap3A_178 = vector.shape_cast %swap3A_177 : vector<1x1x16xf32> to vector<16xf32>
        %swap3A_179 = vector.shape_cast %add3A_173 : vector<16xf32> to vector<1x1x16xf32>
        tpu.vector_store %arg8[%swap3A_174, %swap3A_175, %swap3A_176], %swap3A_179 {strides = array<i32>} : memref<2x1600x32xf32, #tpu.memory_space<vmem>>, vector<1x1x16xf32>,
        %add3A_180 = arith.constant 200 : i32
        %add3A_181 = arith.addi %add3A_180, %add3A_161 : i32
        %get3A_182 = arith.constant 0 : i32
        %get3A_183 = arith.index_cast %get3A_182 : i32 to index
        %get3A_184 = arith.index_cast %add3A_181 : i32 to index
        %get3A_185 = arith.constant 0 : index
        %get3A_186 = tpu.vector_load %arg8[%get3A_183, %get3A_184, %get3A_185] {strides = array<i32>} : memref<2x1600x32xf32, #tpu.memory_space<vmem>>, vector<1x1x16xf32>,
        %get3A_187 = vector.shape_cast %get3A_186 : vector<1x1x16xf32> to vector<16xf32>
        %add3A_188 = arith.addf %get3A_187, %get3A_164 : vector<16xf32>
        %swap3A_189 = arith.constant 0 : i32
        %swap3A_190 = arith.index_cast %swap3A_189 : i32 to index
        %swap3A_191 = arith.index_cast %add3A_181 : i32 to index
        %swap3A_192 = arith.constant 0 : index
        %swap3A_193 = tpu.vector_load %arg8[%swap3A_190, %swap3A_191, %swap3A_192] {strides = array<i32>} : memref<2x1600x32xf32, #tpu.memory_space<vmem>>, vector<1x1x16xf32>,
        %swap3A_194 = vector.shape_cast %swap3A_193 : vector<1x1x16xf32> to vector<16xf32>
        %swap3A_195 = vector.shape_cast %add3A_188 : vector<16xf32> to vector<1x1x16xf32>
        tpu.vector_store %arg8[%swap3A_190, %swap3A_191, %swap3A_192], %swap3A_195 {strides = array<i32>} : memref<2x1600x32xf32, #tpu.memory_space<vmem>>, vector<1x1x16xf32>,
        %add3A_196 = arith.constant 400 : i32
        %add3A_197 = arith.addi %add3A_196, %add3A_161 : i32
        %get3A_198 = arith.constant 0 : i32
        %get3A_199 = arith.index_cast %get3A_198 : i32 to index
        %get3A_200 = arith.index_cast %add3A_197 : i32 to index
        %get3A_201 = arith.constant 0 : index
        %get3A_202 = tpu.vector_load %arg8[%get3A_199, %get3A_200, %get3A_201] {strides = array<i32>} : memref<2x1600x32xf32, #tpu.memory_space<vmem>>, vector<1x1x16xf32>,
        %get3A_203 = vector.shape_cast %get3A_202 : vector<1x1x16xf32> to vector<16xf32>
        %add3A_204 = arith.addf %get3A_203, %get3A_164 : vector<16xf32>
        %swap3A_205 = arith.constant 0 : i32
        %swap3A_206 = arith.index_cast %swap3A_205 : i32 to index
        %swap3A_207 = arith.index_cast %add3A_197 : i32 to index
        %swap3A_208 = arith.constant 0 : index
        %swap3A_209 = tpu.vector_load %arg8[%swap3A_206, %swap3A_207, %swap3A_208] {strides = array<i32>} : memref<2x1600x32xf32, #tpu.memory_space<vmem>>, vector<1x1x16xf32>,
        %swap3A_210 = vector.shape_cast %swap3A_209 : vector<1x1x16xf32> to vector<16xf32>
        %swap3A_211 = vector.shape_cast %add3A_204 : vector<16xf32> to vector<1x1x16xf32>
        tpu.vector_store %arg8[%swap3A_206, %swap3A_207, %swap3A_208], %swap3A_211 {strides = array<i32>} : memref<2x1600x32xf32, #tpu.memory_space<vmem>>, vector<1x1x16xf32>,
        %add3A_212 = arith.constant 600 : i32
        %add3A_213 = arith.addi %add3A_212, %add3A_161 : i32
        %get3A_214 = arith.constant 0 : i32
        %get3A_215 = arith.index_cast %get3A_214 : i32 to index
        %get3A_216 = arith.index_cast %add3A_213 : i32 to index
        %get3A_217 = arith.constant 0 : index
        %get3A_218 = tpu.vector_load %arg8[%get3A_215, %get3A_216, %get3A_217] {strides = array<i32>} : memref<2x1600x32xf32, #tpu.memory_space<vmem>>, vector<1x1x16xf32>,
        %get3A_219 = vector.shape_cast %get3A_218 : vector<1x1x16xf32> to vector<16xf32>
        %add3A_220 = arith.addf %get3A_219, %get3A_164 : vector<16xf32>
        %swap3A_221 = arith.constant 0 : i32
        %swap3A_222 = arith.index_cast %swap3A_221 : i32 to index
        %swap3A_223 = arith.index_cast %add3A_213 : i32 to index
        %swap3A_224 = arith.constant 0 : index
        %swap3A_225 = tpu.vector_load %arg8[%swap3A_222, %swap3A_223, %swap3A_224] {strides = array<i32>} : memref<2x1600x32xf32, #tpu.memory_space<vmem>>, vector<1x1x16xf32>,
        %swap3A_226 = vector.shape_cast %swap3A_225 : vector<1x1x16xf32> to vector<16xf32>
        %swap3A_227 = vector.shape_cast %add3A_220 : vector<16xf32> to vector<1x1x16xf32>
        tpu.vector_store %arg8[%swap3A_222, %swap3A_223, %swap3A_224], %swap3A_227 {strides = array<i32>} : memref<2x1600x32xf32, #tpu.memory_space<vmem>>, vector<1x1x16xf32>,
        %add3A_228 = arith.constant 800 : i32
        %add3A_229 = arith.addi %add3A_228, %add3A_161 : i32
        %get3A_230 = arith.constant 0 : i32
        %get3A_231 = arith.index_cast %get3A_230 : i32 to index
        %get3A_232 = arith.index_cast %add3A_229 : i32 to index
        %get3A_233 = arith.constant 0 : index
        %get3A_234 = tpu.vector_load %arg8[%get3A_231, %get3A_232, %get3A_233] {strides = array<i32>} : memref<2x1600x32xf32, #tpu.memory_space<vmem>>, vector<1x1x16xf32>,
        %get3A_235 = vector.shape_cast %get3A_234 : vector<1x1x16xf32> to vector<16xf32>
        %add3A_236 = arith.addf %get3A_235, %get3A_164 : vector<16xf32>
        %swap3A_237 = arith.constant 0 : i32
        %swap3A_238 = arith.index_cast %swap3A_237 : i32 to index
        %swap3A_239 = arith.index_cast %add3A_229 : i32 to index
        %swap3A_240 = arith.constant 0 : index
        %swap3A_241 = tpu.vector_load %arg8[%swap3A_238, %swap3A_239, %swap3A_240] {strides = array<i32>} : memref<2x1600x32xf32, #tpu.memory_space<vmem>>, vector<1x1x16xf32>,
        %swap3A_242 = vector.shape_cast %swap3A_241 : vector<1x1x16xf32> to vector<16xf32>
        %swap3A_243 = vector.shape_cast %add3A_236 : vector<16xf32> to vector<1x1x16xf32>
        tpu.vector_store %arg8[%swap3A_238, %swap3A_239, %swap3A_240], %swap3A_243 {strides = array<i32>} : memref<2x1600x32xf32, #tpu.memory_space<vmem>>, vector<1x1x16xf32>,
        %add3A_244 = arith.constant 1000 : i32
        %add3A_245 = arith.addi %add3A_244, %add3A_161 : i32
        %get3A_246 = arith.constant 0 : i32
        %get3A_247 = arith.index_cast %get3A_246 : i32 to index
        %get3A_248 = arith.index_cast %add3A_245 : i32 to index
        %get3A_249 = arith.constant 0 : index
        %get3A_250 = tpu.vector_load %arg8[%get3A_247, %get3A_248, %get3A_249] {strides = array<i32>} : memref<2x1600x32xf32, #tpu.memory_space<vmem>>, vector<1x1x16xf32>,
        %get3A_251 = vector.shape_cast %get3A_250 : vector<1x1x16xf32> to vector<16xf32>
        %add3A_252 = arith.addf %get3A_251, %get3A_164 : vector<16xf32>
        %swap3A_253 = arith.constant 0 : i32
        %swap3A_254 = arith.index_cast %swap3A_253 : i32 to index
        %swap3A_255 = arith.index_cast %add3A_245 : i32 to index
        %swap3A_256 = arith.constant 0 : index
        %swap3A_257 = tpu.vector_load %arg8[%swap3A_254, %swap3A_255, %swap3A_256] {strides = array<i32>} : memref<2x1600x32xf32, #tpu.memory_space<vmem>>, vector<1x1x16xf32>,
        %swap3A_258 = vector.shape_cast %swap3A_257 : vector<1x1x16xf32> to vector<16xf32>
        %swap3A_259 = vector.shape_cast %add3A_252 : vector<16xf32> to vector<1x1x16xf32>
        tpu.vector_store %arg8[%swap3A_254, %swap3A_255, %swap3A_256], %swap3A_259 {strides = array<i32>} : memref<2x1600x32xf32, #tpu.memory_space<vmem>>, vector<1x1x16xf32>,
        %add3A_260 = arith.constant 1200 : i32
        %add3A_261 = arith.addi %add3A_260, %add3A_161 : i32
        %get3A_262 = arith.constant 0 : i32
        %get3A_263 = arith.index_cast %get3A_262 : i32 to index
        %get3A_264 = arith.index_cast %add3A_261 : i32 to index
        %get3A_265 = arith.constant 0 : index
        %get3A_266 = tpu.vector_load %arg8[%get3A_263, %get3A_264, %get3A_265] {strides = array<i32>} : memref<2x1600x32xf32, #tpu.memory_space<vmem>>, vector<1x1x16xf32>,
        %get3A_267 = vector.shape_cast %get3A_266 : vector<1x1x16xf32> to vector<16xf32>
        %add3A_268 = arith.addf %get3A_267, %get3A_164 : vector<16xf32>
        %swap3A_269 = arith.constant 0 : i32
        %swap3A_270 = arith.index_cast %swap3A_269 : i32 to index
        %swap3A_271 = arith.index_cast %add3A_261 : i32 to index
        %swap3A_272 = arith.constant 0 : index
        %swap3A_273 = tpu.vector_load %arg8[%swap3A_270, %swap3A_271, %swap3A_272] {strides = array<i32>} : memref<2x1600x32xf32, #tpu.memory_space<vmem>>, vector<1x1x16xf32>,
        %swap3A_274 = vector.shape_cast %swap3A_273 : vector<1x1x16xf32> to vector<16xf32>
        %swap3A_275 = vector.shape_cast %add3A_268 : vector<16xf32> to vector<1x1x16xf32>
        tpu.vector_store %arg8[%swap3A_270, %swap3A_271, %swap3A_272], %swap3A_275 {strides = array<i32>} : memref<2x1600x32xf32, #tpu.memory_space<vmem>>, vector<1x1x16xf32>,
        %add3A_276 = arith.constant 1400 : i32
        %add3A_277 = arith.addi %add3A_276, %add3A_161 : i32
        %get3A_278 = arith.constant 0 : i32
        %get3A_279 = arith.index_cast %get3A_278 : i32 to index
        %get3A_280 = arith.index_cast %add3A_277 : i32 to index
        %get3A_281 = arith.constant 0 : index
        %get3A_282 = tpu.vector_load %arg8[%get3A_279, %get3A_280, %get3A_281] {strides = array<i32>} : memref<2x1600x32xf32, #tpu.memory_space<vmem>>, vector<1x1x16xf32>,
        %get3A_283 = vector.shape_cast %get3A_282 : vector<1x1x16xf32> to vector<16xf32>
        %add3A_284 = arith.addf %get3A_283, %get3A_164 : vector<16xf32>
        %swap3A_285 = arith.constant 0 : i32
        %swap3A_286 = arith.index_cast %swap3A_285 : i32 to index
        %swap3A_287 = arith.index_cast %add3A_277 : i32 to index
        %swap3A_288 = arith.constant 0 : index
        %swap3A_289 = tpu.vector_load %arg8[%swap3A_286, %swap3A_287, %swap3A_288] {strides = array<i32>} : memref<2x1600x32xf32, #tpu.memory_space<vmem>>, vector<1x1x16xf32>,
        %swap3A_290 = vector.shape_cast %swap3A_289 : vector<1x1x16xf32> to vector<16xf32>
        %swap3A_291 = vector.shape_cast %add3A_284 : vector<16xf32> to vector<1x1x16xf32>
        tpu.vector_store %arg8[%swap3A_286, %swap3A_287, %swap3A_288], %swap3A_291 {strides = array<i32>} : memref<2x1600x32xf32, #tpu.memory_space<vmem>>, vector<1x1x16xf32>,
        %get3A_292 = arith.index_cast %add3A_161 : i32 to index
        %get3A_293 = arith.constant 16 : index
        %get3A_294 = tpu.vector_load %arg6[%get3A_292, %get3A_293] {strides = array<i32>} : memref<200x32xf32, #tpu.memory_space<vmem>>, vector<1x16xf32>,
        %get3A_295 = vector.shape_cast %get3A_294 : vector<1x16xf32> to vector<16xf32>
        %add3A_296 = arith.constant 0 : i32
        %add3A_297 = arith.addi %add3A_296, %add3A_161 : i32
        %get3A_298 = arith.constant 0 : i32
        %get3A_299 = arith.index_cast %get3A_298 : i32 to index
        %get3A_300 = arith.index_cast %add3A_297 : i32 to index
        %get3A_301 = arith.constant 16 : index
        %get3A_302 = tpu.vector_load %arg8[%get3A_299, %get3A_300, %get3A_301] {strides = array<i32>} : memref<2x1600x32xf32, #tpu.memory_space<vmem>>, vector<1x1x16xf32>,
        %get3A_303 = vector.shape_cast %get3A_302 : vector<1x1x16xf32> to vector<16xf32>
        %add3A_304 = arith.addf %get3A_303, %get3A_295 : vector<16xf32>
        %swap3A_305 = arith.constant 0 : i32
        %swap3A_306 = arith.index_cast %swap3A_305 : i32 to index
        %swap3A_307 = arith.index_cast %add3A_297 : i32 to index
        %swap3A_308 = arith.constant 16 : index
        %swap3A_309 = tpu.vector_load %arg8[%swap3A_306, %swap3A_307, %swap3A_308] {strides = array<i32>} : memref<2x1600x32xf32, #tpu.memory_space<vmem>>, vector<1x1x16xf32>,
        %swap3A_310 = vector.shape_cast %swap3A_309 : vector<1x1x16xf32> to vector<16xf32>
        %swap3A_311 = vector.shape_cast %add3A_304 : vector<16xf32> to vector<1x1x16xf32>
        tpu.vector_store %arg8[%swap3A_306, %swap3A_307, %swap3A_308], %swap3A_311 {strides = array<i32>} : memref<2x1600x32xf32, #tpu.memory_space<vmem>>, vector<1x1x16xf32>,
        %add3A_312 = arith.constant 200 : i32
        %add3A_313 = arith.addi %add3A_312, %add3A_161 : i32
        %get3A_314 = arith.constant 0 : i32
        %get3A_315 = arith.index_cast %get3A_314 : i32 to index
        %get3A_316 = arith.index_cast %add3A_313 : i32 to index
        %get3A_317 = arith.constant 16 : index
        %get3A_318 = tpu.vector_load %arg8[%get3A_315, %get3A_316, %get3A_317] {strides = array<i32>} : memref<2x1600x32xf32, #tpu.memory_space<vmem>>, vector<1x1x16xf32>,
        %get3A_319 = vector.shape_cast %get3A_318 : vector<1x1x16xf32> to vector<16xf32>
        %add3A_320 = arith.addf %get3A_319, %get3A_295 : vector<16xf32>
        %swap3A_321 = arith.constant 0 : i32
        %swap3A_322 = arith.index_cast %swap3A_321 : i32 to index
        %swap3A_323 = arith.index_cast %add3A_313 : i32 to index
        %swap3A_324 = arith.constant 16 : index
        %swap3A_325 = tpu.vector_load %arg8[%swap3A_322, %swap3A_323, %swap3A_324] {strides = array<i32>} : memref<2x1600x32xf32, #tpu.memory_space<vmem>>, vector<1x1x16xf32>,
        %swap3A_326 = vector.shape_cast %swap3A_325 : vector<1x1x16xf32> to vector<16xf32>
        %swap3A_327 = vector.shape_cast %add3A_320 : vector<16xf32> to vector<1x1x16xf32>
        tpu.vector_store %arg8[%swap3A_322, %swap3A_323, %swap3A_324], %swap3A_327 {strides = array<i32>} : memref<2x1600x32xf32, #tpu.memory_space<vmem>>, vector<1x1x16xf32>,
        %add3A_328 = arith.constant 400 : i32
        %add3A_329 = arith.addi %add3A_328, %add3A_161 : i32
        %get3A_330 = arith.constant 0 : i32
        %get3A_331 = arith.index_cast %get3A_330 : i32 to index
        %get3A_332 = arith.index_cast %add3A_329 : i32 to index
        %get3A_333 = arith.constant 16 : index
        %get3A_334 = tpu.vector_load %arg8[%get3A_331, %get3A_332, %get3A_333] {strides = array<i32>} : memref<2x1600x32xf32, #tpu.memory_space<vmem>>, vector<1x1x16xf32>,
        %get3A_335 = vector.shape_cast %get3A_334 : vector<1x1x16xf32> to vector<16xf32>
        %add3A_336 = arith.addf %get3A_335, %get3A_295 : vector<16xf32>
        %swap3A_337 = arith.constant 0 : i32
        %swap3A_338 = arith.index_cast %swap3A_337 : i32 to index
        %swap3A_339 = arith.index_cast %add3A_329 : i32 to index
        %swap3A_340 = arith.constant 16 : index
        %swap3A_341 = tpu.vector_load %arg8[%swap3A_338, %swap3A_339, %swap3A_340] {strides = array<i32>} : memref<2x1600x32xf32, #tpu.memory_space<vmem>>, vector<1x1x16xf32>,
        %swap3A_342 = vector.shape_cast %swap3A_341 : vector<1x1x16xf32> to vector<16xf32>
        %swap3A_343 = vector.shape_cast %add3A_336 : vector<16xf32> to vector<1x1x16xf32>
        tpu.vector_store %arg8[%swap3A_338, %swap3A_339, %swap3A_340], %swap3A_343 {strides = array<i32>} : memref<2x1600x32xf32, #tpu.memory_space<vmem>>, vector<1x1x16xf32>,
        %add3A_344 = arith.constant 600 : i32
        %add3A_345 = arith.addi %add3A_344, %add3A_161 : i32
        %get3A_346 = arith.constant 0 : i32
        %get3A_347 = arith.index_cast %get3A_346 : i32 to index
        %get3A_348 = arith.index_cast %add3A_345 : i32 to index
        %get3A_349 = arith.constant 16 : index
        %get3A_350 = tpu.vector_load %arg8[%get3A_347, %get3A_348, %get3A_349] {strides = array<i32>} : memref<2x1600x32xf32, #tpu.memory_space<vmem>>, vector<1x1x16xf32>,
        %get3A_351 = vector.shape_cast %get3A_350 : vector<1x1x16xf32> to vector<16xf32>
        %add3A_352 = arith.addf %get3A_351, %get3A_295 : vector<16xf32>
        %swap3A_353 = arith.constant 0 : i32
        %swap3A_354 = arith.index_cast %swap3A_353 : i32 to index
        %swap3A_355 = arith.index_cast %add3A_345 : i32 to index
        %swap3A_356 = arith.constant 16 : index
        %swap3A_357 = tpu.vector_load %arg8[%swap3A_354, %swap3A_355, %swap3A_356] {strides = array<i32>} : memref<2x1600x32xf32, #tpu.memory_space<vmem>>, vector<1x1x16xf32>,
        %swap3A_358 = vector.shape_cast %swap3A_357 : vector<1x1x16xf32> to vector<16xf32>
        %swap3A_359 = vector.shape_cast %add3A_352 : vector<16xf32> to vector<1x1x16xf32>
        tpu.vector_store %arg8[%swap3A_354, %swap3A_355, %swap3A_356], %swap3A_359 {strides = array<i32>} : memref<2x1600x32xf32, #tpu.memory_space<vmem>>, vector<1x1x16xf32>,
        %add3A_360 = arith.constant 800 : i32
        %add3A_361 = arith.addi %add3A_360, %add3A_161 : i32
        %get3A_362 = arith.constant 0 : i32
        %get3A_363 = arith.index_cast %get3A_362 : i32 to index
        %get3A_364 = arith.index_cast %add3A_361 : i32 to index
        %get3A_365 = arith.constant 16 : index
        %get3A_366 = tpu.vector_load %arg8[%get3A_363, %get3A_364, %get3A_365] {strides = array<i32>} : memref<2x1600x32xf32, #tpu.memory_space<vmem>>, vector<1x1x16xf32>,
        %get3A_367 = vector.shape_cast %get3A_366 : vector<1x1x16xf32> to vector<16xf32>
        %add3A_368 = arith.addf %get3A_367, %get3A_295 : vector<16xf32>
        %swap3A_369 = arith.constant 0 : i32
        %swap3A_370 = arith.index_cast %swap3A_369 : i32 to index
        %swap3A_371 = arith.index_cast %add3A_361 : i32 to index
        %swap3A_372 = arith.constant 16 : index
        %swap3A_373 = tpu.vector_load %arg8[%swap3A_370, %swap3A_371, %swap3A_372] {strides = array<i32>} : memref<2x1600x32xf32, #tpu.memory_space<vmem>>, vector<1x1x16xf32>,
        %swap3A_374 = vector.shape_cast %swap3A_373 : vector<1x1x16xf32> to vector<16xf32>
        %swap3A_375 = vector.shape_cast %add3A_368 : vector<16xf32> to vector<1x1x16xf32>
        tpu.vector_store %arg8[%swap3A_370, %swap3A_371, %swap3A_372], %swap3A_375 {strides = array<i32>} : memref<2x1600x32xf32, #tpu.memory_space<vmem>>, vector<1x1x16xf32>,
        %add3A_376 = arith.constant 1000 : i32
        %add3A_377 = arith.addi %add3A_376, %add3A_161 : i32
        %get3A_378 = arith.constant 0 : i32
        %get3A_379 = arith.index_cast %get3A_378 : i32 to index
        %get3A_380 = arith.index_cast %add3A_377 : i32 to index
        %get3A_381 = arith.constant 16 : index
        %get3A_382 = tpu.vector_load %arg8[%get3A_379, %get3A_380, %get3A_381] {strides = array<i32>} : memref<2x1600x32xf32, #tpu.memory_space<vmem>>, vector<1x1x16xf32>,
        %get3A_383 = vector.shape_cast %get3A_382 : vector<1x1x16xf32> to vector<16xf32>
        %add3A_384 = arith.addf %get3A_383, %get3A_295 : vector<16xf32>
        %swap3A_385 = arith.constant 0 : i32
        %swap3A_386 = arith.index_cast %swap3A_385 : i32 to index
        %swap3A_387 = arith.index_cast %add3A_377 : i32 to index
        %swap3A_388 = arith.constant 16 : index
        %swap3A_389 = tpu.vector_load %arg8[%swap3A_386, %swap3A_387, %swap3A_388] {strides = array<i32>} : memref<2x1600x32xf32, #tpu.memory_space<vmem>>, vector<1x1x16xf32>,
        %swap3A_390 = vector.shape_cast %swap3A_389 : vector<1x1x16xf32> to vector<16xf32>
        %swap3A_391 = vector.shape_cast %add3A_384 : vector<16xf32> to vector<1x1x16xf32>
        tpu.vector_store %arg8[%swap3A_386, %swap3A_387, %swap3A_388], %swap3A_391 {strides = array<i32>} : memref<2x1600x32xf32, #tpu.memory_space<vmem>>, vector<1x1x16xf32>,
        %add3A_392 = arith.constant 1200 : i32
        %add3A_393 = arith.addi %add3A_392, %add3A_161 : i32
        %get3A_394 = arith.constant 0 : i32
        %get3A_395 = arith.index_cast %get3A_394 : i32 to index
        %get3A_396 = arith.index_cast %add3A_393 : i32 to index
        %get3A_397 = arith.constant 16 : index
        %get3A_398 = tpu.vector_load %arg8[%get3A_395, %get3A_396, %get3A_397] {strides = array<i32>} : memref<2x1600x32xf32, #tpu.memory_space<vmem>>, vector<1x1x16xf32>,
        %get3A_399 = vector.shape_cast %get3A_398 : vector<1x1x16xf32> to vector<16xf32>
        %add3A_400 = arith.addf %get3A_399, %get3A_295 : vector<16xf32>
        %swap3A_401 = arith.constant 0 : i32
        %swap3A_402 = arith.index_cast %swap3A_401 : i32 to index
        %swap3A_403 = arith.index_cast %add3A_393 : i32 to index
        %swap3A_404 = arith.constant 16 : index
        %swap3A_405 = tpu.vector_load %arg8[%swap3A_402, %swap3A_403, %swap3A_404] {strides = array<i32>} : memref<2x1600x32xf32, #tpu.memory_space<vmem>>, vector<1x1x16xf32>,
        %swap3A_406 = vector.shape_cast %swap3A_405 : vector<1x1x16xf32> to vector<16xf32>
        %swap3A_407 = vector.shape_cast %add3A_400 : vector<16xf32> to vector<1x1x16xf32>
        tpu.vector_store %arg8[%swap3A_402, %swap3A_403, %swap3A_404], %swap3A_407 {strides = array<i32>} : memref<2x1600x32xf32, #tpu.memory_space<vmem>>, vector<1x1x16xf32>,
        %add3A_408 = arith.constant 1400 : i32
        %add3A_409 = arith.addi %add3A_408, %add3A_161 : i32
        %get3A_410 = arith.constant 0 : i32
        %get3A_411 = arith.index_cast %get3A_410 : i32 to index
        %get3A_412 = arith.index_cast %add3A_409 : i32 to index
        %get3A_413 = arith.constant 16 : index
        %get3A_414 = tpu.vector_load %arg8[%get3A_411, %get3A_412, %get3A_413] {strides = array<i32>} : memref<2x1600x32xf32, #tpu.memory_space<vmem>>, vector<1x1x16xf32>,
        %get3A_415 = vector.shape_cast %get3A_414 : vector<1x1x16xf32> to vector<16xf32>
        %add3A_416 = arith.addf %get3A_415, %get3A_295 : vector<16xf32>
        %swap3A_417 = arith.constant 0 : i32
        %swap3A_418 = arith.index_cast %swap3A_417 : i32 to index
        %swap3A_419 = arith.index_cast %add3A_409 : i32 to index
        %swap3A_420 = arith.constant 16 : index
        %swap3A_421 = tpu.vector_load %arg8[%swap3A_418, %swap3A_419, %swap3A_420] {strides = array<i32>} : memref<2x1600x32xf32, #tpu.memory_space<vmem>>, vector<1x1x16xf32>,
        %swap3A_422 = vector.shape_cast %swap3A_421 : vector<1x1x16xf32> to vector<16xf32>
        %swap3A_423 = vector.shape_cast %add3A_416 : vector<16xf32> to vector<1x1x16xf32>
        tpu.vector_store %arg8[%swap3A_418, %swap3A_419, %swap3A_420], %swap3A_423 {strides = array<i32>} : memref<2x1600x32xf32, #tpu.memory_space<vmem>>, vector<1x1x16xf32>,
        %mul3A_424 = arith.constant 8 : i32
        %mul3A_425 = arith.muli %scan3A_157, %mul3A_424 : i32
        %add3A_426 = arith.constant 1 : i32
        %add3A_427 = arith.addi %mul3A_425, %add3A_426 : i32
        %get3A_428 = arith.index_cast %add3A_427 : i32 to index
        %get3A_429 = arith.constant 0 : index
        %get3A_430 = tpu.vector_load %arg6[%get3A_428, %get3A_429] {strides = array<i32>} : memref<200x32xf32, #tpu.memory_space<vmem>>, vector<1x16xf32>,
        %get3A_431 = vector.shape_cast %get3A_430 : vector<1x16xf32> to vector<16xf32>
        %add3A_432 = arith.constant 0 : i32
        %add3A_433 = arith.addi %add3A_432, %add3A_427 : i32
        %get3A_434 = arith.constant 0 : i32
        %get3A_435 = arith.index_cast %get3A_434 : i32 to index
        %get3A_436 = arith.index_cast %add3A_433 : i32 to index
        %get3A_437 = arith.constant 0 : index
        %get3A_438 = tpu.vector_load %arg8[%get3A_435, %get3A_436, %get3A_437] {strides = array<i32>} : memref<2x1600x32xf32, #tpu.memory_space<vmem>>, vector<1x1x16xf32>,
        %get3A_439 = vector.shape_cast %get3A_438 : vector<1x1x16xf32> to vector<16xf32>
        %add3A_440 = arith.addf %get3A_439, %get3A_431 : vector<16xf32>
        %swap3A_441 = arith.constant 0 : i32
        %swap3A_442 = arith.index_cast %swap3A_441 : i32 to index
        %swap3A_443 = arith.index_cast %add3A_433 : i32 to index
        %swap3A_444 = arith.constant 0 : index
        %swap3A_445 = tpu.vector_load %arg8[%swap3A_442, %swap3A_443, %swap3A_444] {strides = array<i32>} : memref<2x1600x32xf32, #tpu.memory_space<vmem>>, vector<1x1x16xf32>,
        %swap3A_446 = vector.shape_cast %swap3A_445 : vector<1x1x16xf32> to vector<16xf32>
        %swap3A_447 = vector.shape_cast %add3A_440 : vector<16xf32> to vector<1x1x16xf32>
        tpu.vector_store %arg8[%swap3A_442, %swap3A_443, %swap3A_444], %swap3A_447 {strides = array<i32>} : memref<2x1600x32xf32, #tpu.memory_space<vmem>>, vector<1x1x16xf32>,
        %add3A_448 = arith.constant 200 : i32
        %add3A_449 = arith.addi %add3A_448, %add3A_427 : i32
        %get3A_450 = arith.constant 0 : i32
        %get3A_451 = arith.index_cast %get3A_450 : i32 to index
        %get3A_452 = arith.index_cast %add3A_449 : i32 to index
        %get3A_453 = arith.constant 0 : index
        %get3A_454 = tpu.vector_load %arg8[%get3A_451, %get3A_452, %get3A_453] {strides = array<i32>} : memref<2x1600x32xf32, #tpu.memory_space<vmem>>, vector<1x1x16xf32>,
        %get3A_455 = vector.shape_cast %get3A_454 : vector<1x1x16xf32> to vector<16xf32>
        %add3A_456 = arith.addf %get3A_455, %get3A_431 : vector<16xf32>
        %swap3A_457 = arith.constant 0 : i32
        %swap3A_458 = arith.index_cast %swap3A_457 : i32 to index
        %swap3A_459 = arith.index_cast %add3A_449 : i32 to index
        %swap3A_460 = arith.constant 0 : index
        %swap3A_461 = tpu.vector_load %arg8[%swap3A_458, %swap3A_459, %swap3A_460] {strides = array<i32>} : memref<2x1600x32xf32, #tpu.memory_space<vmem>>, vector<1x1x16xf32>,
        %swap3A_462 = vector.shape_cast %swap3A_461 : vector<1x1x16xf32> to vector<16xf32>
        %swap3A_463 = vector.shape_cast %add3A_456 : vector<16xf32> to vector<1x1x16xf32>
        tpu.vector_store %arg8[%swap3A_458, %swap3A_459, %swap3A_460], %swap3A_463 {strides = array<i32>} : memref<2x1600x32xf32, #tpu.memory_space<vmem>>, vector<1x1x16xf32>,
        %add3A_464 = arith.constant 400 : i32
        %add3A_465 = arith.addi %add3A_464, %add3A_427 : i32
        %get3A_466 = arith.constant 0 : i32
        %get3A_467 = arith.index_cast %get3A_466 : i32 to index
        %get3A_468 = arith.index_cast %add3A_465 : i32 to index
        %get3A_469 = arith.constant 0 : index
        %get3A_470 = tpu.vector_load %arg8[%get3A_467, %get3A_468, %get3A_469] {strides = array<i32>} : memref<2x1600x32xf32, #tpu.memory_space<vmem>>, vector<1x1x16xf32>,
        %get3A_471 = vector.shape_cast %get3A_470 : vector<1x1x16xf32> to vector<16xf32>
        %add3A_472 = arith.addf %get3A_471, %get3A_431 : vector<16xf32>
        %swap3A_473 = arith.constant 0 : i32
        %swap3A_474 = arith.index_cast %swap3A_473 : i32 to index
        %swap3A_475 = arith.index_cast %add3A_465 : i32 to index
        %swap3A_476 = arith.constant 0 : index
        %swap3A_477 = tpu.vector_load %arg8[%swap3A_474, %swap3A_475, %swap3A_476] {strides = array<i32>} : memref<2x1600x32xf32, #tpu.memory_space<vmem>>, vector<1x1x16xf32>,
        %swap3A_478 = vector.shape_cast %swap3A_477 : vector<1x1x16xf32> to vector<16xf32>
        %swap3A_479 = vector.shape_cast %add3A_472 : vector<16xf32> to vector<1x1x16xf32>
        tpu.vector_store %arg8[%swap3A_474, %swap3A_475, %swap3A_476], %swap3A_479 {strides = array<i32>} : memref<2x1600x32xf32, #tpu.memory_space<vmem>>, vector<1x1x16xf32>,
        %add3A_480 = arith.constant 600 : i32
        %add3A_481 = arith.addi %add3A_480, %add3A_427 : i32
        %get3A_482 = arith.constant 0 : i32
        %get3A_483 = arith.index_cast %get3A_482 : i32 to index
        %get3A_484 = arith.index_cast %add3A_481 : i32 to index
        %get3A_485 = arith.constant 0 : index
        %get3A_486 = tpu.vector_load %arg8[%get3A_483, %get3A_484, %get3A_485] {strides = array<i32>} : memref<2x1600x32xf32, #tpu.memory_space<vmem>>, vector<1x1x16xf32>,
        %get3A_487 = vector.shape_cast %get3A_486 : vector<1x1x16xf32> to vector<16xf32>
        %add3A_488 = arith.addf %get3A_487, %get3A_431 : vector<16xf32>
        %swap3A_489 = arith.constant 0 : i32
        %swap3A_490 = arith.index_cast %swap3A_489 : i32 to index
        %swap3A_491 = arith.index_cast %add3A_481 : i32 to index
        %swap3A_492 = arith.constant 0 : index
        %swap3A_493 = tpu.vector_load %arg8[%swap3A_490, %swap3A_491, %swap3A_492] {strides = array<i32>} : memref<2x1600x32xf32, #tpu.memory_space<vmem>>, vector<1x1x16xf32>,
        %swap3A_494 = vector.shape_cast %swap3A_493 : vector<1x1x16xf32> to vector<16xf32>
        %swap3A_495 = vector.shape_cast %add3A_488 : vector<16xf32> to vector<1x1x16xf32>
        tpu.vector_store %arg8[%swap3A_490, %swap3A_491, %swap3A_492], %swap3A_495 {strides = array<i32>} : memref<2x1600x32xf32, #tpu.memory_space<vmem>>, vector<1x1x16xf32>,
        %add3A_496 = arith.constant 800 : i32
        %add3A_497 = arith.addi %add3A_496, %add3A_427 : i32
        %get3A_498 = arith.constant 0 : i32
        %get3A_499 = arith.index_cast %get3A_498 : i32 to index
        %get3A_500 = arith.index_cast %add3A_497 : i32 to index
        %get3A_501 = arith.constant 0 : index
        %get3A_502 = tpu.vector_load %arg8[%get3A_499, %get3A_500, %get3A_501] {strides = array<i32>} : memref<2x1600x32xf32, #tpu.memory_space<vmem>>, vector<1x1x16xf32>,
        %get3A_503 = vector.shape_cast %get3A_502 : vector<1x1x16xf32> to vector<16xf32>
        %add3A_504 = arith.addf %get3A_503, %get3A_431 : vector<16xf32>
        %swap3A_505 = arith.constant 0 : i32
        %swap3A_506 = arith.index_cast %swap3A_505 : i32 to index
        %swap3A_507 = arith.index_cast %add3A_497 : i32 to index
        %swap3A_508 = arith.constant 0 : index
        %swap3A_509 = tpu.vector_load %arg8[%swap3A_506, %swap3A_507, %swap3A_508] {strides = array<i32>} : memref<2x1600x32xf32, #tpu.memory_space<vmem>>, vector<1x1x16xf32>,
        %swap3A_510 = vector.shape_cast %swap3A_509 : vector<1x1x16xf32> to vector<16xf32>
        %swap3A_511 = vector.shape_cast %add3A_504 : vector<16xf32> to vector<1x1x16xf32>
        tpu.vector_store %arg8[%swap3A_506, %swap3A_507, %swap3A_508], %swap3A_511 {strides = array<i32>} : memref<2x1600x32xf32, #tpu.memory_space<vmem>>, vector<1x1x16xf32>,
        %add3A_512 = arith.constant 1000 : i32
        %add3A_513 = arith.addi %add3A_512, %add3A_427 : i32
        %get3A_514 = arith.constant 0 : i32
        %get3A_515 = arith.index_cast %get3A_514 : i32 to index
        %get3A_516 = arith.index_cast %add3A_513 : i32 to index
        %get3A_517 = arith.constant 0 : index
        %get3A_518 = tpu.vector_load %arg8[%get3A_515, %get3A_516, %get3A_517] {strides = array<i32>} : memref<2x1600x32xf32, #tpu.memory_space<vmem>>, vector<1x1x16xf32>,
        %get3A_519 = vector.shape_cast %get3A_518 : vector<1x1x16xf32> to vector<16xf32>
        %add3A_520 = arith.addf %get3A_519, %get3A_431 : vector<16xf32>
        %swap3A_521 = arith.constant 0 : i32
        %swap3A_522 = arith.index_cast %swap3A_521 : i32 to index
        %swap3A_523 = arith.index_cast %add3A_513 : i32 to index
        %swap3A_524 = arith.constant 0 : index
        %swap3A_525 = tpu.vector_load %arg8[%swap3A_522, %swap3A_523, %swap3A_524] {strides = array<i32>} : memref<2x1600x32xf32, #tpu.memory_space<vmem>>, vector<1x1x16xf32>,
        %swap3A_526 = vector.shape_cast %swap3A_525 : vector<1x1x16xf32> to vector<16xf32>
        %swap3A_527 = vector.shape_cast %add3A_520 : vector<16xf32> to vector<1x1x16xf32>
        tpu.vector_store %arg8[%swap3A_522, %swap3A_523, %swap3A_524], %swap3A_527 {strides = array<i32>} : memref<2x1600x32xf32, #tpu.memory_space<vmem>>, vector<1x1x16xf32>,
        %add3A_528 = arith.constant 1200 : i32
        %add3A_529 = arith.addi %add3A_528, %add3A_427 : i32
        %get3A_530 = arith.constant 0 : i32
        %get3A_531 = arith.index_cast %get3A_530 : i32 to index
        %get3A_532 = arith.index_cast %add3A_529 : i32 to index
        %get3A_533 = arith.constant 0 : index
        %get3A_534 = tpu.vector_load %arg8[%get3A_531, %get3A_532, %get3A_533] {strides = array<i32>} : memref<2x1600x32xf32, #tpu.memory_space<vmem>>, vector<1x1x16xf32>,
        %get3A_535 = vector.shape_cast %get3A_534 : vector<1x1x16xf32> to vector<16xf32>
        %add3A_536 = arith.addf %get3A_535, %get3A_431 : vector<16xf32>
        %swap3A_537 = arith.constant 0 : i32
        %swap3A_538 = arith.index_cast %swap3A_537 : i32 to index
        %swap3A_539 = arith.index_cast %add3A_529 : i32 to index
        %swap3A_540 = arith.constant 0 : index
        %swap3A_541 = tpu.vector_load %arg8[%swap3A_538, %swap3A_539, %swap3A_540] {strides = array<i32>} : memref<2x1600x32xf32, #tpu.memory_space<vmem>>, vector<1x1x16xf32>,
        %swap3A_542 = vector.shape_cast %swap3A_541 : vector<1x1x16xf32> to vector<16xf32>
        %swap3A_543 = vector.shape_cast %add3A_536 : vector<16xf32> to vector<1x1x16xf32>
        tpu.vector_store %arg8[%swap3A_538, %swap3A_539, %swap3A_540], %swap3A_543 {strides = array<i32>} : memref<2x1600x32xf32, #tpu.memory_space<vmem>>, vector<1x1x16xf32>,
        %add3A_544 = arith.constant 1400 : i32
        %add3A_545 = arith.addi %add3A_544, %add3A_427 : i32
        %get3A_546 = arith.constant 0 : i32
        %get3A_547 = arith.index_cast %get3A_546 : i32 to index
        %get3A_548 = arith.index_cast %add3A_545 : i32 to index
        %get3A_549 = arith.constant 0 : index
        %get3A_550 = tpu.vector_load %arg8[%get3A_547, %get3A_548, %get3A_549] {strides = array<i32>} : memref<2x1600x32xf32, #tpu.memory_space<vmem>>, vector<1x1x16xf32>,
        %get3A_551 = vector.shape_cast %get3A_550 : vector<1x1x16xf32> to vector<16xf32>
        %add3A_552 = arith.addf %get3A_551, %get3A_431 : vector<16xf32>
        %swap3A_553 = arith.constant 0 : i32
        %swap3A_554 = arith.index_cast %swap3A_553 : i32 to index
        %swap3A_555 = arith.index_cast %add3A_545 : i32 to index
        %swap3A_556 = arith.constant 0 : index
        %swap3A_557 = tpu.vector_load %arg8[%swap3A_554, %swap3A_555, %swap3A_556] {strides = array<i32>} : memref<2x1600x32xf32, #tpu.memory_space<vmem>>, vector<1x1x16xf32>,
        %swap3A_558 = vector.shape_cast %swap3A_557 : vector<1x1x16xf32> to vector<16xf32>
        %swap3A_559 = vector.shape_cast %add3A_552 : vector<16xf32> to vector<1x1x16xf32>
        tpu.vector_store %arg8[%swap3A_554, %swap3A_555, %swap3A_556], %swap3A_559 {strides = array<i32>} : memref<2x1600x32xf32, #tpu.memory_space<vmem>>, vector<1x1x16xf32>,
        %get3A_560 = arith.index_cast %add3A_427 : i32 to index
        %get3A_561 = arith.constant 16 : index
        %get3A_562 = tpu.vector_load %arg6[%get3A_560, %get3A_561] {strides = array<i32>} : memref<200x32xf32, #tpu.memory_space<vmem>>, vector<1x16xf32>,
        %get3A_563 = vector.shape_cast %get3A_562 : vector<1x16xf32> to vector<16xf32>
        %add3A_564 = arith.constant 0 : i32
        %add3A_565 = arith.addi %add3A_564, %add3A_427 : i32
        %get3A_566 = arith.constant 0 : i32
        %get3A_567 = arith.index_cast %get3A_566 : i32 to index
        %get3A_568 = arith.index_cast %add3A_565 : i32 to index
        %get3A_569 = arith.constant 16 : index
        %get3A_570 = tpu.vector_load %arg8[%get3A_567, %get3A_568, %get3A_569] {strides = array<i32>} : memref<2x1600x32xf32, #tpu.memory_space<vmem>>, vector<1x1x16xf32>,
        %get3A_571 = vector.shape_cast %get3A_570 : vector<1x1x16xf32> to vector<16xf32>
        %add3A_572 = arith.addf %get3A_571, %get3A_563 : vector<16xf32>
        %swap3A_573 = arith.constant 0 : i32
        %swap3A_574 = arith.index_cast %swap3A_573 : i32 to index
        %swap3A_575 = arith.index_cast %add3A_565 : i32 to index
        %swap3A_576 = arith.constant 16 : index
        %swap3A_577 = tpu.vector_load %arg8[%swap3A_574, %swap3A_575, %swap3A_576] {strides = array<i32>} : memref<2x1600x32xf32, #tpu.memory_space<vmem>>, vector<1x1x16xf32>,
        %swap3A_578 = vector.shape_cast %swap3A_577 : vector<1x1x16xf32> to vector<16xf32>
        %swap3A_579 = vector.shape_cast %add3A_572 : vector<16xf32> to vector<1x1x16xf32>
        tpu.vector_store %arg8[%swap3A_574, %swap3A_575, %swap3A_576], %swap3A_579 {strides = array<i32>} : memref<2x1600x32xf32, #tpu.memory_space<vmem>>, vector<1x1x16xf32>,
        %add3A_580 = arith.constant 200 : i32
        %add3A_581 = arith.addi %add3A_580, %add3A_427 : i32
        %get3A_582 = arith.constant 0 : i32
        %get3A_583 = arith.index_cast %get3A_582 : i32 to index
        %get3A_584 = arith.index_cast %add3A_581 : i32 to index
        %get3A_585 = arith.constant 16 : index
        %get3A_586 = tpu.vector_load %arg8[%get3A_583, %get3A_584, %get3A_585] {strides = array<i32>} : memref<2x1600x32xf32, #tpu.memory_space<vmem>>, vector<1x1x16xf32>,
        %get3A_587 = vector.shape_cast %get3A_586 : vector<1x1x16xf32> to vector<16xf32>
        %add3A_588 = arith.addf %get3A_587, %get3A_563 : vector<16xf32>
        %swap3A_589 = arith.constant 0 : i32
        %swap3A_590 = arith.index_cast %swap3A_589 : i32 to index
        %swap3A_591 = arith.index_cast %add3A_581 : i32 to index
        %swap3A_592 = arith.constant 16 : index
        %swap3A_593 = tpu.vector_load %arg8[%swap3A_590, %swap3A_591, %swap3A_592] {strides = array<i32>} : memref<2x1600x32xf32, #tpu.memory_space<vmem>>, vector<1x1x16xf32>,
        %swap3A_594 = vector.shape_cast %swap3A_593 : vector<1x1x16xf32> to vector<16xf32>
        %swap3A_595 = vector.shape_cast %add3A_588 : vector<16xf32> to vector<1x1x16xf32>
        tpu.vector_store %arg8[%swap3A_590, %swap3A_591, %swap3A_592], %swap3A_595 {strides = array<i32>} : memref<2x1600x32xf32, #tpu.memory_space<vmem>>, vector<1x1x16xf32>,
        %add3A_596 = arith.constant 400 : i32
        %add3A_597 = arith.addi %add3A_596, %add3A_427 : i32
        %get3A_598 = arith.constant 0 : i32
        %get3A_599 = arith.index_cast %get3A_598 : i32 to index
        %get3A_600 = arith.index_cast %add3A_597 : i32 to index
        %get3A_601 = arith.constant 16 : index
        %get3A_602 = tpu.vector_load %arg8[%get3A_599, %get3A_600, %get3A_601] {strides = array<i32>} : memref<2x1600x32xf32, #tpu.memory_space<vmem>>, vector<1x1x16xf32>,
        %get3A_603 = vector.shape_cast %get3A_602 : vector<1x1x16xf32> to vector<16xf32>
        %add3A_604 = arith.addf %get3A_603, %get3A_563 : vector<16xf32>
        %swap3A_605 = arith.constant 0 : i32
        %swap3A_606 = arith.index_cast %swap3A_605 : i32 to index
        %swap3A_607 = arith.index_cast %add3A_597 : i32 to index
        %swap3A_608 = arith.constant 16 : index
        %swap3A_609 = tpu.vector_load %arg8[%swap3A_606, %swap3A_607, %swap3A_608] {strides = array<i32>} : memref<2x1600x32xf32, #tpu.memory_space<vmem>>, vector<1x1x16xf32>,
        %swap3A_610 = vector.shape_cast %swap3A_609 : vector<1x1x16xf32> to vector<16xf32>
        %swap3A_611 = vector.shape_cast %add3A_604 : vector<16xf32> to vector<1x1x16xf32>
        tpu.vector_store %arg8[%swap3A_606, %swap3A_607, %swap3A_608], %swap3A_611 {strides = array<i32>} : memref<2x1600x32xf32, #tpu.memory_space<vmem>>, vector<1x1x16xf32>,
        %add3A_612 = arith.constant 600 : i32
        %add3A_613 = arith.addi %add3A_612, %add3A_427 : i32
        %get3A_614 = arith.constant 0 : i32
        %get3A_615 = arith.index_cast %get3A_614 : i32 to index
        %get3A_616 = arith.index_cast %add3A_613 : i32 to index
        %get3A_617 = arith.constant 16 : index
        %get3A_618 = tpu.vector_load %arg8[%get3A_615, %get3A_616, %get3A_617] {strides = array<i32>} : memref<2x1600x32xf32, #tpu.memory_space<vmem>>, vector<1x1x16xf32>,
        %get3A_619 = vector.shape_cast %get3A_618 : vector<1x1x16xf32> to vector<16xf32>
        %add3A_620 = arith.addf %get3A_619, %get3A_563 : vector<16xf32>
        %swap3A_621 = arith.constant 0 : i32
        %swap3A_622 = arith.index_cast %swap3A_621 : i32 to index
        %swap3A_623 = arith.index_cast %add3A_613 : i32 to index
        %swap3A_624 = arith.constant 16 : index
        %swap3A_625 = tpu.vector_load %arg8[%swap3A_622, %swap3A_623, %swap3A_624] {strides = array<i32>} : memref<2x1600x32xf32, #tpu.memory_space<vmem>>, vector<1x1x16xf32>,
        %swap3A_626 = vector.shape_cast %swap3A_625 : vector<1x1x16xf32> to vector<16xf32>
        %swap3A_627 = vector.shape_cast %add3A_620 : vector<16xf32> to vector<1x1x16xf32>
        tpu.vector_store %arg8[%swap3A_622, %swap3A_623, %swap3A_624], %swap3A_627 {strides = array<i32>} : memref<2x1600x32xf32, #tpu.memory_space<vmem>>, vector<1x1x16xf32>,
        %add3A_628 = arith.constant 800 : i32
        %add3A_629 = arith.addi %add3A_628, %add3A_427 : i32
        %get3A_630 = arith.constant 0 : i32
        %get3A_631 = arith.index_cast %get3A_630 : i32 to index
        %get3A_632 = arith.index_cast %add3A_629 : i32 to index
        %get3A_633 = arith.constant 16 : index
        %get3A_634 = tpu.vector_load %arg8[%get3A_631, %get3A_632, %get3A_633] {strides = array<i32>} : memref<2x1600x32xf32, #tpu.memory_space<vmem>>, vector<1x1x16xf32>,
        %get3A_635 = vector.shape_cast %get3A_634 : vector<1x1x16xf32> to vector<16xf32>
        %add3A_636 = arith.addf %get3A_635, %get3A_563 : vector<16xf32>
        %swap3A_637 = arith.constant 0 : i32
        %swap3A_638 = arith.index_cast %swap3A_637 : i32 to index
        %swap3A_639 = arith.index_cast %add3A_629 : i32 to index
        %swap3A_640 = arith.constant 16 : index
        %swap3A_641 = tpu.vector_load %arg8[%swap3A_638, %swap3A_639, %swap3A_640] {strides = array<i32>} : memref<2x1600x32xf32, #tpu.memory_space<vmem>>, vector<1x1x16xf32>,
        %swap3A_642 = vector.shape_cast %swap3A_641 : vector<1x1x16xf32> to vector<16xf32>
        %swap3A_643 = vector.shape_cast %add3A_636 : vector<16xf32> to vector<1x1x16xf32>
        tpu.vector_store %arg8[%swap3A_638, %swap3A_639, %swap3A_640], %swap3A_643 {strides = array<i32>} : memref<2x1600x32xf32, #tpu.memory_space<vmem>>, vector<1x1x16xf32>,
        %add3A_644 = arith.constant 1000 : i32
        %add3A_645 = arith.addi %add3A_644, %add3A_427 : i32
        %get3A_646 = arith.constant 0 : i32
        %get3A_647 = arith.index_cast %get3A_646 : i32 to index
        %get3A_648 = arith.index_cast %add3A_645 : i32 to index
        %get3A_649 = arith.constant 16 : index
        %get3A_650 = tpu.vector_load %arg8[%get3A_647, %get3A_648, %get3A_649] {strides = array<i32>} : memref<2x1600x32xf32, #tpu.memory_space<vmem>>, vector<1x1x16xf32>,
        %get3A_651 = vector.shape_cast %get3A_650 : vector<1x1x16xf32> to vector<16xf32>
        %add3A_652 = arith.addf %get3A_651, %get3A_563 : vector<16xf32>
        %swap3A_653 = arith.constant 0 : i32
        %swap3A_654 = arith.index_cast %swap3A_653 : i32 to index
        %swap3A_655 = arith.index_cast %add3A_645 : i32 to index
        %swap3A_656 = arith.constant 16 : index
        %swap3A_657 = tpu.vector_load %arg8[%swap3A_654, %swap3A_655, %swap3A_656] {strides = array<i32>} : memref<2x1600x32xf32, #tpu.memory_space<vmem>>, vector<1x1x16xf32>,
        %swap3A_658 = vector.shape_cast %swap3A_657 : vector<1x1x16xf32> to vector<16xf32>
        %swap3A_659 = vector.shape_cast %add3A_652 : vector<16xf32> to vector<1x1x16xf32>
        tpu.vector_store %arg8[%swap3A_654, %swap3A_655, %swap3A_656], %swap3A_659 {strides = array<i32>} : memref<2x1600x32xf32, #tpu.memory_space<vmem>>, vector<1x1x16xf32>,
        %add3A_660 = arith.constant 1200 : i32
        %add3A_661 = arith.addi %add3A_660, %add3A_427 : i32
        %get3A_662 = arith.constant 0 : i32
        %get3A_663 = arith.index_cast %get3A_662 : i32 to index
        %get3A_664 = arith.index_cast %add3A_661 : i32 to index
        %get3A_665 = arith.constant 16 : index
        %get3A_666 = tpu.vector_load %arg8[%get3A_663, %get3A_664, %get3A_665] {strides = array<i32>} : memref<2x1600x32xf32, #tpu.memory_space<vmem>>, vector<1x1x16xf32>,
        %get3A_667 = vector.shape_cast %get3A_666 : vector<1x1x16xf32> to vector<16xf32>
        %add3A_668 = arith.addf %get3A_667, %get3A_563 : vector<16xf32>
        %swap3A_669 = arith.constant 0 : i32
        %swap3A_670 = arith.index_cast %swap3A_669 : i32 to index
        %swap3A_671 = arith.index_cast %add3A_661 : i32 to index
        %swap3A_672 = arith.constant 16 : index
        %swap3A_673 = tpu.vector_load %arg8[%swap3A_670, %swap3A_671, %swap3A_672] {strides = array<i32>} : memref<2x1600x32xf32, #tpu.memory_space<vmem>>, vector<1x1x16xf32>,
        %swap3A_674 = vector.shape_cast %swap3A_673 : vector<1x1x16xf32> to vector<16xf32>
        %swap3A_675 = vector.shape_cast %add3A_668 : vector<16xf32> to vector<1x1x16xf32>
        tpu.vector_store %arg8[%swap3A_670, %swap3A_671, %swap3A_672], %swap3A_675 {strides = array<i32>} : memref<2x1600x32xf32, #tpu.memory_space<vmem>>, vector<1x1x16xf32>,
        %add3A_676 = arith.constant 1400 : i32
        %add3A_677 = arith.addi %add3A_676, %add3A_427 : i32
        %get3A_678 = arith.constant 0 : i32
        %get3A_679 = arith.index_cast %get3A_678 : i32 to index
        %get3A_680 = arith.index_cast %add3A_677 : i32 to index
        %get3A_681 = arith.constant 16 : index
        %get3A_682 = tpu.vector_load %arg8[%get3A_679, %get3A_680, %get3A_681] {strides = array<i32>} : memref<2x1600x32xf32, #tpu.memory_space<vmem>>, vector<1x1x16xf32>,
        %get3A_683 = vector.shape_cast %get3A_682 : vector<1x1x16xf32> to vector<16xf32>
        %add3A_684 = arith.addf %get3A_683, %get3A_563 : vector<16xf32>
        %swap3A_685 = arith.constant 0 : i32
        %swap3A_686 = arith.index_cast %swap3A_685 : i32 to index
        %swap3A_687 = arith.index_cast %add3A_677 : i32 to index
        %swap3A_688 = arith.constant 16 : index
        %swap3A_689 = tpu.vector_load %arg8[%swap3A_686, %swap3A_687, %swap3A_688] {strides = array<i32>} : memref<2x1600x32xf32, #tpu.memory_space<vmem>>, vector<1x1x16xf32>,
        %swap3A_690 = vector.shape_cast %swap3A_689 : vector<1x1x16xf32> to vector<16xf32>
        %swap3A_691 = vector.shape_cast %add3A_684 : vector<16xf32> to vector<1x1x16xf32>
        tpu.vector_store %arg8[%swap3A_686, %swap3A_687, %swap3A_688], %swap3A_691 {strides = array<i32>} : memref<2x1600x32xf32, #tpu.memory_space<vmem>>, vector<1x1x16xf32>,
        %mul3A_692 = arith.constant 8 : i32
        %mul3A_693 = arith.muli %scan3A_157, %mul3A_692 : i32
        %add3A_694 = arith.constant 2 : i32
        %add3A_695 = arith.addi %mul3A_693, %add3A_694 : i32
        %get3A_696 = arith.index_cast %add3A_695 : i32 to index
        %get3A_697 = arith.constant 0 : index
        %get3A_698 = tpu.vector_load %arg6[%get3A_696, %get3A_697] {strides = array<i32>} : memref<200x32xf32, #tpu.memory_space<vmem>>, vector<1x16xf32>,
        %get3A_699 = vector.shape_cast %get3A_698 : vector<1x16xf32> to vector<16xf32>
        %add3A_700 = arith.constant 0 : i32
        %add3A_701 = arith.addi %add3A_700, %add3A_695 : i32
        %get3A_702 = arith.constant 0 : i32
        %get3A_703 = arith.index_cast %get3A_702 : i32 to index
        %get3A_704 = arith.index_cast %add3A_701 : i32 to index
        %get3A_705 = arith.constant 0 : index
        %get3A_706 = tpu.vector_load %arg8[%get3A_703, %get3A_704, %get3A_705] {strides = array<i32>} : memref<2x1600x32xf32, #tpu.memory_space<vmem>>, vector<1x1x16xf32>,
        %get3A_707 = vector.shape_cast %get3A_706 : vector<1x1x16xf32> to vector<16xf32>
        %add3A_708 = arith.addf %get3A_707, %get3A_699 : vector<16xf32>
        %swap3A_709 = arith.constant 0 : i32
        %swap3A_710 = arith.index_cast %swap3A_709 : i32 to index
        %swap3A_711 = arith.index_cast %add3A_701 : i32 to index
        %swap3A_712 = arith.constant 0 : index
        %swap3A_713 = tpu.vector_load %arg8[%swap3A_710, %swap3A_711, %swap3A_712] {strides = array<i32>} : memref<2x1600x32xf32, #tpu.memory_space<vmem>>, vector<1x1x16xf32>,
        %swap3A_714 = vector.shape_cast %swap3A_713 : vector<1x1x16xf32> to vector<16xf32>
        %swap3A_715 = vector.shape_cast %add3A_708 : vector<16xf32> to vector<1x1x16xf32>
        tpu.vector_store %arg8[%swap3A_710, %swap3A_711, %swap3A_712], %swap3A_715 {strides = array<i32>} : memref<2x1600x32xf32, #tpu.memory_space<vmem>>, vector<1x1x16xf32>,
        %add3A_716 = arith.constant 200 : i32
        %add3A_717 = arith.addi %add3A_716, %add3A_695 : i32
        %get3A_718 = arith.constant 0 : i32
        %get3A_719 = arith.index_cast %get3A_718 : i32 to index
        %get3A_720 = arith.index_cast %add3A_717 : i32 to index
        %get3A_721 = arith.constant 0 : index
        %get3A_722 = tpu.vector_load %arg8[%get3A_719, %get3A_720, %get3A_721] {strides = array<i32>} : memref<2x1600x32xf32, #tpu.memory_space<vmem>>, vector<1x1x16xf32>,
        %get3A_723 = vector.shape_cast %get3A_722 : vector<1x1x16xf32> to vector<16xf32>
        %add3A_724 = arith.addf %get3A_723, %get3A_699 : vector<16xf32>
        %swap3A_725 = arith.constant 0 : i32
        %swap3A_726 = arith.index_cast %swap3A_725 : i32 to index
        %swap3A_727 = arith.index_cast %add3A_717 : i32 to index
        %swap3A_728 = arith.constant 0 : index
        %swap3A_729 = tpu.vector_load %arg8[%swap3A_726, %swap3A_727, %swap3A_728] {strides = array<i32>} : memref<2x1600x32xf32, #tpu.memory_space<vmem>>, vector<1x1x16xf32>,
        %swap3A_730 = vector.shape_cast %swap3A_729 : vector<1x1x16xf32> to vector<16xf32>
        %swap3A_731 = vector.shape_cast %add3A_724 : vector<16xf32> to vector<1x1x16xf32>
        tpu.vector_store %arg8[%swap3A_726, %swap3A_727, %swap3A_728], %swap3A_731 {strides = array<i32>} : memref<2x1600x32xf32, #tpu.memory_space<vmem>>, vector<1x1x16xf32>,
        %add3A_732 = arith.constant 400 : i32
        %add3A_733 = arith.addi %add3A_732, %add3A_695 : i32
        %get3A_734 = arith.constant 0 : i32
        %get3A_735 = arith.index_cast %get3A_734 : i32 to index
        %get3A_736 = arith.index_cast %add3A_733 : i32 to index
        %get3A_737 = arith.constant 0 : index
        %get3A_738 = tpu.vector_load %arg8[%get3A_735, %get3A_736, %get3A_737] {strides = array<i32>} : memref<2x1600x32xf32, #tpu.memory_space<vmem>>, vector<1x1x16xf32>,
        %get3A_739 = vector.shape_cast %get3A_738 : vector<1x1x16xf32> to vector<16xf32>
        %add3A_740 = arith.addf %get3A_739, %get3A_699 : vector<16xf32>
        %swap3A_741 = arith.constant 0 : i32
        %swap3A_742 = arith.index_cast %swap3A_741 : i32 to index
        %swap3A_743 = arith.index_cast %add3A_733 : i32 to index
        %swap3A_744 = arith.constant 0 : index
        %swap3A_745 = tpu.vector_load %arg8[%swap3A_742, %swap3A_743, %swap3A_744] {strides = array<i32>} : memref<2x1600x32xf32, #tpu.memory_space<vmem>>, vector<1x1x16xf32>,
        %swap3A_746 = vector.shape_cast %swap3A_745 : vector<1x1x16xf32> to vector<16xf32>
        %swap3A_747 = vector.shape_cast %add3A_740 : vector<16xf32> to vector<1x1x16xf32>
        tpu.vector_store %arg8[%swap3A_742, %swap3A_743, %swap3A_744], %swap3A_747 {strides = array<i32>} : memref<2x1600x32xf32, #tpu.memory_space<vmem>>, vector<1x1x16xf32>,
        %add3A_748 = arith.constant 600 : i32
        %add3A_749 = arith.addi %add3A_748, %add3A_695 : i32
        %get3A_750 = arith.constant 0 : i32
        %get3A_751 = arith.index_cast %get3A_750 : i32 to index
        %get3A_752 = arith.index_cast %add3A_749 : i32 to index
        %get3A_753 = arith.constant 0 : index
        %get3A_754 = tpu.vector_load %arg8[%get3A_751, %get3A_752, %get3A_753] {strides = array<i32>} : memref<2x1600x32xf32, #tpu.memory_space<vmem>>, vector<1x1x16xf32>,
        %get3A_755 = vector.shape_cast %get3A_754 : vector<1x1x16xf32> to vector<16xf32>
        %add3A_756 = arith.addf %get3A_755, %get3A_699 : vector<16xf32>
        %swap3A_757 = arith.constant 0 : i32
        %swap3A_758 = arith.index_cast %swap3A_757 : i32 to index
        %swap3A_759 = arith.index_cast %add3A_749 : i32 to index
        %swap3A_760 = arith.constant 0 : index
        %swap3A_761 = tpu.vector_load %arg8[%swap3A_758, %swap3A_759, %swap3A_760] {strides = array<i32>} : memref<2x1600x32xf32, #tpu.memory_space<vmem>>, vector<1x1x16xf32>,
        %swap3A_762 = vector.shape_cast %swap3A_761 : vector<1x1x16xf32> to vector<16xf32>
        %swap3A_763 = vector.shape_cast %add3A_756 : vector<16xf32> to vector<1x1x16xf32>
        tpu.vector_store %arg8[%swap3A_758, %swap3A_759, %swap3A_760], %swap3A_763 {strides = array<i32>} : memref<2x1600x32xf32, #tpu.memory_space<vmem>>, vector<1x1x16xf32>,
        %add3A_764 = arith.constant 800 : i32
        %add3A_765 = arith.addi %add3A_764, %add3A_695 : i32
        %get3A_766 = arith.constant 0 : i32
        %get3A_767 = arith.index_cast %get3A_766 : i32 to index
        %get3A_768 = arith.index_cast %add3A_765 : i32 to index
        %get3A_769 = arith.constant 0 : index
        %get3A_770 = tpu.vector_load %arg8[%get3A_767, %get3A_768, %get3A_769] {strides = array<i32>} : memref<2x1600x32xf32, #tpu.memory_space<vmem>>, vector<1x1x16xf32>,
        %get3A_771 = vector.shape_cast %get3A_770 : vector<1x1x16xf32> to vector<16xf32>
        %add3A_772 = arith.addf %get3A_771, %get3A_699 : vector<16xf32>
        %swap3A_773 = arith.constant 0 : i32
        %swap3A_774 = arith.index_cast %swap3A_773 : i32 to index
        %swap3A_775 = arith.index_cast %add3A_765 : i32 to index
        %swap3A_776 = arith.constant 0 : index
        %swap3A_777 = tpu.vector_load %arg8[%swap3A_774, %swap3A_775, %swap3A_776] {strides = array<i32>} : memref<2x1600x32xf32, #tpu.memory_space<vmem>>, vector<1x1x16xf32>,
        %swap3A_778 = vector.shape_cast %swap3A_777 : vector<1x1x16xf32> to vector<16xf32>
        %swap3A_779 = vector.shape_cast %add3A_772 : vector<16xf32> to vector<1x1x16xf32>
        tpu.vector_store %arg8[%swap3A_774, %swap3A_775, %swap3A_776], %swap3A_779 {strides = array<i32>} : memref<2x1600x32xf32, #tpu.memory_space<vmem>>, vector<1x1x16xf32>,
        %add3A_780 = arith.constant 1000 : i32
        %add3A_781 = arith.addi %add3A_780, %add3A_695 : i32
        %get3A_782 = arith.constant 0 : i32
        %get3A_783 = arith.index_cast %get3A_782 : i32 to index
        %get3A_784 = arith.index_cast %add3A_781 : i32 to index
        %get3A_785 = arith.constant 0 : index
        %get3A_786 = tpu.vector_load %arg8[%get3A_783, %get3A_784, %get3A_785] {strides = array<i32>} : memref<2x1600x32xf32, #tpu.memory_space<vmem>>, vector<1x1x16xf32>,
        %get3A_787 = vector.shape_cast %get3A_786 : vector<1x1x16xf32> to vector<16xf32>
        %add3A_788 = arith.addf %get3A_787, %get3A_699 : vector<16xf32>
        %swap3A_789 = arith.constant 0 : i32
        %swap3A_790 = arith.index_cast %swap3A_789 : i32 to index
        %swap3A_791 = arith.index_cast %add3A_781 : i32 to index
        %swap3A_792 = arith.constant 0 : index
        %swap3A_793 = tpu.vector_load %arg8[%swap3A_790, %swap3A_791, %swap3A_792] {strides = array<i32>} : memref<2x1600x32xf32, #tpu.memory_space<vmem>>, vector<1x1x16xf32>,
        %swap3A_794 = vector.shape_cast %swap3A_793 : vector<1x1x16xf32> to vector<16xf32>
        %swap3A_795 = vector.shape_cast %add3A_788 : vector<16xf32> to vector<1x1x16xf32>
        tpu.vector_store %arg8[%swap3A_790, %swap3A_791, %swap3A_792], %swap3A_795 {strides = array<i32>} : memref<2x1600x32xf32, #tpu.memory_space<vmem>>, vector<1x1x16xf32>,
        %add3A_796 = arith.constant 1200 : i32
        %add3A_797 = arith.addi %add3A_796, %add3A_695 : i32
        %get3A_798 = arith.constant 0 : i32
        %get3A_799 = arith.index_cast %get3A_798 : i32 to index
        %get3A_800 = arith.index_cast %add3A_797 : i32 to index
        %get3A_801 = arith.constant 0 : index
        %get3A_802 = tpu.vector_load %arg8[%get3A_799, %get3A_800, %get3A_801] {strides = array<i32>} : memref<2x1600x32xf32, #tpu.memory_space<vmem>>, vector<1x1x16xf32>,
        %get3A_803 = vector.shape_cast %get3A_802 : vector<1x1x16xf32> to vector<16xf32>
        %add3A_804 = arith.addf %get3A_803, %get3A_699 : vector<16xf32>
        %swap3A_805 = arith.constant 0 : i32
        %swap3A_806 = arith.index_cast %swap3A_805 : i32 to index
        %swap3A_807 = arith.index_cast %add3A_797 : i32 to index
        %swap3A_808 = arith.constant 0 : index
        %swap3A_809 = tpu.vector_load %arg8[%swap3A_806, %swap3A_807, %swap3A_808] {strides = array<i32>} : memref<2x1600x32xf32, #tpu.memory_space<vmem>>, vector<1x1x16xf32>,
        %swap3A_810 = vector.shape_cast %swap3A_809 : vector<1x1x16xf32> to vector<16xf32>
        %swap3A_811 = vector.shape_cast %add3A_804 : vector<16xf32> to vector<1x1x16xf32>
        tpu.vector_store %arg8[%swap3A_806, %swap3A_807, %swap3A_808], %swap3A_811 {strides = array<i32>} : memref<2x1600x32xf32, #tpu.memory_space<vmem>>, vector<1x1x16xf32>,
        %add3A_812 = arith.constant 1400 : i32
        %add3A_813 = arith.addi %add3A_812, %add3A_695 : i32
        %get3A_814 = arith.constant 0 : i32
        %get3A_815 = arith.index_cast %get3A_814 : i32 to index
        %get3A_816 = arith.index_cast %add3A_813 : i32 to index
        %get3A_817 = arith.constant 0 : index
        %get3A_818 = tpu.vector_load %arg8[%get3A_815, %get3A_816, %get3A_817] {strides = array<i32>} : memref<2x1600x32xf32, #tpu.memory_space<vmem>>, vector<1x1x16xf32>,
        %get3A_819 = vector.shape_cast %get3A_818 : vector<1x1x16xf32> to vector<16xf32>
        %add3A_820 = arith.addf %get3A_819, %get3A_699 : vector<16xf32>
        %swap3A_821 = arith.constant 0 : i32
        %swap3A_822 = arith.index_cast %swap3A_821 : i32 to index
        %swap3A_823 = arith.index_cast %add3A_813 : i32 to index
        %swap3A_824 = arith.constant 0 : index
        %swap3A_825 = tpu.vector_load %arg8[%swap3A_822, %swap3A_823, %swap3A_824] {strides = array<i32>} : memref<2x1600x32xf32, #tpu.memory_space<vmem>>, vector<1x1x16xf32>,
        %swap3A_826 = vector.shape_cast %swap3A_825 : vector<1x1x16xf32> to vector<16xf32>
        %swap3A_827 = vector.shape_cast %add3A_820 : vector<16xf32> to vector<1x1x16xf32>
        tpu.vector_store %arg8[%swap3A_822, %swap3A_823, %swap3A_824], %swap3A_827 {strides = array<i32>} : memref<2x1600x32xf32, #tpu.memory_space<vmem>>, vector<1x1x16xf32>,
        %get3A_828 = arith.index_cast %add3A_695 : i32 to index
        %get3A_829 = arith.constant 16 : index
        %get3A_830 = tpu.vector_load %arg6[%get3A_828, %get3A_829] {strides = array<i32>} : memref<200x32xf32, #tpu.memory_space<vmem>>, vector<1x16xf32>,
        %get3A_831 = vector.shape_cast %get3A_830 : vector<1x16xf32> to vector<16xf32>
        %add3A_832 = arith.constant 0 : i32
        %add3A_833 = arith.addi %add3A_832, %add3A_695 : i32
        %get3A_834 = arith.constant 0 : i32
        %get3A_835 = arith.index_cast %get3A_834 : i32 to index
        %get3A_836 = arith.index_cast %add3A_833 : i32 to index
        %get3A_837 = arith.constant 16 : index
        %get3A_838 = tpu.vector_load %arg8[%get3A_835, %get3A_836, %get3A_837] {strides = array<i32>} : memref<2x1600x32xf32, #tpu.memory_space<vmem>>, vector<1x1x16xf32>,
        %get3A_839 = vector.shape_cast %get3A_838 : vector<1x1x16xf32> to vector<16xf32>
        %add3A_840 = arith.addf %get3A_839, %get3A_831 : vector<16xf32>
        %swap3A_841 = arith.constant 0 : i32
        %swap3A_842 = arith.index_cast %swap3A_841 : i32 to index
        %swap3A_843 = arith.index_cast %add3A_833 : i32 to index
        %swap3A_844 = arith.constant 16 : index
        %swap3A_845 = tpu.vector_load %arg8[%swap3A_842, %swap3A_843, %swap3A_844] {strides = array<i32>} : memref<2x1600x32xf32, #tpu.memory_space<vmem>>, vector<1x1x16xf32>,
        %swap3A_846 = vector.shape_cast %swap3A_845 : vector<1x1x16xf32> to vector<16xf32>
        %swap3A_847 = vector.shape_cast %add3A_840 : vector<16xf32> to vector<1x1x16xf32>
        tpu.vector_store %arg8[%swap3A_842, %swap3A_843, %swap3A_844], %swap3A_847 {strides = array<i32>} : memref<2x1600x32xf32, #tpu.memory_space<vmem>>, vector<1x1x16xf32>,
        %add3A_848 = arith.constant 200 : i32
        %add3A_849 = arith.addi %add3A_848, %add3A_695 : i32
        %get3A_850 = arith.constant 0 : i32
        %get3A_851 = arith.index_cast %get3A_850 : i32 to index
        %get3A_852 = arith.index_cast %add3A_849 : i32 to index
        %get3A_853 = arith.constant 16 : index
        %get3A_854 = tpu.vector_load %arg8[%get3A_851, %get3A_852, %get3A_853] {strides = array<i32>} : memref<2x1600x32xf32, #tpu.memory_space<vmem>>, vector<1x1x16xf32>,
        %get3A_855 = vector.shape_cast %get3A_854 : vector<1x1x16xf32> to vector<16xf32>
        %add3A_856 = arith.addf %get3A_855, %get3A_831 : vector<16xf32>
        %swap3A_857 = arith.constant 0 : i32
        %swap3A_858 = arith.index_cast %swap3A_857 : i32 to index
        %swap3A_859 = arith.index_cast %add3A_849 : i32 to index
        %swap3A_860 = arith.constant 16 : index
        %swap3A_861 = tpu.vector_load %arg8[%swap3A_858, %swap3A_859, %swap3A_860] {strides = array<i32>} : memref<2x1600x32xf32, #tpu.memory_space<vmem>>, vector<1x1x16xf32>,
        %swap3A_862 = vector.shape_cast %swap3A_861 : vector<1x1x16xf32> to vector<16xf32>
        %swap3A_863 = vector.shape_cast %add3A_856 : vector<16xf32> to vector<1x1x16xf32>
        tpu.vector_store %arg8[%swap3A_858, %swap3A_859, %swap3A_860], %swap3A_863 {strides = array<i32>} : memref<2x1600x32xf32, #tpu.memory_space<vmem>>, vector<1x1x16xf32>,
        %add3A_864 = arith.constant 400 : i32
        %add3A_865 = arith.addi %add3A_864, %add3A_695 : i32
        %get3A_866 = arith.constant 0 : i32
        %get3A_867 = arith.index_cast %get3A_866 : i32 to index
        %get3A_868 = arith.index_cast %add3A_865 : i32 to index
        %get3A_869 = arith.constant 16 : index
        %get3A_870 = tpu.vector_load %arg8[%get3A_867, %get3A_868, %get3A_869] {strides = array<i32>} : memref<2x1600x32xf32, #tpu.memory_space<vmem>>, vector<1x1x16xf32>,
        %get3A_871 = vector.shape_cast %get3A_870 : vector<1x1x16xf32> to vector<16xf32>
        %add3A_872 = arith.addf %get3A_871, %get3A_831 : vector<16xf32>
        %swap3A_873 = arith.constant 0 : i32
        %swap3A_874 = arith.index_cast %swap3A_873 : i32 to index
        %swap3A_875 = arith.index_cast %add3A_865 : i32 to index
        %swap3A_876 = arith.constant 16 : index
        %swap3A_877 = tpu.vector_load %arg8[%swap3A_874, %swap3A_875, %swap3A_876] {strides = array<i32>} : memref<2x1600x32xf32, #tpu.memory_space<vmem>>, vector<1x1x16xf32>,
        %swap3A_878 = vector.shape_cast %swap3A_877 : vector<1x1x16xf32> to vector<16xf32>
        %swap3A_879 = vector.shape_cast %add3A_872 : vector<16xf32> to vector<1x1x16xf32>
        tpu.vector_store %arg8[%swap3A_874, %swap3A_875, %swap3A_876], %swap3A_879 {strides = array<i32>} : memref<2x1600x32xf32, #tpu.memory_space<vmem>>, vector<1x1x16xf32>,
        %add3A_880 = arith.constant 600 : i32
        %add3A_881 = arith.addi %add3A_880, %add3A_695 : i32
        %get3A_882 = arith.constant 0 : i32
        %get3A_883 = arith.index_cast %get3A_882 : i32 to index
        %get3A_884 = arith.index_cast %add3A_881 : i32 to index
        %get3A_885 = arith.constant 16 : index
        %get3A_886 = tpu.vector_load %arg8[%get3A_883, %get3A_884, %get3A_885] {strides = array<i32>} : memref<2x1600x32xf32, #tpu.memory_space<vmem>>, vector<1x1x16xf32>,
        %get3A_887 = vector.shape_cast %get3A_886 : vector<1x1x16xf32> to vector<16xf32>
        %add3A_888 = arith.addf %get3A_887, %get3A_831 : vector<16xf32>
        %swap3A_889 = arith.constant 0 : i32
        %swap3A_890 = arith.index_cast %swap3A_889 : i32 to index
        %swap3A_891 = arith.index_cast %add3A_881 : i32 to index
        %swap3A_892 = arith.constant 16 : index
        %swap3A_893 = tpu.vector_load %arg8[%swap3A_890, %swap3A_891, %swap3A_892] {strides = array<i32>} : memref<2x1600x32xf32, #tpu.memory_space<vmem>>, vector<1x1x16xf32>,
        %swap3A_894 = vector.shape_cast %swap3A_893 : vector<1x1x16xf32> to vector<16xf32>
        %swap3A_895 = vector.shape_cast %add3A_888 : vector<16xf32> to vector<1x1x16xf32>
        tpu.vector_store %arg8[%swap3A_890, %swap3A_891, %swap3A_892], %swap3A_895 {strides = array<i32>} : memref<2x1600x32xf32, #tpu.memory_space<vmem>>, vector<1x1x16xf32>,
        %add3A_896 = arith.constant 800 : i32
        %add3A_897 = arith.addi %add3A_896, %add3A_695 : i32
        %get3A_898 = arith.constant 0 : i32
        %get3A_899 = arith.index_cast %get3A_898 : i32 to index
        %get3A_900 = arith.index_cast %add3A_897 : i32 to index
        %get3A_901 = arith.constant 16 : index
        %get3A_902 = tpu.vector_load %arg8[%get3A_899, %get3A_900, %get3A_901] {strides = array<i32>} : memref<2x1600x32xf32, #tpu.memory_space<vmem>>, vector<1x1x16xf32>,
        %get3A_903 = vector.shape_cast %get3A_902 : vector<1x1x16xf32> to vector<16xf32>
        %add3A_904 = arith.addf %get3A_903, %get3A_831 : vector<16xf32>
        %swap3A_905 = arith.constant 0 : i32
        %swap3A_906 = arith.index_cast %swap3A_905 : i32 to index
        %swap3A_907 = arith.index_cast %add3A_897 : i32 to index
        %swap3A_908 = arith.constant 16 : index
        %swap3A_909 = tpu.vector_load %arg8[%swap3A_906, %swap3A_907, %swap3A_908] {strides = array<i32>} : memref<2x1600x32xf32, #tpu.memory_space<vmem>>, vector<1x1x16xf32>,
        %swap3A_910 = vector.shape_cast %swap3A_909 : vector<1x1x16xf32> to vector<16xf32>
        %swap3A_911 = vector.shape_cast %add3A_904 : vector<16xf32> to vector<1x1x16xf32>
        tpu.vector_store %arg8[%swap3A_906, %swap3A_907, %swap3A_908], %swap3A_911 {strides = array<i32>} : memref<2x1600x32xf32, #tpu.memory_space<vmem>>, vector<1x1x16xf32>,
        %add3A_912 = arith.constant 1000 : i32
        %add3A_913 = arith.addi %add3A_912, %add3A_695 : i32
        %get3A_914 = arith.constant 0 : i32
        %get3A_915 = arith.index_cast %get3A_914 : i32 to index
        %get3A_916 = arith.index_cast %add3A_913 : i32 to index
        %get3A_917 = arith.constant 16 : index
        %get3A_918 = tpu.vector_load %arg8[%get3A_915, %get3A_916, %get3A_917] {strides = array<i32>} : memref<2x1600x32xf32, #tpu.memory_space<vmem>>, vector<1x1x16xf32>,
        %get3A_919 = vector.shape_cast %get3A_918 : vector<1x1x16xf32> to vector<16xf32>
        %add3A_920 = arith.addf %get3A_919, %get3A_831 : vector<16xf32>
        %swap3A_921 = arith.constant 0 : i32
        %swap3A_922 = arith.index_cast %swap3A_921 : i32 to index
        %swap3A_923 = arith.index_cast %add3A_913 : i32 to index
        %swap3A_924 = arith.constant 16 : index
        %swap3A_925 = tpu.vector_load %arg8[%swap3A_922, %swap3A_923, %swap3A_924] {strides = array<i32>} : memref<2x1600x32xf32, #tpu.memory_space<vmem>>, vector<1x1x16xf32>,
        %swap3A_926 = vector.shape_cast %swap3A_925 : vector<1x1x16xf32> to vector<16xf32>
        %swap3A_927 = vector.shape_cast %add3A_920 : vector<16xf32> to vector<1x1x16xf32>
        tpu.vector_store %arg8[%swap3A_922, %swap3A_923, %swap3A_924], %swap3A_927 {strides = array<i32>} : memref<2x1600x32xf32, #tpu.memory_space<vmem>>, vector<1x1x16xf32>,
        %add3A_928 = arith.constant 1200 : i32
        %add3A_929 = arith.addi %add3A_928, %add3A_695 : i32
        %get3A_930 = arith.constant 0 : i32
        %get3A_931 = arith.index_cast %get3A_930 : i32 to index
        %get3A_932 = arith.index_cast %add3A_929 : i32 to index
        %get3A_933 = arith.constant 16 : index
        %get3A_934 = tpu.vector_load %arg8[%get3A_931, %get3A_932, %get3A_933] {strides = array<i32>} : memref<2x1600x32xf32, #tpu.memory_space<vmem>>, vector<1x1x16xf32>,
        %get3A_935 = vector.shape_cast %get3A_934 : vector<1x1x16xf32> to vector<16xf32>
        %add3A_936 = arith.addf %get3A_935, %get3A_831 : vector<16xf32>
        %swap3A_937 = arith.constant 0 : i32
        %swap3A_938 = arith.index_cast %swap3A_937 : i32 to index
        %swap3A_939 = arith.index_cast %add3A_929 : i32 to index
        %swap3A_940 = arith.constant 16 : index
        %swap3A_941 = tpu.vector_load %arg8[%swap3A_938, %swap3A_939, %swap3A_940] {strides = array<i32>} : memref<2x1600x32xf32, #tpu.memory_space<vmem>>, vector<1x1x16xf32>,
        %swap3A_942 = vector.shape_cast %swap3A_941 : vector<1x1x16xf32> to vector<16xf32>
        %swap3A_943 = vector.shape_cast %add3A_936 : vector<16xf32> to vector<1x1x16xf32>
        tpu.vector_store %arg8[%swap3A_938, %swap3A_939, %swap3A_940], %swap3A_943 {strides = array<i32>} : memref<2x1600x32xf32, #tpu.memory_space<vmem>>, vector<1x1x16xf32>,
        %add3A_944 = arith.constant 1400 : i32
        %add3A_945 = arith.addi %add3A_944, %add3A_695 : i32
        %get3A_946 = arith.constant 0 : i32
        %get3A_947 = arith.index_cast %get3A_946 : i32 to index
        %get3A_948 = arith.index_cast %add3A_945 : i32 to index
        %get3A_949 = arith.constant 16 : index
        %get3A_950 = tpu.vector_load %arg8[%get3A_947, %get3A_948, %get3A_949] {strides = array<i32>} : memref<2x1600x32xf32, #tpu.memory_space<vmem>>, vector<1x1x16xf32>,
        %get3A_951 = vector.shape_cast %get3A_950 : vector<1x1x16xf32> to vector<16xf32>
        %add3A_952 = arith.addf %get3A_951, %get3A_831 : vector<16xf32>
        %swap3A_953 = arith.constant 0 : i32
        %swap3A_954 = arith.index_cast %swap3A_953 : i32 to index
        %swap3A_955 = arith.index_cast %add3A_945 : i32 to index
        %swap3A_956 = arith.constant 16 : index
        %swap3A_957 = tpu.vector_load %arg8[%swap3A_954, %swap3A_955, %swap3A_956] {strides = array<i32>} : memref<2x1600x32xf32, #tpu.memory_space<vmem>>, vector<1x1x16xf32>,
        %swap3A_958 = vector.shape_cast %swap3A_957 : vector<1x1x16xf32> to vector<16xf32>
        %swap3A_959 = vector.shape_cast %add3A_952 : vector<16xf32> to vector<1x1x16xf32>
        tpu.vector_store %arg8[%swap3A_954, %swap3A_955, %swap3A_956], %swap3A_959 {strides = array<i32>} : memref<2x1600x32xf32, #tpu.memory_space<vmem>>, vector<1x1x16xf32>,
        %mul3A_960 = arith.constant 8 : i32
        %mul3A_961 = arith.muli %scan3A_157, %mul3A_960 : i32
        %add3A_962 = arith.constant 3 : i32
        %add3A_963 = arith.addi %mul3A_961, %add3A_962 : i32
        %get3A_964 = arith.index_cast %add3A_963 : i32 to index
        %get3A_965 = arith.constant 0 : index
        %get3A_966 = tpu.vector_load %arg6[%get3A_964, %get3A_965] {strides = array<i32>} : memref<200x32xf32, #tpu.memory_space<vmem>>, vector<1x16xf32>,
        %get3A_967 = vector.shape_cast %get3A_966 : vector<1x16xf32> to vector<16xf32>
        %add3A_968 = arith.constant 0 : i32
        %add3A_969 = arith.addi %add3A_968, %add3A_963 : i32
        %get3A_970 = arith.constant 0 : i32
        %get3A_971 = arith.index_cast %get3A_970 : i32 to index
        %get3A_972 = arith.index_cast %add3A_969 : i32 to index
        %get3A_973 = arith.constant 0 : index
        %get3A_974 = tpu.vector_load %arg8[%get3A_971, %get3A_972, %get3A_973] {strides = array<i32>} : memref<2x1600x32xf32, #tpu.memory_space<vmem>>, vector<1x1x16xf32>,
        %get3A_975 = vector.shape_cast %get3A_974 : vector<1x1x16xf32> to vector<16xf32>
        %add3A_976 = arith.addf %get3A_975, %get3A_967 : vector<16xf32>
        %swap3A_977 = arith.constant 0 : i32
        %swap3A_978 = arith.index_cast %swap3A_977 : i32 to index
        %swap3A_979 = arith.index_cast %add3A_969 : i32 to index
        %swap3A_980 = arith.constant 0 : index
        %swap3A_981 = tpu.vector_load %arg8[%swap3A_978, %swap3A_979, %swap3A_980] {strides = array<i32>} : memref<2x1600x32xf32, #tpu.memory_space<vmem>>, vector<1x1x16xf32>,
        %swap3A_982 = vector.shape_cast %swap3A_981 : vector<1x1x16xf32> to vector<16xf32>
        %swap3A_983 = vector.shape_cast %add3A_976 : vector<16xf32> to vector<1x1x16xf32>
        tpu.vector_store %arg8[%swap3A_978, %swap3A_979, %swap3A_980], %swap3A_983 {strides = array<i32>} : memref<2x1600x32xf32, #tpu.memory_space<vmem>>, vector<1x1x16xf32>,
        %add3A_984 = arith.constant 200 : i32
        %add3A_985 = arith.addi %add3A_984, %add3A_963 : i32
        %get3A_986 = arith.constant 0 : i32
        %get3A_987 = arith.index_cast %get3A_986 : i32 to index
        %get3A_988 = arith.index_cast %add3A_985 : i32 to index
        %get3A_989 = arith.constant 0 : index
        %get3A_990 = tpu.vector_load %arg8[%get3A_987, %get3A_988, %get3A_989] {strides = array<i32>} : memref<2x1600x32xf32, #tpu.memory_space<vmem>>, vector<1x1x16xf32>,
        %get3A_991 = vector.shape_cast %get3A_990 : vector<1x1x16xf32> to vector<16xf32>
        %add3A_992 = arith.addf %get3A_991, %get3A_967 : vector<16xf32>
        %swap3A_993 = arith.constant 0 : i32
        %swap3A_994 = arith.index_cast %swap3A_993 : i32 to index
        %swap3A_995 = arith.index_cast %add3A_985 : i32 to index
        %swap3A_996 = arith.constant 0 : index
        %swap3A_997 = tpu.vector_load %arg8[%swap3A_994, %swap3A_995, %swap3A_996] {strides = array<i32>} : memref<2x1600x32xf32, #tpu.memory_space<vmem>>, vector<1x1x16xf32>,
        %swap3A_998 = vector.shape_cast %swap3A_997 : vector<1x1x16xf32> to vector<16xf32>
        %swap3A_999 = vector.shape_cast %add3A_992 : vector<16xf32> to vector<1x1x16xf32>
        tpu.vector_store %arg8[%swap3A_994, %swap3A_995, %swap3A_996], %swap3A_999 {strides = array<i32>} : memref<2x1600x32xf32, #tpu.memory_space<vmem>>, vector<1x1x16xf32>,
        %add3A_1000 = arith.constant 400 : i32
        %add3A_1001 = arith.addi %add3A_1000, %add3A_963 : i32
        %get3A_1002 = arith.constant 0 : i32
        %get3A_1003 = arith.index_cast %get3A_1002 : i32 to index
        %get3A_1004 = arith.index_cast %add3A_1001 : i32 to index
        %get3A_1005 = arith.constant 0 : index
        %get3A_1006 = tpu.vector_load %arg8[%get3A_1003, %get3A_1004, %get3A_1005] {strides = array<i32>} : memref<2x1600x32xf32, #tpu.memory_space<vmem>>, vector<1x1x16xf32>,
        %get3A_1007 = vector.shape_cast %get3A_1006 : vector<1x1x16xf32> to vector<16xf32>
        %add3A_1008 = arith.addf %get3A_1007, %get3A_967 : vector<16xf32>
        %swap3A_1009 = arith.constant 0 : i32
        %swap3A_1010 = arith.index_cast %swap3A_1009 : i32 to index
        %swap3A_1011 = arith.index_cast %add3A_1001 : i32 to index
        %swap3A_1012 = arith.constant 0 : index
        %swap3A_1013 = tpu.vector_load %arg8[%swap3A_1010, %swap3A_1011, %swap3A_1012] {strides = array<i32>} : memref<2x1600x32xf32, #tpu.memory_space<vmem>>, vector<1x1x16xf32>,
        %swap3A_1014 = vector.shape_cast %swap3A_1013 : vector<1x1x16xf32> to vector<16xf32>
        %swap3A_1015 = vector.shape_cast %add3A_1008 : vector<16xf32> to vector<1x1x16xf32>
        tpu.vector_store %arg8[%swap3A_1010, %swap3A_1011, %swap3A_1012], %swap3A_1015 {strides = array<i32>} : memref<2x1600x32xf32, #tpu.memory_space<vmem>>, vector<1x1x16xf32>,
        %add3A_1016 = arith.constant 600 : i32
        %add3A_1017 = arith.addi %add3A_1016, %add3A_963 : i32
        %get3A_1018 = arith.constant 0 : i32
        %get3A_1019 = arith.index_cast %get3A_1018 : i32 to index
        %get3A_1020 = arith.index_cast %add3A_1017 : i32 to index
        %get3A_1021 = arith.constant 0 : index
        %get3A_1022 = tpu.vector_load %arg8[%get3A_1019, %get3A_1020, %get3A_1021] {strides = array<i32>} : memref<2x1600x32xf32, #tpu.memory_space<vmem>>, vector<1x1x16xf32>,
        %get3A_1023 = vector.shape_cast %get3A_1022 : vector<1x1x16xf32> to vector<16xf32>
        %add3A_1024 = arith.addf %get3A_1023, %get3A_967 : vector<16xf32>
        %swap3A_1025 = arith.constant 0 : i32
        %swap3A_1026 = arith.index_cast %swap3A_1025 : i32 to index
        %swap3A_1027 = arith.index_cast %add3A_1017 : i32 to index
        %swap3A_1028 = arith.constant 0 : index
        %swap3A_1029 = tpu.vector_load %arg8[%swap3A_1026, %swap3A_1027, %swap3A_1028] {strides = array<i32>} : memref<2x1600x32xf32, #tpu.memory_space<vmem>>, vector<1x1x16xf32>,
        %swap3A_1030 = vector.shape_cast %swap3A_1029 : vector<1x1x16xf32> to vector<16xf32>
        %swap3A_1031 = vector.shape_cast %add3A_1024 : vector<16xf32> to vector<1x1x16xf32>
        tpu.vector_store %arg8[%swap3A_1026, %swap3A_1027, %swap3A_1028], %swap3A_1031 {strides = array<i32>} : memref<2x1600x32xf32, #tpu.memory_space<vmem>>, vector<1x1x16xf32>,
        %add3A_1032 = arith.constant 800 : i32
        %add3A_1033 = arith.addi %add3A_1032, %add3A_963 : i32
        %get3A_1034 = arith.constant 0 : i32
        %get3A_1035 = arith.index_cast %get3A_1034 : i32 to index
        %get3A_1036 = arith.index_cast %add3A_1033 : i32 to index
        %get3A_1037 = arith.constant 0 : index
        %get3A_1038 = tpu.vector_load %arg8[%get3A_1035, %get3A_1036, %get3A_1037] {strides = array<i32>} : memref<2x1600x32xf32, #tpu.memory_space<vmem>>, vector<1x1x16xf32>,
        %get3A_1039 = vector.shape_cast %get3A_1038 : vector<1x1x16xf32> to vector<16xf32>
        %add3A_1040 = arith.addf %get3A_1039, %get3A_967 : vector<16xf32>
        %swap3A_1041 = arith.constant 0 : i32
        %swap3A_1042 = arith.index_cast %swap3A_1041 : i32 to index
        %swap3A_1043 = arith.index_cast %add3A_1033 : i32 to index
        %swap3A_1044 = arith.constant 0 : index
        %swap3A_1045 = tpu.vector_load %arg8[%swap3A_1042, %swap3A_1043, %swap3A_1044] {strides = array<i32>} : memref<2x1600x32xf32, #tpu.memory_space<vmem>>, vector<1x1x16xf32>,
        %swap3A_1046 = vector.shape_cast %swap3A_1045 : vector<1x1x16xf32> to vector<16xf32>
        %swap3A_1047 = vector.shape_cast %add3A_1040 : vector<16xf32> to vector<1x1x16xf32>
        tpu.vector_store %arg8[%swap3A_1042, %swap3A_1043, %swap3A_1044], %swap3A_1047 {strides = array<i32>} : memref<2x1600x32xf32, #tpu.memory_space<vmem>>, vector<1x1x16xf32>,
        %add3A_1048 = arith.constant 1000 : i32
        %add3A_1049 = arith.addi %add3A_1048, %add3A_963 : i32
        %get3A_1050 = arith.constant 0 : i32
        %get3A_1051 = arith.index_cast %get3A_1050 : i32 to index
        %get3A_1052 = arith.index_cast %add3A_1049 : i32 to index
        %get3A_1053 = arith.constant 0 : index
        %get3A_1054 = tpu.vector_load %arg8[%get3A_1051, %get3A_1052, %get3A_1053] {strides = array<i32>} : memref<2x1600x32xf32, #tpu.memory_space<vmem>>, vector<1x1x16xf32>,
        %get3A_1055 = vector.shape_cast %get3A_1054 : vector<1x1x16xf32> to vector<16xf32>
        %add3A_1056 = arith.addf %get3A_1055, %get3A_967 : vector<16xf32>
        %swap3A_1057 = arith.constant 0 : i32
        %swap3A_1058 = arith.index_cast %swap3A_1057 : i32 to index
        %swap3A_1059 = arith.index_cast %add3A_1049 : i32 to index
        %swap3A_1060 = arith.constant 0 : index
        %swap3A_1061 = tpu.vector_load %arg8[%swap3A_1058, %swap3A_1059, %swap3A_1060] {strides = array<i32>} : memref<2x1600x32xf32, #tpu.memory_space<vmem>>, vector<1x1x16xf32>,
        %swap3A_1062 = vector.shape_cast %swap3A_1061 : vector<1x1x16xf32> to vector<16xf32>
        %swap3A_1063 = vector.shape_cast %add3A_1056 : vector<16xf32> to vector<1x1x16xf32>
        tpu.vector_store %arg8[%swap3A_1058, %swap3A_1059, %swap3A_1060], %swap3A_1063 {strides = array<i32>} : memref<2x1600x32xf32, #tpu.memory_space<vmem>>, vector<1x1x16xf32>,
        %add3A_1064 = arith.constant 1200 : i32
        %add3A_1065 = arith.addi %add3A_1064, %add3A_963 : i32
        %get3A_1066 = arith.constant 0 : i32
        %get3A_1067 = arith.index_cast %get3A_1066 : i32 to index
        %get3A_1068 = arith.index_cast %add3A_1065 : i32 to index
        %get3A_1069 = arith.constant 0 : index
        %get3A_1070 = tpu.vector_load %arg8[%get3A_1067, %get3A_1068, %get3A_1069] {strides = array<i32>} : memref<2x1600x32xf32, #tpu.memory_space<vmem>>, vector<1x1x16xf32>,
        %get3A_1071 = vector.shape_cast %get3A_1070 : vector<1x1x16xf32> to vector<16xf32>
        %add3A_1072 = arith.addf %get3A_1071, %get3A_967 : vector<16xf32>
        %swap3A_1073 = arith.constant 0 : i32
        %swap3A_1074 = arith.index_cast %swap3A_1073 : i32 to index
        %swap3A_1075 = arith.index_cast %add3A_1065 : i32 to index
        %swap3A_1076 = arith.constant 0 : index
        %swap3A_1077 = tpu.vector_load %arg8[%swap3A_1074, %swap3A_1075, %swap3A_1076] {strides = array<i32>} : memref<2x1600x32xf32, #tpu.memory_space<vmem>>, vector<1x1x16xf32>,
        %swap3A_1078 = vector.shape_cast %swap3A_1077 : vector<1x1x16xf32> to vector<16xf32>
        %swap3A_1079 = vector.shape_cast %add3A_1072 : vector<16xf32> to vector<1x1x16xf32>
        tpu.vector_store %arg8[%swap3A_1074, %swap3A_1075, %swap3A_1076], %swap3A_1079 {strides = array<i32>} : memref<2x1600x32xf32, #tpu.memory_space<vmem>>, vector<1x1x16xf32>,
        %add3A_1080 = arith.constant 1400 : i32
        %add3A_1081 = arith.addi %add3A_1080, %add3A_963 : i32
        %get3A_1082 = arith.constant 0 : i32
        %get3A_1083 = arith.index_cast %get3A_1082 : i32 to index
        %get3A_1084 = arith.index_cast %add3A_1081 : i32 to index
        %get3A_1085 = arith.constant 0 : index
        %get3A_1086 = tpu.vector_load %arg8[%get3A_1083, %get3A_1084, %get3A_1085] {strides = array<i32>} : memref<2x1600x32xf32, #tpu.memory_space<vmem>>, vector<1x1x16xf32>,
        %get3A_1087 = vector.shape_cast %get3A_1086 : vector<1x1x16xf32> to vector<16xf32>
        %add3A_1088 = arith.addf %get3A_1087, %get3A_967 : vector<16xf32>
        %swap3A_1089 = arith.constant 0 : i32
        %swap3A_1090 = arith.index_cast %swap3A_1089 : i32 to index
        %swap3A_1091 = arith.index_cast %add3A_1081 : i32 to index
        %swap3A_1092 = arith.constant 0 : index
        %swap3A_1093 = tpu.vector_load %arg8[%swap3A_1090, %swap3A_1091, %swap3A_1092] {strides = array<i32>} : memref<2x1600x32xf32, #tpu.memory_space<vmem>>, vector<1x1x16xf32>,
        %swap3A_1094 = vector.shape_cast %swap3A_1093 : vector<1x1x16xf32> to vector<16xf32>
        %swap3A_1095 = vector.shape_cast %add3A_1088 : vector<16xf32> to vector<1x1x16xf32>
        tpu.vector_store %arg8[%swap3A_1090, %swap3A_1091, %swap3A_1092], %swap3A_1095 {strides = array<i32>} : memref<2x1600x32xf32, #tpu.memory_space<vmem>>, vector<1x1x16xf32>,
        %get3A_1096 = arith.index_cast %add3A_963 : i32 to index
        %get3A_1097 = arith.constant 16 : index
        %get3A_1098 = tpu.vector_load %arg6[%get3A_1096, %get3A_1097] {strides = array<i32>} : memref<200x32xf32, #tpu.memory_space<vmem>>, vector<1x16xf32>,
        %get3A_1099 = vector.shape_cast %get3A_1098 : vector<1x16xf32> to vector<16xf32>
        %add3A_1100 = arith.constant 0 : i32
        %add3A_1101 = arith.addi %add3A_1100, %add3A_963 : i32
        %get3A_1102 = arith.constant 0 : i32
        %get3A_1103 = arith.index_cast %get3A_1102 : i32 to index
        %get3A_1104 = arith.index_cast %add3A_1101 : i32 to index
        %get3A_1105 = arith.constant 16 : index
        %get3A_1106 = tpu.vector_load %arg8[%get3A_1103, %get3A_1104, %get3A_1105] {strides = array<i32>} : memref<2x1600x32xf32, #tpu.memory_space<vmem>>, vector<1x1x16xf32>,
        %get3A_1107 = vector.shape_cast %get3A_1106 : vector<1x1x16xf32> to vector<16xf32>
        %add3A_1108 = arith.addf %get3A_1107, %get3A_1099 : vector<16xf32>
        %swap3A_1109 = arith.constant 0 : i32
        %swap3A_1110 = arith.index_cast %swap3A_1109 : i32 to index
        %swap3A_1111 = arith.index_cast %add3A_1101 : i32 to index
        %swap3A_1112 = arith.constant 16 : index
        %swap3A_1113 = tpu.vector_load %arg8[%swap3A_1110, %swap3A_1111, %swap3A_1112] {strides = array<i32>} : memref<2x1600x32xf32, #tpu.memory_space<vmem>>, vector<1x1x16xf32>,
        %swap3A_1114 = vector.shape_cast %swap3A_1113 : vector<1x1x16xf32> to vector<16xf32>
        %swap3A_1115 = vector.shape_cast %add3A_1108 : vector<16xf32> to vector<1x1x16xf32>
        tpu.vector_store %arg8[%swap3A_1110, %swap3A_1111, %swap3A_1112], %swap3A_1115 {strides = array<i32>} : memref<2x1600x32xf32, #tpu.memory_space<vmem>>, vector<1x1x16xf32>,
        %add3A_1116 = arith.constant 200 : i32
        %add3A_1117 = arith.addi %add3A_1116, %add3A_963 : i32
        %get3A_1118 = arith.constant 0 : i32
        %get3A_1119 = arith.index_cast %get3A_1118 : i32 to index
        %get3A_1120 = arith.index_cast %add3A_1117 : i32 to index
        %get3A_1121 = arith.constant 16 : index
        %get3A_1122 = tpu.vector_load %arg8[%get3A_1119, %get3A_1120, %get3A_1121] {strides = array<i32>} : memref<2x1600x32xf32, #tpu.memory_space<vmem>>, vector<1x1x16xf32>,
        %get3A_1123 = vector.shape_cast %get3A_1122 : vector<1x1x16xf32> to vector<16xf32>
        %add3A_1124 = arith.addf %get3A_1123, %get3A_1099 : vector<16xf32>
        %swap3A_1125 = arith.constant 0 : i32
        %swap3A_1126 = arith.index_cast %swap3A_1125 : i32 to index
        %swap3A_1127 = arith.index_cast %add3A_1117 : i32 to index
        %swap3A_1128 = arith.constant 16 : index
        %swap3A_1129 = tpu.vector_load %arg8[%swap3A_1126, %swap3A_1127, %swap3A_1128] {strides = array<i32>} : memref<2x1600x32xf32, #tpu.memory_space<vmem>>, vector<1x1x16xf32>,
        %swap3A_1130 = vector.shape_cast %swap3A_1129 : vector<1x1x16xf32> to vector<16xf32>
        %swap3A_1131 = vector.shape_cast %add3A_1124 : vector<16xf32> to vector<1x1x16xf32>
        tpu.vector_store %arg8[%swap3A_1126, %swap3A_1127, %swap3A_1128], %swap3A_1131 {strides = array<i32>} : memref<2x1600x32xf32, #tpu.memory_space<vmem>>, vector<1x1x16xf32>,
        %add3A_1132 = arith.constant 400 : i32
        %add3A_1133 = arith.addi %add3A_1132, %add3A_963 : i32
        %get3A_1134 = arith.constant 0 : i32
        %get3A_1135 = arith.index_cast %get3A_1134 : i32 to index
        %get3A_1136 = arith.index_cast %add3A_1133 : i32 to index
        %get3A_1137 = arith.constant 16 : index
        %get3A_1138 = tpu.vector_load %arg8[%get3A_1135, %get3A_1136, %get3A_1137] {strides = array<i32>} : memref<2x1600x32xf32, #tpu.memory_space<vmem>>, vector<1x1x16xf32>,
        %get3A_1139 = vector.shape_cast %get3A_1138 : vector<1x1x16xf32> to vector<16xf32>
        %add3A_1140 = arith.addf %get3A_1139, %get3A_1099 : vector<16xf32>
        %swap3A_1141 = arith.constant 0 : i32
        %swap3A_1142 = arith.index_cast %swap3A_1141 : i32 to index
        %swap3A_1143 = arith.index_cast %add3A_1133 : i32 to index
        %swap3A_1144 = arith.constant 16 : index
        %swap3A_1145 = tpu.vector_load %arg8[%swap3A_1142, %swap3A_1143, %swap3A_1144] {strides = array<i32>} : memref<2x1600x32xf32, #tpu.memory_space<vmem>>, vector<1x1x16xf32>,
        %swap3A_1146 = vector.shape_cast %swap3A_1145 : vector<1x1x16xf32> to vector<16xf32>
        %swap3A_1147 = vector.shape_cast %add3A_1140 : vector<16xf32> to vector<1x1x16xf32>
        tpu.vector_store %arg8[%swap3A_1142, %swap3A_1143, %swap3A_1144], %swap3A_1147 {strides = array<i32>} : memref<2x1600x32xf32, #tpu.memory_space<vmem>>, vector<1x1x16xf32>,
        %add3A_1148 = arith.constant 600 : i32
        %add3A_1149 = arith.addi %add3A_1148, %add3A_963 : i32
        %get3A_1150 = arith.constant 0 : i32
        %get3A_1151 = arith.index_cast %get3A_1150 : i32 to index
        %get3A_1152 = arith.index_cast %add3A_1149 : i32 to index
        %get3A_1153 = arith.constant 16 : index
        %get3A_1154 = tpu.vector_load %arg8[%get3A_1151, %get3A_1152, %get3A_1153] {strides = array<i32>} : memref<2x1600x32xf32, #tpu.memory_space<vmem>>, vector<1x1x16xf32>,
        %get3A_1155 = vector.shape_cast %get3A_1154 : vector<1x1x16xf32> to vector<16xf32>
        %add3A_1156 = arith.addf %get3A_1155, %get3A_1099 : vector<16xf32>
        %swap3A_1157 = arith.constant 0 : i32
        %swap3A_1158 = arith.index_cast %swap3A_1157 : i32 to index
        %swap3A_1159 = arith.index_cast %add3A_1149 : i32 to index
        %swap3A_1160 = arith.constant 16 : index
        %swap3A_1161 = tpu.vector_load %arg8[%swap3A_1158, %swap3A_1159, %swap3A_1160] {strides = array<i32>} : memref<2x1600x32xf32, #tpu.memory_space<vmem>>, vector<1x1x16xf32>,
        %swap3A_1162 = vector.shape_cast %swap3A_1161 : vector<1x1x16xf32> to vector<16xf32>
        %swap3A_1163 = vector.shape_cast %add3A_1156 : vector<16xf32> to vector<1x1x16xf32>
        tpu.vector_store %arg8[%swap3A_1158, %swap3A_1159, %swap3A_1160], %swap3A_1163 {strides = array<i32>} : memref<2x1600x32xf32, #tpu.memory_space<vmem>>, vector<1x1x16xf32>,
        %add3A_1164 = arith.constant 800 : i32
        %add3A_1165 = arith.addi %add3A_1164, %add3A_963 : i32
        %get3A_1166 = arith.constant 0 : i32
        %get3A_1167 = arith.index_cast %get3A_1166 : i32 to index
        %get3A_1168 = arith.index_cast %add3A_1165 : i32 to index
        %get3A_1169 = arith.constant 16 : index
        %get3A_1170 = tpu.vector_load %arg8[%get3A_1167, %get3A_1168, %get3A_1169] {strides = array<i32>} : memref<2x1600x32xf32, #tpu.memory_space<vmem>>, vector<1x1x16xf32>,
        %get3A_1171 = vector.shape_cast %get3A_1170 : vector<1x1x16xf32> to vector<16xf32>
        %add3A_1172 = arith.addf %get3A_1171, %get3A_1099 : vector<16xf32>
        %swap3A_1173 = arith.constant 0 : i32
        %swap3A_1174 = arith.index_cast %swap3A_1173 : i32 to index
        %swap3A_1175 = arith.index_cast %add3A_1165 : i32 to index
        %swap3A_1176 = arith.constant 16 : index
        %swap3A_1177 = tpu.vector_load %arg8[%swap3A_1174, %swap3A_1175, %swap3A_1176] {strides = array<i32>} : memref<2x1600x32xf32, #tpu.memory_space<vmem>>, vector<1x1x16xf32>,
        %swap3A_1178 = vector.shape_cast %swap3A_1177 : vector<1x1x16xf32> to vector<16xf32>
        %swap3A_1179 = vector.shape_cast %add3A_1172 : vector<16xf32> to vector<1x1x16xf32>
        tpu.vector_store %arg8[%swap3A_1174, %swap3A_1175, %swap3A_1176], %swap3A_1179 {strides = array<i32>} : memref<2x1600x32xf32, #tpu.memory_space<vmem>>, vector<1x1x16xf32>,
        %add3A_1180 = arith.constant 1000 : i32
        %add3A_1181 = arith.addi %add3A_1180, %add3A_963 : i32
        %get3A_1182 = arith.constant 0 : i32
        %get3A_1183 = arith.index_cast %get3A_1182 : i32 to index
        %get3A_1184 = arith.index_cast %add3A_1181 : i32 to index
        %get3A_1185 = arith.constant 16 : index
        %get3A_1186 = tpu.vector_load %arg8[%get3A_1183, %get3A_1184, %get3A_1185] {strides = array<i32>} : memref<2x1600x32xf32, #tpu.memory_space<vmem>>, vector<1x1x16xf32>,
        %get3A_1187 = vector.shape_cast %get3A_1186 : vector<1x1x16xf32> to vector<16xf32>
        %add3A_1188 = arith.addf %get3A_1187, %get3A_1099 : vector<16xf32>
        %swap3A_1189 = arith.constant 0 : i32
        %swap3A_1190 = arith.index_cast %swap3A_1189 : i32 to index
        %swap3A_1191 = arith.index_cast %add3A_1181 : i32 to index
        %swap3A_1192 = arith.constant 16 : index
        %swap3A_1193 = tpu.vector_load %arg8[%swap3A_1190, %swap3A_1191, %swap3A_1192] {strides = array<i32>} : memref<2x1600x32xf32, #tpu.memory_space<vmem>>, vector<1x1x16xf32>,
        %swap3A_1194 = vector.shape_cast %swap3A_1193 : vector<1x1x16xf32> to vector<16xf32>
        %swap3A_1195 = vector.shape_cast %add3A_1188 : vector<16xf32> to vector<1x1x16xf32>
        tpu.vector_store %arg8[%swap3A_1190, %swap3A_1191, %swap3A_1192], %swap3A_1195 {strides = array<i32>} : memref<2x1600x32xf32, #tpu.memory_space<vmem>>, vector<1x1x16xf32>,
        %add3A_1196 = arith.constant 1200 : i32
        %add3A_1197 = arith.addi %add3A_1196, %add3A_963 : i32
        %get3A_1198 = arith.constant 0 : i32
        %get3A_1199 = arith.index_cast %get3A_1198 : i32 to index
        %get3A_1200 = arith.index_cast %add3A_1197 : i32 to index
        %get3A_1201 = arith.constant 16 : index
        %get3A_1202 = tpu.vector_load %arg8[%get3A_1199, %get3A_1200, %get3A_1201] {strides = array<i32>} : memref<2x1600x32xf32, #tpu.memory_space<vmem>>, vector<1x1x16xf32>,
        %get3A_1203 = vector.shape_cast %get3A_1202 : vector<1x1x16xf32> to vector<16xf32>
        %add3A_1204 = arith.addf %get3A_1203, %get3A_1099 : vector<16xf32>
        %swap3A_1205 = arith.constant 0 : i32
        %swap3A_1206 = arith.index_cast %swap3A_1205 : i32 to index
        %swap3A_1207 = arith.index_cast %add3A_1197 : i32 to index
        %swap3A_1208 = arith.constant 16 : index
        %swap3A_1209 = tpu.vector_load %arg8[%swap3A_1206, %swap3A_1207, %swap3A_1208] {strides = array<i32>} : memref<2x1600x32xf32, #tpu.memory_space<vmem>>, vector<1x1x16xf32>,
        %swap3A_1210 = vector.shape_cast %swap3A_1209 : vector<1x1x16xf32> to vector<16xf32>
        %swap3A_1211 = vector.shape_cast %add3A_1204 : vector<16xf32> to vector<1x1x16xf32>
        tpu.vector_store %arg8[%swap3A_1206, %swap3A_1207, %swap3A_1208], %swap3A_1211 {strides = array<i32>} : memref<2x1600x32xf32, #tpu.memory_space<vmem>>, vector<1x1x16xf32>,
        %add3A_1212 = arith.constant 1400 : i32
        %add3A_1213 = arith.addi %add3A_1212, %add3A_963 : i32
        %get3A_1214 = arith.constant 0 : i32
        %get3A_1215 = arith.index_cast %get3A_1214 : i32 to index
        %get3A_1216 = arith.index_cast %add3A_1213 : i32 to index
        %get3A_1217 = arith.constant 16 : index
        %get3A_1218 = tpu.vector_load %arg8[%get3A_1215, %get3A_1216, %get3A_1217] {strides = array<i32>} : memref<2x1600x32xf32, #tpu.memory_space<vmem>>, vector<1x1x16xf32>,
        %get3A_1219 = vector.shape_cast %get3A_1218 : vector<1x1x16xf32> to vector<16xf32>
        %add3A_1220 = arith.addf %get3A_1219, %get3A_1099 : vector<16xf32>
        %swap3A_1221 = arith.constant 0 : i32
        %swap3A_1222 = arith.index_cast %swap3A_1221 : i32 to index
        %swap3A_1223 = arith.index_cast %add3A_1213 : i32 to index
        %swap3A_1224 = arith.constant 16 : index
        %swap3A_1225 = tpu.vector_load %arg8[%swap3A_1222, %swap3A_1223, %swap3A_1224] {strides = array<i32>} : memref<2x1600x32xf32, #tpu.memory_space<vmem>>, vector<1x1x16xf32>,
        %swap3A_1226 = vector.shape_cast %swap3A_1225 : vector<1x1x16xf32> to vector<16xf32>
        %swap3A_1227 = vector.shape_cast %add3A_1220 : vector<16xf32> to vector<1x1x16xf32>
        tpu.vector_store %arg8[%swap3A_1222, %swap3A_1223, %swap3A_1224], %swap3A_1227 {strides = array<i32>} : memref<2x1600x32xf32, #tpu.memory_space<vmem>>, vector<1x1x16xf32>,
        %mul3A_1228 = arith.constant 8 : i32
        %mul3A_1229 = arith.muli %scan3A_157, %mul3A_1228 : i32
        %add3A_1230 = arith.constant 4 : i32
        %add3A_1231 = arith.addi %mul3A_1229, %add3A_1230 : i32
        %get3A_1232 = arith.index_cast %add3A_1231 : i32 to index
        %get3A_1233 = arith.constant 0 : index
        %get3A_1234 = tpu.vector_load %arg6[%get3A_1232, %get3A_1233] {strides = array<i32>} : memref<200x32xf32, #tpu.memory_space<vmem>>, vector<1x16xf32>,
        %get3A_1235 = vector.shape_cast %get3A_1234 : vector<1x16xf32> to vector<16xf32>
        %add3A_1236 = arith.constant 0 : i32
        %add3A_1237 = arith.addi %add3A_1236, %add3A_1231 : i32
        %get3A_1238 = arith.constant 0 : i32
        %get3A_1239 = arith.index_cast %get3A_1238 : i32 to index
        %get3A_1240 = arith.index_cast %add3A_1237 : i32 to index
        %get3A_1241 = arith.constant 0 : index
        %get3A_1242 = tpu.vector_load %arg8[%get3A_1239, %get3A_1240, %get3A_1241] {strides = array<i32>} : memref<2x1600x32xf32, #tpu.memory_space<vmem>>, vector<1x1x16xf32>,
        %get3A_1243 = vector.shape_cast %get3A_1242 : vector<1x1x16xf32> to vector<16xf32>
        %add3A_1244 = arith.addf %get3A_1243, %get3A_1235 : vector<16xf32>
        %swap3A_1245 = arith.constant 0 : i32
        %swap3A_1246 = arith.index_cast %swap3A_1245 : i32 to index
        %swap3A_1247 = arith.index_cast %add3A_1237 : i32 to index
        %swap3A_1248 = arith.constant 0 : index
        %swap3A_1249 = tpu.vector_load %arg8[%swap3A_1246, %swap3A_1247, %swap3A_1248] {strides = array<i32>} : memref<2x1600x32xf32, #tpu.memory_space<vmem>>, vector<1x1x16xf32>,
        %swap3A_1250 = vector.shape_cast %swap3A_1249 : vector<1x1x16xf32> to vector<16xf32>
        %swap3A_1251 = vector.shape_cast %add3A_1244 : vector<16xf32> to vector<1x1x16xf32>
        tpu.vector_store %arg8[%swap3A_1246, %swap3A_1247, %swap3A_1248], %swap3A_1251 {strides = array<i32>} : memref<2x1600x32xf32, #tpu.memory_space<vmem>>, vector<1x1x16xf32>,
        %add3A_1252 = arith.constant 200 : i32
        %add3A_1253 = arith.addi %add3A_1252, %add3A_1231 : i32
        %get3A_1254 = arith.constant 0 : i32
        %get3A_1255 = arith.index_cast %get3A_1254 : i32 to index
        %get3A_1256 = arith.index_cast %add3A_1253 : i32 to index
        %get3A_1257 = arith.constant 0 : index
        %get3A_1258 = tpu.vector_load %arg8[%get3A_1255, %get3A_1256, %get3A_1257] {strides = array<i32>} : memref<2x1600x32xf32, #tpu.memory_space<vmem>>, vector<1x1x16xf32>,
        %get3A_1259 = vector.shape_cast %get3A_1258 : vector<1x1x16xf32> to vector<16xf32>
        %add3A_1260 = arith.addf %get3A_1259, %get3A_1235 : vector<16xf32>
        %swap3A_1261 = arith.constant 0 : i32
        %swap3A_1262 = arith.index_cast %swap3A_1261 : i32 to index
        %swap3A_1263 = arith.index_cast %add3A_1253 : i32 to index
        %swap3A_1264 = arith.constant 0 : index
        %swap3A_1265 = tpu.vector_load %arg8[%swap3A_1262, %swap3A_1263, %swap3A_1264] {strides = array<i32>} : memref<2x1600x32xf32, #tpu.memory_space<vmem>>, vector<1x1x16xf32>,
        %swap3A_1266 = vector.shape_cast %swap3A_1265 : vector<1x1x16xf32> to vector<16xf32>
        %swap3A_1267 = vector.shape_cast %add3A_1260 : vector<16xf32> to vector<1x1x16xf32>
        tpu.vector_store %arg8[%swap3A_1262, %swap3A_1263, %swap3A_1264], %swap3A_1267 {strides = array<i32>} : memref<2x1600x32xf32, #tpu.memory_space<vmem>>, vector<1x1x16xf32>,
        %add3A_1268 = arith.constant 400 : i32
        %add3A_1269 = arith.addi %add3A_1268, %add3A_1231 : i32
        %get3A_1270 = arith.constant 0 : i32
        %get3A_1271 = arith.index_cast %get3A_1270 : i32 to index
        %get3A_1272 = arith.index_cast %add3A_1269 : i32 to index
        %get3A_1273 = arith.constant 0 : index
        %get3A_1274 = tpu.vector_load %arg8[%get3A_1271, %get3A_1272, %get3A_1273] {strides = array<i32>} : memref<2x1600x32xf32, #tpu.memory_space<vmem>>, vector<1x1x16xf32>,
        %get3A_1275 = vector.shape_cast %get3A_1274 : vector<1x1x16xf32> to vector<16xf32>
        %add3A_1276 = arith.addf %get3A_1275, %get3A_1235 : vector<16xf32>
        %swap3A_1277 = arith.constant 0 : i32
        %swap3A_1278 = arith.index_cast %swap3A_1277 : i32 to index
        %swap3A_1279 = arith.index_cast %add3A_1269 : i32 to index
        %swap3A_1280 = arith.constant 0 : index
        %swap3A_1281 = tpu.vector_load %arg8[%swap3A_1278, %swap3A_1279, %swap3A_1280] {strides = array<i32>} : memref<2x1600x32xf32, #tpu.memory_space<vmem>>, vector<1x1x16xf32>,
        %swap3A_1282 = vector.shape_cast %swap3A_1281 : vector<1x1x16xf32> to vector<16xf32>
        %swap3A_1283 = vector.shape_cast %add3A_1276 : vector<16xf32> to vector<1x1x16xf32>
        tpu.vector_store %arg8[%swap3A_1278, %swap3A_1279, %swap3A_1280], %swap3A_1283 {strides = array<i32>} : memref<2x1600x32xf32, #tpu.memory_space<vmem>>, vector<1x1x16xf32>,
        %add3A_1284 = arith.constant 600 : i32
        %add3A_1285 = arith.addi %add3A_1284, %add3A_1231 : i32
        %get3A_1286 = arith.constant 0 : i32
        %get3A_1287 = arith.index_cast %get3A_1286 : i32 to index
        %get3A_1288 = arith.index_cast %add3A_1285 : i32 to index
        %get3A_1289 = arith.constant 0 : index
        %get3A_1290 = tpu.vector_load %arg8[%get3A_1287, %get3A_1288, %get3A_1289] {strides = array<i32>} : memref<2x1600x32xf32, #tpu.memory_space<vmem>>, vector<1x1x16xf32>,
        %get3A_1291 = vector.shape_cast %get3A_1290 : vector<1x1x16xf32> to vector<16xf32>
        %add3A_1292 = arith.addf %get3A_1291, %get3A_1235 : vector<16xf32>
        %swap3A_1293 = arith.constant 0 : i32
        %swap3A_1294 = arith.index_cast %swap3A_1293 : i32 to index
        %swap3A_1295 = arith.index_cast %add3A_1285 : i32 to index
        %swap3A_1296 = arith.constant 0 : index
        %swap3A_1297 = tpu.vector_load %arg8[%swap3A_1294, %swap3A_1295, %swap3A_1296] {strides = array<i32>} : memref<2x1600x32xf32, #tpu.memory_space<vmem>>, vector<1x1x16xf32>,
        %swap3A_1298 = vector.shape_cast %swap3A_1297 : vector<1x1x16xf32> to vector<16xf32>
        %swap3A_1299 = vector.shape_cast %add3A_1292 : vector<16xf32> to vector<1x1x16xf32>
        tpu.vector_store %arg8[%swap3A_1294, %swap3A_1295, %swap3A_1296], %swap3A_1299 {strides = array<i32>} : memref<2x1600x32xf32, #tpu.memory_space<vmem>>, vector<1x1x16xf32>,
        %add3A_1300 = arith.constant 800 : i32
        %add3A_1301 = arith.addi %add3A_1300, %add3A_1231 : i32
        %get3A_1302 = arith.constant 0 : i32
        %get3A_1303 = arith.index_cast %get3A_1302 : i32 to index
        %get3A_1304 = arith.index_cast %add3A_1301 : i32 to index
        %get3A_1305 = arith.constant 0 : index
        %get3A_1306 = tpu.vector_load %arg8[%get3A_1303, %get3A_1304, %get3A_1305] {strides = array<i32>} : memref<2x1600x32xf32, #tpu.memory_space<vmem>>, vector<1x1x16xf32>,
        %get3A_1307 = vector.shape_cast %get3A_1306 : vector<1x1x16xf32> to vector<16xf32>
        %add3A_1308 = arith.addf %get3A_1307, %get3A_1235 : vector<16xf32>
        %swap3A_1309 = arith.constant 0 : i32
        %swap3A_1310 = arith.index_cast %swap3A_1309 : i32 to index
        %swap3A_1311 = arith.index_cast %add3A_1301 : i32 to index
        %swap3A_1312 = arith.constant 0 : index
        %swap3A_1313 = tpu.vector_load %arg8[%swap3A_1310, %swap3A_1311, %swap3A_1312] {strides = array<i32>} : memref<2x1600x32xf32, #tpu.memory_space<vmem>>, vector<1x1x16xf32>,
        %swap3A_1314 = vector.shape_cast %swap3A_1313 : vector<1x1x16xf32> to vector<16xf32>
        %swap3A_1315 = vector.shape_cast %add3A_1308 : vector<16xf32> to vector<1x1x16xf32>
        tpu.vector_store %arg8[%swap3A_1310, %swap3A_1311, %swap3A_1312], %swap3A_1315 {strides = array<i32>} : memref<2x1600x32xf32, #tpu.memory_space<vmem>>, vector<1x1x16xf32>,
        %add3A_1316 = arith.constant 1000 : i32
        %add3A_1317 = arith.addi %add3A_1316, %add3A_1231 : i32
        %get3A_1318 = arith.constant 0 : i32
        %get3A_1319 = arith.index_cast %get3A_1318 : i32 to index
        %get3A_1320 = arith.index_cast %add3A_1317 : i32 to index
        %get3A_1321 = arith.constant 0 : index
        %get3A_1322 = tpu.vector_load %arg8[%get3A_1319, %get3A_1320, %get3A_1321] {strides = array<i32>} : memref<2x1600x32xf32, #tpu.memory_space<vmem>>, vector<1x1x16xf32>,
        %get3A_1323 = vector.shape_cast %get3A_1322 : vector<1x1x16xf32> to vector<16xf32>
        %add3A_1324 = arith.addf %get3A_1323, %get3A_1235 : vector<16xf32>
        %swap3A_1325 = arith.constant 0 : i32
        %swap3A_1326 = arith.index_cast %swap3A_1325 : i32 to index
        %swap3A_1327 = arith.index_cast %add3A_1317 : i32 to index
        %swap3A_1328 = arith.constant 0 : index
        %swap3A_1329 = tpu.vector_load %arg8[%swap3A_1326, %swap3A_1327, %swap3A_1328] {strides = array<i32>} : memref<2x1600x32xf32, #tpu.memory_space<vmem>>, vector<1x1x16xf32>,
        %swap3A_1330 = vector.shape_cast %swap3A_1329 : vector<1x1x16xf32> to vector<16xf32>
        %swap3A_1331 = vector.shape_cast %add3A_1324 : vector<16xf32> to vector<1x1x16xf32>
        tpu.vector_store %arg8[%swap3A_1326, %swap3A_1327, %swap3A_1328], %swap3A_1331 {strides = array<i32>} : memref<2x1600x32xf32, #tpu.memory_space<vmem>>, vector<1x1x16xf32>,
        %add3A_1332 = arith.constant 1200 : i32
        %add3A_1333 = arith.addi %add3A_1332, %add3A_1231 : i32
        %get3A_1334 = arith.constant 0 : i32
        %get3A_1335 = arith.index_cast %get3A_1334 : i32 to index
        %get3A_1336 = arith.index_cast %add3A_1333 : i32 to index
        %get3A_1337 = arith.constant 0 : index
        %get3A_1338 = tpu.vector_load %arg8[%get3A_1335, %get3A_1336, %get3A_1337] {strides = array<i32>} : memref<2x1600x32xf32, #tpu.memory_space<vmem>>, vector<1x1x16xf32>,
        %get3A_1339 = vector.shape_cast %get3A_1338 : vector<1x1x16xf32> to vector<16xf32>
        %add3A_1340 = arith.addf %get3A_1339, %get3A_1235 : vector<16xf32>
        %swap3A_1341 = arith.constant 0 : i32
        %swap3A_1342 = arith.index_cast %swap3A_1341 : i32 to index
        %swap3A_1343 = arith.index_cast %add3A_1333 : i32 to index
        %swap3A_1344 = arith.constant 0 : index
        %swap3A_1345 = tpu.vector_load %arg8[%swap3A_1342, %swap3A_1343, %swap3A_1344] {strides = array<i32>} : memref<2x1600x32xf32, #tpu.memory_space<vmem>>, vector<1x1x16xf32>,
        %swap3A_1346 = vector.shape_cast %swap3A_1345 : vector<1x1x16xf32> to vector<16xf32>
        %swap3A_1347 = vector.shape_cast %add3A_1340 : vector<16xf32> to vector<1x1x16xf32>
        tpu.vector_store %arg8[%swap3A_1342, %swap3A_1343, %swap3A_1344], %swap3A_1347 {strides = array<i32>} : memref<2x1600x32xf32, #tpu.memory_space<vmem>>, vector<1x1x16xf32>,
        %add3A_1348 = arith.constant 1400 : i32
        %add3A_1349 = arith.addi %add3A_1348, %add3A_1231 : i32
        %get3A_1350 = arith.constant 0 : i32
        %get3A_1351 = arith.index_cast %get3A_1350 : i32 to index
        %get3A_1352 = arith.index_cast %add3A_1349 : i32 to index
        %get3A_1353 = arith.constant 0 : index
        %get3A_1354 = tpu.vector_load %arg8[%get3A_1351, %get3A_1352, %get3A_1353] {strides = array<i32>} : memref<2x1600x32xf32, #tpu.memory_space<vmem>>, vector<1x1x16xf32>,
        %get3A_1355 = vector.shape_cast %get3A_1354 : vector<1x1x16xf32> to vector<16xf32>
        %add3A_1356 = arith.addf %get3A_1355, %get3A_1235 : vector<16xf32>
        %swap3A_1357 = arith.constant 0 : i32
        %swap3A_1358 = arith.index_cast %swap3A_1357 : i32 to index
        %swap3A_1359 = arith.index_cast %add3A_1349 : i32 to index
        %swap3A_1360 = arith.constant 0 : index
        %swap3A_1361 = tpu.vector_load %arg8[%swap3A_1358, %swap3A_1359, %swap3A_1360] {strides = array<i32>} : memref<2x1600x32xf32, #tpu.memory_space<vmem>>, vector<1x1x16xf32>,
        %swap3A_1362 = vector.shape_cast %swap3A_1361 : vector<1x1x16xf32> to vector<16xf32>
        %swap3A_1363 = vector.shape_cast %add3A_1356 : vector<16xf32> to vector<1x1x16xf32>
        tpu.vector_store %arg8[%swap3A_1358, %swap3A_1359, %swap3A_1360], %swap3A_1363 {strides = array<i32>} : memref<2x1600x32xf32, #tpu.memory_space<vmem>>, vector<1x1x16xf32>,
        %get3A_1364 = arith.index_cast %add3A_1231 : i32 to index
        %get3A_1365 = arith.constant 16 : index
        %get3A_1366 = tpu.vector_load %arg6[%get3A_1364, %get3A_1365] {strides = array<i32>} : memref<200x32xf32, #tpu.memory_space<vmem>>, vector<1x16xf32>,
        %get3A_1367 = vector.shape_cast %get3A_1366 : vector<1x16xf32> to vector<16xf32>
        %add3A_1368 = arith.constant 0 : i32
        %add3A_1369 = arith.addi %add3A_1368, %add3A_1231 : i32
        %get3A_1370 = arith.constant 0 : i32
        %get3A_1371 = arith.index_cast %get3A_1370 : i32 to index
        %get3A_1372 = arith.index_cast %add3A_1369 : i32 to index
        %get3A_1373 = arith.constant 16 : index
        %get3A_1374 = tpu.vector_load %arg8[%get3A_1371, %get3A_1372, %get3A_1373] {strides = array<i32>} : memref<2x1600x32xf32, #tpu.memory_space<vmem>>, vector<1x1x16xf32>,
        %get3A_1375 = vector.shape_cast %get3A_1374 : vector<1x1x16xf32> to vector<16xf32>
        %add3A_1376 = arith.addf %get3A_1375, %get3A_1367 : vector<16xf32>
        %swap3A_1377 = arith.constant 0 : i32
        %swap3A_1378 = arith.index_cast %swap3A_1377 : i32 to index
        %swap3A_1379 = arith.index_cast %add3A_1369 : i32 to index
        %swap3A_1380 = arith.constant 16 : index
        %swap3A_1381 = tpu.vector_load %arg8[%swap3A_1378, %swap3A_1379, %swap3A_1380] {strides = array<i32>} : memref<2x1600x32xf32, #tpu.memory_space<vmem>>, vector<1x1x16xf32>,
        %swap3A_1382 = vector.shape_cast %swap3A_1381 : vector<1x1x16xf32> to vector<16xf32>
        %swap3A_1383 = vector.shape_cast %add3A_1376 : vector<16xf32> to vector<1x1x16xf32>
        tpu.vector_store %arg8[%swap3A_1378, %swap3A_1379, %swap3A_1380], %swap3A_1383 {strides = array<i32>} : memref<2x1600x32xf32, #tpu.memory_space<vmem>>, vector<1x1x16xf32>,
        %add3A_1384 = arith.constant 200 : i32
        %add3A_1385 = arith.addi %add3A_1384, %add3A_1231 : i32
        %get3A_1386 = arith.constant 0 : i32
        %get3A_1387 = arith.index_cast %get3A_1386 : i32 to index
        %get3A_1388 = arith.index_cast %add3A_1385 : i32 to index
        %get3A_1389 = arith.constant 16 : index
        %get3A_1390 = tpu.vector_load %arg8[%get3A_1387, %get3A_1388, %get3A_1389] {strides = array<i32>} : memref<2x1600x32xf32, #tpu.memory_space<vmem>>, vector<1x1x16xf32>,
        %get3A_1391 = vector.shape_cast %get3A_1390 : vector<1x1x16xf32> to vector<16xf32>
        %add3A_1392 = arith.addf %get3A_1391, %get3A_1367 : vector<16xf32>
        %swap3A_1393 = arith.constant 0 : i32
        %swap3A_1394 = arith.index_cast %swap3A_1393 : i32 to index
        %swap3A_1395 = arith.index_cast %add3A_1385 : i32 to index
        %swap3A_1396 = arith.constant 16 : index
        %swap3A_1397 = tpu.vector_load %arg8[%swap3A_1394, %swap3A_1395, %swap3A_1396] {strides = array<i32>} : memref<2x1600x32xf32, #tpu.memory_space<vmem>>, vector<1x1x16xf32>,
        %swap3A_1398 = vector.shape_cast %swap3A_1397 : vector<1x1x16xf32> to vector<16xf32>
        %swap3A_1399 = vector.shape_cast %add3A_1392 : vector<16xf32> to vector<1x1x16xf32>
        tpu.vector_store %arg8[%swap3A_1394, %swap3A_1395, %swap3A_1396], %swap3A_1399 {strides = array<i32>} : memref<2x1600x32xf32, #tpu.memory_space<vmem>>, vector<1x1x16xf32>,
        %add3A_1400 = arith.constant 400 : i32
        %add3A_1401 = arith.addi %add3A_1400, %add3A_1231 : i32
        %get3A_1402 = arith.constant 0 : i32
        %get3A_1403 = arith.index_cast %get3A_1402 : i32 to index
        %get3A_1404 = arith.index_cast %add3A_1401 : i32 to index
        %get3A_1405 = arith.constant 16 : index
        %get3A_1406 = tpu.vector_load %arg8[%get3A_1403, %get3A_1404, %get3A_1405] {strides = array<i32>} : memref<2x1600x32xf32, #tpu.memory_space<vmem>>, vector<1x1x16xf32>,
        %get3A_1407 = vector.shape_cast %get3A_1406 : vector<1x1x16xf32> to vector<16xf32>
        %add3A_1408 = arith.addf %get3A_1407, %get3A_1367 : vector<16xf32>
        %swap3A_1409 = arith.constant 0 : i32
        %swap3A_1410 = arith.index_cast %swap3A_1409 : i32 to index
        %swap3A_1411 = arith.index_cast %add3A_1401 : i32 to index
        %swap3A_1412 = arith.constant 16 : index
        %swap3A_1413 = tpu.vector_load %arg8[%swap3A_1410, %swap3A_1411, %swap3A_1412] {strides = array<i32>} : memref<2x1600x32xf32, #tpu.memory_space<vmem>>, vector<1x1x16xf32>,
        %swap3A_1414 = vector.shape_cast %swap3A_1413 : vector<1x1x16xf32> to vector<16xf32>
        %swap3A_1415 = vector.shape_cast %add3A_1408 : vector<16xf32> to vector<1x1x16xf32>
        tpu.vector_store %arg8[%swap3A_1410, %swap3A_1411, %swap3A_1412], %swap3A_1415 {strides = array<i32>} : memref<2x1600x32xf32, #tpu.memory_space<vmem>>, vector<1x1x16xf32>,
        %add3A_1416 = arith.constant 600 : i32
        %add3A_1417 = arith.addi %add3A_1416, %add3A_1231 : i32
        %get3A_1418 = arith.constant 0 : i32
        %get3A_1419 = arith.index_cast %get3A_1418 : i32 to index
        %get3A_1420 = arith.index_cast %add3A_1417 : i32 to index
        %get3A_1421 = arith.constant 16 : index
        %get3A_1422 = tpu.vector_load %arg8[%get3A_1419, %get3A_1420, %get3A_1421] {strides = array<i32>} : memref<2x1600x32xf32, #tpu.memory_space<vmem>>, vector<1x1x16xf32>,
        %get3A_1423 = vector.shape_cast %get3A_1422 : vector<1x1x16xf32> to vector<16xf32>
        %add3A_1424 = arith.addf %get3A_1423, %get3A_1367 : vector<16xf32>
        %swap3A_1425 = arith.constant 0 : i32
        %swap3A_1426 = arith.index_cast %swap3A_1425 : i32 to index
        %swap3A_1427 = arith.index_cast %add3A_1417 : i32 to index
        %swap3A_1428 = arith.constant 16 : index
        %swap3A_1429 = tpu.vector_load %arg8[%swap3A_1426, %swap3A_1427, %swap3A_1428] {strides = array<i32>} : memref<2x1600x32xf32, #tpu.memory_space<vmem>>, vector<1x1x16xf32>,
        %swap3A_1430 = vector.shape_cast %swap3A_1429 : vector<1x1x16xf32> to vector<16xf32>
        %swap3A_1431 = vector.shape_cast %add3A_1424 : vector<16xf32> to vector<1x1x16xf32>
        tpu.vector_store %arg8[%swap3A_1426, %swap3A_1427, %swap3A_1428], %swap3A_1431 {strides = array<i32>} : memref<2x1600x32xf32, #tpu.memory_space<vmem>>, vector<1x1x16xf32>,
        %add3A_1432 = arith.constant 800 : i32
        %add3A_1433 = arith.addi %add3A_1432, %add3A_1231 : i32
        %get3A_1434 = arith.constant 0 : i32
        %get3A_1435 = arith.index_cast %get3A_1434 : i32 to index
        %get3A_1436 = arith.index_cast %add3A_1433 : i32 to index
        %get3A_1437 = arith.constant 16 : index
        %get3A_1438 = tpu.vector_load %arg8[%get3A_1435, %get3A_1436, %get3A_1437] {strides = array<i32>} : memref<2x1600x32xf32, #tpu.memory_space<vmem>>, vector<1x1x16xf32>,
        %get3A_1439 = vector.shape_cast %get3A_1438 : vector<1x1x16xf32> to vector<16xf32>
        %add3A_1440 = arith.addf %get3A_1439, %get3A_1367 : vector<16xf32>
        %swap3A_1441 = arith.constant 0 : i32
        %swap3A_1442 = arith.index_cast %swap3A_1441 : i32 to index
        %swap3A_1443 = arith.index_cast %add3A_1433 : i32 to index
        %swap3A_1444 = arith.constant 16 : index
        %swap3A_1445 = tpu.vector_load %arg8[%swap3A_1442, %swap3A_1443, %swap3A_1444] {strides = array<i32>} : memref<2x1600x32xf32, #tpu.memory_space<vmem>>, vector<1x1x16xf32>,
        %swap3A_1446 = vector.shape_cast %swap3A_1445 : vector<1x1x16xf32> to vector<16xf32>
        %swap3A_1447 = vector.shape_cast %add3A_1440 : vector<16xf32> to vector<1x1x16xf32>
        tpu.vector_store %arg8[%swap3A_1442, %swap3A_1443, %swap3A_1444], %swap3A_1447 {strides = array<i32>} : memref<2x1600x32xf32, #tpu.memory_space<vmem>>, vector<1x1x16xf32>,
        %add3A_1448 = arith.constant 1000 : i32
        %add3A_1449 = arith.addi %add3A_1448, %add3A_1231 : i32
        %get3A_1450 = arith.constant 0 : i32
        %get3A_1451 = arith.index_cast %get3A_1450 : i32 to index
        %get3A_1452 = arith.index_cast %add3A_1449 : i32 to index
        %get3A_1453 = arith.constant 16 : index
        %get3A_1454 = tpu.vector_load %arg8[%get3A_1451, %get3A_1452, %get3A_1453] {strides = array<i32>} : memref<2x1600x32xf32, #tpu.memory_space<vmem>>, vector<1x1x16xf32>,
        %get3A_1455 = vector.shape_cast %get3A_1454 : vector<1x1x16xf32> to vector<16xf32>
        %add3A_1456 = arith.addf %get3A_1455, %get3A_1367 : vector<16xf32>
        %swap3A_1457 = arith.constant 0 : i32
        %swap3A_1458 = arith.index_cast %swap3A_1457 : i32 to index
        %swap3A_1459 = arith.index_cast %add3A_1449 : i32 to index
        %swap3A_1460 = arith.constant 16 : index
        %swap3A_1461 = tpu.vector_load %arg8[%swap3A_1458, %swap3A_1459, %swap3A_1460] {strides = array<i32>} : memref<2x1600x32xf32, #tpu.memory_space<vmem>>, vector<1x1x16xf32>,
        %swap3A_1462 = vector.shape_cast %swap3A_1461 : vector<1x1x16xf32> to vector<16xf32>
        %swap3A_1463 = vector.shape_cast %add3A_1456 : vector<16xf32> to vector<1x1x16xf32>
        tpu.vector_store %arg8[%swap3A_1458, %swap3A_1459, %swap3A_1460], %swap3A_1463 {strides = array<i32>} : memref<2x1600x32xf32, #tpu.memory_space<vmem>>, vector<1x1x16xf32>,
        %add3A_1464 = arith.constant 1200 : i32
        %add3A_1465 = arith.addi %add3A_1464, %add3A_1231 : i32
        %get3A_1466 = arith.constant 0 : i32
        %get3A_1467 = arith.index_cast %get3A_1466 : i32 to index
        %get3A_1468 = arith.index_cast %add3A_1465 : i32 to index
        %get3A_1469 = arith.constant 16 : index
        %get3A_1470 = tpu.vector_load %arg8[%get3A_1467, %get3A_1468, %get3A_1469] {strides = array<i32>} : memref<2x1600x32xf32, #tpu.memory_space<vmem>>, vector<1x1x16xf32>,
        %get3A_1471 = vector.shape_cast %get3A_1470 : vector<1x1x16xf32> to vector<16xf32>
        %add3A_1472 = arith.addf %get3A_1471, %get3A_1367 : vector<16xf32>
        %swap3A_1473 = arith.constant 0 : i32
        %swap3A_1474 = arith.index_cast %swap3A_1473 : i32 to index
        %swap3A_1475 = arith.index_cast %add3A_1465 : i32 to index
        %swap3A_1476 = arith.constant 16 : index
        %swap3A_1477 = tpu.vector_load %arg8[%swap3A_1474, %swap3A_1475, %swap3A_1476] {strides = array<i32>} : memref<2x1600x32xf32, #tpu.memory_space<vmem>>, vector<1x1x16xf32>,
        %swap3A_1478 = vector.shape_cast %swap3A_1477 : vector<1x1x16xf32> to vector<16xf32>
        %swap3A_1479 = vector.shape_cast %add3A_1472 : vector<16xf32> to vector<1x1x16xf32>
        tpu.vector_store %arg8[%swap3A_1474, %swap3A_1475, %swap3A_1476], %swap3A_1479 {strides = array<i32>} : memref<2x1600x32xf32, #tpu.memory_space<vmem>>, vector<1x1x16xf32>,
        %add3A_1480 = arith.constant 1400 : i32
        %add3A_1481 = arith.addi %add3A_1480, %add3A_1231 : i32
        %get3A_1482 = arith.constant 0 : i32
        %get3A_1483 = arith.index_cast %get3A_1482 : i32 to index
        %get3A_1484 = arith.index_cast %add3A_1481 : i32 to index
        %get3A_1485 = arith.constant 16 : index
        %get3A_1486 = tpu.vector_load %arg8[%get3A_1483, %get3A_1484, %get3A_1485] {strides = array<i32>} : memref<2x1600x32xf32, #tpu.memory_space<vmem>>, vector<1x1x16xf32>,
        %get3A_1487 = vector.shape_cast %get3A_1486 : vector<1x1x16xf32> to vector<16xf32>
        %add3A_1488 = arith.addf %get3A_1487, %get3A_1367 : vector<16xf32>
        %swap3A_1489 = arith.constant 0 : i32
        %swap3A_1490 = arith.index_cast %swap3A_1489 : i32 to index
        %swap3A_1491 = arith.index_cast %add3A_1481 : i32 to index
        %swap3A_1492 = arith.constant 16 : index
        %swap3A_1493 = tpu.vector_load %arg8[%swap3A_1490, %swap3A_1491, %swap3A_1492] {strides = array<i32>} : memref<2x1600x32xf32, #tpu.memory_space<vmem>>, vector<1x1x16xf32>,
        %swap3A_1494 = vector.shape_cast %swap3A_1493 : vector<1x1x16xf32> to vector<16xf32>
        %swap3A_1495 = vector.shape_cast %add3A_1488 : vector<16xf32> to vector<1x1x16xf32>
        tpu.vector_store %arg8[%swap3A_1490, %swap3A_1491, %swap3A_1492], %swap3A_1495 {strides = array<i32>} : memref<2x1600x32xf32, #tpu.memory_space<vmem>>, vector<1x1x16xf32>,
        %mul3A_1496 = arith.constant 8 : i32
        %mul3A_1497 = arith.muli %scan3A_157, %mul3A_1496 : i32
        %add3A_1498 = arith.constant 5 : i32
        %add3A_1499 = arith.addi %mul3A_1497, %add3A_1498 : i32
        %get3A_1500 = arith.index_cast %add3A_1499 : i32 to index
        %get3A_1501 = arith.constant 0 : index
        %get3A_1502 = tpu.vector_load %arg6[%get3A_1500, %get3A_1501] {strides = array<i32>} : memref<200x32xf32, #tpu.memory_space<vmem>>, vector<1x16xf32>,
        %get3A_1503 = vector.shape_cast %get3A_1502 : vector<1x16xf32> to vector<16xf32>
        %add3A_1504 = arith.constant 0 : i32
        %add3A_1505 = arith.addi %add3A_1504, %add3A_1499 : i32
        %get3A_1506 = arith.constant 0 : i32
        %get3A_1507 = arith.index_cast %get3A_1506 : i32 to index
        %get3A_1508 = arith.index_cast %add3A_1505 : i32 to index
        %get3A_1509 = arith.constant 0 : index
        %get3A_1510 = tpu.vector_load %arg8[%get3A_1507, %get3A_1508, %get3A_1509] {strides = array<i32>} : memref<2x1600x32xf32, #tpu.memory_space<vmem>>, vector<1x1x16xf32>,
        %get3A_1511 = vector.shape_cast %get3A_1510 : vector<1x1x16xf32> to vector<16xf32>
        %add3A_1512 = arith.addf %get3A_1511, %get3A_1503 : vector<16xf32>
        %swap3A_1513 = arith.constant 0 : i32
        %swap3A_1514 = arith.index_cast %swap3A_1513 : i32 to index
        %swap3A_1515 = arith.index_cast %add3A_1505 : i32 to index
        %swap3A_1516 = arith.constant 0 : index
        %swap3A_1517 = tpu.vector_load %arg8[%swap3A_1514, %swap3A_1515, %swap3A_1516] {strides = array<i32>} : memref<2x1600x32xf32, #tpu.memory_space<vmem>>, vector<1x1x16xf32>,
        %swap3A_1518 = vector.shape_cast %swap3A_1517 : vector<1x1x16xf32> to vector<16xf32>
        %swap3A_1519 = vector.shape_cast %add3A_1512 : vector<16xf32> to vector<1x1x16xf32>
        tpu.vector_store %arg8[%swap3A_1514, %swap3A_1515, %swap3A_1516], %swap3A_1519 {strides = array<i32>} : memref<2x1600x32xf32, #tpu.memory_space<vmem>>, vector<1x1x16xf32>,
        %add3A_1520 = arith.constant 200 : i32
        %add3A_1521 = arith.addi %add3A_1520, %add3A_1499 : i32
        %get3A_1522 = arith.constant 0 : i32
        %get3A_1523 = arith.index_cast %get3A_1522 : i32 to index
        %get3A_1524 = arith.index_cast %add3A_1521 : i32 to index
        %get3A_1525 = arith.constant 0 : index
        %get3A_1526 = tpu.vector_load %arg8[%get3A_1523, %get3A_1524, %get3A_1525] {strides = array<i32>} : memref<2x1600x32xf32, #tpu.memory_space<vmem>>, vector<1x1x16xf32>,
        %get3A_1527 = vector.shape_cast %get3A_1526 : vector<1x1x16xf32> to vector<16xf32>
        %add3A_1528 = arith.addf %get3A_1527, %get3A_1503 : vector<16xf32>
        %swap3A_1529 = arith.constant 0 : i32
        %swap3A_1530 = arith.index_cast %swap3A_1529 : i32 to index
        %swap3A_1531 = arith.index_cast %add3A_1521 : i32 to index
        %swap3A_1532 = arith.constant 0 : index
        %swap3A_1533 = tpu.vector_load %arg8[%swap3A_1530, %swap3A_1531, %swap3A_1532] {strides = array<i32>} : memref<2x1600x32xf32, #tpu.memory_space<vmem>>, vector<1x1x16xf32>,
        %swap3A_1534 = vector.shape_cast %swap3A_1533 : vector<1x1x16xf32> to vector<16xf32>
        %swap3A_1535 = vector.shape_cast %add3A_1528 : vector<16xf32> to vector<1x1x16xf32>
        tpu.vector_store %arg8[%swap3A_1530, %swap3A_1531, %swap3A_1532], %swap3A_1535 {strides = array<i32>} : memref<2x1600x32xf32, #tpu.memory_space<vmem>>, vector<1x1x16xf32>,
        %add3A_1536 = arith.constant 400 : i32
        %add3A_1537 = arith.addi %add3A_1536, %add3A_1499 : i32
        %get3A_1538 = arith.constant 0 : i32
        %get3A_1539 = arith.index_cast %get3A_1538 : i32 to index
        %get3A_1540 = arith.index_cast %add3A_1537 : i32 to index
        %get3A_1541 = arith.constant 0 : index
        %get3A_1542 = tpu.vector_load %arg8[%get3A_1539, %get3A_1540, %get3A_1541] {strides = array<i32>} : memref<2x1600x32xf32, #tpu.memory_space<vmem>>, vector<1x1x16xf32>,
        %get3A_1543 = vector.shape_cast %get3A_1542 : vector<1x1x16xf32> to vector<16xf32>
        %add3A_1544 = arith.addf %get3A_1543, %get3A_1503 : vector<16xf32>
        %swap3A_1545 = arith.constant 0 : i32
        %swap3A_1546 = arith.index_cast %swap3A_1545 : i32 to index
        %swap3A_1547 = arith.index_cast %add3A_1537 : i32 to index
        %swap3A_1548 = arith.constant 0 : index
        %swap3A_1549 = tpu.vector_load %arg8[%swap3A_1546, %swap3A_1547, %swap3A_1548] {strides = array<i32>} : memref<2x1600x32xf32, #tpu.memory_space<vmem>>, vector<1x1x16xf32>,
        %swap3A_1550 = vector.shape_cast %swap3A_1549 : vector<1x1x16xf32> to vector<16xf32>
        %swap3A_1551 = vector.shape_cast %add3A_1544 : vector<16xf32> to vector<1x1x16xf32>
        tpu.vector_store %arg8[%swap3A_1546, %swap3A_1547, %swap3A_1548], %swap3A_1551 {strides = array<i32>} : memref<2x1600x32xf32, #tpu.memory_space<vmem>>, vector<1x1x16xf32>,
        %add3A_1552 = arith.constant 600 : i32
        %add3A_1553 = arith.addi %add3A_1552, %add3A_1499 : i32
        %get3A_1554 = arith.constant 0 : i32
        %get3A_1555 = arith.index_cast %get3A_1554 : i32 to index
        %get3A_1556 = arith.index_cast %add3A_1553 : i32 to index
        %get3A_1557 = arith.constant 0 : index
        %get3A_1558 = tpu.vector_load %arg8[%get3A_1555, %get3A_1556, %get3A_1557] {strides = array<i32>} : memref<2x1600x32xf32, #tpu.memory_space<vmem>>, vector<1x1x16xf32>,
        %get3A_1559 = vector.shape_cast %get3A_1558 : vector<1x1x16xf32> to vector<16xf32>
        %add3A_1560 = arith.addf %get3A_1559, %get3A_1503 : vector<16xf32>
        %swap3A_1561 = arith.constant 0 : i32
        %swap3A_1562 = arith.index_cast %swap3A_1561 : i32 to index
        %swap3A_1563 = arith.index_cast %add3A_1553 : i32 to index
        %swap3A_1564 = arith.constant 0 : index
        %swap3A_1565 = tpu.vector_load %arg8[%swap3A_1562, %swap3A_1563, %swap3A_1564] {strides = array<i32>} : memref<2x1600x32xf32, #tpu.memory_space<vmem>>, vector<1x1x16xf32>,
        %swap3A_1566 = vector.shape_cast %swap3A_1565 : vector<1x1x16xf32> to vector<16xf32>
        %swap3A_1567 = vector.shape_cast %add3A_1560 : vector<16xf32> to vector<1x1x16xf32>
        tpu.vector_store %arg8[%swap3A_1562, %swap3A_1563, %swap3A_1564], %swap3A_1567 {strides = array<i32>} : memref<2x1600x32xf32, #tpu.memory_space<vmem>>, vector<1x1x16xf32>,
        %add3A_1568 = arith.constant 800 : i32
        %add3A_1569 = arith.addi %add3A_1568, %add3A_1499 : i32
        %get3A_1570 = arith.constant 0 : i32
        %get3A_1571 = arith.index_cast %get3A_1570 : i32 to index
        %get3A_1572 = arith.index_cast %add3A_1569 : i32 to index
        %get3A_1573 = arith.constant 0 : index
        %get3A_1574 = tpu.vector_load %arg8[%get3A_1571, %get3A_1572, %get3A_1573] {strides = array<i32>} : memref<2x1600x32xf32, #tpu.memory_space<vmem>>, vector<1x1x16xf32>,
        %get3A_1575 = vector.shape_cast %get3A_1574 : vector<1x1x16xf32> to vector<16xf32>
        %add3A_1576 = arith.addf %get3A_1575, %get3A_1503 : vector<16xf32>
        %swap3A_1577 = arith.constant 0 : i32
        %swap3A_1578 = arith.index_cast %swap3A_1577 : i32 to index
        %swap3A_1579 = arith.index_cast %add3A_1569 : i32 to index
        %swap3A_1580 = arith.constant 0 : index
        %swap3A_1581 = tpu.vector_load %arg8[%swap3A_1578, %swap3A_1579, %swap3A_1580] {strides = array<i32>} : memref<2x1600x32xf32, #tpu.memory_space<vmem>>, vector<1x1x16xf32>,
        %swap3A_1582 = vector.shape_cast %swap3A_1581 : vector<1x1x16xf32> to vector<16xf32>
        %swap3A_1583 = vector.shape_cast %add3A_1576 : vector<16xf32> to vector<1x1x16xf32>
        tpu.vector_store %arg8[%swap3A_1578, %swap3A_1579, %swap3A_1580], %swap3A_1583 {strides = array<i32>} : memref<2x1600x32xf32, #tpu.memory_space<vmem>>, vector<1x1x16xf32>,
        %add3A_1584 = arith.constant 1000 : i32
        %add3A_1585 = arith.addi %add3A_1584, %add3A_1499 : i32
        %get3A_1586 = arith.constant 0 : i32
        %get3A_1587 = arith.index_cast %get3A_1586 : i32 to index
        %get3A_1588 = arith.index_cast %add3A_1585 : i32 to index
        %get3A_1589 = arith.constant 0 : index
        %get3A_1590 = tpu.vector_load %arg8[%get3A_1587, %get3A_1588, %get3A_1589] {strides = array<i32>} : memref<2x1600x32xf32, #tpu.memory_space<vmem>>, vector<1x1x16xf32>,
        %get3A_1591 = vector.shape_cast %get3A_1590 : vector<1x1x16xf32> to vector<16xf32>
        %add3A_1592 = arith.addf %get3A_1591, %get3A_1503 : vector<16xf32>
        %swap3A_1593 = arith.constant 0 : i32
        %swap3A_1594 = arith.index_cast %swap3A_1593 : i32 to index
        %swap3A_1595 = arith.index_cast %add3A_1585 : i32 to index
        %swap3A_1596 = arith.constant 0 : index
        %swap3A_1597 = tpu.vector_load %arg8[%swap3A_1594, %swap3A_1595, %swap3A_1596] {strides = array<i32>} : memref<2x1600x32xf32, #tpu.memory_space<vmem>>, vector<1x1x16xf32>,
        %swap3A_1598 = vector.shape_cast %swap3A_1597 : vector<1x1x16xf32> to vector<16xf32>
        %swap3A_1599 = vector.shape_cast %add3A_1592 : vector<16xf32> to vector<1x1x16xf32>
        tpu.vector_store %arg8[%swap3A_1594, %swap3A_1595, %swap3A_1596], %swap3A_1599 {strides = array<i32>} : memref<2x1600x32xf32, #tpu.memory_space<vmem>>, vector<1x1x16xf32>,
        %add3A_1600 = arith.constant 1200 : i32
        %add3A_1601 = arith.addi %add3A_1600, %add3A_1499 : i32
        %get3A_1602 = arith.constant 0 : i32
        %get3A_1603 = arith.index_cast %get3A_1602 : i32 to index
        %get3A_1604 = arith.index_cast %add3A_1601 : i32 to index
        %get3A_1605 = arith.constant 0 : index
        %get3A_1606 = tpu.vector_load %arg8[%get3A_1603, %get3A_1604, %get3A_1605] {strides = array<i32>} : memref<2x1600x32xf32, #tpu.memory_space<vmem>>, vector<1x1x16xf32>,
        %get3A_1607 = vector.shape_cast %get3A_1606 : vector<1x1x16xf32> to vector<16xf32>
        %add3A_1608 = arith.addf %get3A_1607, %get3A_1503 : vector<16xf32>
        %swap3A_1609 = arith.constant 0 : i32
        %swap3A_1610 = arith.index_cast %swap3A_1609 : i32 to index
        %swap3A_1611 = arith.index_cast %add3A_1601 : i32 to index
        %swap3A_1612 = arith.constant 0 : index
        %swap3A_1613 = tpu.vector_load %arg8[%swap3A_1610, %swap3A_1611, %swap3A_1612] {strides = array<i32>} : memref<2x1600x32xf32, #tpu.memory_space<vmem>>, vector<1x1x16xf32>,
        %swap3A_1614 = vector.shape_cast %swap3A_1613 : vector<1x1x16xf32> to vector<16xf32>
        %swap3A_1615 = vector.shape_cast %add3A_1608 : vector<16xf32> to vector<1x1x16xf32>
        tpu.vector_store %arg8[%swap3A_1610, %swap3A_1611, %swap3A_1612], %swap3A_1615 {strides = array<i32>} : memref<2x1600x32xf32, #tpu.memory_space<vmem>>, vector<1x1x16xf32>,
        %add3A_1616 = arith.constant 1400 : i32
        %add3A_1617 = arith.addi %add3A_1616, %add3A_1499 : i32
        %get3A_1618 = arith.constant 0 : i32
        %get3A_1619 = arith.index_cast %get3A_1618 : i32 to index
        %get3A_1620 = arith.index_cast %add3A_1617 : i32 to index
        %get3A_1621 = arith.constant 0 : index
        %get3A_1622 = tpu.vector_load %arg8[%get3A_1619, %get3A_1620, %get3A_1621] {strides = array<i32>} : memref<2x1600x32xf32, #tpu.memory_space<vmem>>, vector<1x1x16xf32>,
        %get3A_1623 = vector.shape_cast %get3A_1622 : vector<1x1x16xf32> to vector<16xf32>
        %add3A_1624 = arith.addf %get3A_1623, %get3A_1503 : vector<16xf32>
        %swap3A_1625 = arith.constant 0 : i32
        %swap3A_1626 = arith.index_cast %swap3A_1625 : i32 to index
        %swap3A_1627 = arith.index_cast %add3A_1617 : i32 to index
        %swap3A_1628 = arith.constant 0 : index
        %swap3A_1629 = tpu.vector_load %arg8[%swap3A_1626, %swap3A_1627, %swap3A_1628] {strides = array<i32>} : memref<2x1600x32xf32, #tpu.memory_space<vmem>>, vector<1x1x16xf32>,
        %swap3A_1630 = vector.shape_cast %swap3A_1629 : vector<1x1x16xf32> to vector<16xf32>
        %swap3A_1631 = vector.shape_cast %add3A_1624 : vector<16xf32> to vector<1x1x16xf32>
        tpu.vector_store %arg8[%swap3A_1626, %swap3A_1627, %swap3A_1628], %swap3A_1631 {strides = array<i32>} : memref<2x1600x32xf32, #tpu.memory_space<vmem>>, vector<1x1x16xf32>,
        %get3A_1632 = arith.index_cast %add3A_1499 : i32 to index
        %get3A_1633 = arith.constant 16 : index
        %get3A_1634 = tpu.vector_load %arg6[%get3A_1632, %get3A_1633] {strides = array<i32>} : memref<200x32xf32, #tpu.memory_space<vmem>>, vector<1x16xf32>,
        %get3A_1635 = vector.shape_cast %get3A_1634 : vector<1x16xf32> to vector<16xf32>
        %add3A_1636 = arith.constant 0 : i32
        %add3A_1637 = arith.addi %add3A_1636, %add3A_1499 : i32
        %get3A_1638 = arith.constant 0 : i32
        %get3A_1639 = arith.index_cast %get3A_1638 : i32 to index
        %get3A_1640 = arith.index_cast %add3A_1637 : i32 to index
        %get3A_1641 = arith.constant 16 : index
        %get3A_1642 = tpu.vector_load %arg8[%get3A_1639, %get3A_1640, %get3A_1641] {strides = array<i32>} : memref<2x1600x32xf32, #tpu.memory_space<vmem>>, vector<1x1x16xf32>,
        %get3A_1643 = vector.shape_cast %get3A_1642 : vector<1x1x16xf32> to vector<16xf32>
        %add3A_1644 = arith.addf %get3A_1643, %get3A_1635 : vector<16xf32>
        %swap3A_1645 = arith.constant 0 : i32
        %swap3A_1646 = arith.index_cast %swap3A_1645 : i32 to index
        %swap3A_1647 = arith.index_cast %add3A_1637 : i32 to index
        %swap3A_1648 = arith.constant 16 : index
        %swap3A_1649 = tpu.vector_load %arg8[%swap3A_1646, %swap3A_1647, %swap3A_1648] {strides = array<i32>} : memref<2x1600x32xf32, #tpu.memory_space<vmem>>, vector<1x1x16xf32>,
        %swap3A_1650 = vector.shape_cast %swap3A_1649 : vector<1x1x16xf32> to vector<16xf32>
        %swap3A_1651 = vector.shape_cast %add3A_1644 : vector<16xf32> to vector<1x1x16xf32>
        tpu.vector_store %arg8[%swap3A_1646, %swap3A_1647, %swap3A_1648], %swap3A_1651 {strides = array<i32>} : memref<2x1600x32xf32, #tpu.memory_space<vmem>>, vector<1x1x16xf32>,
        %add3A_1652 = arith.constant 200 : i32
        %add3A_1653 = arith.addi %add3A_1652, %add3A_1499 : i32
        %get3A_1654 = arith.constant 0 : i32
        %get3A_1655 = arith.index_cast %get3A_1654 : i32 to index
        %get3A_1656 = arith.index_cast %add3A_1653 : i32 to index
        %get3A_1657 = arith.constant 16 : index
        %get3A_1658 = tpu.vector_load %arg8[%get3A_1655, %get3A_1656, %get3A_1657] {strides = array<i32>} : memref<2x1600x32xf32, #tpu.memory_space<vmem>>, vector<1x1x16xf32>,
        %get3A_1659 = vector.shape_cast %get3A_1658 : vector<1x1x16xf32> to vector<16xf32>
        %add3A_1660 = arith.addf %get3A_1659, %get3A_1635 : vector<16xf32>
        %swap3A_1661 = arith.constant 0 : i32
        %swap3A_1662 = arith.index_cast %swap3A_1661 : i32 to index
        %swap3A_1663 = arith.index_cast %add3A_1653 : i32 to index
        %swap3A_1664 = arith.constant 16 : index
        %swap3A_1665 = tpu.vector_load %arg8[%swap3A_1662, %swap3A_1663, %swap3A_1664] {strides = array<i32>} : memref<2x1600x32xf32, #tpu.memory_space<vmem>>, vector<1x1x16xf32>,
        %swap3A_1666 = vector.shape_cast %swap3A_1665 : vector<1x1x16xf32> to vector<16xf32>
        %swap3A_1667 = vector.shape_cast %add3A_1660 : vector<16xf32> to vector<1x1x16xf32>
        tpu.vector_store %arg8[%swap3A_1662, %swap3A_1663, %swap3A_1664], %swap3A_1667 {strides = array<i32>} : memref<2x1600x32xf32, #tpu.memory_space<vmem>>, vector<1x1x16xf32>,
        %add3A_1668 = arith.constant 400 : i32
        %add3A_1669 = arith.addi %add3A_1668, %add3A_1499 : i32
        %get3A_1670 = arith.constant 0 : i32
        %get3A_1671 = arith.index_cast %get3A_1670 : i32 to index
        %get3A_1672 = arith.index_cast %add3A_1669 : i32 to index
        %get3A_1673 = arith.constant 16 : index
        %get3A_1674 = tpu.vector_load %arg8[%get3A_1671, %get3A_1672, %get3A_1673] {strides = array<i32>} : memref<2x1600x32xf32, #tpu.memory_space<vmem>>, vector<1x1x16xf32>,
        %get3A_1675 = vector.shape_cast %get3A_1674 : vector<1x1x16xf32> to vector<16xf32>
        %add3A_1676 = arith.addf %get3A_1675, %get3A_1635 : vector<16xf32>
        %swap3A_1677 = arith.constant 0 : i32
        %swap3A_1678 = arith.index_cast %swap3A_1677 : i32 to index
        %swap3A_1679 = arith.index_cast %add3A_1669 : i32 to index
        %swap3A_1680 = arith.constant 16 : index
        %swap3A_1681 = tpu.vector_load %arg8[%swap3A_1678, %swap3A_1679, %swap3A_1680] {strides = array<i32>} : memref<2x1600x32xf32, #tpu.memory_space<vmem>>, vector<1x1x16xf32>,
        %swap3A_1682 = vector.shape_cast %swap3A_1681 : vector<1x1x16xf32> to vector<16xf32>
        %swap3A_1683 = vector.shape_cast %add3A_1676 : vector<16xf32> to vector<1x1x16xf32>
        tpu.vector_store %arg8[%swap3A_1678, %swap3A_1679, %swap3A_1680], %swap3A_1683 {strides = array<i32>} : memref<2x1600x32xf32, #tpu.memory_space<vmem>>, vector<1x1x16xf32>,
        %add3A_1684 = arith.constant 600 : i32
        %add3A_1685 = arith.addi %add3A_1684, %add3A_1499 : i32
        %get3A_1686 = arith.constant 0 : i32
        %get3A_1687 = arith.index_cast %get3A_1686 : i32 to index
        %get3A_1688 = arith.index_cast %add3A_1685 : i32 to index
        %get3A_1689 = arith.constant 16 : index
        %get3A_1690 = tpu.vector_load %arg8[%get3A_1687, %get3A_1688, %get3A_1689] {strides = array<i32>} : memref<2x1600x32xf32, #tpu.memory_space<vmem>>, vector<1x1x16xf32>,
        %get3A_1691 = vector.shape_cast %get3A_1690 : vector<1x1x16xf32> to vector<16xf32>
        %add3A_1692 = arith.addf %get3A_1691, %get3A_1635 : vector<16xf32>
        %swap3A_1693 = arith.constant 0 : i32
        %swap3A_1694 = arith.index_cast %swap3A_1693 : i32 to index
        %swap3A_1695 = arith.index_cast %add3A_1685 : i32 to index
        %swap3A_1696 = arith.constant 16 : index
        %swap3A_1697 = tpu.vector_load %arg8[%swap3A_1694, %swap3A_1695, %swap3A_1696] {strides = array<i32>} : memref<2x1600x32xf32, #tpu.memory_space<vmem>>, vector<1x1x16xf32>,
        %swap3A_1698 = vector.shape_cast %swap3A_1697 : vector<1x1x16xf32> to vector<16xf32>
        %swap3A_1699 = vector.shape_cast %add3A_1692 : vector<16xf32> to vector<1x1x16xf32>
        tpu.vector_store %arg8[%swap3A_1694, %swap3A_1695, %swap3A_1696], %swap3A_1699 {strides = array<i32>} : memref<2x1600x32xf32, #tpu.memory_space<vmem>>, vector<1x1x16xf32>,
        %add3A_1700 = arith.constant 800 : i32
        %add3A_1701 = arith.addi %add3A_1700, %add3A_1499 : i32
        %get3A_1702 = arith.constant 0 : i32
        %get3A_1703 = arith.index_cast %get3A_1702 : i32 to index
        %get3A_1704 = arith.index_cast %add3A_1701 : i32 to index
        %get3A_1705 = arith.constant 16 : index
        %get3A_1706 = tpu.vector_load %arg8[%get3A_1703, %get3A_1704, %get3A_1705] {strides = array<i32>} : memref<2x1600x32xf32, #tpu.memory_space<vmem>>, vector<1x1x16xf32>,
        %get3A_1707 = vector.shape_cast %get3A_1706 : vector<1x1x16xf32> to vector<16xf32>
        %add3A_1708 = arith.addf %get3A_1707, %get3A_1635 : vector<16xf32>
        %swap3A_1709 = arith.constant 0 : i32
        %swap3A_1710 = arith.index_cast %swap3A_1709 : i32 to index
        %swap3A_1711 = arith.index_cast %add3A_1701 : i32 to index
        %swap3A_1712 = arith.constant 16 : index
        %swap3A_1713 = tpu.vector_load %arg8[%swap3A_1710, %swap3A_1711, %swap3A_1712] {strides = array<i32>} : memref<2x1600x32xf32, #tpu.memory_space<vmem>>, vector<1x1x16xf32>,
        %swap3A_1714 = vector.shape_cast %swap3A_1713 : vector<1x1x16xf32> to vector<16xf32>
        %swap3A_1715 = vector.shape_cast %add3A_1708 : vector<16xf32> to vector<1x1x16xf32>
        tpu.vector_store %arg8[%swap3A_1710, %swap3A_1711, %swap3A_1712], %swap3A_1715 {strides = array<i32>} : memref<2x1600x32xf32, #tpu.memory_space<vmem>>, vector<1x1x16xf32>,
        %add3A_1716 = arith.constant 1000 : i32
        %add3A_1717 = arith.addi %add3A_1716, %add3A_1499 : i32
        %get3A_1718 = arith.constant 0 : i32
        %get3A_1719 = arith.index_cast %get3A_1718 : i32 to index
        %get3A_1720 = arith.index_cast %add3A_1717 : i32 to index
        %get3A_1721 = arith.constant 16 : index
        %get3A_1722 = tpu.vector_load %arg8[%get3A_1719, %get3A_1720, %get3A_1721] {strides = array<i32>} : memref<2x1600x32xf32, #tpu.memory_space<vmem>>, vector<1x1x16xf32>,
        %get3A_1723 = vector.shape_cast %get3A_1722 : vector<1x1x16xf32> to vector<16xf32>
        %add3A_1724 = arith.addf %get3A_1723, %get3A_1635 : vector<16xf32>
        %swap3A_1725 = arith.constant 0 : i32
        %swap3A_1726 = arith.index_cast %swap3A_1725 : i32 to index
        %swap3A_1727 = arith.index_cast %add3A_1717 : i32 to index
        %swap3A_1728 = arith.constant 16 : index
        %swap3A_1729 = tpu.vector_load %arg8[%swap3A_1726, %swap3A_1727, %swap3A_1728] {strides = array<i32>} : memref<2x1600x32xf32, #tpu.memory_space<vmem>>, vector<1x1x16xf32>,
        %swap3A_1730 = vector.shape_cast %swap3A_1729 : vector<1x1x16xf32> to vector<16xf32>
        %swap3A_1731 = vector.shape_cast %add3A_1724 : vector<16xf32> to vector<1x1x16xf32>
        tpu.vector_store %arg8[%swap3A_1726, %swap3A_1727, %swap3A_1728], %swap3A_1731 {strides = array<i32>} : memref<2x1600x32xf32, #tpu.memory_space<vmem>>, vector<1x1x16xf32>,
        %add3A_1732 = arith.constant 1200 : i32
        %add3A_1733 = arith.addi %add3A_1732, %add3A_1499 : i32
        %get3A_1734 = arith.constant 0 : i32
        %get3A_1735 = arith.index_cast %get3A_1734 : i32 to index
        %get3A_1736 = arith.index_cast %add3A_1733 : i32 to index
        %get3A_1737 = arith.constant 16 : index
        %get3A_1738 = tpu.vector_load %arg8[%get3A_1735, %get3A_1736, %get3A_1737] {strides = array<i32>} : memref<2x1600x32xf32, #tpu.memory_space<vmem>>, vector<1x1x16xf32>,
        %get3A_1739 = vector.shape_cast %get3A_1738 : vector<1x1x16xf32> to vector<16xf32>
        %add3A_1740 = arith.addf %get3A_1739, %get3A_1635 : vector<16xf32>
        %swap3A_1741 = arith.constant 0 : i32
        %swap3A_1742 = arith.index_cast %swap3A_1741 : i32 to index
        %swap3A_1743 = arith.index_cast %add3A_1733 : i32 to index
        %swap3A_1744 = arith.constant 16 : index
        %swap3A_1745 = tpu.vector_load %arg8[%swap3A_1742, %swap3A_1743, %swap3A_1744] {strides = array<i32>} : memref<2x1600x32xf32, #tpu.memory_space<vmem>>, vector<1x1x16xf32>,
        %swap3A_1746 = vector.shape_cast %swap3A_1745 : vector<1x1x16xf32> to vector<16xf32>
        %swap3A_1747 = vector.shape_cast %add3A_1740 : vector<16xf32> to vector<1x1x16xf32>
        tpu.vector_store %arg8[%swap3A_1742, %swap3A_1743, %swap3A_1744], %swap3A_1747 {strides = array<i32>} : memref<2x1600x32xf32, #tpu.memory_space<vmem>>, vector<1x1x16xf32>,
        %add3A_1748 = arith.constant 1400 : i32
        %add3A_1749 = arith.addi %add3A_1748, %add3A_1499 : i32
        %get3A_1750 = arith.constant 0 : i32
        %get3A_1751 = arith.index_cast %get3A_1750 : i32 to index
        %get3A_1752 = arith.index_cast %add3A_1749 : i32 to index
        %get3A_1753 = arith.constant 16 : index
        %get3A_1754 = tpu.vector_load %arg8[%get3A_1751, %get3A_1752, %get3A_1753] {strides = array<i32>} : memref<2x1600x32xf32, #tpu.memory_space<vmem>>, vector<1x1x16xf32>,
        %get3A_1755 = vector.shape_cast %get3A_1754 : vector<1x1x16xf32> to vector<16xf32>
        %add3A_1756 = arith.addf %get3A_1755, %get3A_1635 : vector<16xf32>
        %swap3A_1757 = arith.constant 0 : i32
        %swap3A_1758 = arith.index_cast %swap3A_1757 : i32 to index
        %swap3A_1759 = arith.index_cast %add3A_1749 : i32 to index
        %swap3A_1760 = arith.constant 16 : index
        %swap3A_1761 = tpu.vector_load %arg8[%swap3A_1758, %swap3A_1759, %swap3A_1760] {strides = array<i32>} : memref<2x1600x32xf32, #tpu.memory_space<vmem>>, vector<1x1x16xf32>,
        %swap3A_1762 = vector.shape_cast %swap3A_1761 : vector<1x1x16xf32> to vector<16xf32>
        %swap3A_1763 = vector.shape_cast %add3A_1756 : vector<16xf32> to vector<1x1x16xf32>
        tpu.vector_store %arg8[%swap3A_1758, %swap3A_1759, %swap3A_1760], %swap3A_1763 {strides = array<i32>} : memref<2x1600x32xf32, #tpu.memory_space<vmem>>, vector<1x1x16xf32>,
        %mul3A_1764 = arith.constant 8 : i32
        %mul3A_1765 = arith.muli %scan3A_157, %mul3A_1764 : i32
        %add3A_1766 = arith.constant 6 : i32
        %add3A_1767 = arith.addi %mul3A_1765, %add3A_1766 : i32
        %get3A_1768 = arith.index_cast %add3A_1767 : i32 to index
        %get3A_1769 = arith.constant 0 : index
        %get3A_1770 = tpu.vector_load %arg6[%get3A_1768, %get3A_1769] {strides = array<i32>} : memref<200x32xf32, #tpu.memory_space<vmem>>, vector<1x16xf32>,
        %get3A_1771 = vector.shape_cast %get3A_1770 : vector<1x16xf32> to vector<16xf32>
        %add3A_1772 = arith.constant 0 : i32
        %add3A_1773 = arith.addi %add3A_1772, %add3A_1767 : i32
        %get3A_1774 = arith.constant 0 : i32
        %get3A_1775 = arith.index_cast %get3A_1774 : i32 to index
        %get3A_1776 = arith.index_cast %add3A_1773 : i32 to index
        %get3A_1777 = arith.constant 0 : index
        %get3A_1778 = tpu.vector_load %arg8[%get3A_1775, %get3A_1776, %get3A_1777] {strides = array<i32>} : memref<2x1600x32xf32, #tpu.memory_space<vmem>>, vector<1x1x16xf32>,
        %get3A_1779 = vector.shape_cast %get3A_1778 : vector<1x1x16xf32> to vector<16xf32>
        %add3A_1780 = arith.addf %get3A_1779, %get3A_1771 : vector<16xf32>
        %swap3A_1781 = arith.constant 0 : i32
        %swap3A_1782 = arith.index_cast %swap3A_1781 : i32 to index
        %swap3A_1783 = arith.index_cast %add3A_1773 : i32 to index
        %swap3A_1784 = arith.constant 0 : index
        %swap3A_1785 = tpu.vector_load %arg8[%swap3A_1782, %swap3A_1783, %swap3A_1784] {strides = array<i32>} : memref<2x1600x32xf32, #tpu.memory_space<vmem>>, vector<1x1x16xf32>,
        %swap3A_1786 = vector.shape_cast %swap3A_1785 : vector<1x1x16xf32> to vector<16xf32>
        %swap3A_1787 = vector.shape_cast %add3A_1780 : vector<16xf32> to vector<1x1x16xf32>
        tpu.vector_store %arg8[%swap3A_1782, %swap3A_1783, %swap3A_1784], %swap3A_1787 {strides = array<i32>} : memref<2x1600x32xf32, #tpu.memory_space<vmem>>, vector<1x1x16xf32>,
        %add3A_1788 = arith.constant 200 : i32
        %add3A_1789 = arith.addi %add3A_1788, %add3A_1767 : i32
        %get3A_1790 = arith.constant 0 : i32
        %get3A_1791 = arith.index_cast %get3A_1790 : i32 to index
        %get3A_1792 = arith.index_cast %add3A_1789 : i32 to index
        %get3A_1793 = arith.constant 0 : index
        %get3A_1794 = tpu.vector_load %arg8[%get3A_1791, %get3A_1792, %get3A_1793] {strides = array<i32>} : memref<2x1600x32xf32, #tpu.memory_space<vmem>>, vector<1x1x16xf32>,
        %get3A_1795 = vector.shape_cast %get3A_1794 : vector<1x1x16xf32> to vector<16xf32>
        %add3A_1796 = arith.addf %get3A_1795, %get3A_1771 : vector<16xf32>
        %swap3A_1797 = arith.constant 0 : i32
        %swap3A_1798 = arith.index_cast %swap3A_1797 : i32 to index
        %swap3A_1799 = arith.index_cast %add3A_1789 : i32 to index
        %swap3A_1800 = arith.constant 0 : index
        %swap3A_1801 = tpu.vector_load %arg8[%swap3A_1798, %swap3A_1799, %swap3A_1800] {strides = array<i32>} : memref<2x1600x32xf32, #tpu.memory_space<vmem>>, vector<1x1x16xf32>,
        %swap3A_1802 = vector.shape_cast %swap3A_1801 : vector<1x1x16xf32> to vector<16xf32>
        %swap3A_1803 = vector.shape_cast %add3A_1796 : vector<16xf32> to vector<1x1x16xf32>
        tpu.vector_store %arg8[%swap3A_1798, %swap3A_1799, %swap3A_1800], %swap3A_1803 {strides = array<i32>} : memref<2x1600x32xf32, #tpu.memory_space<vmem>>, vector<1x1x16xf32>,
        %add3A_1804 = arith.constant 400 : i32
        %add3A_1805 = arith.addi %add3A_1804, %add3A_1767 : i32
        %get3A_1806 = arith.constant 0 : i32
        %get3A_1807 = arith.index_cast %get3A_1806 : i32 to index
        %get3A_1808 = arith.index_cast %add3A_1805 : i32 to index
        %get3A_1809 = arith.constant 0 : index
        %get3A_1810 = tpu.vector_load %arg8[%get3A_1807, %get3A_1808, %get3A_1809] {strides = array<i32>} : memref<2x1600x32xf32, #tpu.memory_space<vmem>>, vector<1x1x16xf32>,
        %get3A_1811 = vector.shape_cast %get3A_1810 : vector<1x1x16xf32> to vector<16xf32>
        %add3A_1812 = arith.addf %get3A_1811, %get3A_1771 : vector<16xf32>
        %swap3A_1813 = arith.constant 0 : i32
        %swap3A_1814 = arith.index_cast %swap3A_1813 : i32 to index
        %swap3A_1815 = arith.index_cast %add3A_1805 : i32 to index
        %swap3A_1816 = arith.constant 0 : index
        %swap3A_1817 = tpu.vector_load %arg8[%swap3A_1814, %swap3A_1815, %swap3A_1816] {strides = array<i32>} : memref<2x1600x32xf32, #tpu.memory_space<vmem>>, vector<1x1x16xf32>,
        %swap3A_1818 = vector.shape_cast %swap3A_1817 : vector<1x1x16xf32> to vector<16xf32>
        %swap3A_1819 = vector.shape_cast %add3A_1812 : vector<16xf32> to vector<1x1x16xf32>
        tpu.vector_store %arg8[%swap3A_1814, %swap3A_1815, %swap3A_1816], %swap3A_1819 {strides = array<i32>} : memref<2x1600x32xf32, #tpu.memory_space<vmem>>, vector<1x1x16xf32>,
        %add3A_1820 = arith.constant 600 : i32
        %add3A_1821 = arith.addi %add3A_1820, %add3A_1767 : i32
        %get3A_1822 = arith.constant 0 : i32
        %get3A_1823 = arith.index_cast %get3A_1822 : i32 to index
        %get3A_1824 = arith.index_cast %add3A_1821 : i32 to index
        %get3A_1825 = arith.constant 0 : index
        %get3A_1826 = tpu.vector_load %arg8[%get3A_1823, %get3A_1824, %get3A_1825] {strides = array<i32>} : memref<2x1600x32xf32, #tpu.memory_space<vmem>>, vector<1x1x16xf32>,
        %get3A_1827 = vector.shape_cast %get3A_1826 : vector<1x1x16xf32> to vector<16xf32>
        %add3A_1828 = arith.addf %get3A_1827, %get3A_1771 : vector<16xf32>
        %swap3A_1829 = arith.constant 0 : i32
        %swap3A_1830 = arith.index_cast %swap3A_1829 : i32 to index
        %swap3A_1831 = arith.index_cast %add3A_1821 : i32 to index
        %swap3A_1832 = arith.constant 0 : index
        %swap3A_1833 = tpu.vector_load %arg8[%swap3A_1830, %swap3A_1831, %swap3A_1832] {strides = array<i32>} : memref<2x1600x32xf32, #tpu.memory_space<vmem>>, vector<1x1x16xf32>,
        %swap3A_1834 = vector.shape_cast %swap3A_1833 : vector<1x1x16xf32> to vector<16xf32>
        %swap3A_1835 = vector.shape_cast %add3A_1828 : vector<16xf32> to vector<1x1x16xf32>
        tpu.vector_store %arg8[%swap3A_1830, %swap3A_1831, %swap3A_1832], %swap3A_1835 {strides = array<i32>} : memref<2x1600x32xf32, #tpu.memory_space<vmem>>, vector<1x1x16xf32>,
        %add3A_1836 = arith.constant 800 : i32
        %add3A_1837 = arith.addi %add3A_1836, %add3A_1767 : i32
        %get3A_1838 = arith.constant 0 : i32
        %get3A_1839 = arith.index_cast %get3A_1838 : i32 to index
        %get3A_1840 = arith.index_cast %add3A_1837 : i32 to index
        %get3A_1841 = arith.constant 0 : index
        %get3A_1842 = tpu.vector_load %arg8[%get3A_1839, %get3A_1840, %get3A_1841] {strides = array<i32>} : memref<2x1600x32xf32, #tpu.memory_space<vmem>>, vector<1x1x16xf32>,
        %get3A_1843 = vector.shape_cast %get3A_1842 : vector<1x1x16xf32> to vector<16xf32>
        %add3A_1844 = arith.addf %get3A_1843, %get3A_1771 : vector<16xf32>
        %swap3A_1845 = arith.constant 0 : i32
        %swap3A_1846 = arith.index_cast %swap3A_1845 : i32 to index
        %swap3A_1847 = arith.index_cast %add3A_1837 : i32 to index
        %swap3A_1848 = arith.constant 0 : index
        %swap3A_1849 = tpu.vector_load %arg8[%swap3A_1846, %swap3A_1847, %swap3A_1848] {strides = array<i32>} : memref<2x1600x32xf32, #tpu.memory_space<vmem>>, vector<1x1x16xf32>,
        %swap3A_1850 = vector.shape_cast %swap3A_1849 : vector<1x1x16xf32> to vector<16xf32>
        %swap3A_1851 = vector.shape_cast %add3A_1844 : vector<16xf32> to vector<1x1x16xf32>
        tpu.vector_store %arg8[%swap3A_1846, %swap3A_1847, %swap3A_1848], %swap3A_1851 {strides = array<i32>} : memref<2x1600x32xf32, #tpu.memory_space<vmem>>, vector<1x1x16xf32>,
        %add3A_1852 = arith.constant 1000 : i32
        %add3A_1853 = arith.addi %add3A_1852, %add3A_1767 : i32
        %get3A_1854 = arith.constant 0 : i32
        %get3A_1855 = arith.index_cast %get3A_1854 : i32 to index
        %get3A_1856 = arith.index_cast %add3A_1853 : i32 to index
        %get3A_1857 = arith.constant 0 : index
        %get3A_1858 = tpu.vector_load %arg8[%get3A_1855, %get3A_1856, %get3A_1857] {strides = array<i32>} : memref<2x1600x32xf32, #tpu.memory_space<vmem>>, vector<1x1x16xf32>,
        %get3A_1859 = vector.shape_cast %get3A_1858 : vector<1x1x16xf32> to vector<16xf32>
        %add3A_1860 = arith.addf %get3A_1859, %get3A_1771 : vector<16xf32>
        %swap3A_1861 = arith.constant 0 : i32
        %swap3A_1862 = arith.index_cast %swap3A_1861 : i32 to index
        %swap3A_1863 = arith.index_cast %add3A_1853 : i32 to index
        %swap3A_1864 = arith.constant 0 : index
        %swap3A_1865 = tpu.vector_load %arg8[%swap3A_1862, %swap3A_1863, %swap3A_1864] {strides = array<i32>} : memref<2x1600x32xf32, #tpu.memory_space<vmem>>, vector<1x1x16xf32>,
        %swap3A_1866 = vector.shape_cast %swap3A_1865 : vector<1x1x16xf32> to vector<16xf32>
        %swap3A_1867 = vector.shape_cast %add3A_1860 : vector<16xf32> to vector<1x1x16xf32>
        tpu.vector_store %arg8[%swap3A_1862, %swap3A_1863, %swap3A_1864], %swap3A_1867 {strides = array<i32>} : memref<2x1600x32xf32, #tpu.memory_space<vmem>>, vector<1x1x16xf32>,
        %add3A_1868 = arith.constant 1200 : i32
        %add3A_1869 = arith.addi %add3A_1868, %add3A_1767 : i32
        %get3A_1870 = arith.constant 0 : i32
        %get3A_1871 = arith.index_cast %get3A_1870 : i32 to index
        %get3A_1872 = arith.index_cast %add3A_1869 : i32 to index
        %get3A_1873 = arith.constant 0 : index
        %get3A_1874 = tpu.vector_load %arg8[%get3A_1871, %get3A_1872, %get3A_1873] {strides = array<i32>} : memref<2x1600x32xf32, #tpu.memory_space<vmem>>, vector<1x1x16xf32>,
        %get3A_1875 = vector.shape_cast %get3A_1874 : vector<1x1x16xf32> to vector<16xf32>
        %add3A_1876 = arith.addf %get3A_1875, %get3A_1771 : vector<16xf32>
        %swap3A_1877 = arith.constant 0 : i32
        %swap3A_1878 = arith.index_cast %swap3A_1877 : i32 to index
        %swap3A_1879 = arith.index_cast %add3A_1869 : i32 to index
        %swap3A_1880 = arith.constant 0 : index
        %swap3A_1881 = tpu.vector_load %arg8[%swap3A_1878, %swap3A_1879, %swap3A_1880] {strides = array<i32>} : memref<2x1600x32xf32, #tpu.memory_space<vmem>>, vector<1x1x16xf32>,
        %swap3A_1882 = vector.shape_cast %swap3A_1881 : vector<1x1x16xf32> to vector<16xf32>
        %swap3A_1883 = vector.shape_cast %add3A_1876 : vector<16xf32> to vector<1x1x16xf32>
        tpu.vector_store %arg8[%swap3A_1878, %swap3A_1879, %swap3A_1880], %swap3A_1883 {strides = array<i32>} : memref<2x1600x32xf32, #tpu.memory_space<vmem>>, vector<1x1x16xf32>,
        %add3A_1884 = arith.constant 1400 : i32
        %add3A_1885 = arith.addi %add3A_1884, %add3A_1767 : i32
        %get3A_1886 = arith.constant 0 : i32
        %get3A_1887 = arith.index_cast %get3A_1886 : i32 to index
        %get3A_1888 = arith.index_cast %add3A_1885 : i32 to index
        %get3A_1889 = arith.constant 0 : index
        %get3A_1890 = tpu.vector_load %arg8[%get3A_1887, %get3A_1888, %get3A_1889] {strides = array<i32>} : memref<2x1600x32xf32, #tpu.memory_space<vmem>>, vector<1x1x16xf32>,
        %get3A_1891 = vector.shape_cast %get3A_1890 : vector<1x1x16xf32> to vector<16xf32>
        %add3A_1892 = arith.addf %get3A_1891, %get3A_1771 : vector<16xf32>
        %swap3A_1893 = arith.constant 0 : i32
        %swap3A_1894 = arith.index_cast %swap3A_1893 : i32 to index
        %swap3A_1895 = arith.index_cast %add3A_1885 : i32 to index
        %swap3A_1896 = arith.constant 0 : index
        %swap3A_1897 = tpu.vector_load %arg8[%swap3A_1894, %swap3A_1895, %swap3A_1896] {strides = array<i32>} : memref<2x1600x32xf32, #tpu.memory_space<vmem>>, vector<1x1x16xf32>,
        %swap3A_1898 = vector.shape_cast %swap3A_1897 : vector<1x1x16xf32> to vector<16xf32>
        %swap3A_1899 = vector.shape_cast %add3A_1892 : vector<16xf32> to vector<1x1x16xf32>
        tpu.vector_store %arg8[%swap3A_1894, %swap3A_1895, %swap3A_1896], %swap3A_1899 {strides = array<i32>} : memref<2x1600x32xf32, #tpu.memory_space<vmem>>, vector<1x1x16xf32>,
        %get3A_1900 = arith.index_cast %add3A_1767 : i32 to index
        %get3A_1901 = arith.constant 16 : index
        %get3A_1902 = tpu.vector_load %arg6[%get3A_1900, %get3A_1901] {strides = array<i32>} : memref<200x32xf32, #tpu.memory_space<vmem>>, vector<1x16xf32>,
        %get3A_1903 = vector.shape_cast %get3A_1902 : vector<1x16xf32> to vector<16xf32>
        %add3A_1904 = arith.constant 0 : i32
        %add3A_1905 = arith.addi %add3A_1904, %add3A_1767 : i32
        %get3A_1906 = arith.constant 0 : i32
        %get3A_1907 = arith.index_cast %get3A_1906 : i32 to index
        %get3A_1908 = arith.index_cast %add3A_1905 : i32 to index
        %get3A_1909 = arith.constant 16 : index
        %get3A_1910 = tpu.vector_load %arg8[%get3A_1907, %get3A_1908, %get3A_1909] {strides = array<i32>} : memref<2x1600x32xf32, #tpu.memory_space<vmem>>, vector<1x1x16xf32>,
        %get3A_1911 = vector.shape_cast %get3A_1910 : vector<1x1x16xf32> to vector<16xf32>
        %add3A_1912 = arith.addf %get3A_1911, %get3A_1903 : vector<16xf32>
        %swap3A_1913 = arith.constant 0 : i32
        %swap3A_1914 = arith.index_cast %swap3A_1913 : i32 to index
        %swap3A_1915 = arith.index_cast %add3A_1905 : i32 to index
        %swap3A_1916 = arith.constant 16 : index
        %swap3A_1917 = tpu.vector_load %arg8[%swap3A_1914, %swap3A_1915, %swap3A_1916] {strides = array<i32>} : memref<2x1600x32xf32, #tpu.memory_space<vmem>>, vector<1x1x16xf32>,
        %swap3A_1918 = vector.shape_cast %swap3A_1917 : vector<1x1x16xf32> to vector<16xf32>
        %swap3A_1919 = vector.shape_cast %add3A_1912 : vector<16xf32> to vector<1x1x16xf32>
        tpu.vector_store %arg8[%swap3A_1914, %swap3A_1915, %swap3A_1916], %swap3A_1919 {strides = array<i32>} : memref<2x1600x32xf32, #tpu.memory_space<vmem>>, vector<1x1x16xf32>,
        %add3A_1920 = arith.constant 200 : i32
        %add3A_1921 = arith.addi %add3A_1920, %add3A_1767 : i32
        %get3A_1922 = arith.constant 0 : i32
        %get3A_1923 = arith.index_cast %get3A_1922 : i32 to index
        %get3A_1924 = arith.index_cast %add3A_1921 : i32 to index
        %get3A_1925 = arith.constant 16 : index
        %get3A_1926 = tpu.vector_load %arg8[%get3A_1923, %get3A_1924, %get3A_1925] {strides = array<i32>} : memref<2x1600x32xf32, #tpu.memory_space<vmem>>, vector<1x1x16xf32>,
        %get3A_1927 = vector.shape_cast %get3A_1926 : vector<1x1x16xf32> to vector<16xf32>
        %add3A_1928 = arith.addf %get3A_1927, %get3A_1903 : vector<16xf32>
        %swap3A_1929 = arith.constant 0 : i32
        %swap3A_1930 = arith.index_cast %swap3A_1929 : i32 to index
        %swap3A_1931 = arith.index_cast %add3A_1921 : i32 to index
        %swap3A_1932 = arith.constant 16 : index
        %swap3A_1933 = tpu.vector_load %arg8[%swap3A_1930, %swap3A_1931, %swap3A_1932] {strides = array<i32>} : memref<2x1600x32xf32, #tpu.memory_space<vmem>>, vector<1x1x16xf32>,
        %swap3A_1934 = vector.shape_cast %swap3A_1933 : vector<1x1x16xf32> to vector<16xf32>
        %swap3A_1935 = vector.shape_cast %add3A_1928 : vector<16xf32> to vector<1x1x16xf32>
        tpu.vector_store %arg8[%swap3A_1930, %swap3A_1931, %swap3A_1932], %swap3A_1935 {strides = array<i32>} : memref<2x1600x32xf32, #tpu.memory_space<vmem>>, vector<1x1x16xf32>,
        %add3A_1936 = arith.constant 400 : i32
        %add3A_1937 = arith.addi %add3A_1936, %add3A_1767 : i32
        %get3A_1938 = arith.constant 0 : i32
        %get3A_1939 = arith.index_cast %get3A_1938 : i32 to index
        %get3A_1940 = arith.index_cast %add3A_1937 : i32 to index
        %get3A_1941 = arith.constant 16 : index
        %get3A_1942 = tpu.vector_load %arg8[%get3A_1939, %get3A_1940, %get3A_1941] {strides = array<i32>} : memref<2x1600x32xf32, #tpu.memory_space<vmem>>, vector<1x1x16xf32>,
        %get3A_1943 = vector.shape_cast %get3A_1942 : vector<1x1x16xf32> to vector<16xf32>
        %add3A_1944 = arith.addf %get3A_1943, %get3A_1903 : vector<16xf32>
        %swap3A_1945 = arith.constant 0 : i32
        %swap3A_1946 = arith.index_cast %swap3A_1945 : i32 to index
        %swap3A_1947 = arith.index_cast %add3A_1937 : i32 to index
        %swap3A_1948 = arith.constant 16 : index
        %swap3A_1949 = tpu.vector_load %arg8[%swap3A_1946, %swap3A_1947, %swap3A_1948] {strides = array<i32>} : memref<2x1600x32xf32, #tpu.memory_space<vmem>>, vector<1x1x16xf32>,
        %swap3A_1950 = vector.shape_cast %swap3A_1949 : vector<1x1x16xf32> to vector<16xf32>
        %swap3A_1951 = vector.shape_cast %add3A_1944 : vector<16xf32> to vector<1x1x16xf32>
        tpu.vector_store %arg8[%swap3A_1946, %swap3A_1947, %swap3A_1948], %swap3A_1951 {strides = array<i32>} : memref<2x1600x32xf32, #tpu.memory_space<vmem>>, vector<1x1x16xf32>,
        %add3A_1952 = arith.constant 600 : i32
        %add3A_1953 = arith.addi %add3A_1952, %add3A_1767 : i32
        %get3A_1954 = arith.constant 0 : i32
        %get3A_1955 = arith.index_cast %get3A_1954 : i32 to index
        %get3A_1956 = arith.index_cast %add3A_1953 : i32 to index
        %get3A_1957 = arith.constant 16 : index
        %get3A_1958 = tpu.vector_load %arg8[%get3A_1955, %get3A_1956, %get3A_1957] {strides = array<i32>} : memref<2x1600x32xf32, #tpu.memory_space<vmem>>, vector<1x1x16xf32>,
        %get3A_1959 = vector.shape_cast %get3A_1958 : vector<1x1x16xf32> to vector<16xf32>
        %add3A_1960 = arith.addf %get3A_1959, %get3A_1903 : vector<16xf32>
        %swap3A_1961 = arith.constant 0 : i32
        %swap3A_1962 = arith.index_cast %swap3A_1961 : i32 to index
        %swap3A_1963 = arith.index_cast %add3A_1953 : i32 to index
        %swap3A_1964 = arith.constant 16 : index
        %swap3A_1965 = tpu.vector_load %arg8[%swap3A_1962, %swap3A_1963, %swap3A_1964] {strides = array<i32>} : memref<2x1600x32xf32, #tpu.memory_space<vmem>>, vector<1x1x16xf32>,
        %swap3A_1966 = vector.shape_cast %swap3A_1965 : vector<1x1x16xf32> to vector<16xf32>
        %swap3A_1967 = vector.shape_cast %add3A_1960 : vector<16xf32> to vector<1x1x16xf32>
        tpu.vector_store %arg8[%swap3A_1962, %swap3A_1963, %swap3A_1964], %swap3A_1967 {strides = array<i32>} : memref<2x1600x32xf32, #tpu.memory_space<vmem>>, vector<1x1x16xf32>,
        %add3A_1968 = arith.constant 800 : i32
        %add3A_1969 = arith.addi %add3A_1968, %add3A_1767 : i32
        %get3A_1970 = arith.constant 0 : i32
        %get3A_1971 = arith.index_cast %get3A_1970 : i32 to index
        %get3A_1972 = arith.index_cast %add3A_1969 : i32 to index
        %get3A_1973 = arith.constant 16 : index
        %get3A_1974 = tpu.vector_load %arg8[%get3A_1971, %get3A_1972, %get3A_1973] {strides = array<i32>} : memref<2x1600x32xf32, #tpu.memory_space<vmem>>, vector<1x1x16xf32>,
        %get3A_1975 = vector.shape_cast %get3A_1974 : vector<1x1x16xf32> to vector<16xf32>
        %add3A_1976 = arith.addf %get3A_1975, %get3A_1903 : vector<16xf32>
        %swap3A_1977 = arith.constant 0 : i32
        %swap3A_1978 = arith.index_cast %swap3A_1977 : i32 to index
        %swap3A_1979 = arith.index_cast %add3A_1969 : i32 to index
        %swap3A_1980 = arith.constant 16 : index
        %swap3A_1981 = tpu.vector_load %arg8[%swap3A_1978, %swap3A_1979, %swap3A_1980] {strides = array<i32>} : memref<2x1600x32xf32, #tpu.memory_space<vmem>>, vector<1x1x16xf32>,
        %swap3A_1982 = vector.shape_cast %swap3A_1981 : vector<1x1x16xf32> to vector<16xf32>
        %swap3A_1983 = vector.shape_cast %add3A_1976 : vector<16xf32> to vector<1x1x16xf32>
        tpu.vector_store %arg8[%swap3A_1978, %swap3A_1979, %swap3A_1980], %swap3A_1983 {strides = array<i32>} : memref<2x1600x32xf32, #tpu.memory_space<vmem>>, vector<1x1x16xf32>,
        %add3A_1984 = arith.constant 1000 : i32
        %add3A_1985 = arith.addi %add3A_1984, %add3A_1767 : i32
        %get3A_1986 = arith.constant 0 : i32
        %get3A_1987 = arith.index_cast %get3A_1986 : i32 to index
        %get3A_1988 = arith.index_cast %add3A_1985 : i32 to index
        %get3A_1989 = arith.constant 16 : index
        %get3A_1990 = tpu.vector_load %arg8[%get3A_1987, %get3A_1988, %get3A_1989] {strides = array<i32>} : memref<2x1600x32xf32, #tpu.memory_space<vmem>>, vector<1x1x16xf32>,
        %get3A_1991 = vector.shape_cast %get3A_1990 : vector<1x1x16xf32> to vector<16xf32>
        %add3A_1992 = arith.addf %get3A_1991, %get3A_1903 : vector<16xf32>
        %swap3A_1993 = arith.constant 0 : i32
        %swap3A_1994 = arith.index_cast %swap3A_1993 : i32 to index
        %swap3A_1995 = arith.index_cast %add3A_1985 : i32 to index
        %swap3A_1996 = arith.constant 16 : index
        %swap3A_1997 = tpu.vector_load %arg8[%swap3A_1994, %swap3A_1995, %swap3A_1996] {strides = array<i32>} : memref<2x1600x32xf32, #tpu.memory_space<vmem>>, vector<1x1x16xf32>,
        %swap3A_1998 = vector.shape_cast %swap3A_1997 : vector<1x1x16xf32> to vector<16xf32>
        %swap3A_1999 = vector.shape_cast %add3A_1992 : vector<16xf32> to vector<1x1x16xf32>
        tpu.vector_store %arg8[%swap3A_1994, %swap3A_1995, %swap3A_1996], %swap3A_1999 {strides = array<i32>} : memref<2x1600x32xf32, #tpu.memory_space<vmem>>, vector<1x1x16xf32>,
        %add3A_2000 = arith.constant 1200 : i32
        %add3A_2001 = arith.addi %add3A_2000, %add3A_1767 : i32
        %get3A_2002 = arith.constant 0 : i32
        %get3A_2003 = arith.index_cast %get3A_2002 : i32 to index
        %get3A_2004 = arith.index_cast %add3A_2001 : i32 to index
        %get3A_2005 = arith.constant 16 : index
        %get3A_2006 = tpu.vector_load %arg8[%get3A_2003, %get3A_2004, %get3A_2005] {strides = array<i32>} : memref<2x1600x32xf32, #tpu.memory_space<vmem>>, vector<1x1x16xf32>,
        %get3A_2007 = vector.shape_cast %get3A_2006 : vector<1x1x16xf32> to vector<16xf32>
        %add3A_2008 = arith.addf %get3A_2007, %get3A_1903 : vector<16xf32>
        %swap3A_2009 = arith.constant 0 : i32
        %swap3A_2010 = arith.index_cast %swap3A_2009 : i32 to index
        %swap3A_2011 = arith.index_cast %add3A_2001 : i32 to index
        %swap3A_2012 = arith.constant 16 : index
        %swap3A_2013 = tpu.vector_load %arg8[%swap3A_2010, %swap3A_2011, %swap3A_2012] {strides = array<i32>} : memref<2x1600x32xf32, #tpu.memory_space<vmem>>, vector<1x1x16xf32>,
        %swap3A_2014 = vector.shape_cast %swap3A_2013 : vector<1x1x16xf32> to vector<16xf32>
        %swap3A_2015 = vector.shape_cast %add3A_2008 : vector<16xf32> to vector<1x1x16xf32>
        tpu.vector_store %arg8[%swap3A_2010, %swap3A_2011, %swap3A_2012], %swap3A_2015 {strides = array<i32>} : memref<2x1600x32xf32, #tpu.memory_space<vmem>>, vector<1x1x16xf32>,
        %add3A_2016 = arith.constant 1400 : i32
        %add3A_2017 = arith.addi %add3A_2016, %add3A_1767 : i32
        %get3A_2018 = arith.constant 0 : i32
        %get3A_2019 = arith.index_cast %get3A_2018 : i32 to index
        %get3A_2020 = arith.index_cast %add3A_2017 : i32 to index
        %get3A_2021 = arith.constant 16 : index
        %get3A_2022 = tpu.vector_load %arg8[%get3A_2019, %get3A_2020, %get3A_2021] {strides = array<i32>} : memref<2x1600x32xf32, #tpu.memory_space<vmem>>, vector<1x1x16xf32>,
        %get3A_2023 = vector.shape_cast %get3A_2022 : vector<1x1x16xf32> to vector<16xf32>
        %add3A_2024 = arith.addf %get3A_2023, %get3A_1903 : vector<16xf32>
        %swap3A_2025 = arith.constant 0 : i32
        %swap3A_2026 = arith.index_cast %swap3A_2025 : i32 to index
        %swap3A_2027 = arith.index_cast %add3A_2017 : i32 to index
        %swap3A_2028 = arith.constant 16 : index
        %swap3A_2029 = tpu.vector_load %arg8[%swap3A_2026, %swap3A_2027, %swap3A_2028] {strides = array<i32>} : memref<2x1600x32xf32, #tpu.memory_space<vmem>>, vector<1x1x16xf32>,
        %swap3A_2030 = vector.shape_cast %swap3A_2029 : vector<1x1x16xf32> to vector<16xf32>
        %swap3A_2031 = vector.shape_cast %add3A_2024 : vector<16xf32> to vector<1x1x16xf32>
        tpu.vector_store %arg8[%swap3A_2026, %swap3A_2027, %swap3A_2028], %swap3A_2031 {strides = array<i32>} : memref<2x1600x32xf32, #tpu.memory_space<vmem>>, vector<1x1x16xf32>,
        %mul3A_2032 = arith.constant 8 : i32
        %mul3A_2033 = arith.muli %scan3A_157, %mul3A_2032 : i32
        %add3A_2034 = arith.constant 7 : i32
        %add3A_2035 = arith.addi %mul3A_2033, %add3A_2034 : i32
        %get3A_2036 = arith.index_cast %add3A_2035 : i32 to index
        %get3A_2037 = arith.constant 0 : index
        %get3A_2038 = tpu.vector_load %arg6[%get3A_2036, %get3A_2037] {strides = array<i32>} : memref<200x32xf32, #tpu.memory_space<vmem>>, vector<1x16xf32>,
        %get3A_2039 = vector.shape_cast %get3A_2038 : vector<1x16xf32> to vector<16xf32>
        %add3A_2040 = arith.constant 0 : i32
        %add3A_2041 = arith.addi %add3A_2040, %add3A_2035 : i32
        %get3A_2042 = arith.constant 0 : i32
        %get3A_2043 = arith.index_cast %get3A_2042 : i32 to index
        %get3A_2044 = arith.index_cast %add3A_2041 : i32 to index
        %get3A_2045 = arith.constant 0 : index
        %get3A_2046 = tpu.vector_load %arg8[%get3A_2043, %get3A_2044, %get3A_2045] {strides = array<i32>} : memref<2x1600x32xf32, #tpu.memory_space<vmem>>, vector<1x1x16xf32>,
        %get3A_2047 = vector.shape_cast %get3A_2046 : vector<1x1x16xf32> to vector<16xf32>
        %add3A_2048 = arith.addf %get3A_2047, %get3A_2039 : vector<16xf32>
        %swap3A_2049 = arith.constant 0 : i32
        %swap3A_2050 = arith.index_cast %swap3A_2049 : i32 to index
        %swap3A_2051 = arith.index_cast %add3A_2041 : i32 to index
        %swap3A_2052 = arith.constant 0 : index
        %swap3A_2053 = tpu.vector_load %arg8[%swap3A_2050, %swap3A_2051, %swap3A_2052] {strides = array<i32>} : memref<2x1600x32xf32, #tpu.memory_space<vmem>>, vector<1x1x16xf32>,
        %swap3A_2054 = vector.shape_cast %swap3A_2053 : vector<1x1x16xf32> to vector<16xf32>
        %swap3A_2055 = vector.shape_cast %add3A_2048 : vector<16xf32> to vector<1x1x16xf32>
        tpu.vector_store %arg8[%swap3A_2050, %swap3A_2051, %swap3A_2052], %swap3A_2055 {strides = array<i32>} : memref<2x1600x32xf32, #tpu.memory_space<vmem>>, vector<1x1x16xf32>,
        %add3A_2056 = arith.constant 200 : i32
        %add3A_2057 = arith.addi %add3A_2056, %add3A_2035 : i32
        %get3A_2058 = arith.constant 0 : i32
        %get3A_2059 = arith.index_cast %get3A_2058 : i32 to index
        %get3A_2060 = arith.index_cast %add3A_2057 : i32 to index
        %get3A_2061 = arith.constant 0 : index
        %get3A_2062 = tpu.vector_load %arg8[%get3A_2059, %get3A_2060, %get3A_2061] {strides = array<i32>} : memref<2x1600x32xf32, #tpu.memory_space<vmem>>, vector<1x1x16xf32>,
        %get3A_2063 = vector.shape_cast %get3A_2062 : vector<1x1x16xf32> to vector<16xf32>
        %add3A_2064 = arith.addf %get3A_2063, %get3A_2039 : vector<16xf32>
        %swap3A_2065 = arith.constant 0 : i32
        %swap3A_2066 = arith.index_cast %swap3A_2065 : i32 to index
        %swap3A_2067 = arith.index_cast %add3A_2057 : i32 to index
        %swap3A_2068 = arith.constant 0 : index
        %swap3A_2069 = tpu.vector_load %arg8[%swap3A_2066, %swap3A_2067, %swap3A_2068] {strides = array<i32>} : memref<2x1600x32xf32, #tpu.memory_space<vmem>>, vector<1x1x16xf32>,
        %swap3A_2070 = vector.shape_cast %swap3A_2069 : vector<1x1x16xf32> to vector<16xf32>
        %swap3A_2071 = vector.shape_cast %add3A_2064 : vector<16xf32> to vector<1x1x16xf32>
        tpu.vector_store %arg8[%swap3A_2066, %swap3A_2067, %swap3A_2068], %swap3A_2071 {strides = array<i32>} : memref<2x1600x32xf32, #tpu.memory_space<vmem>>, vector<1x1x16xf32>,
        %add3A_2072 = arith.constant 400 : i32
        %add3A_2073 = arith.addi %add3A_2072, %add3A_2035 : i32
        %get3A_2074 = arith.constant 0 : i32
        %get3A_2075 = arith.index_cast %get3A_2074 : i32 to index
        %get3A_2076 = arith.index_cast %add3A_2073 : i32 to index
        %get3A_2077 = arith.constant 0 : index
        %get3A_2078 = tpu.vector_load %arg8[%get3A_2075, %get3A_2076, %get3A_2077] {strides = array<i32>} : memref<2x1600x32xf32, #tpu.memory_space<vmem>>, vector<1x1x16xf32>,
        %get3A_2079 = vector.shape_cast %get3A_2078 : vector<1x1x16xf32> to vector<16xf32>
        %add3A_2080 = arith.addf %get3A_2079, %get3A_2039 : vector<16xf32>
        %swap3A_2081 = arith.constant 0 : i32
        %swap3A_2082 = arith.index_cast %swap3A_2081 : i32 to index
        %swap3A_2083 = arith.index_cast %add3A_2073 : i32 to index
        %swap3A_2084 = arith.constant 0 : index
        %swap3A_2085 = tpu.vector_load %arg8[%swap3A_2082, %swap3A_2083, %swap3A_2084] {strides = array<i32>} : memref<2x1600x32xf32, #tpu.memory_space<vmem>>, vector<1x1x16xf32>,
        %swap3A_2086 = vector.shape_cast %swap3A_2085 : vector<1x1x16xf32> to vector<16xf32>
        %swap3A_2087 = vector.shape_cast %add3A_2080 : vector<16xf32> to vector<1x1x16xf32>
        tpu.vector_store %arg8[%swap3A_2082, %swap3A_2083, %swap3A_2084], %swap3A_2087 {strides = array<i32>} : memref<2x1600x32xf32, #tpu.memory_space<vmem>>, vector<1x1x16xf32>,
        %add3A_2088 = arith.constant 600 : i32
        %add3A_2089 = arith.addi %add3A_2088, %add3A_2035 : i32
        %get3A_2090 = arith.constant 0 : i32
        %get3A_2091 = arith.index_cast %get3A_2090 : i32 to index
        %get3A_2092 = arith.index_cast %add3A_2089 : i32 to index
        %get3A_2093 = arith.constant 0 : index
        %get3A_2094 = tpu.vector_load %arg8[%get3A_2091, %get3A_2092, %get3A_2093] {strides = array<i32>} : memref<2x1600x32xf32, #tpu.memory_space<vmem>>, vector<1x1x16xf32>,
        %get3A_2095 = vector.shape_cast %get3A_2094 : vector<1x1x16xf32> to vector<16xf32>
        %add3A_2096 = arith.addf %get3A_2095, %get3A_2039 : vector<16xf32>
        %swap3A_2097 = arith.constant 0 : i32
        %swap3A_2098 = arith.index_cast %swap3A_2097 : i32 to index
        %swap3A_2099 = arith.index_cast %add3A_2089 : i32 to index
        %swap3A_2100 = arith.constant 0 : index
        %swap3A_2101 = tpu.vector_load %arg8[%swap3A_2098, %swap3A_2099, %swap3A_2100] {strides = array<i32>} : memref<2x1600x32xf32, #tpu.memory_space<vmem>>, vector<1x1x16xf32>,
        %swap3A_2102 = vector.shape_cast %swap3A_2101 : vector<1x1x16xf32> to vector<16xf32>
        %swap3A_2103 = vector.shape_cast %add3A_2096 : vector<16xf32> to vector<1x1x16xf32>
        tpu.vector_store %arg8[%swap3A_2098, %swap3A_2099, %swap3A_2100], %swap3A_2103 {strides = array<i32>} : memref<2x1600x32xf32, #tpu.memory_space<vmem>>, vector<1x1x16xf32>,
        %add3A_2104 = arith.constant 800 : i32
        %add3A_2105 = arith.addi %add3A_2104, %add3A_2035 : i32
        %get3A_2106 = arith.constant 0 : i32
        %get3A_2107 = arith.index_cast %get3A_2106 : i32 to index
        %get3A_2108 = arith.index_cast %add3A_2105 : i32 to index
        %get3A_2109 = arith.constant 0 : index
        %get3A_2110 = tpu.vector_load %arg8[%get3A_2107, %get3A_2108, %get3A_2109] {strides = array<i32>} : memref<2x1600x32xf32, #tpu.memory_space<vmem>>, vector<1x1x16xf32>,
        %get3A_2111 = vector.shape_cast %get3A_2110 : vector<1x1x16xf32> to vector<16xf32>
        %add3A_2112 = arith.addf %get3A_2111, %get3A_2039 : vector<16xf32>
        %swap3A_2113 = arith.constant 0 : i32
        %swap3A_2114 = arith.index_cast %swap3A_2113 : i32 to index
        %swap3A_2115 = arith.index_cast %add3A_2105 : i32 to index
        %swap3A_2116 = arith.constant 0 : index
        %swap3A_2117 = tpu.vector_load %arg8[%swap3A_2114, %swap3A_2115, %swap3A_2116] {strides = array<i32>} : memref<2x1600x32xf32, #tpu.memory_space<vmem>>, vector<1x1x16xf32>,
        %swap3A_2118 = vector.shape_cast %swap3A_2117 : vector<1x1x16xf32> to vector<16xf32>
        %swap3A_2119 = vector.shape_cast %add3A_2112 : vector<16xf32> to vector<1x1x16xf32>
        tpu.vector_store %arg8[%swap3A_2114, %swap3A_2115, %swap3A_2116], %swap3A_2119 {strides = array<i32>} : memref<2x1600x32xf32, #tpu.memory_space<vmem>>, vector<1x1x16xf32>,
        %add3A_2120 = arith.constant 1000 : i32
        %add3A_2121 = arith.addi %add3A_2120, %add3A_2035 : i32
        %get3A_2122 = arith.constant 0 : i32
        %get3A_2123 = arith.index_cast %get3A_2122 : i32 to index
        %get3A_2124 = arith.index_cast %add3A_2121 : i32 to index
        %get3A_2125 = arith.constant 0 : index
        %get3A_2126 = tpu.vector_load %arg8[%get3A_2123, %get3A_2124, %get3A_2125] {strides = array<i32>} : memref<2x1600x32xf32, #tpu.memory_space<vmem>>, vector<1x1x16xf32>,
        %get3A_2127 = vector.shape_cast %get3A_2126 : vector<1x1x16xf32> to vector<16xf32>
        %add3A_2128 = arith.addf %get3A_2127, %get3A_2039 : vector<16xf32>
        %swap3A_2129 = arith.constant 0 : i32
        %swap3A_2130 = arith.index_cast %swap3A_2129 : i32 to index
        %swap3A_2131 = arith.index_cast %add3A_2121 : i32 to index
        %swap3A_2132 = arith.constant 0 : index
        %swap3A_2133 = tpu.vector_load %arg8[%swap3A_2130, %swap3A_2131, %swap3A_2132] {strides = array<i32>} : memref<2x1600x32xf32, #tpu.memory_space<vmem>>, vector<1x1x16xf32>,
        %swap3A_2134 = vector.shape_cast %swap3A_2133 : vector<1x1x16xf32> to vector<16xf32>
        %swap3A_2135 = vector.shape_cast %add3A_2128 : vector<16xf32> to vector<1x1x16xf32>
        tpu.vector_store %arg8[%swap3A_2130, %swap3A_2131, %swap3A_2132], %swap3A_2135 {strides = array<i32>} : memref<2x1600x32xf32, #tpu.memory_space<vmem>>, vector<1x1x16xf32>,
        %add3A_2136 = arith.constant 1200 : i32
        %add3A_2137 = arith.addi %add3A_2136, %add3A_2035 : i32
        %get3A_2138 = arith.constant 0 : i32
        %get3A_2139 = arith.index_cast %get3A_2138 : i32 to index
        %get3A_2140 = arith.index_cast %add3A_2137 : i32 to index
        %get3A_2141 = arith.constant 0 : index
        %get3A_2142 = tpu.vector_load %arg8[%get3A_2139, %get3A_2140, %get3A_2141] {strides = array<i32>} : memref<2x1600x32xf32, #tpu.memory_space<vmem>>, vector<1x1x16xf32>,
        %get3A_2143 = vector.shape_cast %get3A_2142 : vector<1x1x16xf32> to vector<16xf32>
        %add3A_2144 = arith.addf %get3A_2143, %get3A_2039 : vector<16xf32>
        %swap3A_2145 = arith.constant 0 : i32
        %swap3A_2146 = arith.index_cast %swap3A_2145 : i32 to index
        %swap3A_2147 = arith.index_cast %add3A_2137 : i32 to index
        %swap3A_2148 = arith.constant 0 : index
        %swap3A_2149 = tpu.vector_load %arg8[%swap3A_2146, %swap3A_2147, %swap3A_2148] {strides = array<i32>} : memref<2x1600x32xf32, #tpu.memory_space<vmem>>, vector<1x1x16xf32>,
        %swap3A_2150 = vector.shape_cast %swap3A_2149 : vector<1x1x16xf32> to vector<16xf32>
        %swap3A_2151 = vector.shape_cast %add3A_2144 : vector<16xf32> to vector<1x1x16xf32>
        tpu.vector_store %arg8[%swap3A_2146, %swap3A_2147, %swap3A_2148], %swap3A_2151 {strides = array<i32>} : memref<2x1600x32xf32, #tpu.memory_space<vmem>>, vector<1x1x16xf32>,
        %add3A_2152 = arith.constant 1400 : i32
        %add3A_2153 = arith.addi %add3A_2152, %add3A_2035 : i32
        %get3A_2154 = arith.constant 0 : i32
        %get3A_2155 = arith.index_cast %get3A_2154 : i32 to index
        %get3A_2156 = arith.index_cast %add3A_2153 : i32 to index
        %get3A_2157 = arith.constant 0 : index
        %get3A_2158 = tpu.vector_load %arg8[%get3A_2155, %get3A_2156, %get3A_2157] {strides = array<i32>} : memref<2x1600x32xf32, #tpu.memory_space<vmem>>, vector<1x1x16xf32>,
        %get3A_2159 = vector.shape_cast %get3A_2158 : vector<1x1x16xf32> to vector<16xf32>
        %add3A_2160 = arith.addf %get3A_2159, %get3A_2039 : vector<16xf32>
        %swap3A_2161 = arith.constant 0 : i32
        %swap3A_2162 = arith.index_cast %swap3A_2161 : i32 to index
        %swap3A_2163 = arith.index_cast %add3A_2153 : i32 to index
        %swap3A_2164 = arith.constant 0 : index
        %swap3A_2165 = tpu.vector_load %arg8[%swap3A_2162, %swap3A_2163, %swap3A_2164] {strides = array<i32>} : memref<2x1600x32xf32, #tpu.memory_space<vmem>>, vector<1x1x16xf32>,
        %swap3A_2166 = vector.shape_cast %swap3A_2165 : vector<1x1x16xf32> to vector<16xf32>
        %swap3A_2167 = vector.shape_cast %add3A_2160 : vector<16xf32> to vector<1x1x16xf32>
        tpu.vector_store %arg8[%swap3A_2162, %swap3A_2163, %swap3A_2164], %swap3A_2167 {strides = array<i32>} : memref<2x1600x32xf32, #tpu.memory_space<vmem>>, vector<1x1x16xf32>,
        %get3A_2168 = arith.index_cast %add3A_2035 : i32 to index
        %get3A_2169 = arith.constant 16 : index
        %get3A_2170 = tpu.vector_load %arg6[%get3A_2168, %get3A_2169] {strides = array<i32>} : memref<200x32xf32, #tpu.memory_space<vmem>>, vector<1x16xf32>,
        %get3A_2171 = vector.shape_cast %get3A_2170 : vector<1x16xf32> to vector<16xf32>
        %add3A_2172 = arith.constant 0 : i32
        %add3A_2173 = arith.addi %add3A_2172, %add3A_2035 : i32
        %get3A_2174 = arith.constant 0 : i32
        %get3A_2175 = arith.index_cast %get3A_2174 : i32 to index
        %get3A_2176 = arith.index_cast %add3A_2173 : i32 to index
        %get3A_2177 = arith.constant 16 : index
        %get3A_2178 = tpu.vector_load %arg8[%get3A_2175, %get3A_2176, %get3A_2177] {strides = array<i32>} : memref<2x1600x32xf32, #tpu.memory_space<vmem>>, vector<1x1x16xf32>,
        %get3A_2179 = vector.shape_cast %get3A_2178 : vector<1x1x16xf32> to vector<16xf32>
        %add3A_2180 = arith.addf %get3A_2179, %get3A_2171 : vector<16xf32>
        %swap3A_2181 = arith.constant 0 : i32
        %swap3A_2182 = arith.index_cast %swap3A_2181 : i32 to index
        %swap3A_2183 = arith.index_cast %add3A_2173 : i32 to index
        %swap3A_2184 = arith.constant 16 : index
        %swap3A_2185 = tpu.vector_load %arg8[%swap3A_2182, %swap3A_2183, %swap3A_2184] {strides = array<i32>} : memref<2x1600x32xf32, #tpu.memory_space<vmem>>, vector<1x1x16xf32>,
        %swap3A_2186 = vector.shape_cast %swap3A_2185 : vector<1x1x16xf32> to vector<16xf32>
        %swap3A_2187 = vector.shape_cast %add3A_2180 : vector<16xf32> to vector<1x1x16xf32>
        tpu.vector_store %arg8[%swap3A_2182, %swap3A_2183, %swap3A_2184], %swap3A_2187 {strides = array<i32>} : memref<2x1600x32xf32, #tpu.memory_space<vmem>>, vector<1x1x16xf32>,
        %add3A_2188 = arith.constant 200 : i32
        %add3A_2189 = arith.addi %add3A_2188, %add3A_2035 : i32
        %get3A_2190 = arith.constant 0 : i32
        %get3A_2191 = arith.index_cast %get3A_2190 : i32 to index
        %get3A_2192 = arith.index_cast %add3A_2189 : i32 to index
        %get3A_2193 = arith.constant 16 : index
        %get3A_2194 = tpu.vector_load %arg8[%get3A_2191, %get3A_2192, %get3A_2193] {strides = array<i32>} : memref<2x1600x32xf32, #tpu.memory_space<vmem>>, vector<1x1x16xf32>,
        %get3A_2195 = vector.shape_cast %get3A_2194 : vector<1x1x16xf32> to vector<16xf32>
        %add3A_2196 = arith.addf %get3A_2195, %get3A_2171 : vector<16xf32>
        %swap3A_2197 = arith.constant 0 : i32
        %swap3A_2198 = arith.index_cast %swap3A_2197 : i32 to index
        %swap3A_2199 = arith.index_cast %add3A_2189 : i32 to index
        %swap3A_2200 = arith.constant 16 : index
        %swap3A_2201 = tpu.vector_load %arg8[%swap3A_2198, %swap3A_2199, %swap3A_2200] {strides = array<i32>} : memref<2x1600x32xf32, #tpu.memory_space<vmem>>, vector<1x1x16xf32>,
        %swap3A_2202 = vector.shape_cast %swap3A_2201 : vector<1x1x16xf32> to vector<16xf32>
        %swap3A_2203 = vector.shape_cast %add3A_2196 : vector<16xf32> to vector<1x1x16xf32>
        tpu.vector_store %arg8[%swap3A_2198, %swap3A_2199, %swap3A_2200], %swap3A_2203 {strides = array<i32>} : memref<2x1600x32xf32, #tpu.memory_space<vmem>>, vector<1x1x16xf32>,
        %add3A_2204 = arith.constant 400 : i32
        %add3A_2205 = arith.addi %add3A_2204, %add3A_2035 : i32
        %get3A_2206 = arith.constant 0 : i32
        %get3A_2207 = arith.index_cast %get3A_2206 : i32 to index
        %get3A_2208 = arith.index_cast %add3A_2205 : i32 to index
        %get3A_2209 = arith.constant 16 : index
        %get3A_2210 = tpu.vector_load %arg8[%get3A_2207, %get3A_2208, %get3A_2209] {strides = array<i32>} : memref<2x1600x32xf32, #tpu.memory_space<vmem>>, vector<1x1x16xf32>,
        %get3A_2211 = vector.shape_cast %get3A_2210 : vector<1x1x16xf32> to vector<16xf32>
        %add3A_2212 = arith.addf %get3A_2211, %get3A_2171 : vector<16xf32>
        %swap3A_2213 = arith.constant 0 : i32
        %swap3A_2214 = arith.index_cast %swap3A_2213 : i32 to index
        %swap3A_2215 = arith.index_cast %add3A_2205 : i32 to index
        %swap3A_2216 = arith.constant 16 : index
        %swap3A_2217 = tpu.vector_load %arg8[%swap3A_2214, %swap3A_2215, %swap3A_2216] {strides = array<i32>} : memref<2x1600x32xf32, #tpu.memory_space<vmem>>, vector<1x1x16xf32>,
        %swap3A_2218 = vector.shape_cast %swap3A_2217 : vector<1x1x16xf32> to vector<16xf32>
        %swap3A_2219 = vector.shape_cast %add3A_2212 : vector<16xf32> to vector<1x1x16xf32>
        tpu.vector_store %arg8[%swap3A_2214, %swap3A_2215, %swap3A_2216], %swap3A_2219 {strides = array<i32>} : memref<2x1600x32xf32, #tpu.memory_space<vmem>>, vector<1x1x16xf32>,
        %add3A_2220 = arith.constant 600 : i32
        %add3A_2221 = arith.addi %add3A_2220, %add3A_2035 : i32
        %get3A_2222 = arith.constant 0 : i32
        %get3A_2223 = arith.index_cast %get3A_2222 : i32 to index
        %get3A_2224 = arith.index_cast %add3A_2221 : i32 to index
        %get3A_2225 = arith.constant 16 : index
        %get3A_2226 = tpu.vector_load %arg8[%get3A_2223, %get3A_2224, %get3A_2225] {strides = array<i32>} : memref<2x1600x32xf32, #tpu.memory_space<vmem>>, vector<1x1x16xf32>,
        %get3A_2227 = vector.shape_cast %get3A_2226 : vector<1x1x16xf32> to vector<16xf32>
        %add3A_2228 = arith.addf %get3A_2227, %get3A_2171 : vector<16xf32>
        %swap3A_2229 = arith.constant 0 : i32
        %swap3A_2230 = arith.index_cast %swap3A_2229 : i32 to index
        %swap3A_2231 = arith.index_cast %add3A_2221 : i32 to index
        %swap3A_2232 = arith.constant 16 : index
        %swap3A_2233 = tpu.vector_load %arg8[%swap3A_2230, %swap3A_2231, %swap3A_2232] {strides = array<i32>} : memref<2x1600x32xf32, #tpu.memory_space<vmem>>, vector<1x1x16xf32>,
        %swap3A_2234 = vector.shape_cast %swap3A_2233 : vector<1x1x16xf32> to vector<16xf32>
        %swap3A_2235 = vector.shape_cast %add3A_2228 : vector<16xf32> to vector<1x1x16xf32>
        tpu.vector_store %arg8[%swap3A_2230, %swap3A_2231, %swap3A_2232], %swap3A_2235 {strides = array<i32>} : memref<2x1600x32xf32, #tpu.memory_space<vmem>>, vector<1x1x16xf32>,
        %add3A_2236 = arith.constant 800 : i32
        %add3A_2237 = arith.addi %add3A_2236, %add3A_2035 : i32
        %get3A_2238 = arith.constant 0 : i32
        %get3A_2239 = arith.index_cast %get3A_2238 : i32 to index
        %get3A_2240 = arith.index_cast %add3A_2237 : i32 to index
        %get3A_2241 = arith.constant 16 : index
        %get3A_2242 = tpu.vector_load %arg8[%get3A_2239, %get3A_2240, %get3A_2241] {strides = array<i32>} : memref<2x1600x32xf32, #tpu.memory_space<vmem>>, vector<1x1x16xf32>,
        %get3A_2243 = vector.shape_cast %get3A_2242 : vector<1x1x16xf32> to vector<16xf32>
        %add3A_2244 = arith.addf %get3A_2243, %get3A_2171 : vector<16xf32>
        %swap3A_2245 = arith.constant 0 : i32
        %swap3A_2246 = arith.index_cast %swap3A_2245 : i32 to index
        %swap3A_2247 = arith.index_cast %add3A_2237 : i32 to index
        %swap3A_2248 = arith.constant 16 : index
        %swap3A_2249 = tpu.vector_load %arg8[%swap3A_2246, %swap3A_2247, %swap3A_2248] {strides = array<i32>} : memref<2x1600x32xf32, #tpu.memory_space<vmem>>, vector<1x1x16xf32>,
        %swap3A_2250 = vector.shape_cast %swap3A_2249 : vector<1x1x16xf32> to vector<16xf32>
        %swap3A_2251 = vector.shape_cast %add3A_2244 : vector<16xf32> to vector<1x1x16xf32>
        tpu.vector_store %arg8[%swap3A_2246, %swap3A_2247, %swap3A_2248], %swap3A_2251 {strides = array<i32>} : memref<2x1600x32xf32, #tpu.memory_space<vmem>>, vector<1x1x16xf32>,
        %add3A_2252 = arith.constant 1000 : i32
        %add3A_2253 = arith.addi %add3A_2252, %add3A_2035 : i32
        %get3A_2254 = arith.constant 0 : i32
        %get3A_2255 = arith.index_cast %get3A_2254 : i32 to index
        %get3A_2256 = arith.index_cast %add3A_2253 : i32 to index
        %get3A_2257 = arith.constant 16 : index
        %get3A_2258 = tpu.vector_load %arg8[%get3A_2255, %get3A_2256, %get3A_2257] {strides = array<i32>} : memref<2x1600x32xf32, #tpu.memory_space<vmem>>, vector<1x1x16xf32>,
        %get3A_2259 = vector.shape_cast %get3A_2258 : vector<1x1x16xf32> to vector<16xf32>
        %add3A_2260 = arith.addf %get3A_2259, %get3A_2171 : vector<16xf32>
        %swap3A_2261 = arith.constant 0 : i32
        %swap3A_2262 = arith.index_cast %swap3A_2261 : i32 to index
        %swap3A_2263 = arith.index_cast %add3A_2253 : i32 to index
        %swap3A_2264 = arith.constant 16 : index
        %swap3A_2265 = tpu.vector_load %arg8[%swap3A_2262, %swap3A_2263, %swap3A_2264] {strides = array<i32>} : memref<2x1600x32xf32, #tpu.memory_space<vmem>>, vector<1x1x16xf32>,
        %swap3A_2266 = vector.shape_cast %swap3A_2265 : vector<1x1x16xf32> to vector<16xf32>
        %swap3A_2267 = vector.shape_cast %add3A_2260 : vector<16xf32> to vector<1x1x16xf32>
        tpu.vector_store %arg8[%swap3A_2262, %swap3A_2263, %swap3A_2264], %swap3A_2267 {strides = array<i32>} : memref<2x1600x32xf32, #tpu.memory_space<vmem>>, vector<1x1x16xf32>,
        %add3A_2268 = arith.constant 1200 : i32
        %add3A_2269 = arith.addi %add3A_2268, %add3A_2035 : i32
        %get3A_2270 = arith.constant 0 : i32
        %get3A_2271 = arith.index_cast %get3A_2270 : i32 to index
        %get3A_2272 = arith.index_cast %add3A_2269 : i32 to index
        %get3A_2273 = arith.constant 16 : index
        %get3A_2274 = tpu.vector_load %arg8[%get3A_2271, %get3A_2272, %get3A_2273] {strides = array<i32>} : memref<2x1600x32xf32, #tpu.memory_space<vmem>>, vector<1x1x16xf32>,
        %get3A_2275 = vector.shape_cast %get3A_2274 : vector<1x1x16xf32> to vector<16xf32>
        %add3A_2276 = arith.addf %get3A_2275, %get3A_2171 : vector<16xf32>
        %swap3A_2277 = arith.constant 0 : i32
        %swap3A_2278 = arith.index_cast %swap3A_2277 : i32 to index
        %swap3A_2279 = arith.index_cast %add3A_2269 : i32 to index
        %swap3A_2280 = arith.constant 16 : index
        %swap3A_2281 = tpu.vector_load %arg8[%swap3A_2278, %swap3A_2279, %swap3A_2280] {strides = array<i32>} : memref<2x1600x32xf32, #tpu.memory_space<vmem>>, vector<1x1x16xf32>,
        %swap3A_2282 = vector.shape_cast %swap3A_2281 : vector<1x1x16xf32> to vector<16xf32>
        %swap3A_2283 = vector.shape_cast %add3A_2276 : vector<16xf32> to vector<1x1x16xf32>
        tpu.vector_store %arg8[%swap3A_2278, %swap3A_2279, %swap3A_2280], %swap3A_2283 {strides = array<i32>} : memref<2x1600x32xf32, #tpu.memory_space<vmem>>, vector<1x1x16xf32>,
        %add3A_2284 = arith.constant 1400 : i32
        %add3A_2285 = arith.addi %add3A_2284, %add3A_2035 : i32
        %get3A_2286 = arith.constant 0 : i32
        %get3A_2287 = arith.index_cast %get3A_2286 : i32 to index
        %get3A_2288 = arith.index_cast %add3A_2285 : i32 to index
        %get3A_2289 = arith.constant 16 : index
        %get3A_2290 = tpu.vector_load %arg8[%get3A_2287, %get3A_2288, %get3A_2289] {strides = array<i32>} : memref<2x1600x32xf32, #tpu.memory_space<vmem>>, vector<1x1x16xf32>,
        %get3A_2291 = vector.shape_cast %get3A_2290 : vector<1x1x16xf32> to vector<16xf32>
        %add3A_2292 = arith.addf %get3A_2291, %get3A_2171 : vector<16xf32>
        %swap3A_2293 = arith.constant 0 : i32
        %swap3A_2294 = arith.index_cast %swap3A_2293 : i32 to index
        %swap3A_2295 = arith.index_cast %add3A_2285 : i32 to index
        %swap3A_2296 = arith.constant 16 : index
        %swap3A_2297 = tpu.vector_load %arg8[%swap3A_2294, %swap3A_2295, %swap3A_2296] {strides = array<i32>} : memref<2x1600x32xf32, #tpu.memory_space<vmem>>, vector<1x1x16xf32>,
        %swap3A_2298 = vector.shape_cast %swap3A_2297 : vector<1x1x16xf32> to vector<16xf32>
        %swap3A_2299 = vector.shape_cast %add3A_2292 : vector<16xf32> to vector<1x1x16xf32>
        tpu.vector_store %arg8[%swap3A_2294, %swap3A_2295, %swap3A_2296], %swap3A_2299 {strides = array<i32>} : memref<2x1600x32xf32, #tpu.memory_space<vmem>>, vector<1x1x16xf32>,
      }
      %scan3A_96 = arith.constant 25 : i32
      %dma_start3A_97 = arith.constant 0 : i32
      %dma_start3A_98 = arith.constant 0 : i32
      %dma_start3A_99 = arith.constant 0 : i32
      %dma_start3A_100 = tpu.memref_slice %arg8[%dma_start3A_97, %dma_start3A_98, %dma_start3A_99] : memref<2x1600x32xf32, #tpu.memory_space<vmem>> -> memref<1x1600x32xf32, #tpu.memory_space<vmem>>
      %dma_start3A_101 = tpu.memref_squeeze %dma_start3A_100 : memref<1x1600x32xf32, #tpu.memory_space<vmem>> -> memref<1600x32xf32, #tpu.memory_space<vmem>>
      %dma_start3A_102 = arith.constant 0 : i32
      %dma_start3A_103 = tpu.memref_slice %arg5[%add3A_78, %dma_start3A_102] : memref<819200x32xf32, #tpu.memory_space<hbm>> -> memref<1600x32xf32, #tpu.memory_space<hbm>>
      %dma_start3A_104 = arith.constant 0 : i32
      %dma_start3A_105 = tpu.memref_slice %arg5[%add3A_78, %dma_start3A_104] : memref<819200x32xf32, #tpu.memory_space<hbm>> -> memref<1600x32xf32, #tpu.memory_space<hbm>>
      %dma_start3A_106 = arith.constant 0 : i32
      %dma_start3A_107 = arith.constant 0 : i32
      %dma_start3A_108 = tpu.memref_slice %arg8[%dma_start3A_97, %dma_start3A_106, %dma_start3A_107] : memref<2x1600x32xf32, #tpu.memory_space<vmem>> -> memref<1x1600x32xf32, #tpu.memory_space<vmem>>
      %dma_start3A_109 = tpu.memref_squeeze %dma_start3A_108 : memref<1x1600x32xf32, #tpu.memory_space<vmem>> -> memref<1600x32xf32, #tpu.memory_space<vmem>>
      tpu.enqueue_dma source(%dma_start3A_109 : memref<1600x32xf32, #tpu.memory_space<vmem>>) target(%dma_start3A_105 : memref<1600x32xf32, #tpu.memory_space<hbm>>) target_semaphore(%arg11 : memref<!tpu.dma_semaphore, #tpu.memory_space<semaphore_mem>>)
      %lt3A = arith.constant 7 : i32
      %lt3A_110 = arith.cmpi slt, %scan3A_69, %lt3A : i32
      %convert_element_type3A = arith.extui %lt3A_110 : i1 to i32
      %cond3A = arith.constant 0 : i32
      %cond3A_111 = arith.cmpi ne, %convert_element_type3A, %cond3A : i32
      scf.if %cond3A_111 {
        %add3A_157 = arith.constant 3200 : i32
        %add3A_158 = arith.addi %add3A_78, %add3A_157 : i32
        %run_scoped3A_159 = arith.constant 0 : i32
        "tpu.region"() ({
          %run_scoped3A_185 = tpu.sem_alloc : memref<!tpu.dma_semaphore, #tpu.memory_space<semaphore_mem>>
          %dma_start3A_186 = arith.constant 0 : i32
          %dma_start3A_187 = tpu.memref_slice %arg7[%run_scoped3A_159, %dma_start3A_186] : memref<2x1600xi32, #tpu.memory_space<vmem>> -> memref<1x1600xi32, #tpu.memory_space<vmem>>
          %dma_start3A_188 = tpu.memref_squeeze %dma_start3A_187 : memref<1x1600xi32, #tpu.memory_space<vmem>> -> memref<1600xi32, #tpu.memory_space<vmem>>
          %dma_start3A_189 = tpu.memref_slice %arg2[%add3A_158] : memref<819200xi32, #tpu.memory_space<hbm>> -> memref<1600xi32, #tpu.memory_space<hbm>>
          %dma_start3A_190 = arith.constant 0 : i32
          %dma_start3A_191 = tpu.memref_slice %arg7[%run_scoped3A_159, %dma_start3A_190] : memref<2x1600xi32, #tpu.memory_space<vmem>> -> memref<1x1600xi32, #tpu.memory_space<vmem>>
          %dma_start3A_192 = tpu.memref_squeeze %dma_start3A_191 : memref<1x1600xi32, #tpu.memory_space<vmem>> -> memref<1600xi32, #tpu.memory_space<vmem>>
          %dma_start3A_193 = tpu.memref_slice %arg2[%add3A_158] : memref<819200xi32, #tpu.memory_space<hbm>> -> memref<1600xi32, #tpu.memory_space<hbm>>
          tpu.enqueue_dma source(%dma_start3A_193 : memref<1600xi32, #tpu.memory_space<hbm>>) target(%dma_start3A_192 : memref<1600xi32, #tpu.memory_space<vmem>>) target_semaphore(%run_scoped3A_185 : memref<!tpu.dma_semaphore, #tpu.memory_space<semaphore_mem>>)
          %dma_wait3A_194 = arith.constant 0 : i32
          %dma_wait3A_195 = tpu.memref_slice %arg7[%run_scoped3A_159, %dma_wait3A_194] : memref<2x1600xi32, #tpu.memory_space<vmem>> -> memref<1x1600xi32, #tpu.memory_space<vmem>>
          %dma_wait3A_196 = tpu.memref_squeeze %dma_wait3A_195 : memref<1x1600xi32, #tpu.memory_space<vmem>> -> memref<1600xi32, #tpu.memory_space<vmem>>
          %dma_wait3A_197 = tpu.memref_slice %arg2[%add3A_158] : memref<819200xi32, #tpu.memory_space<hbm>> -> memref<1600xi32, #tpu.memory_space<hbm>>
          %dma_wait3A_198 = arith.constant 0 : i32
          %dma_wait3A_199 = tpu.memref_slice %arg7[%run_scoped3A_159, %dma_wait3A_198] : memref<2x1600xi32, #tpu.memory_space<vmem>> -> memref<1x1600xi32, #tpu.memory_space<vmem>>
          %dma_wait3A_200 = tpu.memref_squeeze %dma_wait3A_199 : memref<1x1600xi32, #tpu.memory_space<vmem>> -> memref<1600xi32, #tpu.memory_space<vmem>>
          %dma_wait3A_201 = tpu.memref_slice %arg2[%add3A_158] : memref<819200xi32, #tpu.memory_space<hbm>> -> memref<1600xi32, #tpu.memory_space<hbm>>
          tpu.wait_dma2 semaphore(%run_scoped3A_185 : memref<!tpu.dma_semaphore, #tpu.memory_space<semaphore_mem>>) src(%dma_wait3A_201 : memref<1600xi32, #tpu.memory_space<hbm>>) dst(%dma_wait3A_200 : memref<1600xi32, #tpu.memory_space<vmem>>)
          tpu.yield
        }) : () -> ()
        %dma_wait3A_160 = arith.constant 0 : i32
        %dma_wait3A_161 = arith.constant 0 : i32
        %dma_wait3A_162 = arith.constant 0 : i32
        %dma_wait3A_163 = tpu.memref_slice %arg8[%dma_wait3A_160, %dma_wait3A_161, %dma_wait3A_162] : memref<2x1600x32xf32, #tpu.memory_space<vmem>> -> memref<1x1600x32xf32, #tpu.memory_space<vmem>>
        %dma_wait3A_164 = tpu.memref_squeeze %dma_wait3A_163 : memref<1x1600x32xf32, #tpu.memory_space<vmem>> -> memref<1600x32xf32, #tpu.memory_space<vmem>>
        %dma_wait3A_165 = arith.constant 0 : i32
        %dma_wait3A_166 = tpu.memref_slice %arg5[%add3A_78, %dma_wait3A_165] : memref<819200x32xf32, #tpu.memory_space<hbm>> -> memref<1600x32xf32, #tpu.memory_space<hbm>>
        %dma_wait3A_167 = arith.constant 0 : i32
        %dma_wait3A_168 = tpu.memref_slice %arg5[%add3A_78, %dma_wait3A_167] : memref<819200x32xf32, #tpu.memory_space<hbm>> -> memref<1600x32xf32, #tpu.memory_space<hbm>>
        %dma_wait3A_169 = arith.constant 0 : i32
        %dma_wait3A_170 = arith.constant 0 : i32
        %dma_wait3A_171 = tpu.memref_slice %arg8[%dma_wait3A_160, %dma_wait3A_169, %dma_wait3A_170] : memref<2x1600x32xf32, #tpu.memory_space<vmem>> -> memref<1x1600x32xf32, #tpu.memory_space<vmem>>
        %dma_wait3A_172 = tpu.memref_squeeze %dma_wait3A_171 : memref<1x1600x32xf32, #tpu.memory_space<vmem>> -> memref<1600x32xf32, #tpu.memory_space<vmem>>
        tpu.wait_dma2 semaphore(%arg11 : memref<!tpu.dma_semaphore, #tpu.memory_space<semaphore_mem>>) src(%dma_wait3A_172 : memref<1600x32xf32, #tpu.memory_space<vmem>>) dst(%dma_wait3A_168 : memref<1600x32xf32, #tpu.memory_space<hbm>>)
        %dma_start3A_173 = arith.constant 0 : i32
        %dma_start3A_174 = arith.constant 0 : i32
        %dma_start3A_175 = arith.constant 0 : i32
        %dma_start3A_176 = arith.constant 0 : i32
        %dma_start3A_177 = tpu.memref_slice %arg8[%dma_start3A_174, %dma_start3A_175, %dma_start3A_176] : memref<2x1600x32xf32, #tpu.memory_space<vmem>> -> memref<1x1600x32xf32, #tpu.memory_space<vmem>>
        %dma_start3A_178 = tpu.memref_squeeze %dma_start3A_177 : memref<1x1600x32xf32, #tpu.memory_space<vmem>> -> memref<1600x32xf32, #tpu.memory_space<vmem>>
        %dma_start3A_179 = arith.constant 0 : i32
        %dma_start3A_180 = tpu.memref_slice %arg7[%dma_start3A_173, %dma_start3A_179] : memref<2x1600xi32, #tpu.memory_space<vmem>> -> memref<1x1600xi32, #tpu.memory_space<vmem>>
        %dma_start3A_181 = tpu.memref_squeeze %dma_start3A_180 : memref<1x1600xi32, #tpu.memory_space<vmem>> -> memref<1600xi32, #tpu.memory_space<vmem>>
        %dma_start3A_182 = arith.constant 0 : i32
        %dma_start3A_183 = arith.constant 0 : i32
        %dma_start3A_184 = tpu.memref_slice %arg3[%dma_start3A_182, %dma_start3A_183] : memref<1000000x32xf32, #tpu.memory_space<hbm>> -> memref<1000000x32xf32, #tpu.memory_space<hbm>>
        tpu.enqueue_indirect_dma source(%dma_start3A_184 : memref<1000000x32xf32, #tpu.memory_space<hbm>>) target(%dma_start3A_178 : memref<1600x32xf32, #tpu.memory_space<vmem>>) offsets(%dma_start3A_181 : memref<1600xi32, #tpu.memory_space<vmem>>) semaphore(%arg9 : memref<!tpu.dma_semaphore, #tpu.memory_space<semaphore_mem>>)
      } else {
      }
      %mul3A_112 = arith.constant 2 : i32
      %mul3A_113 = arith.muli %scan3A_69, %mul3A_112 : i32
      %add3A_114 = arith.constant 1 : i32
      %add3A_115 = arith.addi %mul3A_113, %add3A_114 : i32
      %mul3A_116 = arith.constant 200 : i32
      %mul3A_117 = arith.muli %mul3A_2, %mul3A_116 : i32
      %mul3A_118 = arith.constant 1600 : i32
      %mul3A_119 = arith.muli %add3A_115, %mul3A_118 : i32
      %add3A_120 = arith.addi %mul3A_117, %mul3A_119 : i32
      %dma_wait3A_121 = arith.constant 1 : i32
      %dma_wait3A_122 = arith.constant 1 : i32
      %dma_wait3A_123 = arith.constant 0 : i32
      %dma_wait3A_124 = arith.constant 0 : i32
      %dma_wait3A_125 = tpu.memref_slice %arg8[%dma_wait3A_122, %dma_wait3A_123, %dma_wait3A_124] : memref<2x1600x32xf32, #tpu.memory_space<vmem>> -> memref<1x1600x32xf32, #tpu.memory_space<vmem>>
      %dma_wait3A_126 = tpu.memref_squeeze %dma_wait3A_125 : memref<1x1600x32xf32, #tpu.memory_space<vmem>> -> memref<1600x32xf32, #tpu.memory_space<vmem>>
      %dma_wait3A_127 = arith.constant 0 : i32
      %dma_wait3A_128 = tpu.memref_slice %arg7[%dma_wait3A_121, %dma_wait3A_127] : memref<2x1600xi32, #tpu.memory_space<vmem>> -> memref<1x1600xi32, #tpu.memory_space<vmem>>
      %dma_wait3A_129 = tpu.memref_squeeze %dma_wait3A_128 : memref<1x1600xi32, #tpu.memory_space<vmem>> -> memref<1600xi32, #tpu.memory_space<vmem>>
      %dma_wait3A_130 = arith.constant 0 : i32
      %dma_wait3A_131 = arith.constant 0 : i32
      %dma_wait3A_132 = tpu.memref_slice %arg3[%dma_wait3A_130, %dma_wait3A_131] : memref<1000000x32xf32, #tpu.memory_space<hbm>> -> memref<1000000x32xf32, #tpu.memory_space<hbm>>
      tpu.wait_indirect_dma semaphore(%arg10 : memref<!tpu.dma_semaphore, #tpu.memory_space<semaphore_mem>>) src(%dma_wait3A_132 : memref<1000000x32xf32, #tpu.memory_space<hbm>>) dst(%dma_wait3A_126 : memref<1600x32xf32, #tpu.memory_space<vmem>>)
      %scan3A_133 = arith.constant 0 : i32
      %scan3A_134 = arith.constant 0 : i32
      %scan3A_135 = arith.constant 25 : i32
      %scan3A_136 = arith.addi %scan3A_134, %scan3A_135 : i32
      %scan3A_137 = arith.constant 1 : i32
      scf.for %scan3A_157 = %scan3A_134 to %scan3A_136 step %scan3A_137  : i32 {
        %mul3A_158 = arith.constant 8 : i32
        %mul3A_159 = arith.muli %scan3A_157, %mul3A_158 : i32
        %add3A_160 = arith.constant 0 : i32
        %add3A_161 = arith.addi %mul3A_159, %add3A_160 : i32
        %get3A = arith.index_cast %add3A_161 : i32 to index
        %get3A_162 = arith.constant 0 : index
        %get3A_163 = tpu.vector_load %arg6[%get3A, %get3A_162] {strides = array<i32>} : memref<200x32xf32, #tpu.memory_space<vmem>>, vector<1x16xf32>,
        %get3A_164 = vector.shape_cast %get3A_163 : vector<1x16xf32> to vector<16xf32>
        %add3A_165 = arith.constant 0 : i32
        %add3A_166 = arith.addi %add3A_165, %add3A_161 : i32
        %get3A_167 = arith.constant 1 : i32
        %get3A_168 = arith.index_cast %get3A_167 : i32 to index
        %get3A_169 = arith.index_cast %add3A_166 : i32 to index
        %get3A_170 = arith.constant 0 : index
        %get3A_171 = tpu.vector_load %arg8[%get3A_168, %get3A_169, %get3A_170] {strides = array<i32>} : memref<2x1600x32xf32, #tpu.memory_space<vmem>>, vector<1x1x16xf32>,
        %get3A_172 = vector.shape_cast %get3A_171 : vector<1x1x16xf32> to vector<16xf32>
        %add3A_173 = arith.addf %get3A_172, %get3A_164 : vector<16xf32>
        %swap3A = arith.constant 1 : i32
        %swap3A_174 = arith.index_cast %swap3A : i32 to index
        %swap3A_175 = arith.index_cast %add3A_166 : i32 to index
        %swap3A_176 = arith.constant 0 : index
        %swap3A_177 = tpu.vector_load %arg8[%swap3A_174, %swap3A_175, %swap3A_176] {strides = array<i32>} : memref<2x1600x32xf32, #tpu.memory_space<vmem>>, vector<1x1x16xf32>,
        %swap3A_178 = vector.shape_cast %swap3A_177 : vector<1x1x16xf32> to vector<16xf32>
        %swap3A_179 = vector.shape_cast %add3A_173 : vector<16xf32> to vector<1x1x16xf32>
        tpu.vector_store %arg8[%swap3A_174, %swap3A_175, %swap3A_176], %swap3A_179 {strides = array<i32>} : memref<2x1600x32xf32, #tpu.memory_space<vmem>>, vector<1x1x16xf32>,
        %add3A_180 = arith.constant 200 : i32
        %add3A_181 = arith.addi %add3A_180, %add3A_161 : i32
        %get3A_182 = arith.constant 1 : i32
        %get3A_183 = arith.index_cast %get3A_182 : i32 to index
        %get3A_184 = arith.index_cast %add3A_181 : i32 to index
        %get3A_185 = arith.constant 0 : index
        %get3A_186 = tpu.vector_load %arg8[%get3A_183, %get3A_184, %get3A_185] {strides = array<i32>} : memref<2x1600x32xf32, #tpu.memory_space<vmem>>, vector<1x1x16xf32>,
        %get3A_187 = vector.shape_cast %get3A_186 : vector<1x1x16xf32> to vector<16xf32>
        %add3A_188 = arith.addf %get3A_187, %get3A_164 : vector<16xf32>
        %swap3A_189 = arith.constant 1 : i32
        %swap3A_190 = arith.index_cast %swap3A_189 : i32 to index
        %swap3A_191 = arith.index_cast %add3A_181 : i32 to index
        %swap3A_192 = arith.constant 0 : index
        %swap3A_193 = tpu.vector_load %arg8[%swap3A_190, %swap3A_191, %swap3A_192] {strides = array<i32>} : memref<2x1600x32xf32, #tpu.memory_space<vmem>>, vector<1x1x16xf32>,
        %swap3A_194 = vector.shape_cast %swap3A_193 : vector<1x1x16xf32> to vector<16xf32>
        %swap3A_195 = vector.shape_cast %add3A_188 : vector<16xf32> to vector<1x1x16xf32>
        tpu.vector_store %arg8[%swap3A_190, %swap3A_191, %swap3A_192], %swap3A_195 {strides = array<i32>} : memref<2x1600x32xf32, #tpu.memory_space<vmem>>, vector<1x1x16xf32>,
        %add3A_196 = arith.constant 400 : i32
        %add3A_197 = arith.addi %add3A_196, %add3A_161 : i32
        %get3A_198 = arith.constant 1 : i32
        %get3A_199 = arith.index_cast %get3A_198 : i32 to index
        %get3A_200 = arith.index_cast %add3A_197 : i32 to index
        %get3A_201 = arith.constant 0 : index
        %get3A_202 = tpu.vector_load %arg8[%get3A_199, %get3A_200, %get3A_201] {strides = array<i32>} : memref<2x1600x32xf32, #tpu.memory_space<vmem>>, vector<1x1x16xf32>,
        %get3A_203 = vector.shape_cast %get3A_202 : vector<1x1x16xf32> to vector<16xf32>
        %add3A_204 = arith.addf %get3A_203, %get3A_164 : vector<16xf32>
        %swap3A_205 = arith.constant 1 : i32
        %swap3A_206 = arith.index_cast %swap3A_205 : i32 to index
        %swap3A_207 = arith.index_cast %add3A_197 : i32 to index
        %swap3A_208 = arith.constant 0 : index
        %swap3A_209 = tpu.vector_load %arg8[%swap3A_206, %swap3A_207, %swap3A_208] {strides = array<i32>} : memref<2x1600x32xf32, #tpu.memory_space<vmem>>, vector<1x1x16xf32>,
        %swap3A_210 = vector.shape_cast %swap3A_209 : vector<1x1x16xf32> to vector<16xf32>
        %swap3A_211 = vector.shape_cast %add3A_204 : vector<16xf32> to vector<1x1x16xf32>
        tpu.vector_store %arg8[%swap3A_206, %swap3A_207, %swap3A_208], %swap3A_211 {strides = array<i32>} : memref<2x1600x32xf32, #tpu.memory_space<vmem>>, vector<1x1x16xf32>,
        %add3A_212 = arith.constant 600 : i32
        %add3A_213 = arith.addi %add3A_212, %add3A_161 : i32
        %get3A_214 = arith.constant 1 : i32
        %get3A_215 = arith.index_cast %get3A_214 : i32 to index
        %get3A_216 = arith.index_cast %add3A_213 : i32 to index
        %get3A_217 = arith.constant 0 : index
        %get3A_218 = tpu.vector_load %arg8[%get3A_215, %get3A_216, %get3A_217] {strides = array<i32>} : memref<2x1600x32xf32, #tpu.memory_space<vmem>>, vector<1x1x16xf32>,
        %get3A_219 = vector.shape_cast %get3A_218 : vector<1x1x16xf32> to vector<16xf32>
        %add3A_220 = arith.addf %get3A_219, %get3A_164 : vector<16xf32>
        %swap3A_221 = arith.constant 1 : i32
        %swap3A_222 = arith.index_cast %swap3A_221 : i32 to index
        %swap3A_223 = arith.index_cast %add3A_213 : i32 to index
        %swap3A_224 = arith.constant 0 : index
        %swap3A_225 = tpu.vector_load %arg8[%swap3A_222, %swap3A_223, %swap3A_224] {strides = array<i32>} : memref<2x1600x32xf32, #tpu.memory_space<vmem>>, vector<1x1x16xf32>,
        %swap3A_226 = vector.shape_cast %swap3A_225 : vector<1x1x16xf32> to vector<16xf32>
        %swap3A_227 = vector.shape_cast %add3A_220 : vector<16xf32> to vector<1x1x16xf32>
        tpu.vector_store %arg8[%swap3A_222, %swap3A_223, %swap3A_224], %swap3A_227 {strides = array<i32>} : memref<2x1600x32xf32, #tpu.memory_space<vmem>>, vector<1x1x16xf32>,
        %add3A_228 = arith.constant 800 : i32
        %add3A_229 = arith.addi %add3A_228, %add3A_161 : i32
        %get3A_230 = arith.constant 1 : i32
        %get3A_231 = arith.index_cast %get3A_230 : i32 to index
        %get3A_232 = arith.index_cast %add3A_229 : i32 to index
        %get3A_233 = arith.constant 0 : index
        %get3A_234 = tpu.vector_load %arg8[%get3A_231, %get3A_232, %get3A_233] {strides = array<i32>} : memref<2x1600x32xf32, #tpu.memory_space<vmem>>, vector<1x1x16xf32>,
        %get3A_235 = vector.shape_cast %get3A_234 : vector<1x1x16xf32> to vector<16xf32>
        %add3A_236 = arith.addf %get3A_235, %get3A_164 : vector<16xf32>
        %swap3A_237 = arith.constant 1 : i32
        %swap3A_238 = arith.index_cast %swap3A_237 : i32 to index
        %swap3A_239 = arith.index_cast %add3A_229 : i32 to index
        %swap3A_240 = arith.constant 0 : index
        %swap3A_241 = tpu.vector_load %arg8[%swap3A_238, %swap3A_239, %swap3A_240] {strides = array<i32>} : memref<2x1600x32xf32, #tpu.memory_space<vmem>>, vector<1x1x16xf32>,
        %swap3A_242 = vector.shape_cast %swap3A_241 : vector<1x1x16xf32> to vector<16xf32>
        %swap3A_243 = vector.shape_cast %add3A_236 : vector<16xf32> to vector<1x1x16xf32>
        tpu.vector_store %arg8[%swap3A_238, %swap3A_239, %swap3A_240], %swap3A_243 {strides = array<i32>} : memref<2x1600x32xf32, #tpu.memory_space<vmem>>, vector<1x1x16xf32>,
        %add3A_244 = arith.constant 1000 : i32
        %add3A_245 = arith.addi %add3A_244, %add3A_161 : i32
        %get3A_246 = arith.constant 1 : i32
        %get3A_247 = arith.index_cast %get3A_246 : i32 to index
        %get3A_248 = arith.index_cast %add3A_245 : i32 to index
        %get3A_249 = arith.constant 0 : index
        %get3A_250 = tpu.vector_load %arg8[%get3A_247, %get3A_248, %get3A_249] {strides = array<i32>} : memref<2x1600x32xf32, #tpu.memory_space<vmem>>, vector<1x1x16xf32>,
        %get3A_251 = vector.shape_cast %get3A_250 : vector<1x1x16xf32> to vector<16xf32>
        %add3A_252 = arith.addf %get3A_251, %get3A_164 : vector<16xf32>
        %swap3A_253 = arith.constant 1 : i32
        %swap3A_254 = arith.index_cast %swap3A_253 : i32 to index
        %swap3A_255 = arith.index_cast %add3A_245 : i32 to index
        %swap3A_256 = arith.constant 0 : index
        %swap3A_257 = tpu.vector_load %arg8[%swap3A_254, %swap3A_255, %swap3A_256] {strides = array<i32>} : memref<2x1600x32xf32, #tpu.memory_space<vmem>>, vector<1x1x16xf32>,
        %swap3A_258 = vector.shape_cast %swap3A_257 : vector<1x1x16xf32> to vector<16xf32>
        %swap3A_259 = vector.shape_cast %add3A_252 : vector<16xf32> to vector<1x1x16xf32>
        tpu.vector_store %arg8[%swap3A_254, %swap3A_255, %swap3A_256], %swap3A_259 {strides = array<i32>} : memref<2x1600x32xf32, #tpu.memory_space<vmem>>, vector<1x1x16xf32>,
        %add3A_260 = arith.constant 1200 : i32
        %add3A_261 = arith.addi %add3A_260, %add3A_161 : i32
        %get3A_262 = arith.constant 1 : i32
        %get3A_263 = arith.index_cast %get3A_262 : i32 to index
        %get3A_264 = arith.index_cast %add3A_261 : i32 to index
        %get3A_265 = arith.constant 0 : index
        %get3A_266 = tpu.vector_load %arg8[%get3A_263, %get3A_264, %get3A_265] {strides = array<i32>} : memref<2x1600x32xf32, #tpu.memory_space<vmem>>, vector<1x1x16xf32>,
        %get3A_267 = vector.shape_cast %get3A_266 : vector<1x1x16xf32> to vector<16xf32>
        %add3A_268 = arith.addf %get3A_267, %get3A_164 : vector<16xf32>
        %swap3A_269 = arith.constant 1 : i32
        %swap3A_270 = arith.index_cast %swap3A_269 : i32 to index
        %swap3A_271 = arith.index_cast %add3A_261 : i32 to index
        %swap3A_272 = arith.constant 0 : index
        %swap3A_273 = tpu.vector_load %arg8[%swap3A_270, %swap3A_271, %swap3A_272] {strides = array<i32>} : memref<2x1600x32xf32, #tpu.memory_space<vmem>>, vector<1x1x16xf32>,
        %swap3A_274 = vector.shape_cast %swap3A_273 : vector<1x1x16xf32> to vector<16xf32>
        %swap3A_275 = vector.shape_cast %add3A_268 : vector<16xf32> to vector<1x1x16xf32>
        tpu.vector_store %arg8[%swap3A_270, %swap3A_271, %swap3A_272], %swap3A_275 {strides = array<i32>} : memref<2x1600x32xf32, #tpu.memory_space<vmem>>, vector<1x1x16xf32>,
        %add3A_276 = arith.constant 1400 : i32
        %add3A_277 = arith.addi %add3A_276, %add3A_161 : i32
        %get3A_278 = arith.constant 1 : i32
        %get3A_279 = arith.index_cast %get3A_278 : i32 to index
        %get3A_280 = arith.index_cast %add3A_277 : i32 to index
        %get3A_281 = arith.constant 0 : index
        %get3A_282 = tpu.vector_load %arg8[%get3A_279, %get3A_280, %get3A_281] {strides = array<i32>} : memref<2x1600x32xf32, #tpu.memory_space<vmem>>, vector<1x1x16xf32>,
        %get3A_283 = vector.shape_cast %get3A_282 : vector<1x1x16xf32> to vector<16xf32>
        %add3A_284 = arith.addf %get3A_283, %get3A_164 : vector<16xf32>
        %swap3A_285 = arith.constant 1 : i32
        %swap3A_286 = arith.index_cast %swap3A_285 : i32 to index
        %swap3A_287 = arith.index_cast %add3A_277 : i32 to index
        %swap3A_288 = arith.constant 0 : index
        %swap3A_289 = tpu.vector_load %arg8[%swap3A_286, %swap3A_287, %swap3A_288] {strides = array<i32>} : memref<2x1600x32xf32, #tpu.memory_space<vmem>>, vector<1x1x16xf32>,
        %swap3A_290 = vector.shape_cast %swap3A_289 : vector<1x1x16xf32> to vector<16xf32>
        %swap3A_291 = vector.shape_cast %add3A_284 : vector<16xf32> to vector<1x1x16xf32>
        tpu.vector_store %arg8[%swap3A_286, %swap3A_287, %swap3A_288], %swap3A_291 {strides = array<i32>} : memref<2x1600x32xf32, #tpu.memory_space<vmem>>, vector<1x1x16xf32>,
        %get3A_292 = arith.index_cast %add3A_161 : i32 to index
        %get3A_293 = arith.constant 16 : index
        %get3A_294 = tpu.vector_load %arg6[%get3A_292, %get3A_293] {strides = array<i32>} : memref<200x32xf32, #tpu.memory_space<vmem>>, vector<1x16xf32>,
        %get3A_295 = vector.shape_cast %get3A_294 : vector<1x16xf32> to vector<16xf32>
        %add3A_296 = arith.constant 0 : i32
        %add3A_297 = arith.addi %add3A_296, %add3A_161 : i32
        %get3A_298 = arith.constant 1 : i32
        %get3A_299 = arith.index_cast %get3A_298 : i32 to index
        %get3A_300 = arith.index_cast %add3A_297 : i32 to index
        %get3A_301 = arith.constant 16 : index
        %get3A_302 = tpu.vector_load %arg8[%get3A_299, %get3A_300, %get3A_301] {strides = array<i32>} : memref<2x1600x32xf32, #tpu.memory_space<vmem>>, vector<1x1x16xf32>,
        %get3A_303 = vector.shape_cast %get3A_302 : vector<1x1x16xf32> to vector<16xf32>
        %add3A_304 = arith.addf %get3A_303, %get3A_295 : vector<16xf32>
        %swap3A_305 = arith.constant 1 : i32
        %swap3A_306 = arith.index_cast %swap3A_305 : i32 to index
        %swap3A_307 = arith.index_cast %add3A_297 : i32 to index
        %swap3A_308 = arith.constant 16 : index
        %swap3A_309 = tpu.vector_load %arg8[%swap3A_306, %swap3A_307, %swap3A_308] {strides = array<i32>} : memref<2x1600x32xf32, #tpu.memory_space<vmem>>, vector<1x1x16xf32>,
        %swap3A_310 = vector.shape_cast %swap3A_309 : vector<1x1x16xf32> to vector<16xf32>
        %swap3A_311 = vector.shape_cast %add3A_304 : vector<16xf32> to vector<1x1x16xf32>
        tpu.vector_store %arg8[%swap3A_306, %swap3A_307, %swap3A_308], %swap3A_311 {strides = array<i32>} : memref<2x1600x32xf32, #tpu.memory_space<vmem>>, vector<1x1x16xf32>,
        %add3A_312 = arith.constant 200 : i32
        %add3A_313 = arith.addi %add3A_312, %add3A_161 : i32
        %get3A_314 = arith.constant 1 : i32
        %get3A_315 = arith.index_cast %get3A_314 : i32 to index
        %get3A_316 = arith.index_cast %add3A_313 : i32 to index
        %get3A_317 = arith.constant 16 : index
        %get3A_318 = tpu.vector_load %arg8[%get3A_315, %get3A_316, %get3A_317] {strides = array<i32>} : memref<2x1600x32xf32, #tpu.memory_space<vmem>>, vector<1x1x16xf32>,
        %get3A_319 = vector.shape_cast %get3A_318 : vector<1x1x16xf32> to vector<16xf32>
        %add3A_320 = arith.addf %get3A_319, %get3A_295 : vector<16xf32>
        %swap3A_321 = arith.constant 1 : i32
        %swap3A_322 = arith.index_cast %swap3A_321 : i32 to index
        %swap3A_323 = arith.index_cast %add3A_313 : i32 to index
        %swap3A_324 = arith.constant 16 : index
        %swap3A_325 = tpu.vector_load %arg8[%swap3A_322, %swap3A_323, %swap3A_324] {strides = array<i32>} : memref<2x1600x32xf32, #tpu.memory_space<vmem>>, vector<1x1x16xf32>,
        %swap3A_326 = vector.shape_cast %swap3A_325 : vector<1x1x16xf32> to vector<16xf32>
        %swap3A_327 = vector.shape_cast %add3A_320 : vector<16xf32> to vector<1x1x16xf32>
        tpu.vector_store %arg8[%swap3A_322, %swap3A_323, %swap3A_324], %swap3A_327 {strides = array<i32>} : memref<2x1600x32xf32, #tpu.memory_space<vmem>>, vector<1x1x16xf32>,
        %add3A_328 = arith.constant 400 : i32
        %add3A_329 = arith.addi %add3A_328, %add3A_161 : i32
        %get3A_330 = arith.constant 1 : i32
        %get3A_331 = arith.index_cast %get3A_330 : i32 to index
        %get3A_332 = arith.index_cast %add3A_329 : i32 to index
        %get3A_333 = arith.constant 16 : index
        %get3A_334 = tpu.vector_load %arg8[%get3A_331, %get3A_332, %get3A_333] {strides = array<i32>} : memref<2x1600x32xf32, #tpu.memory_space<vmem>>, vector<1x1x16xf32>,
        %get3A_335 = vector.shape_cast %get3A_334 : vector<1x1x16xf32> to vector<16xf32>
        %add3A_336 = arith.addf %get3A_335, %get3A_295 : vector<16xf32>
        %swap3A_337 = arith.constant 1 : i32
        %swap3A_338 = arith.index_cast %swap3A_337 : i32 to index
        %swap3A_339 = arith.index_cast %add3A_329 : i32 to index
        %swap3A_340 = arith.constant 16 : index
        %swap3A_341 = tpu.vector_load %arg8[%swap3A_338, %swap3A_339, %swap3A_340] {strides = array<i32>} : memref<2x1600x32xf32, #tpu.memory_space<vmem>>, vector<1x1x16xf32>,
        %swap3A_342 = vector.shape_cast %swap3A_341 : vector<1x1x16xf32> to vector<16xf32>
        %swap3A_343 = vector.shape_cast %add3A_336 : vector<16xf32> to vector<1x1x16xf32>
        tpu.vector_store %arg8[%swap3A_338, %swap3A_339, %swap3A_340], %swap3A_343 {strides = array<i32>} : memref<2x1600x32xf32, #tpu.memory_space<vmem>>, vector<1x1x16xf32>,
        %add3A_344 = arith.constant 600 : i32
        %add3A_345 = arith.addi %add3A_344, %add3A_161 : i32
        %get3A_346 = arith.constant 1 : i32
        %get3A_347 = arith.index_cast %get3A_346 : i32 to index
        %get3A_348 = arith.index_cast %add3A_345 : i32 to index
        %get3A_349 = arith.constant 16 : index
        %get3A_350 = tpu.vector_load %arg8[%get3A_347, %get3A_348, %get3A_349] {strides = array<i32>} : memref<2x1600x32xf32, #tpu.memory_space<vmem>>, vector<1x1x16xf32>,
        %get3A_351 = vector.shape_cast %get3A_350 : vector<1x1x16xf32> to vector<16xf32>
        %add3A_352 = arith.addf %get3A_351, %get3A_295 : vector<16xf32>
        %swap3A_353 = arith.constant 1 : i32
        %swap3A_354 = arith.index_cast %swap3A_353 : i32 to index
        %swap3A_355 = arith.index_cast %add3A_345 : i32 to index
        %swap3A_356 = arith.constant 16 : index
        %swap3A_357 = tpu.vector_load %arg8[%swap3A_354, %swap3A_355, %swap3A_356] {strides = array<i32>} : memref<2x1600x32xf32, #tpu.memory_space<vmem>>, vector<1x1x16xf32>,
        %swap3A_358 = vector.shape_cast %swap3A_357 : vector<1x1x16xf32> to vector<16xf32>
        %swap3A_359 = vector.shape_cast %add3A_352 : vector<16xf32> to vector<1x1x16xf32>
        tpu.vector_store %arg8[%swap3A_354, %swap3A_355, %swap3A_356], %swap3A_359 {strides = array<i32>} : memref<2x1600x32xf32, #tpu.memory_space<vmem>>, vector<1x1x16xf32>,
        %add3A_360 = arith.constant 800 : i32
        %add3A_361 = arith.addi %add3A_360, %add3A_161 : i32
        %get3A_362 = arith.constant 1 : i32
        %get3A_363 = arith.index_cast %get3A_362 : i32 to index
        %get3A_364 = arith.index_cast %add3A_361 : i32 to index
        %get3A_365 = arith.constant 16 : index
        %get3A_366 = tpu.vector_load %arg8[%get3A_363, %get3A_364, %get3A_365] {strides = array<i32>} : memref<2x1600x32xf32, #tpu.memory_space<vmem>>, vector<1x1x16xf32>,
        %get3A_367 = vector.shape_cast %get3A_366 : vector<1x1x16xf32> to vector<16xf32>
        %add3A_368 = arith.addf %get3A_367, %get3A_295 : vector<16xf32>
        %swap3A_369 = arith.constant 1 : i32
        %swap3A_370 = arith.index_cast %swap3A_369 : i32 to index
        %swap3A_371 = arith.index_cast %add3A_361 : i32 to index
        %swap3A_372 = arith.constant 16 : index
        %swap3A_373 = tpu.vector_load %arg8[%swap3A_370, %swap3A_371, %swap3A_372] {strides = array<i32>} : memref<2x1600x32xf32, #tpu.memory_space<vmem>>, vector<1x1x16xf32>,
        %swap3A_374 = vector.shape_cast %swap3A_373 : vector<1x1x16xf32> to vector<16xf32>
        %swap3A_375 = vector.shape_cast %add3A_368 : vector<16xf32> to vector<1x1x16xf32>
        tpu.vector_store %arg8[%swap3A_370, %swap3A_371, %swap3A_372], %swap3A_375 {strides = array<i32>} : memref<2x1600x32xf32, #tpu.memory_space<vmem>>, vector<1x1x16xf32>,
        %add3A_376 = arith.constant 1000 : i32
        %add3A_377 = arith.addi %add3A_376, %add3A_161 : i32
        %get3A_378 = arith.constant 1 : i32
        %get3A_379 = arith.index_cast %get3A_378 : i32 to index
        %get3A_380 = arith.index_cast %add3A_377 : i32 to index
        %get3A_381 = arith.constant 16 : index
        %get3A_382 = tpu.vector_load %arg8[%get3A_379, %get3A_380, %get3A_381] {strides = array<i32>} : memref<2x1600x32xf32, #tpu.memory_space<vmem>>, vector<1x1x16xf32>,
        %get3A_383 = vector.shape_cast %get3A_382 : vector<1x1x16xf32> to vector<16xf32>
        %add3A_384 = arith.addf %get3A_383, %get3A_295 : vector<16xf32>
        %swap3A_385 = arith.constant 1 : i32
        %swap3A_386 = arith.index_cast %swap3A_385 : i32 to index
        %swap3A_387 = arith.index_cast %add3A_377 : i32 to index
        %swap3A_388 = arith.constant 16 : index
        %swap3A_389 = tpu.vector_load %arg8[%swap3A_386, %swap3A_387, %swap3A_388] {strides = array<i32>} : memref<2x1600x32xf32, #tpu.memory_space<vmem>>, vector<1x1x16xf32>,
        %swap3A_390 = vector.shape_cast %swap3A_389 : vector<1x1x16xf32> to vector<16xf32>
        %swap3A_391 = vector.shape_cast %add3A_384 : vector<16xf32> to vector<1x1x16xf32>
        tpu.vector_store %arg8[%swap3A_386, %swap3A_387, %swap3A_388], %swap3A_391 {strides = array<i32>} : memref<2x1600x32xf32, #tpu.memory_space<vmem>>, vector<1x1x16xf32>,
        %add3A_392 = arith.constant 1200 : i32
        %add3A_393 = arith.addi %add3A_392, %add3A_161 : i32
        %get3A_394 = arith.constant 1 : i32
        %get3A_395 = arith.index_cast %get3A_394 : i32 to index
        %get3A_396 = arith.index_cast %add3A_393 : i32 to index
        %get3A_397 = arith.constant 16 : index
        %get3A_398 = tpu.vector_load %arg8[%get3A_395, %get3A_396, %get3A_397] {strides = array<i32>} : memref<2x1600x32xf32, #tpu.memory_space<vmem>>, vector<1x1x16xf32>,
        %get3A_399 = vector.shape_cast %get3A_398 : vector<1x1x16xf32> to vector<16xf32>
        %add3A_400 = arith.addf %get3A_399, %get3A_295 : vector<16xf32>
        %swap3A_401 = arith.constant 1 : i32
        %swap3A_402 = arith.index_cast %swap3A_401 : i32 to index
        %swap3A_403 = arith.index_cast %add3A_393 : i32 to index
        %swap3A_404 = arith.constant 16 : index
        %swap3A_405 = tpu.vector_load %arg8[%swap3A_402, %swap3A_403, %swap3A_404] {strides = array<i32>} : memref<2x1600x32xf32, #tpu.memory_space<vmem>>, vector<1x1x16xf32>,
        %swap3A_406 = vector.shape_cast %swap3A_405 : vector<1x1x16xf32> to vector<16xf32>
        %swap3A_407 = vector.shape_cast %add3A_400 : vector<16xf32> to vector<1x1x16xf32>
        tpu.vector_store %arg8[%swap3A_402, %swap3A_403, %swap3A_404], %swap3A_407 {strides = array<i32>} : memref<2x1600x32xf32, #tpu.memory_space<vmem>>, vector<1x1x16xf32>,
        %add3A_408 = arith.constant 1400 : i32
        %add3A_409 = arith.addi %add3A_408, %add3A_161 : i32
        %get3A_410 = arith.constant 1 : i32
        %get3A_411 = arith.index_cast %get3A_410 : i32 to index
        %get3A_412 = arith.index_cast %add3A_409 : i32 to index
        %get3A_413 = arith.constant 16 : index
        %get3A_414 = tpu.vector_load %arg8[%get3A_411, %get3A_412, %get3A_413] {strides = array<i32>} : memref<2x1600x32xf32, #tpu.memory_space<vmem>>, vector<1x1x16xf32>,
        %get3A_415 = vector.shape_cast %get3A_414 : vector<1x1x16xf32> to vector<16xf32>
        %add3A_416 = arith.addf %get3A_415, %get3A_295 : vector<16xf32>
        %swap3A_417 = arith.constant 1 : i32
        %swap3A_418 = arith.index_cast %swap3A_417 : i32 to index
        %swap3A_419 = arith.index_cast %add3A_409 : i32 to index
        %swap3A_420 = arith.constant 16 : index
        %swap3A_421 = tpu.vector_load %arg8[%swap3A_418, %swap3A_419, %swap3A_420] {strides = array<i32>} : memref<2x1600x32xf32, #tpu.memory_space<vmem>>, vector<1x1x16xf32>,
        %swap3A_422 = vector.shape_cast %swap3A_421 : vector<1x1x16xf32> to vector<16xf32>
        %swap3A_423 = vector.shape_cast %add3A_416 : vector<16xf32> to vector<1x1x16xf32>
        tpu.vector_store %arg8[%swap3A_418, %swap3A_419, %swap3A_420], %swap3A_423 {strides = array<i32>} : memref<2x1600x32xf32, #tpu.memory_space<vmem>>, vector<1x1x16xf32>,
        %mul3A_424 = arith.constant 8 : i32
        %mul3A_425 = arith.muli %scan3A_157, %mul3A_424 : i32
        %add3A_426 = arith.constant 1 : i32
        %add3A_427 = arith.addi %mul3A_425, %add3A_426 : i32
        %get3A_428 = arith.index_cast %add3A_427 : i32 to index
        %get3A_429 = arith.constant 0 : index
        %get3A_430 = tpu.vector_load %arg6[%get3A_428, %get3A_429] {strides = array<i32>} : memref<200x32xf32, #tpu.memory_space<vmem>>, vector<1x16xf32>,
        %get3A_431 = vector.shape_cast %get3A_430 : vector<1x16xf32> to vector<16xf32>
        %add3A_432 = arith.constant 0 : i32
        %add3A_433 = arith.addi %add3A_432, %add3A_427 : i32
        %get3A_434 = arith.constant 1 : i32
        %get3A_435 = arith.index_cast %get3A_434 : i32 to index
        %get3A_436 = arith.index_cast %add3A_433 : i32 to index
        %get3A_437 = arith.constant 0 : index
        %get3A_438 = tpu.vector_load %arg8[%get3A_435, %get3A_436, %get3A_437] {strides = array<i32>} : memref<2x1600x32xf32, #tpu.memory_space<vmem>>, vector<1x1x16xf32>,
        %get3A_439 = vector.shape_cast %get3A_438 : vector<1x1x16xf32> to vector<16xf32>
        %add3A_440 = arith.addf %get3A_439, %get3A_431 : vector<16xf32>
        %swap3A_441 = arith.constant 1 : i32
        %swap3A_442 = arith.index_cast %swap3A_441 : i32 to index
        %swap3A_443 = arith.index_cast %add3A_433 : i32 to index
        %swap3A_444 = arith.constant 0 : index
        %swap3A_445 = tpu.vector_load %arg8[%swap3A_442, %swap3A_443, %swap3A_444] {strides = array<i32>} : memref<2x1600x32xf32, #tpu.memory_space<vmem>>, vector<1x1x16xf32>,
        %swap3A_446 = vector.shape_cast %swap3A_445 : vector<1x1x16xf32> to vector<16xf32>
        %swap3A_447 = vector.shape_cast %add3A_440 : vector<16xf32> to vector<1x1x16xf32>
        tpu.vector_store %arg8[%swap3A_442, %swap3A_443, %swap3A_444], %swap3A_447 {strides = array<i32>} : memref<2x1600x32xf32, #tpu.memory_space<vmem>>, vector<1x1x16xf32>,
        %add3A_448 = arith.constant 200 : i32
        %add3A_449 = arith.addi %add3A_448, %add3A_427 : i32
        %get3A_450 = arith.constant 1 : i32
        %get3A_451 = arith.index_cast %get3A_450 : i32 to index
        %get3A_452 = arith.index_cast %add3A_449 : i32 to index
        %get3A_453 = arith.constant 0 : index
        %get3A_454 = tpu.vector_load %arg8[%get3A_451, %get3A_452, %get3A_453] {strides = array<i32>} : memref<2x1600x32xf32, #tpu.memory_space<vmem>>, vector<1x1x16xf32>,
        %get3A_455 = vector.shape_cast %get3A_454 : vector<1x1x16xf32> to vector<16xf32>
        %add3A_456 = arith.addf %get3A_455, %get3A_431 : vector<16xf32>
        %swap3A_457 = arith.constant 1 : i32
        %swap3A_458 = arith.index_cast %swap3A_457 : i32 to index
        %swap3A_459 = arith.index_cast %add3A_449 : i32 to index
        %swap3A_460 = arith.constant 0 : index
        %swap3A_461 = tpu.vector_load %arg8[%swap3A_458, %swap3A_459, %swap3A_460] {strides = array<i32>} : memref<2x1600x32xf32, #tpu.memory_space<vmem>>, vector<1x1x16xf32>,
        %swap3A_462 = vector.shape_cast %swap3A_461 : vector<1x1x16xf32> to vector<16xf32>
        %swap3A_463 = vector.shape_cast %add3A_456 : vector<16xf32> to vector<1x1x16xf32>
        tpu.vector_store %arg8[%swap3A_458, %swap3A_459, %swap3A_460], %swap3A_463 {strides = array<i32>} : memref<2x1600x32xf32, #tpu.memory_space<vmem>>, vector<1x1x16xf32>,
        %add3A_464 = arith.constant 400 : i32
        %add3A_465 = arith.addi %add3A_464, %add3A_427 : i32
        %get3A_466 = arith.constant 1 : i32
        %get3A_467 = arith.index_cast %get3A_466 : i32 to index
        %get3A_468 = arith.index_cast %add3A_465 : i32 to index
        %get3A_469 = arith.constant 0 : index
        %get3A_470 = tpu.vector_load %arg8[%get3A_467, %get3A_468, %get3A_469] {strides = array<i32>} : memref<2x1600x32xf32, #tpu.memory_space<vmem>>, vector<1x1x16xf32>,
        %get3A_471 = vector.shape_cast %get3A_470 : vector<1x1x16xf32> to vector<16xf32>
        %add3A_472 = arith.addf %get3A_471, %get3A_431 : vector<16xf32>
        %swap3A_473 = arith.constant 1 : i32
        %swap3A_474 = arith.index_cast %swap3A_473 : i32 to index
        %swap3A_475 = arith.index_cast %add3A_465 : i32 to index
        %swap3A_476 = arith.constant 0 : index
        %swap3A_477 = tpu.vector_load %arg8[%swap3A_474, %swap3A_475, %swap3A_476] {strides = array<i32>} : memref<2x1600x32xf32, #tpu.memory_space<vmem>>, vector<1x1x16xf32>,
        %swap3A_478 = vector.shape_cast %swap3A_477 : vector<1x1x16xf32> to vector<16xf32>
        %swap3A_479 = vector.shape_cast %add3A_472 : vector<16xf32> to vector<1x1x16xf32>
        tpu.vector_store %arg8[%swap3A_474, %swap3A_475, %swap3A_476], %swap3A_479 {strides = array<i32>} : memref<2x1600x32xf32, #tpu.memory_space<vmem>>, vector<1x1x16xf32>,
        %add3A_480 = arith.constant 600 : i32
        %add3A_481 = arith.addi %add3A_480, %add3A_427 : i32
        %get3A_482 = arith.constant 1 : i32
        %get3A_483 = arith.index_cast %get3A_482 : i32 to index
        %get3A_484 = arith.index_cast %add3A_481 : i32 to index
        %get3A_485 = arith.constant 0 : index
        %get3A_486 = tpu.vector_load %arg8[%get3A_483, %get3A_484, %get3A_485] {strides = array<i32>} : memref<2x1600x32xf32, #tpu.memory_space<vmem>>, vector<1x1x16xf32>,
        %get3A_487 = vector.shape_cast %get3A_486 : vector<1x1x16xf32> to vector<16xf32>
        %add3A_488 = arith.addf %get3A_487, %get3A_431 : vector<16xf32>
        %swap3A_489 = arith.constant 1 : i32
        %swap3A_490 = arith.index_cast %swap3A_489 : i32 to index
        %swap3A_491 = arith.index_cast %add3A_481 : i32 to index
        %swap3A_492 = arith.constant 0 : index
        %swap3A_493 = tpu.vector_load %arg8[%swap3A_490, %swap3A_491, %swap3A_492] {strides = array<i32>} : memref<2x1600x32xf32, #tpu.memory_space<vmem>>, vector<1x1x16xf32>,
        %swap3A_494 = vector.shape_cast %swap3A_493 : vector<1x1x16xf32> to vector<16xf32>
        %swap3A_495 = vector.shape_cast %add3A_488 : vector<16xf32> to vector<1x1x16xf32>
        tpu.vector_store %arg8[%swap3A_490, %swap3A_491, %swap3A_492], %swap3A_495 {strides = array<i32>} : memref<2x1600x32xf32, #tpu.memory_space<vmem>>, vector<1x1x16xf32>,
        %add3A_496 = arith.constant 800 : i32
        %add3A_497 = arith.addi %add3A_496, %add3A_427 : i32
        %get3A_498 = arith.constant 1 : i32
        %get3A_499 = arith.index_cast %get3A_498 : i32 to index
        %get3A_500 = arith.index_cast %add3A_497 : i32 to index
        %get3A_501 = arith.constant 0 : index
        %get3A_502 = tpu.vector_load %arg8[%get3A_499, %get3A_500, %get3A_501] {strides = array<i32>} : memref<2x1600x32xf32, #tpu.memory_space<vmem>>, vector<1x1x16xf32>,
        %get3A_503 = vector.shape_cast %get3A_502 : vector<1x1x16xf32> to vector<16xf32>
        %add3A_504 = arith.addf %get3A_503, %get3A_431 : vector<16xf32>
        %swap3A_505 = arith.constant 1 : i32
        %swap3A_506 = arith.index_cast %swap3A_505 : i32 to index
        %swap3A_507 = arith.index_cast %add3A_497 : i32 to index
        %swap3A_508 = arith.constant 0 : index
        %swap3A_509 = tpu.vector_load %arg8[%swap3A_506, %swap3A_507, %swap3A_508] {strides = array<i32>} : memref<2x1600x32xf32, #tpu.memory_space<vmem>>, vector<1x1x16xf32>,
        %swap3A_510 = vector.shape_cast %swap3A_509 : vector<1x1x16xf32> to vector<16xf32>
        %swap3A_511 = vector.shape_cast %add3A_504 : vector<16xf32> to vector<1x1x16xf32>
        tpu.vector_store %arg8[%swap3A_506, %swap3A_507, %swap3A_508], %swap3A_511 {strides = array<i32>} : memref<2x1600x32xf32, #tpu.memory_space<vmem>>, vector<1x1x16xf32>,
        %add3A_512 = arith.constant 1000 : i32
        %add3A_513 = arith.addi %add3A_512, %add3A_427 : i32
        %get3A_514 = arith.constant 1 : i32
        %get3A_515 = arith.index_cast %get3A_514 : i32 to index
        %get3A_516 = arith.index_cast %add3A_513 : i32 to index
        %get3A_517 = arith.constant 0 : index
        %get3A_518 = tpu.vector_load %arg8[%get3A_515, %get3A_516, %get3A_517] {strides = array<i32>} : memref<2x1600x32xf32, #tpu.memory_space<vmem>>, vector<1x1x16xf32>,
        %get3A_519 = vector.shape_cast %get3A_518 : vector<1x1x16xf32> to vector<16xf32>
        %add3A_520 = arith.addf %get3A_519, %get3A_431 : vector<16xf32>
        %swap3A_521 = arith.constant 1 : i32
        %swap3A_522 = arith.index_cast %swap3A_521 : i32 to index
        %swap3A_523 = arith.index_cast %add3A_513 : i32 to index
        %swap3A_524 = arith.constant 0 : index
        %swap3A_525 = tpu.vector_load %arg8[%swap3A_522, %swap3A_523, %swap3A_524] {strides = array<i32>} : memref<2x1600x32xf32, #tpu.memory_space<vmem>>, vector<1x1x16xf32>,
        %swap3A_526 = vector.shape_cast %swap3A_525 : vector<1x1x16xf32> to vector<16xf32>
        %swap3A_527 = vector.shape_cast %add3A_520 : vector<16xf32> to vector<1x1x16xf32>
        tpu.vector_store %arg8[%swap3A_522, %swap3A_523, %swap3A_524], %swap3A_527 {strides = array<i32>} : memref<2x1600x32xf32, #tpu.memory_space<vmem>>, vector<1x1x16xf32>,
        %add3A_528 = arith.constant 1200 : i32
        %add3A_529 = arith.addi %add3A_528, %add3A_427 : i32
        %get3A_530 = arith.constant 1 : i32
        %get3A_531 = arith.index_cast %get3A_530 : i32 to index
        %get3A_532 = arith.index_cast %add3A_529 : i32 to index
        %get3A_533 = arith.constant 0 : index
        %get3A_534 = tpu.vector_load %arg8[%get3A_531, %get3A_532, %get3A_533] {strides = array<i32>} : memref<2x1600x32xf32, #tpu.memory_space<vmem>>, vector<1x1x16xf32>,
        %get3A_535 = vector.shape_cast %get3A_534 : vector<1x1x16xf32> to vector<16xf32>
        %add3A_536 = arith.addf %get3A_535, %get3A_431 : vector<16xf32>
        %swap3A_537 = arith.constant 1 : i32
        %swap3A_538 = arith.index_cast %swap3A_537 : i32 to index
        %swap3A_539 = arith.index_cast %add3A_529 : i32 to index
        %swap3A_540 = arith.constant 0 : index
        %swap3A_541 = tpu.vector_load %arg8[%swap3A_538, %swap3A_539, %swap3A_540] {strides = array<i32>} : memref<2x1600x32xf32, #tpu.memory_space<vmem>>, vector<1x1x16xf32>,
        %swap3A_542 = vector.shape_cast %swap3A_541 : vector<1x1x16xf32> to vector<16xf32>
        %swap3A_543 = vector.shape_cast %add3A_536 : vector<16xf32> to vector<1x1x16xf32>
        tpu.vector_store %arg8[%swap3A_538, %swap3A_539, %swap3A_540], %swap3A_543 {strides = array<i32>} : memref<2x1600x32xf32, #tpu.memory_space<vmem>>, vector<1x1x16xf32>,
        %add3A_544 = arith.constant 1400 : i32
        %add3A_545 = arith.addi %add3A_544, %add3A_427 : i32
        %get3A_546 = arith.constant 1 : i32
        %get3A_547 = arith.index_cast %get3A_546 : i32 to index
        %get3A_548 = arith.index_cast %add3A_545 : i32 to index
        %get3A_549 = arith.constant 0 : index
        %get3A_550 = tpu.vector_load %arg8[%get3A_547, %get3A_548, %get3A_549] {strides = array<i32>} : memref<2x1600x32xf32, #tpu.memory_space<vmem>>, vector<1x1x16xf32>,
        %get3A_551 = vector.shape_cast %get3A_550 : vector<1x1x16xf32> to vector<16xf32>
        %add3A_552 = arith.addf %get3A_551, %get3A_431 : vector<16xf32>
        %swap3A_553 = arith.constant 1 : i32
        %swap3A_554 = arith.index_cast %swap3A_553 : i32 to index
        %swap3A_555 = arith.index_cast %add3A_545 : i32 to index
        %swap3A_556 = arith.constant 0 : index
        %swap3A_557 = tpu.vector_load %arg8[%swap3A_554, %swap3A_555, %swap3A_556] {strides = array<i32>} : memref<2x1600x32xf32, #tpu.memory_space<vmem>>, vector<1x1x16xf32>,
        %swap3A_558 = vector.shape_cast %swap3A_557 : vector<1x1x16xf32> to vector<16xf32>
        %swap3A_559 = vector.shape_cast %add3A_552 : vector<16xf32> to vector<1x1x16xf32>
        tpu.vector_store %arg8[%swap3A_554, %swap3A_555, %swap3A_556], %swap3A_559 {strides = array<i32>} : memref<2x1600x32xf32, #tpu.memory_space<vmem>>, vector<1x1x16xf32>,
        %get3A_560 = arith.index_cast %add3A_427 : i32 to index
        %get3A_561 = arith.constant 16 : index
        %get3A_562 = tpu.vector_load %arg6[%get3A_560, %get3A_561] {strides = array<i32>} : memref<200x32xf32, #tpu.memory_space<vmem>>, vector<1x16xf32>,
        %get3A_563 = vector.shape_cast %get3A_562 : vector<1x16xf32> to vector<16xf32>
        %add3A_564 = arith.constant 0 : i32
        %add3A_565 = arith.addi %add3A_564, %add3A_427 : i32
        %get3A_566 = arith.constant 1 : i32
        %get3A_567 = arith.index_cast %get3A_566 : i32 to index
        %get3A_568 = arith.index_cast %add3A_565 : i32 to index
        %get3A_569 = arith.constant 16 : index
        %get3A_570 = tpu.vector_load %arg8[%get3A_567, %get3A_568, %get3A_569] {strides = array<i32>} : memref<2x1600x32xf32, #tpu.memory_space<vmem>>, vector<1x1x16xf32>,
        %get3A_571 = vector.shape_cast %get3A_570 : vector<1x1x16xf32> to vector<16xf32>
        %add3A_572 = arith.addf %get3A_571, %get3A_563 : vector<16xf32>
        %swap3A_573 = arith.constant 1 : i32
        %swap3A_574 = arith.index_cast %swap3A_573 : i32 to index
        %swap3A_575 = arith.index_cast %add3A_565 : i32 to index
        %swap3A_576 = arith.constant 16 : index
        %swap3A_577 = tpu.vector_load %arg8[%swap3A_574, %swap3A_575, %swap3A_576] {strides = array<i32>} : memref<2x1600x32xf32, #tpu.memory_space<vmem>>, vector<1x1x16xf32>,
        %swap3A_578 = vector.shape_cast %swap3A_577 : vector<1x1x16xf32> to vector<16xf32>
        %swap3A_579 = vector.shape_cast %add3A_572 : vector<16xf32> to vector<1x1x16xf32>
        tpu.vector_store %arg8[%swap3A_574, %swap3A_575, %swap3A_576], %swap3A_579 {strides = array<i32>} : memref<2x1600x32xf32, #tpu.memory_space<vmem>>, vector<1x1x16xf32>,
        %add3A_580 = arith.constant 200 : i32
        %add3A_581 = arith.addi %add3A_580, %add3A_427 : i32
        %get3A_582 = arith.constant 1 : i32
        %get3A_583 = arith.index_cast %get3A_582 : i32 to index
        %get3A_584 = arith.index_cast %add3A_581 : i32 to index
        %get3A_585 = arith.constant 16 : index
        %get3A_586 = tpu.vector_load %arg8[%get3A_583, %get3A_584, %get3A_585] {strides = array<i32>} : memref<2x1600x32xf32, #tpu.memory_space<vmem>>, vector<1x1x16xf32>,
        %get3A_587 = vector.shape_cast %get3A_586 : vector<1x1x16xf32> to vector<16xf32>
        %add3A_588 = arith.addf %get3A_587, %get3A_563 : vector<16xf32>
        %swap3A_589 = arith.constant 1 : i32
        %swap3A_590 = arith.index_cast %swap3A_589 : i32 to index
        %swap3A_591 = arith.index_cast %add3A_581 : i32 to index
        %swap3A_592 = arith.constant 16 : index
        %swap3A_593 = tpu.vector_load %arg8[%swap3A_590, %swap3A_591, %swap3A_592] {strides = array<i32>} : memref<2x1600x32xf32, #tpu.memory_space<vmem>>, vector<1x1x16xf32>,
        %swap3A_594 = vector.shape_cast %swap3A_593 : vector<1x1x16xf32> to vector<16xf32>
        %swap3A_595 = vector.shape_cast %add3A_588 : vector<16xf32> to vector<1x1x16xf32>
        tpu.vector_store %arg8[%swap3A_590, %swap3A_591, %swap3A_592], %swap3A_595 {strides = array<i32>} : memref<2x1600x32xf32, #tpu.memory_space<vmem>>, vector<1x1x16xf32>,
        %add3A_596 = arith.constant 400 : i32
        %add3A_597 = arith.addi %add3A_596, %add3A_427 : i32
        %get3A_598 = arith.constant 1 : i32
        %get3A_599 = arith.index_cast %get3A_598 : i32 to index
        %get3A_600 = arith.index_cast %add3A_597 : i32 to index
        %get3A_601 = arith.constant 16 : index
        %get3A_602 = tpu.vector_load %arg8[%get3A_599, %get3A_600, %get3A_601] {strides = array<i32>} : memref<2x1600x32xf32, #tpu.memory_space<vmem>>, vector<1x1x16xf32>,
        %get3A_603 = vector.shape_cast %get3A_602 : vector<1x1x16xf32> to vector<16xf32>
        %add3A_604 = arith.addf %get3A_603, %get3A_563 : vector<16xf32>
        %swap3A_605 = arith.constant 1 : i32
        %swap3A_606 = arith.index_cast %swap3A_605 : i32 to index
        %swap3A_607 = arith.index_cast %add3A_597 : i32 to index
        %swap3A_608 = arith.constant 16 : index
        %swap3A_609 = tpu.vector_load %arg8[%swap3A_606, %swap3A_607, %swap3A_608] {strides = array<i32>} : memref<2x1600x32xf32, #tpu.memory_space<vmem>>, vector<1x1x16xf32>,
        %swap3A_610 = vector.shape_cast %swap3A_609 : vector<1x1x16xf32> to vector<16xf32>
        %swap3A_611 = vector.shape_cast %add3A_604 : vector<16xf32> to vector<1x1x16xf32>
        tpu.vector_store %arg8[%swap3A_606, %swap3A_607, %swap3A_608], %swap3A_611 {strides = array<i32>} : memref<2x1600x32xf32, #tpu.memory_space<vmem>>, vector<1x1x16xf32>,
        %add3A_612 = arith.constant 600 : i32
        %add3A_613 = arith.addi %add3A_612, %add3A_427 : i32
        %get3A_614 = arith.constant 1 : i32
        %get3A_615 = arith.index_cast %get3A_614 : i32 to index
        %get3A_616 = arith.index_cast %add3A_613 : i32 to index
        %get3A_617 = arith.constant 16 : index
        %get3A_618 = tpu.vector_load %arg8[%get3A_615, %get3A_616, %get3A_617] {strides = array<i32>} : memref<2x1600x32xf32, #tpu.memory_space<vmem>>, vector<1x1x16xf32>,
        %get3A_619 = vector.shape_cast %get3A_618 : vector<1x1x16xf32> to vector<16xf32>
        %add3A_620 = arith.addf %get3A_619, %get3A_563 : vector<16xf32>
        %swap3A_621 = arith.constant 1 : i32
        %swap3A_622 = arith.index_cast %swap3A_621 : i32 to index
        %swap3A_623 = arith.index_cast %add3A_613 : i32 to index
        %swap3A_624 = arith.constant 16 : index
        %swap3A_625 = tpu.vector_load %arg8[%swap3A_622, %swap3A_623, %swap3A_624] {strides = array<i32>} : memref<2x1600x32xf32, #tpu.memory_space<vmem>>, vector<1x1x16xf32>,
        %swap3A_626 = vector.shape_cast %swap3A_625 : vector<1x1x16xf32> to vector<16xf32>
        %swap3A_627 = vector.shape_cast %add3A_620 : vector<16xf32> to vector<1x1x16xf32>
        tpu.vector_store %arg8[%swap3A_622, %swap3A_623, %swap3A_624], %swap3A_627 {strides = array<i32>} : memref<2x1600x32xf32, #tpu.memory_space<vmem>>, vector<1x1x16xf32>,
        %add3A_628 = arith.constant 800 : i32
        %add3A_629 = arith.addi %add3A_628, %add3A_427 : i32
        %get3A_630 = arith.constant 1 : i32
        %get3A_631 = arith.index_cast %get3A_630 : i32 to index
        %get3A_632 = arith.index_cast %add3A_629 : i32 to index
        %get3A_633 = arith.constant 16 : index
        %get3A_634 = tpu.vector_load %arg8[%get3A_631, %get3A_632, %get3A_633] {strides = array<i32>} : memref<2x1600x32xf32, #tpu.memory_space<vmem>>, vector<1x1x16xf32>,
        %get3A_635 = vector.shape_cast %get3A_634 : vector<1x1x16xf32> to vector<16xf32>
        %add3A_636 = arith.addf %get3A_635, %get3A_563 : vector<16xf32>
        %swap3A_637 = arith.constant 1 : i32
        %swap3A_638 = arith.index_cast %swap3A_637 : i32 to index
        %swap3A_639 = arith.index_cast %add3A_629 : i32 to index
        %swap3A_640 = arith.constant 16 : index
        %swap3A_641 = tpu.vector_load %arg8[%swap3A_638, %swap3A_639, %swap3A_640] {strides = array<i32>} : memref<2x1600x32xf32, #tpu.memory_space<vmem>>, vector<1x1x16xf32>,
        %swap3A_642 = vector.shape_cast %swap3A_641 : vector<1x1x16xf32> to vector<16xf32>
        %swap3A_643 = vector.shape_cast %add3A_636 : vector<16xf32> to vector<1x1x16xf32>
        tpu.vector_store %arg8[%swap3A_638, %swap3A_639, %swap3A_640], %swap3A_643 {strides = array<i32>} : memref<2x1600x32xf32, #tpu.memory_space<vmem>>, vector<1x1x16xf32>,
        %add3A_644 = arith.constant 1000 : i32
        %add3A_645 = arith.addi %add3A_644, %add3A_427 : i32
        %get3A_646 = arith.constant 1 : i32
        %get3A_647 = arith.index_cast %get3A_646 : i32 to index
        %get3A_648 = arith.index_cast %add3A_645 : i32 to index
        %get3A_649 = arith.constant 16 : index
        %get3A_650 = tpu.vector_load %arg8[%get3A_647, %get3A_648, %get3A_649] {strides = array<i32>} : memref<2x1600x32xf32, #tpu.memory_space<vmem>>, vector<1x1x16xf32>,
        %get3A_651 = vector.shape_cast %get3A_650 : vector<1x1x16xf32> to vector<16xf32>
        %add3A_652 = arith.addf %get3A_651, %get3A_563 : vector<16xf32>
        %swap3A_653 = arith.constant 1 : i32
        %swap3A_654 = arith.index_cast %swap3A_653 : i32 to index
        %swap3A_655 = arith.index_cast %add3A_645 : i32 to index
        %swap3A_656 = arith.constant 16 : index
        %swap3A_657 = tpu.vector_load %arg8[%swap3A_654, %swap3A_655, %swap3A_656] {strides = array<i32>} : memref<2x1600x32xf32, #tpu.memory_space<vmem>>, vector<1x1x16xf32>,
        %swap3A_658 = vector.shape_cast %swap3A_657 : vector<1x1x16xf32> to vector<16xf32>
        %swap3A_659 = vector.shape_cast %add3A_652 : vector<16xf32> to vector<1x1x16xf32>
        tpu.vector_store %arg8[%swap3A_654, %swap3A_655, %swap3A_656], %swap3A_659 {strides = array<i32>} : memref<2x1600x32xf32, #tpu.memory_space<vmem>>, vector<1x1x16xf32>,
        %add3A_660 = arith.constant 1200 : i32
        %add3A_661 = arith.addi %add3A_660, %add3A_427 : i32
        %get3A_662 = arith.constant 1 : i32
        %get3A_663 = arith.index_cast %get3A_662 : i32 to index
        %get3A_664 = arith.index_cast %add3A_661 : i32 to index
        %get3A_665 = arith.constant 16 : index
        %get3A_666 = tpu.vector_load %arg8[%get3A_663, %get3A_664, %get3A_665] {strides = array<i32>} : memref<2x1600x32xf32, #tpu.memory_space<vmem>>, vector<1x1x16xf32>,
        %get3A_667 = vector.shape_cast %get3A_666 : vector<1x1x16xf32> to vector<16xf32>
        %add3A_668 = arith.addf %get3A_667, %get3A_563 : vector<16xf32>
        %swap3A_669 = arith.constant 1 : i32
        %swap3A_670 = arith.index_cast %swap3A_669 : i32 to index
        %swap3A_671 = arith.index_cast %add3A_661 : i32 to index
        %swap3A_672 = arith.constant 16 : index
        %swap3A_673 = tpu.vector_load %arg8[%swap3A_670, %swap3A_671, %swap3A_672] {strides = array<i32>} : memref<2x1600x32xf32, #tpu.memory_space<vmem>>, vector<1x1x16xf32>,
        %swap3A_674 = vector.shape_cast %swap3A_673 : vector<1x1x16xf32> to vector<16xf32>
        %swap3A_675 = vector.shape_cast %add3A_668 : vector<16xf32> to vector<1x1x16xf32>
        tpu.vector_store %arg8[%swap3A_670, %swap3A_671, %swap3A_672], %swap3A_675 {strides = array<i32>} : memref<2x1600x32xf32, #tpu.memory_space<vmem>>, vector<1x1x16xf32>,
        %add3A_676 = arith.constant 1400 : i32
        %add3A_677 = arith.addi %add3A_676, %add3A_427 : i32
        %get3A_678 = arith.constant 1 : i32
        %get3A_679 = arith.index_cast %get3A_678 : i32 to index
        %get3A_680 = arith.index_cast %add3A_677 : i32 to index
        %get3A_681 = arith.constant 16 : index
        %get3A_682 = tpu.vector_load %arg8[%get3A_679, %get3A_680, %get3A_681] {strides = array<i32>} : memref<2x1600x32xf32, #tpu.memory_space<vmem>>, vector<1x1x16xf32>,
        %get3A_683 = vector.shape_cast %get3A_682 : vector<1x1x16xf32> to vector<16xf32>
        %add3A_684 = arith.addf %get3A_683, %get3A_563 : vector<16xf32>
        %swap3A_685 = arith.constant 1 : i32
        %swap3A_686 = arith.index_cast %swap3A_685 : i32 to index
        %swap3A_687 = arith.index_cast %add3A_677 : i32 to index
        %swap3A_688 = arith.constant 16 : index
        %swap3A_689 = tpu.vector_load %arg8[%swap3A_686, %swap3A_687, %swap3A_688] {strides = array<i32>} : memref<2x1600x32xf32, #tpu.memory_space<vmem>>, vector<1x1x16xf32>,
        %swap3A_690 = vector.shape_cast %swap3A_689 : vector<1x1x16xf32> to vector<16xf32>
        %swap3A_691 = vector.shape_cast %add3A_684 : vector<16xf32> to vector<1x1x16xf32>
        tpu.vector_store %arg8[%swap3A_686, %swap3A_687, %swap3A_688], %swap3A_691 {strides = array<i32>} : memref<2x1600x32xf32, #tpu.memory_space<vmem>>, vector<1x1x16xf32>,
        %mul3A_692 = arith.constant 8 : i32
        %mul3A_693 = arith.muli %scan3A_157, %mul3A_692 : i32
        %add3A_694 = arith.constant 2 : i32
        %add3A_695 = arith.addi %mul3A_693, %add3A_694 : i32
        %get3A_696 = arith.index_cast %add3A_695 : i32 to index
        %get3A_697 = arith.constant 0 : index
        %get3A_698 = tpu.vector_load %arg6[%get3A_696, %get3A_697] {strides = array<i32>} : memref<200x32xf32, #tpu.memory_space<vmem>>, vector<1x16xf32>,
        %get3A_699 = vector.shape_cast %get3A_698 : vector<1x16xf32> to vector<16xf32>
        %add3A_700 = arith.constant 0 : i32
        %add3A_701 = arith.addi %add3A_700, %add3A_695 : i32
        %get3A_702 = arith.constant 1 : i32
        %get3A_703 = arith.index_cast %get3A_702 : i32 to index
        %get3A_704 = arith.index_cast %add3A_701 : i32 to index
        %get3A_705 = arith.constant 0 : index
        %get3A_706 = tpu.vector_load %arg8[%get3A_703, %get3A_704, %get3A_705] {strides = array<i32>} : memref<2x1600x32xf32, #tpu.memory_space<vmem>>, vector<1x1x16xf32>,
        %get3A_707 = vector.shape_cast %get3A_706 : vector<1x1x16xf32> to vector<16xf32>
        %add3A_708 = arith.addf %get3A_707, %get3A_699 : vector<16xf32>
        %swap3A_709 = arith.constant 1 : i32
        %swap3A_710 = arith.index_cast %swap3A_709 : i32 to index
        %swap3A_711 = arith.index_cast %add3A_701 : i32 to index
        %swap3A_712 = arith.constant 0 : index
        %swap3A_713 = tpu.vector_load %arg8[%swap3A_710, %swap3A_711, %swap3A_712] {strides = array<i32>} : memref<2x1600x32xf32, #tpu.memory_space<vmem>>, vector<1x1x16xf32>,
        %swap3A_714 = vector.shape_cast %swap3A_713 : vector<1x1x16xf32> to vector<16xf32>
        %swap3A_715 = vector.shape_cast %add3A_708 : vector<16xf32> to vector<1x1x16xf32>
        tpu.vector_store %arg8[%swap3A_710, %swap3A_711, %swap3A_712], %swap3A_715 {strides = array<i32>} : memref<2x1600x32xf32, #tpu.memory_space<vmem>>, vector<1x1x16xf32>,
        %add3A_716 = arith.constant 200 : i32
        %add3A_717 = arith.addi %add3A_716, %add3A_695 : i32
        %get3A_718 = arith.constant 1 : i32
        %get3A_719 = arith.index_cast %get3A_718 : i32 to index
        %get3A_720 = arith.index_cast %add3A_717 : i32 to index
        %get3A_721 = arith.constant 0 : index
        %get3A_722 = tpu.vector_load %arg8[%get3A_719, %get3A_720, %get3A_721] {strides = array<i32>} : memref<2x1600x32xf32, #tpu.memory_space<vmem>>, vector<1x1x16xf32>,
        %get3A_723 = vector.shape_cast %get3A_722 : vector<1x1x16xf32> to vector<16xf32>
        %add3A_724 = arith.addf %get3A_723, %get3A_699 : vector<16xf32>
        %swap3A_725 = arith.constant 1 : i32
        %swap3A_726 = arith.index_cast %swap3A_725 : i32 to index
        %swap3A_727 = arith.index_cast %add3A_717 : i32 to index
        %swap3A_728 = arith.constant 0 : index
        %swap3A_729 = tpu.vector_load %arg8[%swap3A_726, %swap3A_727, %swap3A_728] {strides = array<i32>} : memref<2x1600x32xf32, #tpu.memory_space<vmem>>, vector<1x1x16xf32>,
        %swap3A_730 = vector.shape_cast %swap3A_729 : vector<1x1x16xf32> to vector<16xf32>
        %swap3A_731 = vector.shape_cast %add3A_724 : vector<16xf32> to vector<1x1x16xf32>
        tpu.vector_store %arg8[%swap3A_726, %swap3A_727, %swap3A_728], %swap3A_731 {strides = array<i32>} : memref<2x1600x32xf32, #tpu.memory_space<vmem>>, vector<1x1x16xf32>,
        %add3A_732 = arith.constant 400 : i32
        %add3A_733 = arith.addi %add3A_732, %add3A_695 : i32
        %get3A_734 = arith.constant 1 : i32
        %get3A_735 = arith.index_cast %get3A_734 : i32 to index
        %get3A_736 = arith.index_cast %add3A_733 : i32 to index
        %get3A_737 = arith.constant 0 : index
        %get3A_738 = tpu.vector_load %arg8[%get3A_735, %get3A_736, %get3A_737] {strides = array<i32>} : memref<2x1600x32xf32, #tpu.memory_space<vmem>>, vector<1x1x16xf32>,
        %get3A_739 = vector.shape_cast %get3A_738 : vector<1x1x16xf32> to vector<16xf32>
        %add3A_740 = arith.addf %get3A_739, %get3A_699 : vector<16xf32>
        %swap3A_741 = arith.constant 1 : i32
        %swap3A_742 = arith.index_cast %swap3A_741 : i32 to index
        %swap3A_743 = arith.index_cast %add3A_733 : i32 to index
        %swap3A_744 = arith.constant 0 : index
        %swap3A_745 = tpu.vector_load %arg8[%swap3A_742, %swap3A_743, %swap3A_744] {strides = array<i32>} : memref<2x1600x32xf32, #tpu.memory_space<vmem>>, vector<1x1x16xf32>,
        %swap3A_746 = vector.shape_cast %swap3A_745 : vector<1x1x16xf32> to vector<16xf32>
        %swap3A_747 = vector.shape_cast %add3A_740 : vector<16xf32> to vector<1x1x16xf32>
        tpu.vector_store %arg8[%swap3A_742, %swap3A_743, %swap3A_744], %swap3A_747 {strides = array<i32>} : memref<2x1600x32xf32, #tpu.memory_space<vmem>>, vector<1x1x16xf32>,
        %add3A_748 = arith.constant 600 : i32
        %add3A_749 = arith.addi %add3A_748, %add3A_695 : i32
        %get3A_750 = arith.constant 1 : i32
        %get3A_751 = arith.index_cast %get3A_750 : i32 to index
        %get3A_752 = arith.index_cast %add3A_749 : i32 to index
        %get3A_753 = arith.constant 0 : index
        %get3A_754 = tpu.vector_load %arg8[%get3A_751, %get3A_752, %get3A_753] {strides = array<i32>} : memref<2x1600x32xf32, #tpu.memory_space<vmem>>, vector<1x1x16xf32>,
        %get3A_755 = vector.shape_cast %get3A_754 : vector<1x1x16xf32> to vector<16xf32>
        %add3A_756 = arith.addf %get3A_755, %get3A_699 : vector<16xf32>
        %swap3A_757 = arith.constant 1 : i32
        %swap3A_758 = arith.index_cast %swap3A_757 : i32 to index
        %swap3A_759 = arith.index_cast %add3A_749 : i32 to index
        %swap3A_760 = arith.constant 0 : index
        %swap3A_761 = tpu.vector_load %arg8[%swap3A_758, %swap3A_759, %swap3A_760] {strides = array<i32>} : memref<2x1600x32xf32, #tpu.memory_space<vmem>>, vector<1x1x16xf32>,
        %swap3A_762 = vector.shape_cast %swap3A_761 : vector<1x1x16xf32> to vector<16xf32>
        %swap3A_763 = vector.shape_cast %add3A_756 : vector<16xf32> to vector<1x1x16xf32>
        tpu.vector_store %arg8[%swap3A_758, %swap3A_759, %swap3A_760], %swap3A_763 {strides = array<i32>} : memref<2x1600x32xf32, #tpu.memory_space<vmem>>, vector<1x1x16xf32>,
        %add3A_764 = arith.constant 800 : i32
        %add3A_765 = arith.addi %add3A_764, %add3A_695 : i32
        %get3A_766 = arith.constant 1 : i32
        %get3A_767 = arith.index_cast %get3A_766 : i32 to index
        %get3A_768 = arith.index_cast %add3A_765 : i32 to index
        %get3A_769 = arith.constant 0 : index
        %get3A_770 = tpu.vector_load %arg8[%get3A_767, %get3A_768, %get3A_769] {strides = array<i32>} : memref<2x1600x32xf32, #tpu.memory_space<vmem>>, vector<1x1x16xf32>,
        %get3A_771 = vector.shape_cast %get3A_770 : vector<1x1x16xf32> to vector<16xf32>
        %add3A_772 = arith.addf %get3A_771, %get3A_699 : vector<16xf32>
        %swap3A_773 = arith.constant 1 : i32
        %swap3A_774 = arith.index_cast %swap3A_773 : i32 to index
        %swap3A_775 = arith.index_cast %add3A_765 : i32 to index
        %swap3A_776 = arith.constant 0 : index
        %swap3A_777 = tpu.vector_load %arg8[%swap3A_774, %swap3A_775, %swap3A_776] {strides = array<i32>} : memref<2x1600x32xf32, #tpu.memory_space<vmem>>, vector<1x1x16xf32>,
        %swap3A_778 = vector.shape_cast %swap3A_777 : vector<1x1x16xf32> to vector<16xf32>
        %swap3A_779 = vector.shape_cast %add3A_772 : vector<16xf32> to vector<1x1x16xf32>
        tpu.vector_store %arg8[%swap3A_774, %swap3A_775, %swap3A_776], %swap3A_779 {strides = array<i32>} : memref<2x1600x32xf32, #tpu.memory_space<vmem>>, vector<1x1x16xf32>,
        %add3A_780 = arith.constant 1000 : i32
        %add3A_781 = arith.addi %add3A_780, %add3A_695 : i32
        %get3A_782 = arith.constant 1 : i32
        %get3A_783 = arith.index_cast %get3A_782 : i32 to index
        %get3A_784 = arith.index_cast %add3A_781 : i32 to index
        %get3A_785 = arith.constant 0 : index
        %get3A_786 = tpu.vector_load %arg8[%get3A_783, %get3A_784, %get3A_785] {strides = array<i32>} : memref<2x1600x32xf32, #tpu.memory_space<vmem>>, vector<1x1x16xf32>,
        %get3A_787 = vector.shape_cast %get3A_786 : vector<1x1x16xf32> to vector<16xf32>
        %add3A_788 = arith.addf %get3A_787, %get3A_699 : vector<16xf32>
        %swap3A_789 = arith.constant 1 : i32
        %swap3A_790 = arith.index_cast %swap3A_789 : i32 to index
        %swap3A_791 = arith.index_cast %add3A_781 : i32 to index
        %swap3A_792 = arith.constant 0 : index
        %swap3A_793 = tpu.vector_load %arg8[%swap3A_790, %swap3A_791, %swap3A_792] {strides = array<i32>} : memref<2x1600x32xf32, #tpu.memory_space<vmem>>, vector<1x1x16xf32>,
        %swap3A_794 = vector.shape_cast %swap3A_793 : vector<1x1x16xf32> to vector<16xf32>
        %swap3A_795 = vector.shape_cast %add3A_788 : vector<16xf32> to vector<1x1x16xf32>
        tpu.vector_store %arg8[%swap3A_790, %swap3A_791, %swap3A_792], %swap3A_795 {strides = array<i32>} : memref<2x1600x32xf32, #tpu.memory_space<vmem>>, vector<1x1x16xf32>,
        %add3A_796 = arith.constant 1200 : i32
        %add3A_797 = arith.addi %add3A_796, %add3A_695 : i32
        %get3A_798 = arith.constant 1 : i32
        %get3A_799 = arith.index_cast %get3A_798 : i32 to index
        %get3A_800 = arith.index_cast %add3A_797 : i32 to index
        %get3A_801 = arith.constant 0 : index
        %get3A_802 = tpu.vector_load %arg8[%get3A_799, %get3A_800, %get3A_801] {strides = array<i32>} : memref<2x1600x32xf32, #tpu.memory_space<vmem>>, vector<1x1x16xf32>,
        %get3A_803 = vector.shape_cast %get3A_802 : vector<1x1x16xf32> to vector<16xf32>
        %add3A_804 = arith.addf %get3A_803, %get3A_699 : vector<16xf32>
        %swap3A_805 = arith.constant 1 : i32
        %swap3A_806 = arith.index_cast %swap3A_805 : i32 to index
        %swap3A_807 = arith.index_cast %add3A_797 : i32 to index
        %swap3A_808 = arith.constant 0 : index
        %swap3A_809 = tpu.vector_load %arg8[%swap3A_806, %swap3A_807, %swap3A_808] {strides = array<i32>} : memref<2x1600x32xf32, #tpu.memory_space<vmem>>, vector<1x1x16xf32>,
        %swap3A_810 = vector.shape_cast %swap3A_809 : vector<1x1x16xf32> to vector<16xf32>
        %swap3A_811 = vector.shape_cast %add3A_804 : vector<16xf32> to vector<1x1x16xf32>
        tpu.vector_store %arg8[%swap3A_806, %swap3A_807, %swap3A_808], %swap3A_811 {strides = array<i32>} : memref<2x1600x32xf32, #tpu.memory_space<vmem>>, vector<1x1x16xf32>,
        %add3A_812 = arith.constant 1400 : i32
        %add3A_813 = arith.addi %add3A_812, %add3A_695 : i32
        %get3A_814 = arith.constant 1 : i32
        %get3A_815 = arith.index_cast %get3A_814 : i32 to index
        %get3A_816 = arith.index_cast %add3A_813 : i32 to index
        %get3A_817 = arith.constant 0 : index
        %get3A_818 = tpu.vector_load %arg8[%get3A_815, %get3A_816, %get3A_817] {strides = array<i32>} : memref<2x1600x32xf32, #tpu.memory_space<vmem>>, vector<1x1x16xf32>,
        %get3A_819 = vector.shape_cast %get3A_818 : vector<1x1x16xf32> to vector<16xf32>
        %add3A_820 = arith.addf %get3A_819, %get3A_699 : vector<16xf32>
        %swap3A_821 = arith.constant 1 : i32
        %swap3A_822 = arith.index_cast %swap3A_821 : i32 to index
        %swap3A_823 = arith.index_cast %add3A_813 : i32 to index
        %swap3A_824 = arith.constant 0 : index
        %swap3A_825 = tpu.vector_load %arg8[%swap3A_822, %swap3A_823, %swap3A_824] {strides = array<i32>} : memref<2x1600x32xf32, #tpu.memory_space<vmem>>, vector<1x1x16xf32>,
        %swap3A_826 = vector.shape_cast %swap3A_825 : vector<1x1x16xf32> to vector<16xf32>
        %swap3A_827 = vector.shape_cast %add3A_820 : vector<16xf32> to vector<1x1x16xf32>
        tpu.vector_store %arg8[%swap3A_822, %swap3A_823, %swap3A_824], %swap3A_827 {strides = array<i32>} : memref<2x1600x32xf32, #tpu.memory_space<vmem>>, vector<1x1x16xf32>,
        %get3A_828 = arith.index_cast %add3A_695 : i32 to index
        %get3A_829 = arith.constant 16 : index
        %get3A_830 = tpu.vector_load %arg6[%get3A_828, %get3A_829] {strides = array<i32>} : memref<200x32xf32, #tpu.memory_space<vmem>>, vector<1x16xf32>,
        %get3A_831 = vector.shape_cast %get3A_830 : vector<1x16xf32> to vector<16xf32>
        %add3A_832 = arith.constant 0 : i32
        %add3A_833 = arith.addi %add3A_832, %add3A_695 : i32
        %get3A_834 = arith.constant 1 : i32
        %get3A_835 = arith.index_cast %get3A_834 : i32 to index
        %get3A_836 = arith.index_cast %add3A_833 : i32 to index
        %get3A_837 = arith.constant 16 : index
        %get3A_838 = tpu.vector_load %arg8[%get3A_835, %get3A_836, %get3A_837] {strides = array<i32>} : memref<2x1600x32xf32, #tpu.memory_space<vmem>>, vector<1x1x16xf32>,
        %get3A_839 = vector.shape_cast %get3A_838 : vector<1x1x16xf32> to vector<16xf32>
        %add3A_840 = arith.addf %get3A_839, %get3A_831 : vector<16xf32>
        %swap3A_841 = arith.constant 1 : i32
        %swap3A_842 = arith.index_cast %swap3A_841 : i32 to index
        %swap3A_843 = arith.index_cast %add3A_833 : i32 to index
        %swap3A_844 = arith.constant 16 : index
        %swap3A_845 = tpu.vector_load %arg8[%swap3A_842, %swap3A_843, %swap3A_844] {strides = array<i32>} : memref<2x1600x32xf32, #tpu.memory_space<vmem>>, vector<1x1x16xf32>,
        %swap3A_846 = vector.shape_cast %swap3A_845 : vector<1x1x16xf32> to vector<16xf32>
        %swap3A_847 = vector.shape_cast %add3A_840 : vector<16xf32> to vector<1x1x16xf32>
        tpu.vector_store %arg8[%swap3A_842, %swap3A_843, %swap3A_844], %swap3A_847 {strides = array<i32>} : memref<2x1600x32xf32, #tpu.memory_space<vmem>>, vector<1x1x16xf32>,
        %add3A_848 = arith.constant 200 : i32
        %add3A_849 = arith.addi %add3A_848, %add3A_695 : i32
        %get3A_850 = arith.constant 1 : i32
        %get3A_851 = arith.index_cast %get3A_850 : i32 to index
        %get3A_852 = arith.index_cast %add3A_849 : i32 to index
        %get3A_853 = arith.constant 16 : index
        %get3A_854 = tpu.vector_load %arg8[%get3A_851, %get3A_852, %get3A_853] {strides = array<i32>} : memref<2x1600x32xf32, #tpu.memory_space<vmem>>, vector<1x1x16xf32>,
        %get3A_855 = vector.shape_cast %get3A_854 : vector<1x1x16xf32> to vector<16xf32>
        %add3A_856 = arith.addf %get3A_855, %get3A_831 : vector<16xf32>
        %swap3A_857 = arith.constant 1 : i32
        %swap3A_858 = arith.index_cast %swap3A_857 : i32 to index
        %swap3A_859 = arith.index_cast %add3A_849 : i32 to index
        %swap3A_860 = arith.constant 16 : index
        %swap3A_861 = tpu.vector_load %arg8[%swap3A_858, %swap3A_859, %swap3A_860] {strides = array<i32>} : memref<2x1600x32xf32, #tpu.memory_space<vmem>>, vector<1x1x16xf32>,
        %swap3A_862 = vector.shape_cast %swap3A_861 : vector<1x1x16xf32> to vector<16xf32>
        %swap3A_863 = vector.shape_cast %add3A_856 : vector<16xf32> to vector<1x1x16xf32>
        tpu.vector_store %arg8[%swap3A_858, %swap3A_859, %swap3A_860], %swap3A_863 {strides = array<i32>} : memref<2x1600x32xf32, #tpu.memory_space<vmem>>, vector<1x1x16xf32>,
        %add3A_864 = arith.constant 400 : i32
        %add3A_865 = arith.addi %add3A_864, %add3A_695 : i32
        %get3A_866 = arith.constant 1 : i32
        %get3A_867 = arith.index_cast %get3A_866 : i32 to index
        %get3A_868 = arith.index_cast %add3A_865 : i32 to index
        %get3A_869 = arith.constant 16 : index
        %get3A_870 = tpu.vector_load %arg8[%get3A_867, %get3A_868, %get3A_869] {strides = array<i32>} : memref<2x1600x32xf32, #tpu.memory_space<vmem>>, vector<1x1x16xf32>,
        %get3A_871 = vector.shape_cast %get3A_870 : vector<1x1x16xf32> to vector<16xf32>
        %add3A_872 = arith.addf %get3A_871, %get3A_831 : vector<16xf32>
        %swap3A_873 = arith.constant 1 : i32
        %swap3A_874 = arith.index_cast %swap3A_873 : i32 to index
        %swap3A_875 = arith.index_cast %add3A_865 : i32 to index
        %swap3A_876 = arith.constant 16 : index
        %swap3A_877 = tpu.vector_load %arg8[%swap3A_874, %swap3A_875, %swap3A_876] {strides = array<i32>} : memref<2x1600x32xf32, #tpu.memory_space<vmem>>, vector<1x1x16xf32>,
        %swap3A_878 = vector.shape_cast %swap3A_877 : vector<1x1x16xf32> to vector<16xf32>
        %swap3A_879 = vector.shape_cast %add3A_872 : vector<16xf32> to vector<1x1x16xf32>
        tpu.vector_store %arg8[%swap3A_874, %swap3A_875, %swap3A_876], %swap3A_879 {strides = array<i32>} : memref<2x1600x32xf32, #tpu.memory_space<vmem>>, vector<1x1x16xf32>,
        %add3A_880 = arith.constant 600 : i32
        %add3A_881 = arith.addi %add3A_880, %add3A_695 : i32
        %get3A_882 = arith.constant 1 : i32
        %get3A_883 = arith.index_cast %get3A_882 : i32 to index
        %get3A_884 = arith.index_cast %add3A_881 : i32 to index
        %get3A_885 = arith.constant 16 : index
        %get3A_886 = tpu.vector_load %arg8[%get3A_883, %get3A_884, %get3A_885] {strides = array<i32>} : memref<2x1600x32xf32, #tpu.memory_space<vmem>>, vector<1x1x16xf32>,
        %get3A_887 = vector.shape_cast %get3A_886 : vector<1x1x16xf32> to vector<16xf32>
        %add3A_888 = arith.addf %get3A_887, %get3A_831 : vector<16xf32>
        %swap3A_889 = arith.constant 1 : i32
        %swap3A_890 = arith.index_cast %swap3A_889 : i32 to index
        %swap3A_891 = arith.index_cast %add3A_881 : i32 to index
        %swap3A_892 = arith.constant 16 : index
        %swap3A_893 = tpu.vector_load %arg8[%swap3A_890, %swap3A_891, %swap3A_892] {strides = array<i32>} : memref<2x1600x32xf32, #tpu.memory_space<vmem>>, vector<1x1x16xf32>,
        %swap3A_894 = vector.shape_cast %swap3A_893 : vector<1x1x16xf32> to vector<16xf32>
        %swap3A_895 = vector.shape_cast %add3A_888 : vector<16xf32> to vector<1x1x16xf32>
        tpu.vector_store %arg8[%swap3A_890, %swap3A_891, %swap3A_892], %swap3A_895 {strides = array<i32>} : memref<2x1600x32xf32, #tpu.memory_space<vmem>>, vector<1x1x16xf32>,
        %add3A_896 = arith.constant 800 : i32
        %add3A_897 = arith.addi %add3A_896, %add3A_695 : i32
        %get3A_898 = arith.constant 1 : i32
        %get3A_899 = arith.index_cast %get3A_898 : i32 to index
        %get3A_900 = arith.index_cast %add3A_897 : i32 to index
        %get3A_901 = arith.constant 16 : index
        %get3A_902 = tpu.vector_load %arg8[%get3A_899, %get3A_900, %get3A_901] {strides = array<i32>} : memref<2x1600x32xf32, #tpu.memory_space<vmem>>, vector<1x1x16xf32>,
        %get3A_903 = vector.shape_cast %get3A_902 : vector<1x1x16xf32> to vector<16xf32>
        %add3A_904 = arith.addf %get3A_903, %get3A_831 : vector<16xf32>
        %swap3A_905 = arith.constant 1 : i32
        %swap3A_906 = arith.index_cast %swap3A_905 : i32 to index
        %swap3A_907 = arith.index_cast %add3A_897 : i32 to index
        %swap3A_908 = arith.constant 16 : index
        %swap3A_909 = tpu.vector_load %arg8[%swap3A_906, %swap3A_907, %swap3A_908] {strides = array<i32>} : memref<2x1600x32xf32, #tpu.memory_space<vmem>>, vector<1x1x16xf32>,
        %swap3A_910 = vector.shape_cast %swap3A_909 : vector<1x1x16xf32> to vector<16xf32>
        %swap3A_911 = vector.shape_cast %add3A_904 : vector<16xf32> to vector<1x1x16xf32>
        tpu.vector_store %arg8[%swap3A_906, %swap3A_907, %swap3A_908], %swap3A_911 {strides = array<i32>} : memref<2x1600x32xf32, #tpu.memory_space<vmem>>, vector<1x1x16xf32>,
        %add3A_912 = arith.constant 1000 : i32
        %add3A_913 = arith.addi %add3A_912, %add3A_695 : i32
        %get3A_914 = arith.constant 1 : i32
        %get3A_915 = arith.index_cast %get3A_914 : i32 to index
        %get3A_916 = arith.index_cast %add3A_913 : i32 to index
        %get3A_917 = arith.constant 16 : index
        %get3A_918 = tpu.vector_load %arg8[%get3A_915, %get3A_916, %get3A_917] {strides = array<i32>} : memref<2x1600x32xf32, #tpu.memory_space<vmem>>, vector<1x1x16xf32>,
        %get3A_919 = vector.shape_cast %get3A_918 : vector<1x1x16xf32> to vector<16xf32>
        %add3A_920 = arith.addf %get3A_919, %get3A_831 : vector<16xf32>
        %swap3A_921 = arith.constant 1 : i32
        %swap3A_922 = arith.index_cast %swap3A_921 : i32 to index
        %swap3A_923 = arith.index_cast %add3A_913 : i32 to index
        %swap3A_924 = arith.constant 16 : index
        %swap3A_925 = tpu.vector_load %arg8[%swap3A_922, %swap3A_923, %swap3A_924] {strides = array<i32>} : memref<2x1600x32xf32, #tpu.memory_space<vmem>>, vector<1x1x16xf32>,
        %swap3A_926 = vector.shape_cast %swap3A_925 : vector<1x1x16xf32> to vector<16xf32>
        %swap3A_927 = vector.shape_cast %add3A_920 : vector<16xf32> to vector<1x1x16xf32>
        tpu.vector_store %arg8[%swap3A_922, %swap3A_923, %swap3A_924], %swap3A_927 {strides = array<i32>} : memref<2x1600x32xf32, #tpu.memory_space<vmem>>, vector<1x1x16xf32>,
        %add3A_928 = arith.constant 1200 : i32
        %add3A_929 = arith.addi %add3A_928, %add3A_695 : i32
        %get3A_930 = arith.constant 1 : i32
        %get3A_931 = arith.index_cast %get3A_930 : i32 to index
        %get3A_932 = arith.index_cast %add3A_929 : i32 to index
        %get3A_933 = arith.constant 16 : index
        %get3A_934 = tpu.vector_load %arg8[%get3A_931, %get3A_932, %get3A_933] {strides = array<i32>} : memref<2x1600x32xf32, #tpu.memory_space<vmem>>, vector<1x1x16xf32>,
        %get3A_935 = vector.shape_cast %get3A_934 : vector<1x1x16xf32> to vector<16xf32>
        %add3A_936 = arith.addf %get3A_935, %get3A_831 : vector<16xf32>
        %swap3A_937 = arith.constant 1 : i32
        %swap3A_938 = arith.index_cast %swap3A_937 : i32 to index
        %swap3A_939 = arith.index_cast %add3A_929 : i32 to index
        %swap3A_940 = arith.constant 16 : index
        %swap3A_941 = tpu.vector_load %arg8[%swap3A_938, %swap3A_939, %swap3A_940] {strides = array<i32>} : memref<2x1600x32xf32, #tpu.memory_space<vmem>>, vector<1x1x16xf32>,
        %swap3A_942 = vector.shape_cast %swap3A_941 : vector<1x1x16xf32> to vector<16xf32>
        %swap3A_943 = vector.shape_cast %add3A_936 : vector<16xf32> to vector<1x1x16xf32>
        tpu.vector_store %arg8[%swap3A_938, %swap3A_939, %swap3A_940], %swap3A_943 {strides = array<i32>} : memref<2x1600x32xf32, #tpu.memory_space<vmem>>, vector<1x1x16xf32>,
        %add3A_944 = arith.constant 1400 : i32
        %add3A_945 = arith.addi %add3A_944, %add3A_695 : i32
        %get3A_946 = arith.constant 1 : i32
        %get3A_947 = arith.index_cast %get3A_946 : i32 to index
        %get3A_948 = arith.index_cast %add3A_945 : i32 to index
        %get3A_949 = arith.constant 16 : index
        %get3A_950 = tpu.vector_load %arg8[%get3A_947, %get3A_948, %get3A_949] {strides = array<i32>} : memref<2x1600x32xf32, #tpu.memory_space<vmem>>, vector<1x1x16xf32>,
        %get3A_951 = vector.shape_cast %get3A_950 : vector<1x1x16xf32> to vector<16xf32>
        %add3A_952 = arith.addf %get3A_951, %get3A_831 : vector<16xf32>
        %swap3A_953 = arith.constant 1 : i32
        %swap3A_954 = arith.index_cast %swap3A_953 : i32 to index
        %swap3A_955 = arith.index_cast %add3A_945 : i32 to index
        %swap3A_956 = arith.constant 16 : index
        %swap3A_957 = tpu.vector_load %arg8[%swap3A_954, %swap3A_955, %swap3A_956] {strides = array<i32>} : memref<2x1600x32xf32, #tpu.memory_space<vmem>>, vector<1x1x16xf32>,
        %swap3A_958 = vector.shape_cast %swap3A_957 : vector<1x1x16xf32> to vector<16xf32>
        %swap3A_959 = vector.shape_cast %add3A_952 : vector<16xf32> to vector<1x1x16xf32>
        tpu.vector_store %arg8[%swap3A_954, %swap3A_955, %swap3A_956], %swap3A_959 {strides = array<i32>} : memref<2x1600x32xf32, #tpu.memory_space<vmem>>, vector<1x1x16xf32>,
        %mul3A_960 = arith.constant 8 : i32
        %mul3A_961 = arith.muli %scan3A_157, %mul3A_960 : i32
        %add3A_962 = arith.constant 3 : i32
        %add3A_963 = arith.addi %mul3A_961, %add3A_962 : i32
        %get3A_964 = arith.index_cast %add3A_963 : i32 to index
        %get3A_965 = arith.constant 0 : index
        %get3A_966 = tpu.vector_load %arg6[%get3A_964, %get3A_965] {strides = array<i32>} : memref<200x32xf32, #tpu.memory_space<vmem>>, vector<1x16xf32>,
        %get3A_967 = vector.shape_cast %get3A_966 : vector<1x16xf32> to vector<16xf32>
        %add3A_968 = arith.constant 0 : i32
        %add3A_969 = arith.addi %add3A_968, %add3A_963 : i32
        %get3A_970 = arith.constant 1 : i32
        %get3A_971 = arith.index_cast %get3A_970 : i32 to index
        %get3A_972 = arith.index_cast %add3A_969 : i32 to index
        %get3A_973 = arith.constant 0 : index
        %get3A_974 = tpu.vector_load %arg8[%get3A_971, %get3A_972, %get3A_973] {strides = array<i32>} : memref<2x1600x32xf32, #tpu.memory_space<vmem>>, vector<1x1x16xf32>,
        %get3A_975 = vector.shape_cast %get3A_974 : vector<1x1x16xf32> to vector<16xf32>
        %add3A_976 = arith.addf %get3A_975, %get3A_967 : vector<16xf32>
        %swap3A_977 = arith.constant 1 : i32
        %swap3A_978 = arith.index_cast %swap3A_977 : i32 to index
        %swap3A_979 = arith.index_cast %add3A_969 : i32 to index
        %swap3A_980 = arith.constant 0 : index
        %swap3A_981 = tpu.vector_load %arg8[%swap3A_978, %swap3A_979, %swap3A_980] {strides = array<i32>} : memref<2x1600x32xf32, #tpu.memory_space<vmem>>, vector<1x1x16xf32>,
        %swap3A_982 = vector.shape_cast %swap3A_981 : vector<1x1x16xf32> to vector<16xf32>
        %swap3A_983 = vector.shape_cast %add3A_976 : vector<16xf32> to vector<1x1x16xf32>
        tpu.vector_store %arg8[%swap3A_978, %swap3A_979, %swap3A_980], %swap3A_983 {strides = array<i32>} : memref<2x1600x32xf32, #tpu.memory_space<vmem>>, vector<1x1x16xf32>,
        %add3A_984 = arith.constant 200 : i32
        %add3A_985 = arith.addi %add3A_984, %add3A_963 : i32
        %get3A_986 = arith.constant 1 : i32
        %get3A_987 = arith.index_cast %get3A_986 : i32 to index
        %get3A_988 = arith.index_cast %add3A_985 : i32 to index
        %get3A_989 = arith.constant 0 : index
        %get3A_990 = tpu.vector_load %arg8[%get3A_987, %get3A_988, %get3A_989] {strides = array<i32>} : memref<2x1600x32xf32, #tpu.memory_space<vmem>>, vector<1x1x16xf32>,
        %get3A_991 = vector.shape_cast %get3A_990 : vector<1x1x16xf32> to vector<16xf32>
        %add3A_992 = arith.addf %get3A_991, %get3A_967 : vector<16xf32>
        %swap3A_993 = arith.constant 1 : i32
        %swap3A_994 = arith.index_cast %swap3A_993 : i32 to index
        %swap3A_995 = arith.index_cast %add3A_985 : i32 to index
        %swap3A_996 = arith.constant 0 : index
        %swap3A_997 = tpu.vector_load %arg8[%swap3A_994, %swap3A_995, %swap3A_996] {strides = array<i32>} : memref<2x1600x32xf32, #tpu.memory_space<vmem>>, vector<1x1x16xf32>,
        %swap3A_998 = vector.shape_cast %swap3A_997 : vector<1x1x16xf32> to vector<16xf32>
        %swap3A_999 = vector.shape_cast %add3A_992 : vector<16xf32> to vector<1x1x16xf32>
        tpu.vector_store %arg8[%swap3A_994, %swap3A_995, %swap3A_996], %swap3A_999 {strides = array<i32>} : memref<2x1600x32xf32, #tpu.memory_space<vmem>>, vector<1x1x16xf32>,
        %add3A_1000 = arith.constant 400 : i32
        %add3A_1001 = arith.addi %add3A_1000, %add3A_963 : i32
        %get3A_1002 = arith.constant 1 : i32
        %get3A_1003 = arith.index_cast %get3A_1002 : i32 to index
        %get3A_1004 = arith.index_cast %add3A_1001 : i32 to index
        %get3A_1005 = arith.constant 0 : index
        %get3A_1006 = tpu.vector_load %arg8[%get3A_1003, %get3A_1004, %get3A_1005] {strides = array<i32>} : memref<2x1600x32xf32, #tpu.memory_space<vmem>>, vector<1x1x16xf32>,
        %get3A_1007 = vector.shape_cast %get3A_1006 : vector<1x1x16xf32> to vector<16xf32>
        %add3A_1008 = arith.addf %get3A_1007, %get3A_967 : vector<16xf32>
        %swap3A_1009 = arith.constant 1 : i32
        %swap3A_1010 = arith.index_cast %swap3A_1009 : i32 to index
        %swap3A_1011 = arith.index_cast %add3A_1001 : i32 to index
        %swap3A_1012 = arith.constant 0 : index
        %swap3A_1013 = tpu.vector_load %arg8[%swap3A_1010, %swap3A_1011, %swap3A_1012] {strides = array<i32>} : memref<2x1600x32xf32, #tpu.memory_space<vmem>>, vector<1x1x16xf32>,
        %swap3A_1014 = vector.shape_cast %swap3A_1013 : vector<1x1x16xf32> to vector<16xf32>
        %swap3A_1015 = vector.shape_cast %add3A_1008 : vector<16xf32> to vector<1x1x16xf32>
        tpu.vector_store %arg8[%swap3A_1010, %swap3A_1011, %swap3A_1012], %swap3A_1015 {strides = array<i32>} : memref<2x1600x32xf32, #tpu.memory_space<vmem>>, vector<1x1x16xf32>,
        %add3A_1016 = arith.constant 600 : i32
        %add3A_1017 = arith.addi %add3A_1016, %add3A_963 : i32
        %get3A_1018 = arith.constant 1 : i32
        %get3A_1019 = arith.index_cast %get3A_1018 : i32 to index
        %get3A_1020 = arith.index_cast %add3A_1017 : i32 to index
        %get3A_1021 = arith.constant 0 : index
        %get3A_1022 = tpu.vector_load %arg8[%get3A_1019, %get3A_1020, %get3A_1021] {strides = array<i32>} : memref<2x1600x32xf32, #tpu.memory_space<vmem>>, vector<1x1x16xf32>,
        %get3A_1023 = vector.shape_cast %get3A_1022 : vector<1x1x16xf32> to vector<16xf32>
        %add3A_1024 = arith.addf %get3A_1023, %get3A_967 : vector<16xf32>
        %swap3A_1025 = arith.constant 1 : i32
        %swap3A_1026 = arith.index_cast %swap3A_1025 : i32 to index
        %swap3A_1027 = arith.index_cast %add3A_1017 : i32 to index
        %swap3A_1028 = arith.constant 0 : index
        %swap3A_1029 = tpu.vector_load %arg8[%swap3A_1026, %swap3A_1027, %swap3A_1028] {strides = array<i32>} : memref<2x1600x32xf32, #tpu.memory_space<vmem>>, vector<1x1x16xf32>,
        %swap3A_1030 = vector.shape_cast %swap3A_1029 : vector<1x1x16xf32> to vector<16xf32>
        %swap3A_1031 = vector.shape_cast %add3A_1024 : vector<16xf32> to vector<1x1x16xf32>
        tpu.vector_store %arg8[%swap3A_1026, %swap3A_1027, %swap3A_1028], %swap3A_1031 {strides = array<i32>} : memref<2x1600x32xf32, #tpu.memory_space<vmem>>, vector<1x1x16xf32>,
        %add3A_1032 = arith.constant 800 : i32
        %add3A_1033 = arith.addi %add3A_1032, %add3A_963 : i32
        %get3A_1034 = arith.constant 1 : i32
        %get3A_1035 = arith.index_cast %get3A_1034 : i32 to index
        %get3A_1036 = arith.index_cast %add3A_1033 : i32 to index
        %get3A_1037 = arith.constant 0 : index
        %get3A_1038 = tpu.vector_load %arg8[%get3A_1035, %get3A_1036, %get3A_1037] {strides = array<i32>} : memref<2x1600x32xf32, #tpu.memory_space<vmem>>, vector<1x1x16xf32>,
        %get3A_1039 = vector.shape_cast %get3A_1038 : vector<1x1x16xf32> to vector<16xf32>
        %add3A_1040 = arith.addf %get3A_1039, %get3A_967 : vector<16xf32>
        %swap3A_1041 = arith.constant 1 : i32
        %swap3A_1042 = arith.index_cast %swap3A_1041 : i32 to index
        %swap3A_1043 = arith.index_cast %add3A_1033 : i32 to index
        %swap3A_1044 = arith.constant 0 : index
        %swap3A_1045 = tpu.vector_load %arg8[%swap3A_1042, %swap3A_1043, %swap3A_1044] {strides = array<i32>} : memref<2x1600x32xf32, #tpu.memory_space<vmem>>, vector<1x1x16xf32>,
        %swap3A_1046 = vector.shape_cast %swap3A_1045 : vector<1x1x16xf32> to vector<16xf32>
        %swap3A_1047 = vector.shape_cast %add3A_1040 : vector<16xf32> to vector<1x1x16xf32>
        tpu.vector_store %arg8[%swap3A_1042, %swap3A_1043, %swap3A_1044], %swap3A_1047 {strides = array<i32>} : memref<2x1600x32xf32, #tpu.memory_space<vmem>>, vector<1x1x16xf32>,
        %add3A_1048 = arith.constant 1000 : i32
        %add3A_1049 = arith.addi %add3A_1048, %add3A_963 : i32
        %get3A_1050 = arith.constant 1 : i32
        %get3A_1051 = arith.index_cast %get3A_1050 : i32 to index
        %get3A_1052 = arith.index_cast %add3A_1049 : i32 to index
        %get3A_1053 = arith.constant 0 : index
        %get3A_1054 = tpu.vector_load %arg8[%get3A_1051, %get3A_1052, %get3A_1053] {strides = array<i32>} : memref<2x1600x32xf32, #tpu.memory_space<vmem>>, vector<1x1x16xf32>,
        %get3A_1055 = vector.shape_cast %get3A_1054 : vector<1x1x16xf32> to vector<16xf32>
        %add3A_1056 = arith.addf %get3A_1055, %get3A_967 : vector<16xf32>
        %swap3A_1057 = arith.constant 1 : i32
        %swap3A_1058 = arith.index_cast %swap3A_1057 : i32 to index
        %swap3A_1059 = arith.index_cast %add3A_1049 : i32 to index
        %swap3A_1060 = arith.constant 0 : index
        %swap3A_1061 = tpu.vector_load %arg8[%swap3A_1058, %swap3A_1059, %swap3A_1060] {strides = array<i32>} : memref<2x1600x32xf32, #tpu.memory_space<vmem>>, vector<1x1x16xf32>,
        %swap3A_1062 = vector.shape_cast %swap3A_1061 : vector<1x1x16xf32> to vector<16xf32>
        %swap3A_1063 = vector.shape_cast %add3A_1056 : vector<16xf32> to vector<1x1x16xf32>
        tpu.vector_store %arg8[%swap3A_1058, %swap3A_1059, %swap3A_1060], %swap3A_1063 {strides = array<i32>} : memref<2x1600x32xf32, #tpu.memory_space<vmem>>, vector<1x1x16xf32>,
        %add3A_1064 = arith.constant 1200 : i32
        %add3A_1065 = arith.addi %add3A_1064, %add3A_963 : i32
        %get3A_1066 = arith.constant 1 : i32
        %get3A_1067 = arith.index_cast %get3A_1066 : i32 to index
        %get3A_1068 = arith.index_cast %add3A_1065 : i32 to index
        %get3A_1069 = arith.constant 0 : index
        %get3A_1070 = tpu.vector_load %arg8[%get3A_1067, %get3A_1068, %get3A_1069] {strides = array<i32>} : memref<2x1600x32xf32, #tpu.memory_space<vmem>>, vector<1x1x16xf32>,
        %get3A_1071 = vector.shape_cast %get3A_1070 : vector<1x1x16xf32> to vector<16xf32>
        %add3A_1072 = arith.addf %get3A_1071, %get3A_967 : vector<16xf32>
        %swap3A_1073 = arith.constant 1 : i32
        %swap3A_1074 = arith.index_cast %swap3A_1073 : i32 to index
        %swap3A_1075 = arith.index_cast %add3A_1065 : i32 to index
        %swap3A_1076 = arith.constant 0 : index
        %swap3A_1077 = tpu.vector_load %arg8[%swap3A_1074, %swap3A_1075, %swap3A_1076] {strides = array<i32>} : memref<2x1600x32xf32, #tpu.memory_space<vmem>>, vector<1x1x16xf32>,
        %swap3A_1078 = vector.shape_cast %swap3A_1077 : vector<1x1x16xf32> to vector<16xf32>
        %swap3A_1079 = vector.shape_cast %add3A_1072 : vector<16xf32> to vector<1x1x16xf32>
        tpu.vector_store %arg8[%swap3A_1074, %swap3A_1075, %swap3A_1076], %swap3A_1079 {strides = array<i32>} : memref<2x1600x32xf32, #tpu.memory_space<vmem>>, vector<1x1x16xf32>,
        %add3A_1080 = arith.constant 1400 : i32
        %add3A_1081 = arith.addi %add3A_1080, %add3A_963 : i32
        %get3A_1082 = arith.constant 1 : i32
        %get3A_1083 = arith.index_cast %get3A_1082 : i32 to index
        %get3A_1084 = arith.index_cast %add3A_1081 : i32 to index
        %get3A_1085 = arith.constant 0 : index
        %get3A_1086 = tpu.vector_load %arg8[%get3A_1083, %get3A_1084, %get3A_1085] {strides = array<i32>} : memref<2x1600x32xf32, #tpu.memory_space<vmem>>, vector<1x1x16xf32>,
        %get3A_1087 = vector.shape_cast %get3A_1086 : vector<1x1x16xf32> to vector<16xf32>
        %add3A_1088 = arith.addf %get3A_1087, %get3A_967 : vector<16xf32>
        %swap3A_1089 = arith.constant 1 : i32
        %swap3A_1090 = arith.index_cast %swap3A_1089 : i32 to index
        %swap3A_1091 = arith.index_cast %add3A_1081 : i32 to index
        %swap3A_1092 = arith.constant 0 : index
        %swap3A_1093 = tpu.vector_load %arg8[%swap3A_1090, %swap3A_1091, %swap3A_1092] {strides = array<i32>} : memref<2x1600x32xf32, #tpu.memory_space<vmem>>, vector<1x1x16xf32>,
        %swap3A_1094 = vector.shape_cast %swap3A_1093 : vector<1x1x16xf32> to vector<16xf32>
        %swap3A_1095 = vector.shape_cast %add3A_1088 : vector<16xf32> to vector<1x1x16xf32>
        tpu.vector_store %arg8[%swap3A_1090, %swap3A_1091, %swap3A_1092], %swap3A_1095 {strides = array<i32>} : memref<2x1600x32xf32, #tpu.memory_space<vmem>>, vector<1x1x16xf32>,
        %get3A_1096 = arith.index_cast %add3A_963 : i32 to index
        %get3A_1097 = arith.constant 16 : index
        %get3A_1098 = tpu.vector_load %arg6[%get3A_1096, %get3A_1097] {strides = array<i32>} : memref<200x32xf32, #tpu.memory_space<vmem>>, vector<1x16xf32>,
        %get3A_1099 = vector.shape_cast %get3A_1098 : vector<1x16xf32> to vector<16xf32>
        %add3A_1100 = arith.constant 0 : i32
        %add3A_1101 = arith.addi %add3A_1100, %add3A_963 : i32
        %get3A_1102 = arith.constant 1 : i32
        %get3A_1103 = arith.index_cast %get3A_1102 : i32 to index
        %get3A_1104 = arith.index_cast %add3A_1101 : i32 to index
        %get3A_1105 = arith.constant 16 : index
        %get3A_1106 = tpu.vector_load %arg8[%get3A_1103, %get3A_1104, %get3A_1105] {strides = array<i32>} : memref<2x1600x32xf32, #tpu.memory_space<vmem>>, vector<1x1x16xf32>,
        %get3A_1107 = vector.shape_cast %get3A_1106 : vector<1x1x16xf32> to vector<16xf32>
        %add3A_1108 = arith.addf %get3A_1107, %get3A_1099 : vector<16xf32>
        %swap3A_1109 = arith.constant 1 : i32
        %swap3A_1110 = arith.index_cast %swap3A_1109 : i32 to index
        %swap3A_1111 = arith.index_cast %add3A_1101 : i32 to index
        %swap3A_1112 = arith.constant 16 : index
        %swap3A_1113 = tpu.vector_load %arg8[%swap3A_1110, %swap3A_1111, %swap3A_1112] {strides = array<i32>} : memref<2x1600x32xf32, #tpu.memory_space<vmem>>, vector<1x1x16xf32>,
        %swap3A_1114 = vector.shape_cast %swap3A_1113 : vector<1x1x16xf32> to vector<16xf32>
        %swap3A_1115 = vector.shape_cast %add3A_1108 : vector<16xf32> to vector<1x1x16xf32>
        tpu.vector_store %arg8[%swap3A_1110, %swap3A_1111, %swap3A_1112], %swap3A_1115 {strides = array<i32>} : memref<2x1600x32xf32, #tpu.memory_space<vmem>>, vector<1x1x16xf32>,
        %add3A_1116 = arith.constant 200 : i32
        %add3A_1117 = arith.addi %add3A_1116, %add3A_963 : i32
        %get3A_1118 = arith.constant 1 : i32
        %get3A_1119 = arith.index_cast %get3A_1118 : i32 to index
        %get3A_1120 = arith.index_cast %add3A_1117 : i32 to index
        %get3A_1121 = arith.constant 16 : index
        %get3A_1122 = tpu.vector_load %arg8[%get3A_1119, %get3A_1120, %get3A_1121] {strides = array<i32>} : memref<2x1600x32xf32, #tpu.memory_space<vmem>>, vector<1x1x16xf32>,
        %get3A_1123 = vector.shape_cast %get3A_1122 : vector<1x1x16xf32> to vector<16xf32>
        %add3A_1124 = arith.addf %get3A_1123, %get3A_1099 : vector<16xf32>
        %swap3A_1125 = arith.constant 1 : i32
        %swap3A_1126 = arith.index_cast %swap3A_1125 : i32 to index
        %swap3A_1127 = arith.index_cast %add3A_1117 : i32 to index
        %swap3A_1128 = arith.constant 16 : index
        %swap3A_1129 = tpu.vector_load %arg8[%swap3A_1126, %swap3A_1127, %swap3A_1128] {strides = array<i32>} : memref<2x1600x32xf32, #tpu.memory_space<vmem>>, vector<1x1x16xf32>,
        %swap3A_1130 = vector.shape_cast %swap3A_1129 : vector<1x1x16xf32> to vector<16xf32>
        %swap3A_1131 = vector.shape_cast %add3A_1124 : vector<16xf32> to vector<1x1x16xf32>
        tpu.vector_store %arg8[%swap3A_1126, %swap3A_1127, %swap3A_1128], %swap3A_1131 {strides = array<i32>} : memref<2x1600x32xf32, #tpu.memory_space<vmem>>, vector<1x1x16xf32>,
        %add3A_1132 = arith.constant 400 : i32
        %add3A_1133 = arith.addi %add3A_1132, %add3A_963 : i32
        %get3A_1134 = arith.constant 1 : i32
        %get3A_1135 = arith.index_cast %get3A_1134 : i32 to index
        %get3A_1136 = arith.index_cast %add3A_1133 : i32 to index
        %get3A_1137 = arith.constant 16 : index
        %get3A_1138 = tpu.vector_load %arg8[%get3A_1135, %get3A_1136, %get3A_1137] {strides = array<i32>} : memref<2x1600x32xf32, #tpu.memory_space<vmem>>, vector<1x1x16xf32>,
        %get3A_1139 = vector.shape_cast %get3A_1138 : vector<1x1x16xf32> to vector<16xf32>
        %add3A_1140 = arith.addf %get3A_1139, %get3A_1099 : vector<16xf32>
        %swap3A_1141 = arith.constant 1 : i32
        %swap3A_1142 = arith.index_cast %swap3A_1141 : i32 to index
        %swap3A_1143 = arith.index_cast %add3A_1133 : i32 to index
        %swap3A_1144 = arith.constant 16 : index
        %swap3A_1145 = tpu.vector_load %arg8[%swap3A_1142, %swap3A_1143, %swap3A_1144] {strides = array<i32>} : memref<2x1600x32xf32, #tpu.memory_space<vmem>>, vector<1x1x16xf32>,
        %swap3A_1146 = vector.shape_cast %swap3A_1145 : vector<1x1x16xf32> to vector<16xf32>
        %swap3A_1147 = vector.shape_cast %add3A_1140 : vector<16xf32> to vector<1x1x16xf32>
        tpu.vector_store %arg8[%swap3A_1142, %swap3A_1143, %swap3A_1144], %swap3A_1147 {strides = array<i32>} : memref<2x1600x32xf32, #tpu.memory_space<vmem>>, vector<1x1x16xf32>,
        %add3A_1148 = arith.constant 600 : i32
        %add3A_1149 = arith.addi %add3A_1148, %add3A_963 : i32
        %get3A_1150 = arith.constant 1 : i32
        %get3A_1151 = arith.index_cast %get3A_1150 : i32 to index
        %get3A_1152 = arith.index_cast %add3A_1149 : i32 to index
        %get3A_1153 = arith.constant 16 : index
        %get3A_1154 = tpu.vector_load %arg8[%get3A_1151, %get3A_1152, %get3A_1153] {strides = array<i32>} : memref<2x1600x32xf32, #tpu.memory_space<vmem>>, vector<1x1x16xf32>,
        %get3A_1155 = vector.shape_cast %get3A_1154 : vector<1x1x16xf32> to vector<16xf32>
        %add3A_1156 = arith.addf %get3A_1155, %get3A_1099 : vector<16xf32>
        %swap3A_1157 = arith.constant 1 : i32
        %swap3A_1158 = arith.index_cast %swap3A_1157 : i32 to index
        %swap3A_1159 = arith.index_cast %add3A_1149 : i32 to index
        %swap3A_1160 = arith.constant 16 : index
        %swap3A_1161 = tpu.vector_load %arg8[%swap3A_1158, %swap3A_1159, %swap3A_1160] {strides = array<i32>} : memref<2x1600x32xf32, #tpu.memory_space<vmem>>, vector<1x1x16xf32>,
        %swap3A_1162 = vector.shape_cast %swap3A_1161 : vector<1x1x16xf32> to vector<16xf32>
        %swap3A_1163 = vector.shape_cast %add3A_1156 : vector<16xf32> to vector<1x1x16xf32>
        tpu.vector_store %arg8[%swap3A_1158, %swap3A_1159, %swap3A_1160], %swap3A_1163 {strides = array<i32>} : memref<2x1600x32xf32, #tpu.memory_space<vmem>>, vector<1x1x16xf32>,
        %add3A_1164 = arith.constant 800 : i32
        %add3A_1165 = arith.addi %add3A_1164, %add3A_963 : i32
        %get3A_1166 = arith.constant 1 : i32
        %get3A_1167 = arith.index_cast %get3A_1166 : i32 to index
        %get3A_1168 = arith.index_cast %add3A_1165 : i32 to index
        %get3A_1169 = arith.constant 16 : index
        %get3A_1170 = tpu.vector_load %arg8[%get3A_1167, %get3A_1168, %get3A_1169] {strides = array<i32>} : memref<2x1600x32xf32, #tpu.memory_space<vmem>>, vector<1x1x16xf32>,
        %get3A_1171 = vector.shape_cast %get3A_1170 : vector<1x1x16xf32> to vector<16xf32>
        %add3A_1172 = arith.addf %get3A_1171, %get3A_1099 : vector<16xf32>
        %swap3A_1173 = arith.constant 1 : i32
        %swap3A_1174 = arith.index_cast %swap3A_1173 : i32 to index
        %swap3A_1175 = arith.index_cast %add3A_1165 : i32 to index
        %swap3A_1176 = arith.constant 16 : index
        %swap3A_1177 = tpu.vector_load %arg8[%swap3A_1174, %swap3A_1175, %swap3A_1176] {strides = array<i32>} : memref<2x1600x32xf32, #tpu.memory_space<vmem>>, vector<1x1x16xf32>,
        %swap3A_1178 = vector.shape_cast %swap3A_1177 : vector<1x1x16xf32> to vector<16xf32>
        %swap3A_1179 = vector.shape_cast %add3A_1172 : vector<16xf32> to vector<1x1x16xf32>
        tpu.vector_store %arg8[%swap3A_1174, %swap3A_1175, %swap3A_1176], %swap3A_1179 {strides = array<i32>} : memref<2x1600x32xf32, #tpu.memory_space<vmem>>, vector<1x1x16xf32>,
        %add3A_1180 = arith.constant 1000 : i32
        %add3A_1181 = arith.addi %add3A_1180, %add3A_963 : i32
        %get3A_1182 = arith.constant 1 : i32
        %get3A_1183 = arith.index_cast %get3A_1182 : i32 to index
        %get3A_1184 = arith.index_cast %add3A_1181 : i32 to index
        %get3A_1185 = arith.constant 16 : index
        %get3A_1186 = tpu.vector_load %arg8[%get3A_1183, %get3A_1184, %get3A_1185] {strides = array<i32>} : memref<2x1600x32xf32, #tpu.memory_space<vmem>>, vector<1x1x16xf32>,
        %get3A_1187 = vector.shape_cast %get3A_1186 : vector<1x1x16xf32> to vector<16xf32>
        %add3A_1188 = arith.addf %get3A_1187, %get3A_1099 : vector<16xf32>
        %swap3A_1189 = arith.constant 1 : i32
        %swap3A_1190 = arith.index_cast %swap3A_1189 : i32 to index
        %swap3A_1191 = arith.index_cast %add3A_1181 : i32 to index
        %swap3A_1192 = arith.constant 16 : index
        %swap3A_1193 = tpu.vector_load %arg8[%swap3A_1190, %swap3A_1191, %swap3A_1192] {strides = array<i32>} : memref<2x1600x32xf32, #tpu.memory_space<vmem>>, vector<1x1x16xf32>,
        %swap3A_1194 = vector.shape_cast %swap3A_1193 : vector<1x1x16xf32> to vector<16xf32>
        %swap3A_1195 = vector.shape_cast %add3A_1188 : vector<16xf32> to vector<1x1x16xf32>
        tpu.vector_store %arg8[%swap3A_1190, %swap3A_1191, %swap3A_1192], %swap3A_1195 {strides = array<i32>} : memref<2x1600x32xf32, #tpu.memory_space<vmem>>, vector<1x1x16xf32>,
        %add3A_1196 = arith.constant 1200 : i32
        %add3A_1197 = arith.addi %add3A_1196, %add3A_963 : i32
        %get3A_1198 = arith.constant 1 : i32
        %get3A_1199 = arith.index_cast %get3A_1198 : i32 to index
        %get3A_1200 = arith.index_cast %add3A_1197 : i32 to index
        %get3A_1201 = arith.constant 16 : index
        %get3A_1202 = tpu.vector_load %arg8[%get3A_1199, %get3A_1200, %get3A_1201] {strides = array<i32>} : memref<2x1600x32xf32, #tpu.memory_space<vmem>>, vector<1x1x16xf32>,
        %get3A_1203 = vector.shape_cast %get3A_1202 : vector<1x1x16xf32> to vector<16xf32>
        %add3A_1204 = arith.addf %get3A_1203, %get3A_1099 : vector<16xf32>
        %swap3A_1205 = arith.constant 1 : i32
        %swap3A_1206 = arith.index_cast %swap3A_1205 : i32 to index
        %swap3A_1207 = arith.index_cast %add3A_1197 : i32 to index
        %swap3A_1208 = arith.constant 16 : index
        %swap3A_1209 = tpu.vector_load %arg8[%swap3A_1206, %swap3A_1207, %swap3A_1208] {strides = array<i32>} : memref<2x1600x32xf32, #tpu.memory_space<vmem>>, vector<1x1x16xf32>,
        %swap3A_1210 = vector.shape_cast %swap3A_1209 : vector<1x1x16xf32> to vector<16xf32>
        %swap3A_1211 = vector.shape_cast %add3A_1204 : vector<16xf32> to vector<1x1x16xf32>
        tpu.vector_store %arg8[%swap3A_1206, %swap3A_1207, %swap3A_1208], %swap3A_1211 {strides = array<i32>} : memref<2x1600x32xf32, #tpu.memory_space<vmem>>, vector<1x1x16xf32>,
        %add3A_1212 = arith.constant 1400 : i32
        %add3A_1213 = arith.addi %add3A_1212, %add3A_963 : i32
        %get3A_1214 = arith.constant 1 : i32
        %get3A_1215 = arith.index_cast %get3A_1214 : i32 to index
        %get3A_1216 = arith.index_cast %add3A_1213 : i32 to index
        %get3A_1217 = arith.constant 16 : index
        %get3A_1218 = tpu.vector_load %arg8[%get3A_1215, %get3A_1216, %get3A_1217] {strides = array<i32>} : memref<2x1600x32xf32, #tpu.memory_space<vmem>>, vector<1x1x16xf32>,
        %get3A_1219 = vector.shape_cast %get3A_1218 : vector<1x1x16xf32> to vector<16xf32>
        %add3A_1220 = arith.addf %get3A_1219, %get3A_1099 : vector<16xf32>
        %swap3A_1221 = arith.constant 1 : i32
        %swap3A_1222 = arith.index_cast %swap3A_1221 : i32 to index
        %swap3A_1223 = arith.index_cast %add3A_1213 : i32 to index
        %swap3A_1224 = arith.constant 16 : index
        %swap3A_1225 = tpu.vector_load %arg8[%swap3A_1222, %swap3A_1223, %swap3A_1224] {strides = array<i32>} : memref<2x1600x32xf32, #tpu.memory_space<vmem>>, vector<1x1x16xf32>,
        %swap3A_1226 = vector.shape_cast %swap3A_1225 : vector<1x1x16xf32> to vector<16xf32>
        %swap3A_1227 = vector.shape_cast %add3A_1220 : vector<16xf32> to vector<1x1x16xf32>
        tpu.vector_store %arg8[%swap3A_1222, %swap3A_1223, %swap3A_1224], %swap3A_1227 {strides = array<i32>} : memref<2x1600x32xf32, #tpu.memory_space<vmem>>, vector<1x1x16xf32>,
        %mul3A_1228 = arith.constant 8 : i32
        %mul3A_1229 = arith.muli %scan3A_157, %mul3A_1228 : i32
        %add3A_1230 = arith.constant 4 : i32
        %add3A_1231 = arith.addi %mul3A_1229, %add3A_1230 : i32
        %get3A_1232 = arith.index_cast %add3A_1231 : i32 to index
        %get3A_1233 = arith.constant 0 : index
        %get3A_1234 = tpu.vector_load %arg6[%get3A_1232, %get3A_1233] {strides = array<i32>} : memref<200x32xf32, #tpu.memory_space<vmem>>, vector<1x16xf32>,
        %get3A_1235 = vector.shape_cast %get3A_1234 : vector<1x16xf32> to vector<16xf32>
        %add3A_1236 = arith.constant 0 : i32
        %add3A_1237 = arith.addi %add3A_1236, %add3A_1231 : i32
        %get3A_1238 = arith.constant 1 : i32
        %get3A_1239 = arith.index_cast %get3A_1238 : i32 to index
        %get3A_1240 = arith.index_cast %add3A_1237 : i32 to index
        %get3A_1241 = arith.constant 0 : index
        %get3A_1242 = tpu.vector_load %arg8[%get3A_1239, %get3A_1240, %get3A_1241] {strides = array<i32>} : memref<2x1600x32xf32, #tpu.memory_space<vmem>>, vector<1x1x16xf32>,
        %get3A_1243 = vector.shape_cast %get3A_1242 : vector<1x1x16xf32> to vector<16xf32>
        %add3A_1244 = arith.addf %get3A_1243, %get3A_1235 : vector<16xf32>
        %swap3A_1245 = arith.constant 1 : i32
        %swap3A_1246 = arith.index_cast %swap3A_1245 : i32 to index
        %swap3A_1247 = arith.index_cast %add3A_1237 : i32 to index
        %swap3A_1248 = arith.constant 0 : index
        %swap3A_1249 = tpu.vector_load %arg8[%swap3A_1246, %swap3A_1247, %swap3A_1248] {strides = array<i32>} : memref<2x1600x32xf32, #tpu.memory_space<vmem>>, vector<1x1x16xf32>,
        %swap3A_1250 = vector.shape_cast %swap3A_1249 : vector<1x1x16xf32> to vector<16xf32>
        %swap3A_1251 = vector.shape_cast %add3A_1244 : vector<16xf32> to vector<1x1x16xf32>
        tpu.vector_store %arg8[%swap3A_1246, %swap3A_1247, %swap3A_1248], %swap3A_1251 {strides = array<i32>} : memref<2x1600x32xf32, #tpu.memory_space<vmem>>, vector<1x1x16xf32>,
        %add3A_1252 = arith.constant 200 : i32
        %add3A_1253 = arith.addi %add3A_1252, %add3A_1231 : i32
        %get3A_1254 = arith.constant 1 : i32
        %get3A_1255 = arith.index_cast %get3A_1254 : i32 to index
        %get3A_1256 = arith.index_cast %add3A_1253 : i32 to index
        %get3A_1257 = arith.constant 0 : index
        %get3A_1258 = tpu.vector_load %arg8[%get3A_1255, %get3A_1256, %get3A_1257] {strides = array<i32>} : memref<2x1600x32xf32, #tpu.memory_space<vmem>>, vector<1x1x16xf32>,
        %get3A_1259 = vector.shape_cast %get3A_1258 : vector<1x1x16xf32> to vector<16xf32>
        %add3A_1260 = arith.addf %get3A_1259, %get3A_1235 : vector<16xf32>
        %swap3A_1261 = arith.constant 1 : i32
        %swap3A_1262 = arith.index_cast %swap3A_1261 : i32 to index
        %swap3A_1263 = arith.index_cast %add3A_1253 : i32 to index
        %swap3A_1264 = arith.constant 0 : index
        %swap3A_1265 = tpu.vector_load %arg8[%swap3A_1262, %swap3A_1263, %swap3A_1264] {strides = array<i32>} : memref<2x1600x32xf32, #tpu.memory_space<vmem>>, vector<1x1x16xf32>,
        %swap3A_1266 = vector.shape_cast %swap3A_1265 : vector<1x1x16xf32> to vector<16xf32>
        %swap3A_1267 = vector.shape_cast %add3A_1260 : vector<16xf32> to vector<1x1x16xf32>
        tpu.vector_store %arg8[%swap3A_1262, %swap3A_1263, %swap3A_1264], %swap3A_1267 {strides = array<i32>} : memref<2x1600x32xf32, #tpu.memory_space<vmem>>, vector<1x1x16xf32>,
        %add3A_1268 = arith.constant 400 : i32
        %add3A_1269 = arith.addi %add3A_1268, %add3A_1231 : i32
        %get3A_1270 = arith.constant 1 : i32
        %get3A_1271 = arith.index_cast %get3A_1270 : i32 to index
        %get3A_1272 = arith.index_cast %add3A_1269 : i32 to index
        %get3A_1273 = arith.constant 0 : index
        %get3A_1274 = tpu.vector_load %arg8[%get3A_1271, %get3A_1272, %get3A_1273] {strides = array<i32>} : memref<2x1600x32xf32, #tpu.memory_space<vmem>>, vector<1x1x16xf32>,
        %get3A_1275 = vector.shape_cast %get3A_1274 : vector<1x1x16xf32> to vector<16xf32>
        %add3A_1276 = arith.addf %get3A_1275, %get3A_1235 : vector<16xf32>
        %swap3A_1277 = arith.constant 1 : i32
        %swap3A_1278 = arith.index_cast %swap3A_1277 : i32 to index
        %swap3A_1279 = arith.index_cast %add3A_1269 : i32 to index
        %swap3A_1280 = arith.constant 0 : index
        %swap3A_1281 = tpu.vector_load %arg8[%swap3A_1278, %swap3A_1279, %swap3A_1280] {strides = array<i32>} : memref<2x1600x32xf32, #tpu.memory_space<vmem>>, vector<1x1x16xf32>,
        %swap3A_1282 = vector.shape_cast %swap3A_1281 : vector<1x1x16xf32> to vector<16xf32>
        %swap3A_1283 = vector.shape_cast %add3A_1276 : vector<16xf32> to vector<1x1x16xf32>
        tpu.vector_store %arg8[%swap3A_1278, %swap3A_1279, %swap3A_1280], %swap3A_1283 {strides = array<i32>} : memref<2x1600x32xf32, #tpu.memory_space<vmem>>, vector<1x1x16xf32>,
        %add3A_1284 = arith.constant 600 : i32
        %add3A_1285 = arith.addi %add3A_1284, %add3A_1231 : i32
        %get3A_1286 = arith.constant 1 : i32
        %get3A_1287 = arith.index_cast %get3A_1286 : i32 to index
        %get3A_1288 = arith.index_cast %add3A_1285 : i32 to index
        %get3A_1289 = arith.constant 0 : index
        %get3A_1290 = tpu.vector_load %arg8[%get3A_1287, %get3A_1288, %get3A_1289] {strides = array<i32>} : memref<2x1600x32xf32, #tpu.memory_space<vmem>>, vector<1x1x16xf32>,
        %get3A_1291 = vector.shape_cast %get3A_1290 : vector<1x1x16xf32> to vector<16xf32>
        %add3A_1292 = arith.addf %get3A_1291, %get3A_1235 : vector<16xf32>
        %swap3A_1293 = arith.constant 1 : i32
        %swap3A_1294 = arith.index_cast %swap3A_1293 : i32 to index
        %swap3A_1295 = arith.index_cast %add3A_1285 : i32 to index
        %swap3A_1296 = arith.constant 0 : index
        %swap3A_1297 = tpu.vector_load %arg8[%swap3A_1294, %swap3A_1295, %swap3A_1296] {strides = array<i32>} : memref<2x1600x32xf32, #tpu.memory_space<vmem>>, vector<1x1x16xf32>,
        %swap3A_1298 = vector.shape_cast %swap3A_1297 : vector<1x1x16xf32> to vector<16xf32>
        %swap3A_1299 = vector.shape_cast %add3A_1292 : vector<16xf32> to vector<1x1x16xf32>
        tpu.vector_store %arg8[%swap3A_1294, %swap3A_1295, %swap3A_1296], %swap3A_1299 {strides = array<i32>} : memref<2x1600x32xf32, #tpu.memory_space<vmem>>, vector<1x1x16xf32>,
        %add3A_1300 = arith.constant 800 : i32
        %add3A_1301 = arith.addi %add3A_1300, %add3A_1231 : i32
        %get3A_1302 = arith.constant 1 : i32
        %get3A_1303 = arith.index_cast %get3A_1302 : i32 to index
        %get3A_1304 = arith.index_cast %add3A_1301 : i32 to index
        %get3A_1305 = arith.constant 0 : index
        %get3A_1306 = tpu.vector_load %arg8[%get3A_1303, %get3A_1304, %get3A_1305] {strides = array<i32>} : memref<2x1600x32xf32, #tpu.memory_space<vmem>>, vector<1x1x16xf32>,
        %get3A_1307 = vector.shape_cast %get3A_1306 : vector<1x1x16xf32> to vector<16xf32>
        %add3A_1308 = arith.addf %get3A_1307, %get3A_1235 : vector<16xf32>
        %swap3A_1309 = arith.constant 1 : i32
        %swap3A_1310 = arith.index_cast %swap3A_1309 : i32 to index
        %swap3A_1311 = arith.index_cast %add3A_1301 : i32 to index
        %swap3A_1312 = arith.constant 0 : index
        %swap3A_1313 = tpu.vector_load %arg8[%swap3A_1310, %swap3A_1311, %swap3A_1312] {strides = array<i32>} : memref<2x1600x32xf32, #tpu.memory_space<vmem>>, vector<1x1x16xf32>,
        %swap3A_1314 = vector.shape_cast %swap3A_1313 : vector<1x1x16xf32> to vector<16xf32>
        %swap3A_1315 = vector.shape_cast %add3A_1308 : vector<16xf32> to vector<1x1x16xf32>
        tpu.vector_store %arg8[%swap3A_1310, %swap3A_1311, %swap3A_1312], %swap3A_1315 {strides = array<i32>} : memref<2x1600x32xf32, #tpu.memory_space<vmem>>, vector<1x1x16xf32>,
        %add3A_1316 = arith.constant 1000 : i32
        %add3A_1317 = arith.addi %add3A_1316, %add3A_1231 : i32
        %get3A_1318 = arith.constant 1 : i32
        %get3A_1319 = arith.index_cast %get3A_1318 : i32 to index
        %get3A_1320 = arith.index_cast %add3A_1317 : i32 to index
        %get3A_1321 = arith.constant 0 : index
        %get3A_1322 = tpu.vector_load %arg8[%get3A_1319, %get3A_1320, %get3A_1321] {strides = array<i32>} : memref<2x1600x32xf32, #tpu.memory_space<vmem>>, vector<1x1x16xf32>,
        %get3A_1323 = vector.shape_cast %get3A_1322 : vector<1x1x16xf32> to vector<16xf32>
        %add3A_1324 = arith.addf %get3A_1323, %get3A_1235 : vector<16xf32>
        %swap3A_1325 = arith.constant 1 : i32
        %swap3A_1326 = arith.index_cast %swap3A_1325 : i32 to index
        %swap3A_1327 = arith.index_cast %add3A_1317 : i32 to index
        %swap3A_1328 = arith.constant 0 : index
        %swap3A_1329 = tpu.vector_load %arg8[%swap3A_1326, %swap3A_1327, %swap3A_1328] {strides = array<i32>} : memref<2x1600x32xf32, #tpu.memory_space<vmem>>, vector<1x1x16xf32>,
        %swap3A_1330 = vector.shape_cast %swap3A_1329 : vector<1x1x16xf32> to vector<16xf32>
        %swap3A_1331 = vector.shape_cast %add3A_1324 : vector<16xf32> to vector<1x1x16xf32>
        tpu.vector_store %arg8[%swap3A_1326, %swap3A_1327, %swap3A_1328], %swap3A_1331 {strides = array<i32>} : memref<2x1600x32xf32, #tpu.memory_space<vmem>>, vector<1x1x16xf32>,
        %add3A_1332 = arith.constant 1200 : i32
        %add3A_1333 = arith.addi %add3A_1332, %add3A_1231 : i32
        %get3A_1334 = arith.constant 1 : i32
        %get3A_1335 = arith.index_cast %get3A_1334 : i32 to index
        %get3A_1336 = arith.index_cast %add3A_1333 : i32 to index
        %get3A_1337 = arith.constant 0 : index
        %get3A_1338 = tpu.vector_load %arg8[%get3A_1335, %get3A_1336, %get3A_1337] {strides = array<i32>} : memref<2x1600x32xf32, #tpu.memory_space<vmem>>, vector<1x1x16xf32>,
        %get3A_1339 = vector.shape_cast %get3A_1338 : vector<1x1x16xf32> to vector<16xf32>
        %add3A_1340 = arith.addf %get3A_1339, %get3A_1235 : vector<16xf32>
        %swap3A_1341 = arith.constant 1 : i32
        %swap3A_1342 = arith.index_cast %swap3A_1341 : i32 to index
        %swap3A_1343 = arith.index_cast %add3A_1333 : i32 to index
        %swap3A_1344 = arith.constant 0 : index
        %swap3A_1345 = tpu.vector_load %arg8[%swap3A_1342, %swap3A_1343, %swap3A_1344] {strides = array<i32>} : memref<2x1600x32xf32, #tpu.memory_space<vmem>>, vector<1x1x16xf32>,
        %swap3A_1346 = vector.shape_cast %swap3A_1345 : vector<1x1x16xf32> to vector<16xf32>
        %swap3A_1347 = vector.shape_cast %add3A_1340 : vector<16xf32> to vector<1x1x16xf32>
        tpu.vector_store %arg8[%swap3A_1342, %swap3A_1343, %swap3A_1344], %swap3A_1347 {strides = array<i32>} : memref<2x1600x32xf32, #tpu.memory_space<vmem>>, vector<1x1x16xf32>,
        %add3A_1348 = arith.constant 1400 : i32
        %add3A_1349 = arith.addi %add3A_1348, %add3A_1231 : i32
        %get3A_1350 = arith.constant 1 : i32
        %get3A_1351 = arith.index_cast %get3A_1350 : i32 to index
        %get3A_1352 = arith.index_cast %add3A_1349 : i32 to index
        %get3A_1353 = arith.constant 0 : index
        %get3A_1354 = tpu.vector_load %arg8[%get3A_1351, %get3A_1352, %get3A_1353] {strides = array<i32>} : memref<2x1600x32xf32, #tpu.memory_space<vmem>>, vector<1x1x16xf32>,
        %get3A_1355 = vector.shape_cast %get3A_1354 : vector<1x1x16xf32> to vector<16xf32>
        %add3A_1356 = arith.addf %get3A_1355, %get3A_1235 : vector<16xf32>
        %swap3A_1357 = arith.constant 1 : i32
        %swap3A_1358 = arith.index_cast %swap3A_1357 : i32 to index
        %swap3A_1359 = arith.index_cast %add3A_1349 : i32 to index
        %swap3A_1360 = arith.constant 0 : index
        %swap3A_1361 = tpu.vector_load %arg8[%swap3A_1358, %swap3A_1359, %swap3A_1360] {strides = array<i32>} : memref<2x1600x32xf32, #tpu.memory_space<vmem>>, vector<1x1x16xf32>,
        %swap3A_1362 = vector.shape_cast %swap3A_1361 : vector<1x1x16xf32> to vector<16xf32>
        %swap3A_1363 = vector.shape_cast %add3A_1356 : vector<16xf32> to vector<1x1x16xf32>
        tpu.vector_store %arg8[%swap3A_1358, %swap3A_1359, %swap3A_1360], %swap3A_1363 {strides = array<i32>} : memref<2x1600x32xf32, #tpu.memory_space<vmem>>, vector<1x1x16xf32>,
        %get3A_1364 = arith.index_cast %add3A_1231 : i32 to index
        %get3A_1365 = arith.constant 16 : index
        %get3A_1366 = tpu.vector_load %arg6[%get3A_1364, %get3A_1365] {strides = array<i32>} : memref<200x32xf32, #tpu.memory_space<vmem>>, vector<1x16xf32>,
        %get3A_1367 = vector.shape_cast %get3A_1366 : vector<1x16xf32> to vector<16xf32>
        %add3A_1368 = arith.constant 0 : i32
        %add3A_1369 = arith.addi %add3A_1368, %add3A_1231 : i32
        %get3A_1370 = arith.constant 1 : i32
        %get3A_1371 = arith.index_cast %get3A_1370 : i32 to index
        %get3A_1372 = arith.index_cast %add3A_1369 : i32 to index
        %get3A_1373 = arith.constant 16 : index
        %get3A_1374 = tpu.vector_load %arg8[%get3A_1371, %get3A_1372, %get3A_1373] {strides = array<i32>} : memref<2x1600x32xf32, #tpu.memory_space<vmem>>, vector<1x1x16xf32>,
        %get3A_1375 = vector.shape_cast %get3A_1374 : vector<1x1x16xf32> to vector<16xf32>
        %add3A_1376 = arith.addf %get3A_1375, %get3A_1367 : vector<16xf32>
        %swap3A_1377 = arith.constant 1 : i32
        %swap3A_1378 = arith.index_cast %swap3A_1377 : i32 to index
        %swap3A_1379 = arith.index_cast %add3A_1369 : i32 to index
        %swap3A_1380 = arith.constant 16 : index
        %swap3A_1381 = tpu.vector_load %arg8[%swap3A_1378, %swap3A_1379, %swap3A_1380] {strides = array<i32>} : memref<2x1600x32xf32, #tpu.memory_space<vmem>>, vector<1x1x16xf32>,
        %swap3A_1382 = vector.shape_cast %swap3A_1381 : vector<1x1x16xf32> to vector<16xf32>
        %swap3A_1383 = vector.shape_cast %add3A_1376 : vector<16xf32> to vector<1x1x16xf32>
        tpu.vector_store %arg8[%swap3A_1378, %swap3A_1379, %swap3A_1380], %swap3A_1383 {strides = array<i32>} : memref<2x1600x32xf32, #tpu.memory_space<vmem>>, vector<1x1x16xf32>,
        %add3A_1384 = arith.constant 200 : i32
        %add3A_1385 = arith.addi %add3A_1384, %add3A_1231 : i32
        %get3A_1386 = arith.constant 1 : i32
        %get3A_1387 = arith.index_cast %get3A_1386 : i32 to index
        %get3A_1388 = arith.index_cast %add3A_1385 : i32 to index
        %get3A_1389 = arith.constant 16 : index
        %get3A_1390 = tpu.vector_load %arg8[%get3A_1387, %get3A_1388, %get3A_1389] {strides = array<i32>} : memref<2x1600x32xf32, #tpu.memory_space<vmem>>, vector<1x1x16xf32>,
        %get3A_1391 = vector.shape_cast %get3A_1390 : vector<1x1x16xf32> to vector<16xf32>
        %add3A_1392 = arith.addf %get3A_1391, %get3A_1367 : vector<16xf32>
        %swap3A_1393 = arith.constant 1 : i32
        %swap3A_1394 = arith.index_cast %swap3A_1393 : i32 to index
        %swap3A_1395 = arith.index_cast %add3A_1385 : i32 to index
        %swap3A_1396 = arith.constant 16 : index
        %swap3A_1397 = tpu.vector_load %arg8[%swap3A_1394, %swap3A_1395, %swap3A_1396] {strides = array<i32>} : memref<2x1600x32xf32, #tpu.memory_space<vmem>>, vector<1x1x16xf32>,
        %swap3A_1398 = vector.shape_cast %swap3A_1397 : vector<1x1x16xf32> to vector<16xf32>
        %swap3A_1399 = vector.shape_cast %add3A_1392 : vector<16xf32> to vector<1x1x16xf32>
        tpu.vector_store %arg8[%swap3A_1394, %swap3A_1395, %swap3A_1396], %swap3A_1399 {strides = array<i32>} : memref<2x1600x32xf32, #tpu.memory_space<vmem>>, vector<1x1x16xf32>,
        %add3A_1400 = arith.constant 400 : i32
        %add3A_1401 = arith.addi %add3A_1400, %add3A_1231 : i32
        %get3A_1402 = arith.constant 1 : i32
        %get3A_1403 = arith.index_cast %get3A_1402 : i32 to index
        %get3A_1404 = arith.index_cast %add3A_1401 : i32 to index
        %get3A_1405 = arith.constant 16 : index
        %get3A_1406 = tpu.vector_load %arg8[%get3A_1403, %get3A_1404, %get3A_1405] {strides = array<i32>} : memref<2x1600x32xf32, #tpu.memory_space<vmem>>, vector<1x1x16xf32>,
        %get3A_1407 = vector.shape_cast %get3A_1406 : vector<1x1x16xf32> to vector<16xf32>
        %add3A_1408 = arith.addf %get3A_1407, %get3A_1367 : vector<16xf32>
        %swap3A_1409 = arith.constant 1 : i32
        %swap3A_1410 = arith.index_cast %swap3A_1409 : i32 to index
        %swap3A_1411 = arith.index_cast %add3A_1401 : i32 to index
        %swap3A_1412 = arith.constant 16 : index
        %swap3A_1413 = tpu.vector_load %arg8[%swap3A_1410, %swap3A_1411, %swap3A_1412] {strides = array<i32>} : memref<2x1600x32xf32, #tpu.memory_space<vmem>>, vector<1x1x16xf32>,
        %swap3A_1414 = vector.shape_cast %swap3A_1413 : vector<1x1x16xf32> to vector<16xf32>
        %swap3A_1415 = vector.shape_cast %add3A_1408 : vector<16xf32> to vector<1x1x16xf32>
        tpu.vector_store %arg8[%swap3A_1410, %swap3A_1411, %swap3A_1412], %swap3A_1415 {strides = array<i32>} : memref<2x1600x32xf32, #tpu.memory_space<vmem>>, vector<1x1x16xf32>,
        %add3A_1416 = arith.constant 600 : i32
        %add3A_1417 = arith.addi %add3A_1416, %add3A_1231 : i32
        %get3A_1418 = arith.constant 1 : i32
        %get3A_1419 = arith.index_cast %get3A_1418 : i32 to index
        %get3A_1420 = arith.index_cast %add3A_1417 : i32 to index
        %get3A_1421 = arith.constant 16 : index
        %get3A_1422 = tpu.vector_load %arg8[%get3A_1419, %get3A_1420, %get3A_1421] {strides = array<i32>} : memref<2x1600x32xf32, #tpu.memory_space<vmem>>, vector<1x1x16xf32>,
        %get3A_1423 = vector.shape_cast %get3A_1422 : vector<1x1x16xf32> to vector<16xf32>
        %add3A_1424 = arith.addf %get3A_1423, %get3A_1367 : vector<16xf32>
        %swap3A_1425 = arith.constant 1 : i32
        %swap3A_1426 = arith.index_cast %swap3A_1425 : i32 to index
        %swap3A_1427 = arith.index_cast %add3A_1417 : i32 to index
        %swap3A_1428 = arith.constant 16 : index
        %swap3A_1429 = tpu.vector_load %arg8[%swap3A_1426, %swap3A_1427, %swap3A_1428] {strides = array<i32>} : memref<2x1600x32xf32, #tpu.memory_space<vmem>>, vector<1x1x16xf32>,
        %swap3A_1430 = vector.shape_cast %swap3A_1429 : vector<1x1x16xf32> to vector<16xf32>
        %swap3A_1431 = vector.shape_cast %add3A_1424 : vector<16xf32> to vector<1x1x16xf32>
        tpu.vector_store %arg8[%swap3A_1426, %swap3A_1427, %swap3A_1428], %swap3A_1431 {strides = array<i32>} : memref<2x1600x32xf32, #tpu.memory_space<vmem>>, vector<1x1x16xf32>,
        %add3A_1432 = arith.constant 800 : i32
        %add3A_1433 = arith.addi %add3A_1432, %add3A_1231 : i32
        %get3A_1434 = arith.constant 1 : i32
        %get3A_1435 = arith.index_cast %get3A_1434 : i32 to index
        %get3A_1436 = arith.index_cast %add3A_1433 : i32 to index
        %get3A_1437 = arith.constant 16 : index
        %get3A_1438 = tpu.vector_load %arg8[%get3A_1435, %get3A_1436, %get3A_1437] {strides = array<i32>} : memref<2x1600x32xf32, #tpu.memory_space<vmem>>, vector<1x1x16xf32>,
        %get3A_1439 = vector.shape_cast %get3A_1438 : vector<1x1x16xf32> to vector<16xf32>
        %add3A_1440 = arith.addf %get3A_1439, %get3A_1367 : vector<16xf32>
        %swap3A_1441 = arith.constant 1 : i32
        %swap3A_1442 = arith.index_cast %swap3A_1441 : i32 to index
        %swap3A_1443 = arith.index_cast %add3A_1433 : i32 to index
        %swap3A_1444 = arith.constant 16 : index
        %swap3A_1445 = tpu.vector_load %arg8[%swap3A_1442, %swap3A_1443, %swap3A_1444] {strides = array<i32>} : memref<2x1600x32xf32, #tpu.memory_space<vmem>>, vector<1x1x16xf32>,
        %swap3A_1446 = vector.shape_cast %swap3A_1445 : vector<1x1x16xf32> to vector<16xf32>
        %swap3A_1447 = vector.shape_cast %add3A_1440 : vector<16xf32> to vector<1x1x16xf32>
        tpu.vector_store %arg8[%swap3A_1442, %swap3A_1443, %swap3A_1444], %swap3A_1447 {strides = array<i32>} : memref<2x1600x32xf32, #tpu.memory_space<vmem>>, vector<1x1x16xf32>,
        %add3A_1448 = arith.constant 1000 : i32
        %add3A_1449 = arith.addi %add3A_1448, %add3A_1231 : i32
        %get3A_1450 = arith.constant 1 : i32
        %get3A_1451 = arith.index_cast %get3A_1450 : i32 to index
        %get3A_1452 = arith.index_cast %add3A_1449 : i32 to index
        %get3A_1453 = arith.constant 16 : index
        %get3A_1454 = tpu.vector_load %arg8[%get3A_1451, %get3A_1452, %get3A_1453] {strides = array<i32>} : memref<2x1600x32xf32, #tpu.memory_space<vmem>>, vector<1x1x16xf32>,
        %get3A_1455 = vector.shape_cast %get3A_1454 : vector<1x1x16xf32> to vector<16xf32>
        %add3A_1456 = arith.addf %get3A_1455, %get3A_1367 : vector<16xf32>
        %swap3A_1457 = arith.constant 1 : i32
        %swap3A_1458 = arith.index_cast %swap3A_1457 : i32 to index
        %swap3A_1459 = arith.index_cast %add3A_1449 : i32 to index
        %swap3A_1460 = arith.constant 16 : index
        %swap3A_1461 = tpu.vector_load %arg8[%swap3A_1458, %swap3A_1459, %swap3A_1460] {strides = array<i32>} : memref<2x1600x32xf32, #tpu.memory_space<vmem>>, vector<1x1x16xf32>,
        %swap3A_1462 = vector.shape_cast %swap3A_1461 : vector<1x1x16xf32> to vector<16xf32>
        %swap3A_1463 = vector.shape_cast %add3A_1456 : vector<16xf32> to vector<1x1x16xf32>
        tpu.vector_store %arg8[%swap3A_1458, %swap3A_1459, %swap3A_1460], %swap3A_1463 {strides = array<i32>} : memref<2x1600x32xf32, #tpu.memory_space<vmem>>, vector<1x1x16xf32>,
        %add3A_1464 = arith.constant 1200 : i32
        %add3A_1465 = arith.addi %add3A_1464, %add3A_1231 : i32
        %get3A_1466 = arith.constant 1 : i32
        %get3A_1467 = arith.index_cast %get3A_1466 : i32 to index
        %get3A_1468 = arith.index_cast %add3A_1465 : i32 to index
        %get3A_1469 = arith.constant 16 : index
        %get3A_1470 = tpu.vector_load %arg8[%get3A_1467, %get3A_1468, %get3A_1469] {strides = array<i32>} : memref<2x1600x32xf32, #tpu.memory_space<vmem>>, vector<1x1x16xf32>,
        %get3A_1471 = vector.shape_cast %get3A_1470 : vector<1x1x16xf32> to vector<16xf32>
        %add3A_1472 = arith.addf %get3A_1471, %get3A_1367 : vector<16xf32>
        %swap3A_1473 = arith.constant 1 : i32
        %swap3A_1474 = arith.index_cast %swap3A_1473 : i32 to index
        %swap3A_1475 = arith.index_cast %add3A_1465 : i32 to index
        %swap3A_1476 = arith.constant 16 : index
        %swap3A_1477 = tpu.vector_load %arg8[%swap3A_1474, %swap3A_1475, %swap3A_1476] {strides = array<i32>} : memref<2x1600x32xf32, #tpu.memory_space<vmem>>, vector<1x1x16xf32>,
        %swap3A_1478 = vector.shape_cast %swap3A_1477 : vector<1x1x16xf32> to vector<16xf32>
        %swap3A_1479 = vector.shape_cast %add3A_1472 : vector<16xf32> to vector<1x1x16xf32>
        tpu.vector_store %arg8[%swap3A_1474, %swap3A_1475, %swap3A_1476], %swap3A_1479 {strides = array<i32>} : memref<2x1600x32xf32, #tpu.memory_space<vmem>>, vector<1x1x16xf32>,
        %add3A_1480 = arith.constant 1400 : i32
        %add3A_1481 = arith.addi %add3A_1480, %add3A_1231 : i32
        %get3A_1482 = arith.constant 1 : i32
        %get3A_1483 = arith.index_cast %get3A_1482 : i32 to index
        %get3A_1484 = arith.index_cast %add3A_1481 : i32 to index
        %get3A_1485 = arith.constant 16 : index
        %get3A_1486 = tpu.vector_load %arg8[%get3A_1483, %get3A_1484, %get3A_1485] {strides = array<i32>} : memref<2x1600x32xf32, #tpu.memory_space<vmem>>, vector<1x1x16xf32>,
        %get3A_1487 = vector.shape_cast %get3A_1486 : vector<1x1x16xf32> to vector<16xf32>
        %add3A_1488 = arith.addf %get3A_1487, %get3A_1367 : vector<16xf32>
        %swap3A_1489 = arith.constant 1 : i32
        %swap3A_1490 = arith.index_cast %swap3A_1489 : i32 to index
        %swap3A_1491 = arith.index_cast %add3A_1481 : i32 to index
        %swap3A_1492 = arith.constant 16 : index
        %swap3A_1493 = tpu.vector_load %arg8[%swap3A_1490, %swap3A_1491, %swap3A_1492] {strides = array<i32>} : memref<2x1600x32xf32, #tpu.memory_space<vmem>>, vector<1x1x16xf32>,
        %swap3A_1494 = vector.shape_cast %swap3A_1493 : vector<1x1x16xf32> to vector<16xf32>
        %swap3A_1495 = vector.shape_cast %add3A_1488 : vector<16xf32> to vector<1x1x16xf32>
        tpu.vector_store %arg8[%swap3A_1490, %swap3A_1491, %swap3A_1492], %swap3A_1495 {strides = array<i32>} : memref<2x1600x32xf32, #tpu.memory_space<vmem>>, vector<1x1x16xf32>,
        %mul3A_1496 = arith.constant 8 : i32
        %mul3A_1497 = arith.muli %scan3A_157, %mul3A_1496 : i32
        %add3A_1498 = arith.constant 5 : i32
        %add3A_1499 = arith.addi %mul3A_1497, %add3A_1498 : i32
        %get3A_1500 = arith.index_cast %add3A_1499 : i32 to index
        %get3A_1501 = arith.constant 0 : index
        %get3A_1502 = tpu.vector_load %arg6[%get3A_1500, %get3A_1501] {strides = array<i32>} : memref<200x32xf32, #tpu.memory_space<vmem>>, vector<1x16xf32>,
        %get3A_1503 = vector.shape_cast %get3A_1502 : vector<1x16xf32> to vector<16xf32>
        %add3A_1504 = arith.constant 0 : i32
        %add3A_1505 = arith.addi %add3A_1504, %add3A_1499 : i32
        %get3A_1506 = arith.constant 1 : i32
        %get3A_1507 = arith.index_cast %get3A_1506 : i32 to index
        %get3A_1508 = arith.index_cast %add3A_1505 : i32 to index
        %get3A_1509 = arith.constant 0 : index
        %get3A_1510 = tpu.vector_load %arg8[%get3A_1507, %get3A_1508, %get3A_1509] {strides = array<i32>} : memref<2x1600x32xf32, #tpu.memory_space<vmem>>, vector<1x1x16xf32>,
        %get3A_1511 = vector.shape_cast %get3A_1510 : vector<1x1x16xf32> to vector<16xf32>
        %add3A_1512 = arith.addf %get3A_1511, %get3A_1503 : vector<16xf32>
        %swap3A_1513 = arith.constant 1 : i32
        %swap3A_1514 = arith.index_cast %swap3A_1513 : i32 to index
        %swap3A_1515 = arith.index_cast %add3A_1505 : i32 to index
        %swap3A_1516 = arith.constant 0 : index
        %swap3A_1517 = tpu.vector_load %arg8[%swap3A_1514, %swap3A_1515, %swap3A_1516] {strides = array<i32>} : memref<2x1600x32xf32, #tpu.memory_space<vmem>>, vector<1x1x16xf32>,
        %swap3A_1518 = vector.shape_cast %swap3A_1517 : vector<1x1x16xf32> to vector<16xf32>
        %swap3A_1519 = vector.shape_cast %add3A_1512 : vector<16xf32> to vector<1x1x16xf32>
        tpu.vector_store %arg8[%swap3A_1514, %swap3A_1515, %swap3A_1516], %swap3A_1519 {strides = array<i32>} : memref<2x1600x32xf32, #tpu.memory_space<vmem>>, vector<1x1x16xf32>,
        %add3A_1520 = arith.constant 200 : i32
        %add3A_1521 = arith.addi %add3A_1520, %add3A_1499 : i32
        %get3A_1522 = arith.constant 1 : i32
        %get3A_1523 = arith.index_cast %get3A_1522 : i32 to index
        %get3A_1524 = arith.index_cast %add3A_1521 : i32 to index
        %get3A_1525 = arith.constant 0 : index
        %get3A_1526 = tpu.vector_load %arg8[%get3A_1523, %get3A_1524, %get3A_1525] {strides = array<i32>} : memref<2x1600x32xf32, #tpu.memory_space<vmem>>, vector<1x1x16xf32>,
        %get3A_1527 = vector.shape_cast %get3A_1526 : vector<1x1x16xf32> to vector<16xf32>
        %add3A_1528 = arith.addf %get3A_1527, %get3A_1503 : vector<16xf32>
        %swap3A_1529 = arith.constant 1 : i32
        %swap3A_1530 = arith.index_cast %swap3A_1529 : i32 to index
        %swap3A_1531 = arith.index_cast %add3A_1521 : i32 to index
        %swap3A_1532 = arith.constant 0 : index
        %swap3A_1533 = tpu.vector_load %arg8[%swap3A_1530, %swap3A_1531, %swap3A_1532] {strides = array<i32>} : memref<2x1600x32xf32, #tpu.memory_space<vmem>>, vector<1x1x16xf32>,
        %swap3A_1534 = vector.shape_cast %swap3A_1533 : vector<1x1x16xf32> to vector<16xf32>
        %swap3A_1535 = vector.shape_cast %add3A_1528 : vector<16xf32> to vector<1x1x16xf32>
        tpu.vector_store %arg8[%swap3A_1530, %swap3A_1531, %swap3A_1532], %swap3A_1535 {strides = array<i32>} : memref<2x1600x32xf32, #tpu.memory_space<vmem>>, vector<1x1x16xf32>,
        %add3A_1536 = arith.constant 400 : i32
        %add3A_1537 = arith.addi %add3A_1536, %add3A_1499 : i32
        %get3A_1538 = arith.constant 1 : i32
        %get3A_1539 = arith.index_cast %get3A_1538 : i32 to index
        %get3A_1540 = arith.index_cast %add3A_1537 : i32 to index
        %get3A_1541 = arith.constant 0 : index
        %get3A_1542 = tpu.vector_load %arg8[%get3A_1539, %get3A_1540, %get3A_1541] {strides = array<i32>} : memref<2x1600x32xf32, #tpu.memory_space<vmem>>, vector<1x1x16xf32>,
        %get3A_1543 = vector.shape_cast %get3A_1542 : vector<1x1x16xf32> to vector<16xf32>
        %add3A_1544 = arith.addf %get3A_1543, %get3A_1503 : vector<16xf32>
        %swap3A_1545 = arith.constant 1 : i32
        %swap3A_1546 = arith.index_cast %swap3A_1545 : i32 to index
        %swap3A_1547 = arith.index_cast %add3A_1537 : i32 to index
        %swap3A_1548 = arith.constant 0 : index
        %swap3A_1549 = tpu.vector_load %arg8[%swap3A_1546, %swap3A_1547, %swap3A_1548] {strides = array<i32>} : memref<2x1600x32xf32, #tpu.memory_space<vmem>>, vector<1x1x16xf32>,
        %swap3A_1550 = vector.shape_cast %swap3A_1549 : vector<1x1x16xf32> to vector<16xf32>
        %swap3A_1551 = vector.shape_cast %add3A_1544 : vector<16xf32> to vector<1x1x16xf32>
        tpu.vector_store %arg8[%swap3A_1546, %swap3A_1547, %swap3A_1548], %swap3A_1551 {strides = array<i32>} : memref<2x1600x32xf32, #tpu.memory_space<vmem>>, vector<1x1x16xf32>,
        %add3A_1552 = arith.constant 600 : i32
        %add3A_1553 = arith.addi %add3A_1552, %add3A_1499 : i32
        %get3A_1554 = arith.constant 1 : i32
        %get3A_1555 = arith.index_cast %get3A_1554 : i32 to index
        %get3A_1556 = arith.index_cast %add3A_1553 : i32 to index
        %get3A_1557 = arith.constant 0 : index
        %get3A_1558 = tpu.vector_load %arg8[%get3A_1555, %get3A_1556, %get3A_1557] {strides = array<i32>} : memref<2x1600x32xf32, #tpu.memory_space<vmem>>, vector<1x1x16xf32>,
        %get3A_1559 = vector.shape_cast %get3A_1558 : vector<1x1x16xf32> to vector<16xf32>
        %add3A_1560 = arith.addf %get3A_1559, %get3A_1503 : vector<16xf32>
        %swap3A_1561 = arith.constant 1 : i32
        %swap3A_1562 = arith.index_cast %swap3A_1561 : i32 to index
        %swap3A_1563 = arith.index_cast %add3A_1553 : i32 to index
        %swap3A_1564 = arith.constant 0 : index
        %swap3A_1565 = tpu.vector_load %arg8[%swap3A_1562, %swap3A_1563, %swap3A_1564] {strides = array<i32>} : memref<2x1600x32xf32, #tpu.memory_space<vmem>>, vector<1x1x16xf32>,
        %swap3A_1566 = vector.shape_cast %swap3A_1565 : vector<1x1x16xf32> to vector<16xf32>
        %swap3A_1567 = vector.shape_cast %add3A_1560 : vector<16xf32> to vector<1x1x16xf32>
        tpu.vector_store %arg8[%swap3A_1562, %swap3A_1563, %swap3A_1564], %swap3A_1567 {strides = array<i32>} : memref<2x1600x32xf32, #tpu.memory_space<vmem>>, vector<1x1x16xf32>,
        %add3A_1568 = arith.constant 800 : i32
        %add3A_1569 = arith.addi %add3A_1568, %add3A_1499 : i32
        %get3A_1570 = arith.constant 1 : i32
        %get3A_1571 = arith.index_cast %get3A_1570 : i32 to index
        %get3A_1572 = arith.index_cast %add3A_1569 : i32 to index
        %get3A_1573 = arith.constant 0 : index
        %get3A_1574 = tpu.vector_load %arg8[%get3A_1571, %get3A_1572, %get3A_1573] {strides = array<i32>} : memref<2x1600x32xf32, #tpu.memory_space<vmem>>, vector<1x1x16xf32>,
        %get3A_1575 = vector.shape_cast %get3A_1574 : vector<1x1x16xf32> to vector<16xf32>
        %add3A_1576 = arith.addf %get3A_1575, %get3A_1503 : vector<16xf32>
        %swap3A_1577 = arith.constant 1 : i32
        %swap3A_1578 = arith.index_cast %swap3A_1577 : i32 to index
        %swap3A_1579 = arith.index_cast %add3A_1569 : i32 to index
        %swap3A_1580 = arith.constant 0 : index
        %swap3A_1581 = tpu.vector_load %arg8[%swap3A_1578, %swap3A_1579, %swap3A_1580] {strides = array<i32>} : memref<2x1600x32xf32, #tpu.memory_space<vmem>>, vector<1x1x16xf32>,
        %swap3A_1582 = vector.shape_cast %swap3A_1581 : vector<1x1x16xf32> to vector<16xf32>
        %swap3A_1583 = vector.shape_cast %add3A_1576 : vector<16xf32> to vector<1x1x16xf32>
        tpu.vector_store %arg8[%swap3A_1578, %swap3A_1579, %swap3A_1580], %swap3A_1583 {strides = array<i32>} : memref<2x1600x32xf32, #tpu.memory_space<vmem>>, vector<1x1x16xf32>,
        %add3A_1584 = arith.constant 1000 : i32
        %add3A_1585 = arith.addi %add3A_1584, %add3A_1499 : i32
        %get3A_1586 = arith.constant 1 : i32
        %get3A_1587 = arith.index_cast %get3A_1586 : i32 to index
        %get3A_1588 = arith.index_cast %add3A_1585 : i32 to index
        %get3A_1589 = arith.constant 0 : index
        %get3A_1590 = tpu.vector_load %arg8[%get3A_1587, %get3A_1588, %get3A_1589] {strides = array<i32>} : memref<2x1600x32xf32, #tpu.memory_space<vmem>>, vector<1x1x16xf32>,
        %get3A_1591 = vector.shape_cast %get3A_1590 : vector<1x1x16xf32> to vector<16xf32>
        %add3A_1592 = arith.addf %get3A_1591, %get3A_1503 : vector<16xf32>
        %swap3A_1593 = arith.constant 1 : i32
        %swap3A_1594 = arith.index_cast %swap3A_1593 : i32 to index
        %swap3A_1595 = arith.index_cast %add3A_1585 : i32 to index
        %swap3A_1596 = arith.constant 0 : index
        %swap3A_1597 = tpu.vector_load %arg8[%swap3A_1594, %swap3A_1595, %swap3A_1596] {strides = array<i32>} : memref<2x1600x32xf32, #tpu.memory_space<vmem>>, vector<1x1x16xf32>,
        %swap3A_1598 = vector.shape_cast %swap3A_1597 : vector<1x1x16xf32> to vector<16xf32>
        %swap3A_1599 = vector.shape_cast %add3A_1592 : vector<16xf32> to vector<1x1x16xf32>
        tpu.vector_store %arg8[%swap3A_1594, %swap3A_1595, %swap3A_1596], %swap3A_1599 {strides = array<i32>} : memref<2x1600x32xf32, #tpu.memory_space<vmem>>, vector<1x1x16xf32>,
        %add3A_1600 = arith.constant 1200 : i32
        %add3A_1601 = arith.addi %add3A_1600, %add3A_1499 : i32
        %get3A_1602 = arith.constant 1 : i32
        %get3A_1603 = arith.index_cast %get3A_1602 : i32 to index
        %get3A_1604 = arith.index_cast %add3A_1601 : i32 to index
        %get3A_1605 = arith.constant 0 : index
        %get3A_1606 = tpu.vector_load %arg8[%get3A_1603, %get3A_1604, %get3A_1605] {strides = array<i32>} : memref<2x1600x32xf32, #tpu.memory_space<vmem>>, vector<1x1x16xf32>,
        %get3A_1607 = vector.shape_cast %get3A_1606 : vector<1x1x16xf32> to vector<16xf32>
        %add3A_1608 = arith.addf %get3A_1607, %get3A_1503 : vector<16xf32>
        %swap3A_1609 = arith.constant 1 : i32
        %swap3A_1610 = arith.index_cast %swap3A_1609 : i32 to index
        %swap3A_1611 = arith.index_cast %add3A_1601 : i32 to index
        %swap3A_1612 = arith.constant 0 : index
        %swap3A_1613 = tpu.vector_load %arg8[%swap3A_1610, %swap3A_1611, %swap3A_1612] {strides = array<i32>} : memref<2x1600x32xf32, #tpu.memory_space<vmem>>, vector<1x1x16xf32>,
        %swap3A_1614 = vector.shape_cast %swap3A_1613 : vector<1x1x16xf32> to vector<16xf32>
        %swap3A_1615 = vector.shape_cast %add3A_1608 : vector<16xf32> to vector<1x1x16xf32>
        tpu.vector_store %arg8[%swap3A_1610, %swap3A_1611, %swap3A_1612], %swap3A_1615 {strides = array<i32>} : memref<2x1600x32xf32, #tpu.memory_space<vmem>>, vector<1x1x16xf32>,
        %add3A_1616 = arith.constant 1400 : i32
        %add3A_1617 = arith.addi %add3A_1616, %add3A_1499 : i32
        %get3A_1618 = arith.constant 1 : i32
        %get3A_1619 = arith.index_cast %get3A_1618 : i32 to index
        %get3A_1620 = arith.index_cast %add3A_1617 : i32 to index
        %get3A_1621 = arith.constant 0 : index
        %get3A_1622 = tpu.vector_load %arg8[%get3A_1619, %get3A_1620, %get3A_1621] {strides = array<i32>} : memref<2x1600x32xf32, #tpu.memory_space<vmem>>, vector<1x1x16xf32>,
        %get3A_1623 = vector.shape_cast %get3A_1622 : vector<1x1x16xf32> to vector<16xf32>
        %add3A_1624 = arith.addf %get3A_1623, %get3A_1503 : vector<16xf32>
        %swap3A_1625 = arith.constant 1 : i32
        %swap3A_1626 = arith.index_cast %swap3A_1625 : i32 to index
        %swap3A_1627 = arith.index_cast %add3A_1617 : i32 to index
        %swap3A_1628 = arith.constant 0 : index
        %swap3A_1629 = tpu.vector_load %arg8[%swap3A_1626, %swap3A_1627, %swap3A_1628] {strides = array<i32>} : memref<2x1600x32xf32, #tpu.memory_space<vmem>>, vector<1x1x16xf32>,
        %swap3A_1630 = vector.shape_cast %swap3A_1629 : vector<1x1x16xf32> to vector<16xf32>
        %swap3A_1631 = vector.shape_cast %add3A_1624 : vector<16xf32> to vector<1x1x16xf32>
        tpu.vector_store %arg8[%swap3A_1626, %swap3A_1627, %swap3A_1628], %swap3A_1631 {strides = array<i32>} : memref<2x1600x32xf32, #tpu.memory_space<vmem>>, vector<1x1x16xf32>,
        %get3A_1632 = arith.index_cast %add3A_1499 : i32 to index
        %get3A_1633 = arith.constant 16 : index
        %get3A_1634 = tpu.vector_load %arg6[%get3A_1632, %get3A_1633] {strides = array<i32>} : memref<200x32xf32, #tpu.memory_space<vmem>>, vector<1x16xf32>,
        %get3A_1635 = vector.shape_cast %get3A_1634 : vector<1x16xf32> to vector<16xf32>
        %add3A_1636 = arith.constant 0 : i32
        %add3A_1637 = arith.addi %add3A_1636, %add3A_1499 : i32
        %get3A_1638 = arith.constant 1 : i32
        %get3A_1639 = arith.index_cast %get3A_1638 : i32 to index
        %get3A_1640 = arith.index_cast %add3A_1637 : i32 to index
        %get3A_1641 = arith.constant 16 : index
        %get3A_1642 = tpu.vector_load %arg8[%get3A_1639, %get3A_1640, %get3A_1641] {strides = array<i32>} : memref<2x1600x32xf32, #tpu.memory_space<vmem>>, vector<1x1x16xf32>,
        %get3A_1643 = vector.shape_cast %get3A_1642 : vector<1x1x16xf32> to vector<16xf32>
        %add3A_1644 = arith.addf %get3A_1643, %get3A_1635 : vector<16xf32>
        %swap3A_1645 = arith.constant 1 : i32
        %swap3A_1646 = arith.index_cast %swap3A_1645 : i32 to index
        %swap3A_1647 = arith.index_cast %add3A_1637 : i32 to index
        %swap3A_1648 = arith.constant 16 : index
        %swap3A_1649 = tpu.vector_load %arg8[%swap3A_1646, %swap3A_1647, %swap3A_1648] {strides = array<i32>} : memref<2x1600x32xf32, #tpu.memory_space<vmem>>, vector<1x1x16xf32>,
        %swap3A_1650 = vector.shape_cast %swap3A_1649 : vector<1x1x16xf32> to vector<16xf32>
        %swap3A_1651 = vector.shape_cast %add3A_1644 : vector<16xf32> to vector<1x1x16xf32>
        tpu.vector_store %arg8[%swap3A_1646, %swap3A_1647, %swap3A_1648], %swap3A_1651 {strides = array<i32>} : memref<2x1600x32xf32, #tpu.memory_space<vmem>>, vector<1x1x16xf32>,
        %add3A_1652 = arith.constant 200 : i32
        %add3A_1653 = arith.addi %add3A_1652, %add3A_1499 : i32
        %get3A_1654 = arith.constant 1 : i32
        %get3A_1655 = arith.index_cast %get3A_1654 : i32 to index
        %get3A_1656 = arith.index_cast %add3A_1653 : i32 to index
        %get3A_1657 = arith.constant 16 : index
        %get3A_1658 = tpu.vector_load %arg8[%get3A_1655, %get3A_1656, %get3A_1657] {strides = array<i32>} : memref<2x1600x32xf32, #tpu.memory_space<vmem>>, vector<1x1x16xf32>,
        %get3A_1659 = vector.shape_cast %get3A_1658 : vector<1x1x16xf32> to vector<16xf32>
        %add3A_1660 = arith.addf %get3A_1659, %get3A_1635 : vector<16xf32>
        %swap3A_1661 = arith.constant 1 : i32
        %swap3A_1662 = arith.index_cast %swap3A_1661 : i32 to index
        %swap3A_1663 = arith.index_cast %add3A_1653 : i32 to index
        %swap3A_1664 = arith.constant 16 : index
        %swap3A_1665 = tpu.vector_load %arg8[%swap3A_1662, %swap3A_1663, %swap3A_1664] {strides = array<i32>} : memref<2x1600x32xf32, #tpu.memory_space<vmem>>, vector<1x1x16xf32>,
        %swap3A_1666 = vector.shape_cast %swap3A_1665 : vector<1x1x16xf32> to vector<16xf32>
        %swap3A_1667 = vector.shape_cast %add3A_1660 : vector<16xf32> to vector<1x1x16xf32>
        tpu.vector_store %arg8[%swap3A_1662, %swap3A_1663, %swap3A_1664], %swap3A_1667 {strides = array<i32>} : memref<2x1600x32xf32, #tpu.memory_space<vmem>>, vector<1x1x16xf32>,
        %add3A_1668 = arith.constant 400 : i32
        %add3A_1669 = arith.addi %add3A_1668, %add3A_1499 : i32
        %get3A_1670 = arith.constant 1 : i32
        %get3A_1671 = arith.index_cast %get3A_1670 : i32 to index
        %get3A_1672 = arith.index_cast %add3A_1669 : i32 to index
        %get3A_1673 = arith.constant 16 : index
        %get3A_1674 = tpu.vector_load %arg8[%get3A_1671, %get3A_1672, %get3A_1673] {strides = array<i32>} : memref<2x1600x32xf32, #tpu.memory_space<vmem>>, vector<1x1x16xf32>,
        %get3A_1675 = vector.shape_cast %get3A_1674 : vector<1x1x16xf32> to vector<16xf32>
        %add3A_1676 = arith.addf %get3A_1675, %get3A_1635 : vector<16xf32>
        %swap3A_1677 = arith.constant 1 : i32
        %swap3A_1678 = arith.index_cast %swap3A_1677 : i32 to index
        %swap3A_1679 = arith.index_cast %add3A_1669 : i32 to index
        %swap3A_1680 = arith.constant 16 : index
        %swap3A_1681 = tpu.vector_load %arg8[%swap3A_1678, %swap3A_1679, %swap3A_1680] {strides = array<i32>} : memref<2x1600x32xf32, #tpu.memory_space<vmem>>, vector<1x1x16xf32>,
        %swap3A_1682 = vector.shape_cast %swap3A_1681 : vector<1x1x16xf32> to vector<16xf32>
        %swap3A_1683 = vector.shape_cast %add3A_1676 : vector<16xf32> to vector<1x1x16xf32>
        tpu.vector_store %arg8[%swap3A_1678, %swap3A_1679, %swap3A_1680], %swap3A_1683 {strides = array<i32>} : memref<2x1600x32xf32, #tpu.memory_space<vmem>>, vector<1x1x16xf32>,
        %add3A_1684 = arith.constant 600 : i32
        %add3A_1685 = arith.addi %add3A_1684, %add3A_1499 : i32
        %get3A_1686 = arith.constant 1 : i32
        %get3A_1687 = arith.index_cast %get3A_1686 : i32 to index
        %get3A_1688 = arith.index_cast %add3A_1685 : i32 to index
        %get3A_1689 = arith.constant 16 : index
        %get3A_1690 = tpu.vector_load %arg8[%get3A_1687, %get3A_1688, %get3A_1689] {strides = array<i32>} : memref<2x1600x32xf32, #tpu.memory_space<vmem>>, vector<1x1x16xf32>,
        %get3A_1691 = vector.shape_cast %get3A_1690 : vector<1x1x16xf32> to vector<16xf32>
        %add3A_1692 = arith.addf %get3A_1691, %get3A_1635 : vector<16xf32>
        %swap3A_1693 = arith.constant 1 : i32
        %swap3A_1694 = arith.index_cast %swap3A_1693 : i32 to index
        %swap3A_1695 = arith.index_cast %add3A_1685 : i32 to index
        %swap3A_1696 = arith.constant 16 : index
        %swap3A_1697 = tpu.vector_load %arg8[%swap3A_1694, %swap3A_1695, %swap3A_1696] {strides = array<i32>} : memref<2x1600x32xf32, #tpu.memory_space<vmem>>, vector<1x1x16xf32>,
        %swap3A_1698 = vector.shape_cast %swap3A_1697 : vector<1x1x16xf32> to vector<16xf32>
        %swap3A_1699 = vector.shape_cast %add3A_1692 : vector<16xf32> to vector<1x1x16xf32>
        tpu.vector_store %arg8[%swap3A_1694, %swap3A_1695, %swap3A_1696], %swap3A_1699 {strides = array<i32>} : memref<2x1600x32xf32, #tpu.memory_space<vmem>>, vector<1x1x16xf32>,
        %add3A_1700 = arith.constant 800 : i32
        %add3A_1701 = arith.addi %add3A_1700, %add3A_1499 : i32
        %get3A_1702 = arith.constant 1 : i32
        %get3A_1703 = arith.index_cast %get3A_1702 : i32 to index
        %get3A_1704 = arith.index_cast %add3A_1701 : i32 to index
        %get3A_1705 = arith.constant 16 : index
        %get3A_1706 = tpu.vector_load %arg8[%get3A_1703, %get3A_1704, %get3A_1705] {strides = array<i32>} : memref<2x1600x32xf32, #tpu.memory_space<vmem>>, vector<1x1x16xf32>,
        %get3A_1707 = vector.shape_cast %get3A_1706 : vector<1x1x16xf32> to vector<16xf32>
        %add3A_1708 = arith.addf %get3A_1707, %get3A_1635 : vector<16xf32>
        %swap3A_1709 = arith.constant 1 : i32
        %swap3A_1710 = arith.index_cast %swap3A_1709 : i32 to index
        %swap3A_1711 = arith.index_cast %add3A_1701 : i32 to index
        %swap3A_1712 = arith.constant 16 : index
        %swap3A_1713 = tpu.vector_load %arg8[%swap3A_1710, %swap3A_1711, %swap3A_1712] {strides = array<i32>} : memref<2x1600x32xf32, #tpu.memory_space<vmem>>, vector<1x1x16xf32>,
        %swap3A_1714 = vector.shape_cast %swap3A_1713 : vector<1x1x16xf32> to vector<16xf32>
        %swap3A_1715 = vector.shape_cast %add3A_1708 : vector<16xf32> to vector<1x1x16xf32>
        tpu.vector_store %arg8[%swap3A_1710, %swap3A_1711, %swap3A_1712], %swap3A_1715 {strides = array<i32>} : memref<2x1600x32xf32, #tpu.memory_space<vmem>>, vector<1x1x16xf32>,
        %add3A_1716 = arith.constant 1000 : i32
        %add3A_1717 = arith.addi %add3A_1716, %add3A_1499 : i32
        %get3A_1718 = arith.constant 1 : i32
        %get3A_1719 = arith.index_cast %get3A_1718 : i32 to index
        %get3A_1720 = arith.index_cast %add3A_1717 : i32 to index
        %get3A_1721 = arith.constant 16 : index
        %get3A_1722 = tpu.vector_load %arg8[%get3A_1719, %get3A_1720, %get3A_1721] {strides = array<i32>} : memref<2x1600x32xf32, #tpu.memory_space<vmem>>, vector<1x1x16xf32>,
        %get3A_1723 = vector.shape_cast %get3A_1722 : vector<1x1x16xf32> to vector<16xf32>
        %add3A_1724 = arith.addf %get3A_1723, %get3A_1635 : vector<16xf32>
        %swap3A_1725 = arith.constant 1 : i32
        %swap3A_1726 = arith.index_cast %swap3A_1725 : i32 to index
        %swap3A_1727 = arith.index_cast %add3A_1717 : i32 to index
        %swap3A_1728 = arith.constant 16 : index
        %swap3A_1729 = tpu.vector_load %arg8[%swap3A_1726, %swap3A_1727, %swap3A_1728] {strides = array<i32>} : memref<2x1600x32xf32, #tpu.memory_space<vmem>>, vector<1x1x16xf32>,
        %swap3A_1730 = vector.shape_cast %swap3A_1729 : vector<1x1x16xf32> to vector<16xf32>
        %swap3A_1731 = vector.shape_cast %add3A_1724 : vector<16xf32> to vector<1x1x16xf32>
        tpu.vector_store %arg8[%swap3A_1726, %swap3A_1727, %swap3A_1728], %swap3A_1731 {strides = array<i32>} : memref<2x1600x32xf32, #tpu.memory_space<vmem>>, vector<1x1x16xf32>,
        %add3A_1732 = arith.constant 1200 : i32
        %add3A_1733 = arith.addi %add3A_1732, %add3A_1499 : i32
        %get3A_1734 = arith.constant 1 : i32
        %get3A_1735 = arith.index_cast %get3A_1734 : i32 to index
        %get3A_1736 = arith.index_cast %add3A_1733 : i32 to index
        %get3A_1737 = arith.constant 16 : index
        %get3A_1738 = tpu.vector_load %arg8[%get3A_1735, %get3A_1736, %get3A_1737] {strides = array<i32>} : memref<2x1600x32xf32, #tpu.memory_space<vmem>>, vector<1x1x16xf32>,
        %get3A_1739 = vector.shape_cast %get3A_1738 : vector<1x1x16xf32> to vector<16xf32>
        %add3A_1740 = arith.addf %get3A_1739, %get3A_1635 : vector<16xf32>
        %swap3A_1741 = arith.constant 1 : i32
        %swap3A_1742 = arith.index_cast %swap3A_1741 : i32 to index
        %swap3A_1743 = arith.index_cast %add3A_1733 : i32 to index
        %swap3A_1744 = arith.constant 16 : index
        %swap3A_1745 = tpu.vector_load %arg8[%swap3A_1742, %swap3A_1743, %swap3A_1744] {strides = array<i32>} : memref<2x1600x32xf32, #tpu.memory_space<vmem>>, vector<1x1x16xf32>,
        %swap3A_1746 = vector.shape_cast %swap3A_1745 : vector<1x1x16xf32> to vector<16xf32>
        %swap3A_1747 = vector.shape_cast %add3A_1740 : vector<16xf32> to vector<1x1x16xf32>
        tpu.vector_store %arg8[%swap3A_1742, %swap3A_1743, %swap3A_1744], %swap3A_1747 {strides = array<i32>} : memref<2x1600x32xf32, #tpu.memory_space<vmem>>, vector<1x1x16xf32>,
        %add3A_1748 = arith.constant 1400 : i32
        %add3A_1749 = arith.addi %add3A_1748, %add3A_1499 : i32
        %get3A_1750 = arith.constant 1 : i32
        %get3A_1751 = arith.index_cast %get3A_1750 : i32 to index
        %get3A_1752 = arith.index_cast %add3A_1749 : i32 to index
        %get3A_1753 = arith.constant 16 : index
        %get3A_1754 = tpu.vector_load %arg8[%get3A_1751, %get3A_1752, %get3A_1753] {strides = array<i32>} : memref<2x1600x32xf32, #tpu.memory_space<vmem>>, vector<1x1x16xf32>,
        %get3A_1755 = vector.shape_cast %get3A_1754 : vector<1x1x16xf32> to vector<16xf32>
        %add3A_1756 = arith.addf %get3A_1755, %get3A_1635 : vector<16xf32>
        %swap3A_1757 = arith.constant 1 : i32
        %swap3A_1758 = arith.index_cast %swap3A_1757 : i32 to index
        %swap3A_1759 = arith.index_cast %add3A_1749 : i32 to index
        %swap3A_1760 = arith.constant 16 : index
        %swap3A_1761 = tpu.vector_load %arg8[%swap3A_1758, %swap3A_1759, %swap3A_1760] {strides = array<i32>} : memref<2x1600x32xf32, #tpu.memory_space<vmem>>, vector<1x1x16xf32>,
        %swap3A_1762 = vector.shape_cast %swap3A_1761 : vector<1x1x16xf32> to vector<16xf32>
        %swap3A_1763 = vector.shape_cast %add3A_1756 : vector<16xf32> to vector<1x1x16xf32>
        tpu.vector_store %arg8[%swap3A_1758, %swap3A_1759, %swap3A_1760], %swap3A_1763 {strides = array<i32>} : memref<2x1600x32xf32, #tpu.memory_space<vmem>>, vector<1x1x16xf32>,
        %mul3A_1764 = arith.constant 8 : i32
        %mul3A_1765 = arith.muli %scan3A_157, %mul3A_1764 : i32
        %add3A_1766 = arith.constant 6 : i32
        %add3A_1767 = arith.addi %mul3A_1765, %add3A_1766 : i32
        %get3A_1768 = arith.index_cast %add3A_1767 : i32 to index
        %get3A_1769 = arith.constant 0 : index
        %get3A_1770 = tpu.vector_load %arg6[%get3A_1768, %get3A_1769] {strides = array<i32>} : memref<200x32xf32, #tpu.memory_space<vmem>>, vector<1x16xf32>,
        %get3A_1771 = vector.shape_cast %get3A_1770 : vector<1x16xf32> to vector<16xf32>
        %add3A_1772 = arith.constant 0 : i32
        %add3A_1773 = arith.addi %add3A_1772, %add3A_1767 : i32
        %get3A_1774 = arith.constant 1 : i32
        %get3A_1775 = arith.index_cast %get3A_1774 : i32 to index
        %get3A_1776 = arith.index_cast %add3A_1773 : i32 to index
        %get3A_1777 = arith.constant 0 : index
        %get3A_1778 = tpu.vector_load %arg8[%get3A_1775, %get3A_1776, %get3A_1777] {strides = array<i32>} : memref<2x1600x32xf32, #tpu.memory_space<vmem>>, vector<1x1x16xf32>,
        %get3A_1779 = vector.shape_cast %get3A_1778 : vector<1x1x16xf32> to vector<16xf32>
        %add3A_1780 = arith.addf %get3A_1779, %get3A_1771 : vector<16xf32>
        %swap3A_1781 = arith.constant 1 : i32
        %swap3A_1782 = arith.index_cast %swap3A_1781 : i32 to index
        %swap3A_1783 = arith.index_cast %add3A_1773 : i32 to index
        %swap3A_1784 = arith.constant 0 : index
        %swap3A_1785 = tpu.vector_load %arg8[%swap3A_1782, %swap3A_1783, %swap3A_1784] {strides = array<i32>} : memref<2x1600x32xf32, #tpu.memory_space<vmem>>, vector<1x1x16xf32>,
        %swap3A_1786 = vector.shape_cast %swap3A_1785 : vector<1x1x16xf32> to vector<16xf32>
        %swap3A_1787 = vector.shape_cast %add3A_1780 : vector<16xf32> to vector<1x1x16xf32>
        tpu.vector_store %arg8[%swap3A_1782, %swap3A_1783, %swap3A_1784], %swap3A_1787 {strides = array<i32>} : memref<2x1600x32xf32, #tpu.memory_space<vmem>>, vector<1x1x16xf32>,
        %add3A_1788 = arith.constant 200 : i32
        %add3A_1789 = arith.addi %add3A_1788, %add3A_1767 : i32
        %get3A_1790 = arith.constant 1 : i32
        %get3A_1791 = arith.index_cast %get3A_1790 : i32 to index
        %get3A_1792 = arith.index_cast %add3A_1789 : i32 to index
        %get3A_1793 = arith.constant 0 : index
        %get3A_1794 = tpu.vector_load %arg8[%get3A_1791, %get3A_1792, %get3A_1793] {strides = array<i32>} : memref<2x1600x32xf32, #tpu.memory_space<vmem>>, vector<1x1x16xf32>,
        %get3A_1795 = vector.shape_cast %get3A_1794 : vector<1x1x16xf32> to vector<16xf32>
        %add3A_1796 = arith.addf %get3A_1795, %get3A_1771 : vector<16xf32>
        %swap3A_1797 = arith.constant 1 : i32
        %swap3A_1798 = arith.index_cast %swap3A_1797 : i32 to index
        %swap3A_1799 = arith.index_cast %add3A_1789 : i32 to index
        %swap3A_1800 = arith.constant 0 : index
        %swap3A_1801 = tpu.vector_load %arg8[%swap3A_1798, %swap3A_1799, %swap3A_1800] {strides = array<i32>} : memref<2x1600x32xf32, #tpu.memory_space<vmem>>, vector<1x1x16xf32>,
        %swap3A_1802 = vector.shape_cast %swap3A_1801 : vector<1x1x16xf32> to vector<16xf32>
        %swap3A_1803 = vector.shape_cast %add3A_1796 : vector<16xf32> to vector<1x1x16xf32>
        tpu.vector_store %arg8[%swap3A_1798, %swap3A_1799, %swap3A_1800], %swap3A_1803 {strides = array<i32>} : memref<2x1600x32xf32, #tpu.memory_space<vmem>>, vector<1x1x16xf32>,
        %add3A_1804 = arith.constant 400 : i32
        %add3A_1805 = arith.addi %add3A_1804, %add3A_1767 : i32
        %get3A_1806 = arith.constant 1 : i32
        %get3A_1807 = arith.index_cast %get3A_1806 : i32 to index
        %get3A_1808 = arith.index_cast %add3A_1805 : i32 to index
        %get3A_1809 = arith.constant 0 : index
        %get3A_1810 = tpu.vector_load %arg8[%get3A_1807, %get3A_1808, %get3A_1809] {strides = array<i32>} : memref<2x1600x32xf32, #tpu.memory_space<vmem>>, vector<1x1x16xf32>,
        %get3A_1811 = vector.shape_cast %get3A_1810 : vector<1x1x16xf32> to vector<16xf32>
        %add3A_1812 = arith.addf %get3A_1811, %get3A_1771 : vector<16xf32>
        %swap3A_1813 = arith.constant 1 : i32
        %swap3A_1814 = arith.index_cast %swap3A_1813 : i32 to index
        %swap3A_1815 = arith.index_cast %add3A_1805 : i32 to index
        %swap3A_1816 = arith.constant 0 : index
        %swap3A_1817 = tpu.vector_load %arg8[%swap3A_1814, %swap3A_1815, %swap3A_1816] {strides = array<i32>} : memref<2x1600x32xf32, #tpu.memory_space<vmem>>, vector<1x1x16xf32>,
        %swap3A_1818 = vector.shape_cast %swap3A_1817 : vector<1x1x16xf32> to vector<16xf32>
        %swap3A_1819 = vector.shape_cast %add3A_1812 : vector<16xf32> to vector<1x1x16xf32>
        tpu.vector_store %arg8[%swap3A_1814, %swap3A_1815, %swap3A_1816], %swap3A_1819 {strides = array<i32>} : memref<2x1600x32xf32, #tpu.memory_space<vmem>>, vector<1x1x16xf32>,
        %add3A_1820 = arith.constant 600 : i32
        %add3A_1821 = arith.addi %add3A_1820, %add3A_1767 : i32
        %get3A_1822 = arith.constant 1 : i32
        %get3A_1823 = arith.index_cast %get3A_1822 : i32 to index
        %get3A_1824 = arith.index_cast %add3A_1821 : i32 to index
        %get3A_1825 = arith.constant 0 : index
        %get3A_1826 = tpu.vector_load %arg8[%get3A_1823, %get3A_1824, %get3A_1825] {strides = array<i32>} : memref<2x1600x32xf32, #tpu.memory_space<vmem>>, vector<1x1x16xf32>,
        %get3A_1827 = vector.shape_cast %get3A_1826 : vector<1x1x16xf32> to vector<16xf32>
        %add3A_1828 = arith.addf %get3A_1827, %get3A_1771 : vector<16xf32>
        %swap3A_1829 = arith.constant 1 : i32
        %swap3A_1830 = arith.index_cast %swap3A_1829 : i32 to index
        %swap3A_1831 = arith.index_cast %add3A_1821 : i32 to index
        %swap3A_1832 = arith.constant 0 : index
        %swap3A_1833 = tpu.vector_load %arg8[%swap3A_1830, %swap3A_1831, %swap3A_1832] {strides = array<i32>} : memref<2x1600x32xf32, #tpu.memory_space<vmem>>, vector<1x1x16xf32>,
        %swap3A_1834 = vector.shape_cast %swap3A_1833 : vector<1x1x16xf32> to vector<16xf32>
        %swap3A_1835 = vector.shape_cast %add3A_1828 : vector<16xf32> to vector<1x1x16xf32>
        tpu.vector_store %arg8[%swap3A_1830, %swap3A_1831, %swap3A_1832], %swap3A_1835 {strides = array<i32>} : memref<2x1600x32xf32, #tpu.memory_space<vmem>>, vector<1x1x16xf32>,
        %add3A_1836 = arith.constant 800 : i32
        %add3A_1837 = arith.addi %add3A_1836, %add3A_1767 : i32
        %get3A_1838 = arith.constant 1 : i32
        %get3A_1839 = arith.index_cast %get3A_1838 : i32 to index
        %get3A_1840 = arith.index_cast %add3A_1837 : i32 to index
        %get3A_1841 = arith.constant 0 : index
        %get3A_1842 = tpu.vector_load %arg8[%get3A_1839, %get3A_1840, %get3A_1841] {strides = array<i32>} : memref<2x1600x32xf32, #tpu.memory_space<vmem>>, vector<1x1x16xf32>,
        %get3A_1843 = vector.shape_cast %get3A_1842 : vector<1x1x16xf32> to vector<16xf32>
        %add3A_1844 = arith.addf %get3A_1843, %get3A_1771 : vector<16xf32>
        %swap3A_1845 = arith.constant 1 : i32
        %swap3A_1846 = arith.index_cast %swap3A_1845 : i32 to index
        %swap3A_1847 = arith.index_cast %add3A_1837 : i32 to index
        %swap3A_1848 = arith.constant 0 : index
        %swap3A_1849 = tpu.vector_load %arg8[%swap3A_1846, %swap3A_1847, %swap3A_1848] {strides = array<i32>} : memref<2x1600x32xf32, #tpu.memory_space<vmem>>, vector<1x1x16xf32>,
        %swap3A_1850 = vector.shape_cast %swap3A_1849 : vector<1x1x16xf32> to vector<16xf32>
        %swap3A_1851 = vector.shape_cast %add3A_1844 : vector<16xf32> to vector<1x1x16xf32>
        tpu.vector_store %arg8[%swap3A_1846, %swap3A_1847, %swap3A_1848], %swap3A_1851 {strides = array<i32>} : memref<2x1600x32xf32, #tpu.memory_space<vmem>>, vector<1x1x16xf32>,
        %add3A_1852 = arith.constant 1000 : i32
        %add3A_1853 = arith.addi %add3A_1852, %add3A_1767 : i32
        %get3A_1854 = arith.constant 1 : i32
        %get3A_1855 = arith.index_cast %get3A_1854 : i32 to index
        %get3A_1856 = arith.index_cast %add3A_1853 : i32 to index
        %get3A_1857 = arith.constant 0 : index
        %get3A_1858 = tpu.vector_load %arg8[%get3A_1855, %get3A_1856, %get3A_1857] {strides = array<i32>} : memref<2x1600x32xf32, #tpu.memory_space<vmem>>, vector<1x1x16xf32>,
        %get3A_1859 = vector.shape_cast %get3A_1858 : vector<1x1x16xf32> to vector<16xf32>
        %add3A_1860 = arith.addf %get3A_1859, %get3A_1771 : vector<16xf32>
        %swap3A_1861 = arith.constant 1 : i32
        %swap3A_1862 = arith.index_cast %swap3A_1861 : i32 to index
        %swap3A_1863 = arith.index_cast %add3A_1853 : i32 to index
        %swap3A_1864 = arith.constant 0 : index
        %swap3A_1865 = tpu.vector_load %arg8[%swap3A_1862, %swap3A_1863, %swap3A_1864] {strides = array<i32>} : memref<2x1600x32xf32, #tpu.memory_space<vmem>>, vector<1x1x16xf32>,
        %swap3A_1866 = vector.shape_cast %swap3A_1865 : vector<1x1x16xf32> to vector<16xf32>
        %swap3A_1867 = vector.shape_cast %add3A_1860 : vector<16xf32> to vector<1x1x16xf32>
        tpu.vector_store %arg8[%swap3A_1862, %swap3A_1863, %swap3A_1864], %swap3A_1867 {strides = array<i32>} : memref<2x1600x32xf32, #tpu.memory_space<vmem>>, vector<1x1x16xf32>,
        %add3A_1868 = arith.constant 1200 : i32
        %add3A_1869 = arith.addi %add3A_1868, %add3A_1767 : i32
        %get3A_1870 = arith.constant 1 : i32
        %get3A_1871 = arith.index_cast %get3A_1870 : i32 to index
        %get3A_1872 = arith.index_cast %add3A_1869 : i32 to index
        %get3A_1873 = arith.constant 0 : index
        %get3A_1874 = tpu.vector_load %arg8[%get3A_1871, %get3A_1872, %get3A_1873] {strides = array<i32>} : memref<2x1600x32xf32, #tpu.memory_space<vmem>>, vector<1x1x16xf32>,
        %get3A_1875 = vector.shape_cast %get3A_1874 : vector<1x1x16xf32> to vector<16xf32>
        %add3A_1876 = arith.addf %get3A_1875, %get3A_1771 : vector<16xf32>
        %swap3A_1877 = arith.constant 1 : i32
        %swap3A_1878 = arith.index_cast %swap3A_1877 : i32 to index
        %swap3A_1879 = arith.index_cast %add3A_1869 : i32 to index
        %swap3A_1880 = arith.constant 0 : index
        %swap3A_1881 = tpu.vector_load %arg8[%swap3A_1878, %swap3A_1879, %swap3A_1880] {strides = array<i32>} : memref<2x1600x32xf32, #tpu.memory_space<vmem>>, vector<1x1x16xf32>,
        %swap3A_1882 = vector.shape_cast %swap3A_1881 : vector<1x1x16xf32> to vector<16xf32>
        %swap3A_1883 = vector.shape_cast %add3A_1876 : vector<16xf32> to vector<1x1x16xf32>
        tpu.vector_store %arg8[%swap3A_1878, %swap3A_1879, %swap3A_1880], %swap3A_1883 {strides = array<i32>} : memref<2x1600x32xf32, #tpu.memory_space<vmem>>, vector<1x1x16xf32>,
        %add3A_1884 = arith.constant 1400 : i32
        %add3A_1885 = arith.addi %add3A_1884, %add3A_1767 : i32
        %get3A_1886 = arith.constant 1 : i32
        %get3A_1887 = arith.index_cast %get3A_1886 : i32 to index
        %get3A_1888 = arith.index_cast %add3A_1885 : i32 to index
        %get3A_1889 = arith.constant 0 : index
        %get3A_1890 = tpu.vector_load %arg8[%get3A_1887, %get3A_1888, %get3A_1889] {strides = array<i32>} : memref<2x1600x32xf32, #tpu.memory_space<vmem>>, vector<1x1x16xf32>,
        %get3A_1891 = vector.shape_cast %get3A_1890 : vector<1x1x16xf32> to vector<16xf32>
        %add3A_1892 = arith.addf %get3A_1891, %get3A_1771 : vector<16xf32>
        %swap3A_1893 = arith.constant 1 : i32
        %swap3A_1894 = arith.index_cast %swap3A_1893 : i32 to index
        %swap3A_1895 = arith.index_cast %add3A_1885 : i32 to index
        %swap3A_1896 = arith.constant 0 : index
        %swap3A_1897 = tpu.vector_load %arg8[%swap3A_1894, %swap3A_1895, %swap3A_1896] {strides = array<i32>} : memref<2x1600x32xf32, #tpu.memory_space<vmem>>, vector<1x1x16xf32>,
        %swap3A_1898 = vector.shape_cast %swap3A_1897 : vector<1x1x16xf32> to vector<16xf32>
        %swap3A_1899 = vector.shape_cast %add3A_1892 : vector<16xf32> to vector<1x1x16xf32>
        tpu.vector_store %arg8[%swap3A_1894, %swap3A_1895, %swap3A_1896], %swap3A_1899 {strides = array<i32>} : memref<2x1600x32xf32, #tpu.memory_space<vmem>>, vector<1x1x16xf32>,
        %get3A_1900 = arith.index_cast %add3A_1767 : i32 to index
        %get3A_1901 = arith.constant 16 : index
        %get3A_1902 = tpu.vector_load %arg6[%get3A_1900, %get3A_1901] {strides = array<i32>} : memref<200x32xf32, #tpu.memory_space<vmem>>, vector<1x16xf32>,
        %get3A_1903 = vector.shape_cast %get3A_1902 : vector<1x16xf32> to vector<16xf32>
        %add3A_1904 = arith.constant 0 : i32
        %add3A_1905 = arith.addi %add3A_1904, %add3A_1767 : i32
        %get3A_1906 = arith.constant 1 : i32
        %get3A_1907 = arith.index_cast %get3A_1906 : i32 to index
        %get3A_1908 = arith.index_cast %add3A_1905 : i32 to index
        %get3A_1909 = arith.constant 16 : index
        %get3A_1910 = tpu.vector_load %arg8[%get3A_1907, %get3A_1908, %get3A_1909] {strides = array<i32>} : memref<2x1600x32xf32, #tpu.memory_space<vmem>>, vector<1x1x16xf32>,
        %get3A_1911 = vector.shape_cast %get3A_1910 : vector<1x1x16xf32> to vector<16xf32>
        %add3A_1912 = arith.addf %get3A_1911, %get3A_1903 : vector<16xf32>
        %swap3A_1913 = arith.constant 1 : i32
        %swap3A_1914 = arith.index_cast %swap3A_1913 : i32 to index
        %swap3A_1915 = arith.index_cast %add3A_1905 : i32 to index
        %swap3A_1916 = arith.constant 16 : index
        %swap3A_1917 = tpu.vector_load %arg8[%swap3A_1914, %swap3A_1915, %swap3A_1916] {strides = array<i32>} : memref<2x1600x32xf32, #tpu.memory_space<vmem>>, vector<1x1x16xf32>,
        %swap3A_1918 = vector.shape_cast %swap3A_1917 : vector<1x1x16xf32> to vector<16xf32>
        %swap3A_1919 = vector.shape_cast %add3A_1912 : vector<16xf32> to vector<1x1x16xf32>
        tpu.vector_store %arg8[%swap3A_1914, %swap3A_1915, %swap3A_1916], %swap3A_1919 {strides = array<i32>} : memref<2x1600x32xf32, #tpu.memory_space<vmem>>, vector<1x1x16xf32>,
        %add3A_1920 = arith.constant 200 : i32
        %add3A_1921 = arith.addi %add3A_1920, %add3A_1767 : i32
        %get3A_1922 = arith.constant 1 : i32
        %get3A_1923 = arith.index_cast %get3A_1922 : i32 to index
        %get3A_1924 = arith.index_cast %add3A_1921 : i32 to index
        %get3A_1925 = arith.constant 16 : index
        %get3A_1926 = tpu.vector_load %arg8[%get3A_1923, %get3A_1924, %get3A_1925] {strides = array<i32>} : memref<2x1600x32xf32, #tpu.memory_space<vmem>>, vector<1x1x16xf32>,
        %get3A_1927 = vector.shape_cast %get3A_1926 : vector<1x1x16xf32> to vector<16xf32>
        %add3A_1928 = arith.addf %get3A_1927, %get3A_1903 : vector<16xf32>
        %swap3A_1929 = arith.constant 1 : i32
        %swap3A_1930 = arith.index_cast %swap3A_1929 : i32 to index
        %swap3A_1931 = arith.index_cast %add3A_1921 : i32 to index
        %swap3A_1932 = arith.constant 16 : index
        %swap3A_1933 = tpu.vector_load %arg8[%swap3A_1930, %swap3A_1931, %swap3A_1932] {strides = array<i32>} : memref<2x1600x32xf32, #tpu.memory_space<vmem>>, vector<1x1x16xf32>,
        %swap3A_1934 = vector.shape_cast %swap3A_1933 : vector<1x1x16xf32> to vector<16xf32>
        %swap3A_1935 = vector.shape_cast %add3A_1928 : vector<16xf32> to vector<1x1x16xf32>
        tpu.vector_store %arg8[%swap3A_1930, %swap3A_1931, %swap3A_1932], %swap3A_1935 {strides = array<i32>} : memref<2x1600x32xf32, #tpu.memory_space<vmem>>, vector<1x1x16xf32>,
        %add3A_1936 = arith.constant 400 : i32
        %add3A_1937 = arith.addi %add3A_1936, %add3A_1767 : i32
        %get3A_1938 = arith.constant 1 : i32
        %get3A_1939 = arith.index_cast %get3A_1938 : i32 to index
        %get3A_1940 = arith.index_cast %add3A_1937 : i32 to index
        %get3A_1941 = arith.constant 16 : index
        %get3A_1942 = tpu.vector_load %arg8[%get3A_1939, %get3A_1940, %get3A_1941] {strides = array<i32>} : memref<2x1600x32xf32, #tpu.memory_space<vmem>>, vector<1x1x16xf32>,
        %get3A_1943 = vector.shape_cast %get3A_1942 : vector<1x1x16xf32> to vector<16xf32>
        %add3A_1944 = arith.addf %get3A_1943, %get3A_1903 : vector<16xf32>
        %swap3A_1945 = arith.constant 1 : i32
        %swap3A_1946 = arith.index_cast %swap3A_1945 : i32 to index
        %swap3A_1947 = arith.index_cast %add3A_1937 : i32 to index
        %swap3A_1948 = arith.constant 16 : index
        %swap3A_1949 = tpu.vector_load %arg8[%swap3A_1946, %swap3A_1947, %swap3A_1948] {strides = array<i32>} : memref<2x1600x32xf32, #tpu.memory_space<vmem>>, vector<1x1x16xf32>,
        %swap3A_1950 = vector.shape_cast %swap3A_1949 : vector<1x1x16xf32> to vector<16xf32>
        %swap3A_1951 = vector.shape_cast %add3A_1944 : vector<16xf32> to vector<1x1x16xf32>
        tpu.vector_store %arg8[%swap3A_1946, %swap3A_1947, %swap3A_1948], %swap3A_1951 {strides = array<i32>} : memref<2x1600x32xf32, #tpu.memory_space<vmem>>, vector<1x1x16xf32>,
        %add3A_1952 = arith.constant 600 : i32
        %add3A_1953 = arith.addi %add3A_1952, %add3A_1767 : i32
        %get3A_1954 = arith.constant 1 : i32
        %get3A_1955 = arith.index_cast %get3A_1954 : i32 to index
        %get3A_1956 = arith.index_cast %add3A_1953 : i32 to index
        %get3A_1957 = arith.constant 16 : index
        %get3A_1958 = tpu.vector_load %arg8[%get3A_1955, %get3A_1956, %get3A_1957] {strides = array<i32>} : memref<2x1600x32xf32, #tpu.memory_space<vmem>>, vector<1x1x16xf32>,
        %get3A_1959 = vector.shape_cast %get3A_1958 : vector<1x1x16xf32> to vector<16xf32>
        %add3A_1960 = arith.addf %get3A_1959, %get3A_1903 : vector<16xf32>
        %swap3A_1961 = arith.constant 1 : i32
        %swap3A_1962 = arith.index_cast %swap3A_1961 : i32 to index
        %swap3A_1963 = arith.index_cast %add3A_1953 : i32 to index
        %swap3A_1964 = arith.constant 16 : index
        %swap3A_1965 = tpu.vector_load %arg8[%swap3A_1962, %swap3A_1963, %swap3A_1964] {strides = array<i32>} : memref<2x1600x32xf32, #tpu.memory_space<vmem>>, vector<1x1x16xf32>,
        %swap3A_1966 = vector.shape_cast %swap3A_1965 : vector<1x1x16xf32> to vector<16xf32>
        %swap3A_1967 = vector.shape_cast %add3A_1960 : vector<16xf32> to vector<1x1x16xf32>
        tpu.vector_store %arg8[%swap3A_1962, %swap3A_1963, %swap3A_1964], %swap3A_1967 {strides = array<i32>} : memref<2x1600x32xf32, #tpu.memory_space<vmem>>, vector<1x1x16xf32>,
        %add3A_1968 = arith.constant 800 : i32
        %add3A_1969 = arith.addi %add3A_1968, %add3A_1767 : i32
        %get3A_1970 = arith.constant 1 : i32
        %get3A_1971 = arith.index_cast %get3A_1970 : i32 to index
        %get3A_1972 = arith.index_cast %add3A_1969 : i32 to index
        %get3A_1973 = arith.constant 16 : index
        %get3A_1974 = tpu.vector_load %arg8[%get3A_1971, %get3A_1972, %get3A_1973] {strides = array<i32>} : memref<2x1600x32xf32, #tpu.memory_space<vmem>>, vector<1x1x16xf32>,
        %get3A_1975 = vector.shape_cast %get3A_1974 : vector<1x1x16xf32> to vector<16xf32>
        %add3A_1976 = arith.addf %get3A_1975, %get3A_1903 : vector<16xf32>
        %swap3A_1977 = arith.constant 1 : i32
        %swap3A_1978 = arith.index_cast %swap3A_1977 : i32 to index
        %swap3A_1979 = arith.index_cast %add3A_1969 : i32 to index
        %swap3A_1980 = arith.constant 16 : index
        %swap3A_1981 = tpu.vector_load %arg8[%swap3A_1978, %swap3A_1979, %swap3A_1980] {strides = array<i32>} : memref<2x1600x32xf32, #tpu.memory_space<vmem>>, vector<1x1x16xf32>,
        %swap3A_1982 = vector.shape_cast %swap3A_1981 : vector<1x1x16xf32> to vector<16xf32>
        %swap3A_1983 = vector.shape_cast %add3A_1976 : vector<16xf32> to vector<1x1x16xf32>
        tpu.vector_store %arg8[%swap3A_1978, %swap3A_1979, %swap3A_1980], %swap3A_1983 {strides = array<i32>} : memref<2x1600x32xf32, #tpu.memory_space<vmem>>, vector<1x1x16xf32>,
        %add3A_1984 = arith.constant 1000 : i32
        %add3A_1985 = arith.addi %add3A_1984, %add3A_1767 : i32
        %get3A_1986 = arith.constant 1 : i32
        %get3A_1987 = arith.index_cast %get3A_1986 : i32 to index
        %get3A_1988 = arith.index_cast %add3A_1985 : i32 to index
        %get3A_1989 = arith.constant 16 : index
        %get3A_1990 = tpu.vector_load %arg8[%get3A_1987, %get3A_1988, %get3A_1989] {strides = array<i32>} : memref<2x1600x32xf32, #tpu.memory_space<vmem>>, vector<1x1x16xf32>,
        %get3A_1991 = vector.shape_cast %get3A_1990 : vector<1x1x16xf32> to vector<16xf32>
        %add3A_1992 = arith.addf %get3A_1991, %get3A_1903 : vector<16xf32>
        %swap3A_1993 = arith.constant 1 : i32
        %swap3A_1994 = arith.index_cast %swap3A_1993 : i32 to index
        %swap3A_1995 = arith.index_cast %add3A_1985 : i32 to index
        %swap3A_1996 = arith.constant 16 : index
        %swap3A_1997 = tpu.vector_load %arg8[%swap3A_1994, %swap3A_1995, %swap3A_1996] {strides = array<i32>} : memref<2x1600x32xf32, #tpu.memory_space<vmem>>, vector<1x1x16xf32>,
        %swap3A_1998 = vector.shape_cast %swap3A_1997 : vector<1x1x16xf32> to vector<16xf32>
        %swap3A_1999 = vector.shape_cast %add3A_1992 : vector<16xf32> to vector<1x1x16xf32>
        tpu.vector_store %arg8[%swap3A_1994, %swap3A_1995, %swap3A_1996], %swap3A_1999 {strides = array<i32>} : memref<2x1600x32xf32, #tpu.memory_space<vmem>>, vector<1x1x16xf32>,
        %add3A_2000 = arith.constant 1200 : i32
        %add3A_2001 = arith.addi %add3A_2000, %add3A_1767 : i32
        %get3A_2002 = arith.constant 1 : i32
        %get3A_2003 = arith.index_cast %get3A_2002 : i32 to index
        %get3A_2004 = arith.index_cast %add3A_2001 : i32 to index
        %get3A_2005 = arith.constant 16 : index
        %get3A_2006 = tpu.vector_load %arg8[%get3A_2003, %get3A_2004, %get3A_2005] {strides = array<i32>} : memref<2x1600x32xf32, #tpu.memory_space<vmem>>, vector<1x1x16xf32>,
        %get3A_2007 = vector.shape_cast %get3A_2006 : vector<1x1x16xf32> to vector<16xf32>
        %add3A_2008 = arith.addf %get3A_2007, %get3A_1903 : vector<16xf32>
        %swap3A_2009 = arith.constant 1 : i32
        %swap3A_2010 = arith.index_cast %swap3A_2009 : i32 to index
        %swap3A_2011 = arith.index_cast %add3A_2001 : i32 to index
        %swap3A_2012 = arith.constant 16 : index
        %swap3A_2013 = tpu.vector_load %arg8[%swap3A_2010, %swap3A_2011, %swap3A_2012] {strides = array<i32>} : memref<2x1600x32xf32, #tpu.memory_space<vmem>>, vector<1x1x16xf32>,
        %swap3A_2014 = vector.shape_cast %swap3A_2013 : vector<1x1x16xf32> to vector<16xf32>
        %swap3A_2015 = vector.shape_cast %add3A_2008 : vector<16xf32> to vector<1x1x16xf32>
        tpu.vector_store %arg8[%swap3A_2010, %swap3A_2011, %swap3A_2012], %swap3A_2015 {strides = array<i32>} : memref<2x1600x32xf32, #tpu.memory_space<vmem>>, vector<1x1x16xf32>,
        %add3A_2016 = arith.constant 1400 : i32
        %add3A_2017 = arith.addi %add3A_2016, %add3A_1767 : i32
        %get3A_2018 = arith.constant 1 : i32
        %get3A_2019 = arith.index_cast %get3A_2018 : i32 to index
        %get3A_2020 = arith.index_cast %add3A_2017 : i32 to index
        %get3A_2021 = arith.constant 16 : index
        %get3A_2022 = tpu.vector_load %arg8[%get3A_2019, %get3A_2020, %get3A_2021] {strides = array<i32>} : memref<2x1600x32xf32, #tpu.memory_space<vmem>>, vector<1x1x16xf32>,
        %get3A_2023 = vector.shape_cast %get3A_2022 : vector<1x1x16xf32> to vector<16xf32>
        %add3A_2024 = arith.addf %get3A_2023, %get3A_1903 : vector<16xf32>
        %swap3A_2025 = arith.constant 1 : i32
        %swap3A_2026 = arith.index_cast %swap3A_2025 : i32 to index
        %swap3A_2027 = arith.index_cast %add3A_2017 : i32 to index
        %swap3A_2028 = arith.constant 16 : index
        %swap3A_2029 = tpu.vector_load %arg8[%swap3A_2026, %swap3A_2027, %swap3A_2028] {strides = array<i32>} : memref<2x1600x32xf32, #tpu.memory_space<vmem>>, vector<1x1x16xf32>,
        %swap3A_2030 = vector.shape_cast %swap3A_2029 : vector<1x1x16xf32> to vector<16xf32>
        %swap3A_2031 = vector.shape_cast %add3A_2024 : vector<16xf32> to vector<1x1x16xf32>
        tpu.vector_store %arg8[%swap3A_2026, %swap3A_2027, %swap3A_2028], %swap3A_2031 {strides = array<i32>} : memref<2x1600x32xf32, #tpu.memory_space<vmem>>, vector<1x1x16xf32>,
        %mul3A_2032 = arith.constant 8 : i32
        %mul3A_2033 = arith.muli %scan3A_157, %mul3A_2032 : i32
        %add3A_2034 = arith.constant 7 : i32
        %add3A_2035 = arith.addi %mul3A_2033, %add3A_2034 : i32
        %get3A_2036 = arith.index_cast %add3A_2035 : i32 to index
        %get3A_2037 = arith.constant 0 : index
        %get3A_2038 = tpu.vector_load %arg6[%get3A_2036, %get3A_2037] {strides = array<i32>} : memref<200x32xf32, #tpu.memory_space<vmem>>, vector<1x16xf32>,
        %get3A_2039 = vector.shape_cast %get3A_2038 : vector<1x16xf32> to vector<16xf32>
        %add3A_2040 = arith.constant 0 : i32
        %add3A_2041 = arith.addi %add3A_2040, %add3A_2035 : i32
        %get3A_2042 = arith.constant 1 : i32
        %get3A_2043 = arith.index_cast %get3A_2042 : i32 to index
        %get3A_2044 = arith.index_cast %add3A_2041 : i32 to index
        %get3A_2045 = arith.constant 0 : index
        %get3A_2046 = tpu.vector_load %arg8[%get3A_2043, %get3A_2044, %get3A_2045] {strides = array<i32>} : memref<2x1600x32xf32, #tpu.memory_space<vmem>>, vector<1x1x16xf32>,
        %get3A_2047 = vector.shape_cast %get3A_2046 : vector<1x1x16xf32> to vector<16xf32>
        %add3A_2048 = arith.addf %get3A_2047, %get3A_2039 : vector<16xf32>
        %swap3A_2049 = arith.constant 1 : i32
        %swap3A_2050 = arith.index_cast %swap3A_2049 : i32 to index
        %swap3A_2051 = arith.index_cast %add3A_2041 : i32 to index
        %swap3A_2052 = arith.constant 0 : index
        %swap3A_2053 = tpu.vector_load %arg8[%swap3A_2050, %swap3A_2051, %swap3A_2052] {strides = array<i32>} : memref<2x1600x32xf32, #tpu.memory_space<vmem>>, vector<1x1x16xf32>,
        %swap3A_2054 = vector.shape_cast %swap3A_2053 : vector<1x1x16xf32> to vector<16xf32>
        %swap3A_2055 = vector.shape_cast %add3A_2048 : vector<16xf32> to vector<1x1x16xf32>
        tpu.vector_store %arg8[%swap3A_2050, %swap3A_2051, %swap3A_2052], %swap3A_2055 {strides = array<i32>} : memref<2x1600x32xf32, #tpu.memory_space<vmem>>, vector<1x1x16xf32>,
        %add3A_2056 = arith.constant 200 : i32
        %add3A_2057 = arith.addi %add3A_2056, %add3A_2035 : i32
        %get3A_2058 = arith.constant 1 : i32
        %get3A_2059 = arith.index_cast %get3A_2058 : i32 to index
        %get3A_2060 = arith.index_cast %add3A_2057 : i32 to index
        %get3A_2061 = arith.constant 0 : index
        %get3A_2062 = tpu.vector_load %arg8[%get3A_2059, %get3A_2060, %get3A_2061] {strides = array<i32>} : memref<2x1600x32xf32, #tpu.memory_space<vmem>>, vector<1x1x16xf32>,
        %get3A_2063 = vector.shape_cast %get3A_2062 : vector<1x1x16xf32> to vector<16xf32>
        %add3A_2064 = arith.addf %get3A_2063, %get3A_2039 : vector<16xf32>
        %swap3A_2065 = arith.constant 1 : i32
        %swap3A_2066 = arith.index_cast %swap3A_2065 : i32 to index
        %swap3A_2067 = arith.index_cast %add3A_2057 : i32 to index
        %swap3A_2068 = arith.constant 0 : index
        %swap3A_2069 = tpu.vector_load %arg8[%swap3A_2066, %swap3A_2067, %swap3A_2068] {strides = array<i32>} : memref<2x1600x32xf32, #tpu.memory_space<vmem>>, vector<1x1x16xf32>,
        %swap3A_2070 = vector.shape_cast %swap3A_2069 : vector<1x1x16xf32> to vector<16xf32>
        %swap3A_2071 = vector.shape_cast %add3A_2064 : vector<16xf32> to vector<1x1x16xf32>
        tpu.vector_store %arg8[%swap3A_2066, %swap3A_2067, %swap3A_2068], %swap3A_2071 {strides = array<i32>} : memref<2x1600x32xf32, #tpu.memory_space<vmem>>, vector<1x1x16xf32>,
        %add3A_2072 = arith.constant 400 : i32
        %add3A_2073 = arith.addi %add3A_2072, %add3A_2035 : i32
        %get3A_2074 = arith.constant 1 : i32
        %get3A_2075 = arith.index_cast %get3A_2074 : i32 to index
        %get3A_2076 = arith.index_cast %add3A_2073 : i32 to index
        %get3A_2077 = arith.constant 0 : index
        %get3A_2078 = tpu.vector_load %arg8[%get3A_2075, %get3A_2076, %get3A_2077] {strides = array<i32>} : memref<2x1600x32xf32, #tpu.memory_space<vmem>>, vector<1x1x16xf32>,
        %get3A_2079 = vector.shape_cast %get3A_2078 : vector<1x1x16xf32> to vector<16xf32>
        %add3A_2080 = arith.addf %get3A_2079, %get3A_2039 : vector<16xf32>
        %swap3A_2081 = arith.constant 1 : i32
        %swap3A_2082 = arith.index_cast %swap3A_2081 : i32 to index
        %swap3A_2083 = arith.index_cast %add3A_2073 : i32 to index
        %swap3A_2084 = arith.constant 0 : index
        %swap3A_2085 = tpu.vector_load %arg8[%swap3A_2082, %swap3A_2083, %swap3A_2084] {strides = array<i32>} : memref<2x1600x32xf32, #tpu.memory_space<vmem>>, vector<1x1x16xf32>,
        %swap3A_2086 = vector.shape_cast %swap3A_2085 : vector<1x1x16xf32> to vector<16xf32>
        %swap3A_2087 = vector.shape_cast %add3A_2080 : vector<16xf32> to vector<1x1x16xf32>
        tpu.vector_store %arg8[%swap3A_2082, %swap3A_2083, %swap3A_2084], %swap3A_2087 {strides = array<i32>} : memref<2x1600x32xf32, #tpu.memory_space<vmem>>, vector<1x1x16xf32>,
        %add3A_2088 = arith.constant 600 : i32
        %add3A_2089 = arith.addi %add3A_2088, %add3A_2035 : i32
        %get3A_2090 = arith.constant 1 : i32
        %get3A_2091 = arith.index_cast %get3A_2090 : i32 to index
        %get3A_2092 = arith.index_cast %add3A_2089 : i32 to index
        %get3A_2093 = arith.constant 0 : index
        %get3A_2094 = tpu.vector_load %arg8[%get3A_2091, %get3A_2092, %get3A_2093] {strides = array<i32>} : memref<2x1600x32xf32, #tpu.memory_space<vmem>>, vector<1x1x16xf32>,
        %get3A_2095 = vector.shape_cast %get3A_2094 : vector<1x1x16xf32> to vector<16xf32>
        %add3A_2096 = arith.addf %get3A_2095, %get3A_2039 : vector<16xf32>
        %swap3A_2097 = arith.constant 1 : i32
        %swap3A_2098 = arith.index_cast %swap3A_2097 : i32 to index
        %swap3A_2099 = arith.index_cast %add3A_2089 : i32 to index
        %swap3A_2100 = arith.constant 0 : index
        %swap3A_2101 = tpu.vector_load %arg8[%swap3A_2098, %swap3A_2099, %swap3A_2100] {strides = array<i32>} : memref<2x1600x32xf32, #tpu.memory_space<vmem>>, vector<1x1x16xf32>,
        %swap3A_2102 = vector.shape_cast %swap3A_2101 : vector<1x1x16xf32> to vector<16xf32>
        %swap3A_2103 = vector.shape_cast %add3A_2096 : vector<16xf32> to vector<1x1x16xf32>
        tpu.vector_store %arg8[%swap3A_2098, %swap3A_2099, %swap3A_2100], %swap3A_2103 {strides = array<i32>} : memref<2x1600x32xf32, #tpu.memory_space<vmem>>, vector<1x1x16xf32>,
        %add3A_2104 = arith.constant 800 : i32
        %add3A_2105 = arith.addi %add3A_2104, %add3A_2035 : i32
        %get3A_2106 = arith.constant 1 : i32
        %get3A_2107 = arith.index_cast %get3A_2106 : i32 to index
        %get3A_2108 = arith.index_cast %add3A_2105 : i32 to index
        %get3A_2109 = arith.constant 0 : index
        %get3A_2110 = tpu.vector_load %arg8[%get3A_2107, %get3A_2108, %get3A_2109] {strides = array<i32>} : memref<2x1600x32xf32, #tpu.memory_space<vmem>>, vector<1x1x16xf32>,
        %get3A_2111 = vector.shape_cast %get3A_2110 : vector<1x1x16xf32> to vector<16xf32>
        %add3A_2112 = arith.addf %get3A_2111, %get3A_2039 : vector<16xf32>
        %swap3A_2113 = arith.constant 1 : i32
        %swap3A_2114 = arith.index_cast %swap3A_2113 : i32 to index
        %swap3A_2115 = arith.index_cast %add3A_2105 : i32 to index
        %swap3A_2116 = arith.constant 0 : index
        %swap3A_2117 = tpu.vector_load %arg8[%swap3A_2114, %swap3A_2115, %swap3A_2116] {strides = array<i32>} : memref<2x1600x32xf32, #tpu.memory_space<vmem>>, vector<1x1x16xf32>,
        %swap3A_2118 = vector.shape_cast %swap3A_2117 : vector<1x1x16xf32> to vector<16xf32>
        %swap3A_2119 = vector.shape_cast %add3A_2112 : vector<16xf32> to vector<1x1x16xf32>
        tpu.vector_store %arg8[%swap3A_2114, %swap3A_2115, %swap3A_2116], %swap3A_2119 {strides = array<i32>} : memref<2x1600x32xf32, #tpu.memory_space<vmem>>, vector<1x1x16xf32>,
        %add3A_2120 = arith.constant 1000 : i32
        %add3A_2121 = arith.addi %add3A_2120, %add3A_2035 : i32
        %get3A_2122 = arith.constant 1 : i32
        %get3A_2123 = arith.index_cast %get3A_2122 : i32 to index
        %get3A_2124 = arith.index_cast %add3A_2121 : i32 to index
        %get3A_2125 = arith.constant 0 : index
        %get3A_2126 = tpu.vector_load %arg8[%get3A_2123, %get3A_2124, %get3A_2125] {strides = array<i32>} : memref<2x1600x32xf32, #tpu.memory_space<vmem>>, vector<1x1x16xf32>,
        %get3A_2127 = vector.shape_cast %get3A_2126 : vector<1x1x16xf32> to vector<16xf32>
        %add3A_2128 = arith.addf %get3A_2127, %get3A_2039 : vector<16xf32>
        %swap3A_2129 = arith.constant 1 : i32
        %swap3A_2130 = arith.index_cast %swap3A_2129 : i32 to index
        %swap3A_2131 = arith.index_cast %add3A_2121 : i32 to index
        %swap3A_2132 = arith.constant 0 : index
        %swap3A_2133 = tpu.vector_load %arg8[%swap3A_2130, %swap3A_2131, %swap3A_2132] {strides = array<i32>} : memref<2x1600x32xf32, #tpu.memory_space<vmem>>, vector<1x1x16xf32>,
        %swap3A_2134 = vector.shape_cast %swap3A_2133 : vector<1x1x16xf32> to vector<16xf32>
        %swap3A_2135 = vector.shape_cast %add3A_2128 : vector<16xf32> to vector<1x1x16xf32>
        tpu.vector_store %arg8[%swap3A_2130, %swap3A_2131, %swap3A_2132], %swap3A_2135 {strides = array<i32>} : memref<2x1600x32xf32, #tpu.memory_space<vmem>>, vector<1x1x16xf32>,
        %add3A_2136 = arith.constant 1200 : i32
        %add3A_2137 = arith.addi %add3A_2136, %add3A_2035 : i32
        %get3A_2138 = arith.constant 1 : i32
        %get3A_2139 = arith.index_cast %get3A_2138 : i32 to index
        %get3A_2140 = arith.index_cast %add3A_2137 : i32 to index
        %get3A_2141 = arith.constant 0 : index
        %get3A_2142 = tpu.vector_load %arg8[%get3A_2139, %get3A_2140, %get3A_2141] {strides = array<i32>} : memref<2x1600x32xf32, #tpu.memory_space<vmem>>, vector<1x1x16xf32>,
        %get3A_2143 = vector.shape_cast %get3A_2142 : vector<1x1x16xf32> to vector<16xf32>
        %add3A_2144 = arith.addf %get3A_2143, %get3A_2039 : vector<16xf32>
        %swap3A_2145 = arith.constant 1 : i32
        %swap3A_2146 = arith.index_cast %swap3A_2145 : i32 to index
        %swap3A_2147 = arith.index_cast %add3A_2137 : i32 to index
        %swap3A_2148 = arith.constant 0 : index
        %swap3A_2149 = tpu.vector_load %arg8[%swap3A_2146, %swap3A_2147, %swap3A_2148] {strides = array<i32>} : memref<2x1600x32xf32, #tpu.memory_space<vmem>>, vector<1x1x16xf32>,
        %swap3A_2150 = vector.shape_cast %swap3A_2149 : vector<1x1x16xf32> to vector<16xf32>
        %swap3A_2151 = vector.shape_cast %add3A_2144 : vector<16xf32> to vector<1x1x16xf32>
        tpu.vector_store %arg8[%swap3A_2146, %swap3A_2147, %swap3A_2148], %swap3A_2151 {strides = array<i32>} : memref<2x1600x32xf32, #tpu.memory_space<vmem>>, vector<1x1x16xf32>,
        %add3A_2152 = arith.constant 1400 : i32
        %add3A_2153 = arith.addi %add3A_2152, %add3A_2035 : i32
        %get3A_2154 = arith.constant 1 : i32
        %get3A_2155 = arith.index_cast %get3A_2154 : i32 to index
        %get3A_2156 = arith.index_cast %add3A_2153 : i32 to index
        %get3A_2157 = arith.constant 0 : index
        %get3A_2158 = tpu.vector_load %arg8[%get3A_2155, %get3A_2156, %get3A_2157] {strides = array<i32>} : memref<2x1600x32xf32, #tpu.memory_space<vmem>>, vector<1x1x16xf32>,
        %get3A_2159 = vector.shape_cast %get3A_2158 : vector<1x1x16xf32> to vector<16xf32>
        %add3A_2160 = arith.addf %get3A_2159, %get3A_2039 : vector<16xf32>
        %swap3A_2161 = arith.constant 1 : i32
        %swap3A_2162 = arith.index_cast %swap3A_2161 : i32 to index
        %swap3A_2163 = arith.index_cast %add3A_2153 : i32 to index
        %swap3A_2164 = arith.constant 0 : index
        %swap3A_2165 = tpu.vector_load %arg8[%swap3A_2162, %swap3A_2163, %swap3A_2164] {strides = array<i32>} : memref<2x1600x32xf32, #tpu.memory_space<vmem>>, vector<1x1x16xf32>,
        %swap3A_2166 = vector.shape_cast %swap3A_2165 : vector<1x1x16xf32> to vector<16xf32>
        %swap3A_2167 = vector.shape_cast %add3A_2160 : vector<16xf32> to vector<1x1x16xf32>
        tpu.vector_store %arg8[%swap3A_2162, %swap3A_2163, %swap3A_2164], %swap3A_2167 {strides = array<i32>} : memref<2x1600x32xf32, #tpu.memory_space<vmem>>, vector<1x1x16xf32>,
        %get3A_2168 = arith.index_cast %add3A_2035 : i32 to index
        %get3A_2169 = arith.constant 16 : index
        %get3A_2170 = tpu.vector_load %arg6[%get3A_2168, %get3A_2169] {strides = array<i32>} : memref<200x32xf32, #tpu.memory_space<vmem>>, vector<1x16xf32>,
        %get3A_2171 = vector.shape_cast %get3A_2170 : vector<1x16xf32> to vector<16xf32>
        %add3A_2172 = arith.constant 0 : i32
        %add3A_2173 = arith.addi %add3A_2172, %add3A_2035 : i32
        %get3A_2174 = arith.constant 1 : i32
        %get3A_2175 = arith.index_cast %get3A_2174 : i32 to index
        %get3A_2176 = arith.index_cast %add3A_2173 : i32 to index
        %get3A_2177 = arith.constant 16 : index
        %get3A_2178 = tpu.vector_load %arg8[%get3A_2175, %get3A_2176, %get3A_2177] {strides = array<i32>} : memref<2x1600x32xf32, #tpu.memory_space<vmem>>, vector<1x1x16xf32>,
        %get3A_2179 = vector.shape_cast %get3A_2178 : vector<1x1x16xf32> to vector<16xf32>
        %add3A_2180 = arith.addf %get3A_2179, %get3A_2171 : vector<16xf32>
        %swap3A_2181 = arith.constant 1 : i32
        %swap3A_2182 = arith.index_cast %swap3A_2181 : i32 to index
        %swap3A_2183 = arith.index_cast %add3A_2173 : i32 to index
        %swap3A_2184 = arith.constant 16 : index
        %swap3A_2185 = tpu.vector_load %arg8[%swap3A_2182, %swap3A_2183, %swap3A_2184] {strides = array<i32>} : memref<2x1600x32xf32, #tpu.memory_space<vmem>>, vector<1x1x16xf32>,
        %swap3A_2186 = vector.shape_cast %swap3A_2185 : vector<1x1x16xf32> to vector<16xf32>
        %swap3A_2187 = vector.shape_cast %add3A_2180 : vector<16xf32> to vector<1x1x16xf32>
        tpu.vector_store %arg8[%swap3A_2182, %swap3A_2183, %swap3A_2184], %swap3A_2187 {strides = array<i32>} : memref<2x1600x32xf32, #tpu.memory_space<vmem>>, vector<1x1x16xf32>,
        %add3A_2188 = arith.constant 200 : i32
        %add3A_2189 = arith.addi %add3A_2188, %add3A_2035 : i32
        %get3A_2190 = arith.constant 1 : i32
        %get3A_2191 = arith.index_cast %get3A_2190 : i32 to index
        %get3A_2192 = arith.index_cast %add3A_2189 : i32 to index
        %get3A_2193 = arith.constant 16 : index
        %get3A_2194 = tpu.vector_load %arg8[%get3A_2191, %get3A_2192, %get3A_2193] {strides = array<i32>} : memref<2x1600x32xf32, #tpu.memory_space<vmem>>, vector<1x1x16xf32>,
        %get3A_2195 = vector.shape_cast %get3A_2194 : vector<1x1x16xf32> to vector<16xf32>
        %add3A_2196 = arith.addf %get3A_2195, %get3A_2171 : vector<16xf32>
        %swap3A_2197 = arith.constant 1 : i32
        %swap3A_2198 = arith.index_cast %swap3A_2197 : i32 to index
        %swap3A_2199 = arith.index_cast %add3A_2189 : i32 to index
        %swap3A_2200 = arith.constant 16 : index
        %swap3A_2201 = tpu.vector_load %arg8[%swap3A_2198, %swap3A_2199, %swap3A_2200] {strides = array<i32>} : memref<2x1600x32xf32, #tpu.memory_space<vmem>>, vector<1x1x16xf32>,
        %swap3A_2202 = vector.shape_cast %swap3A_2201 : vector<1x1x16xf32> to vector<16xf32>
        %swap3A_2203 = vector.shape_cast %add3A_2196 : vector<16xf32> to vector<1x1x16xf32>
        tpu.vector_store %arg8[%swap3A_2198, %swap3A_2199, %swap3A_2200], %swap3A_2203 {strides = array<i32>} : memref<2x1600x32xf32, #tpu.memory_space<vmem>>, vector<1x1x16xf32>,
        %add3A_2204 = arith.constant 400 : i32
        %add3A_2205 = arith.addi %add3A_2204, %add3A_2035 : i32
        %get3A_2206 = arith.constant 1 : i32
        %get3A_2207 = arith.index_cast %get3A_2206 : i32 to index
        %get3A_2208 = arith.index_cast %add3A_2205 : i32 to index
        %get3A_2209 = arith.constant 16 : index
        %get3A_2210 = tpu.vector_load %arg8[%get3A_2207, %get3A_2208, %get3A_2209] {strides = array<i32>} : memref<2x1600x32xf32, #tpu.memory_space<vmem>>, vector<1x1x16xf32>,
        %get3A_2211 = vector.shape_cast %get3A_2210 : vector<1x1x16xf32> to vector<16xf32>
        %add3A_2212 = arith.addf %get3A_2211, %get3A_2171 : vector<16xf32>
        %swap3A_2213 = arith.constant 1 : i32
        %swap3A_2214 = arith.index_cast %swap3A_2213 : i32 to index
        %swap3A_2215 = arith.index_cast %add3A_2205 : i32 to index
        %swap3A_2216 = arith.constant 16 : index
        %swap3A_2217 = tpu.vector_load %arg8[%swap3A_2214, %swap3A_2215, %swap3A_2216] {strides = array<i32>} : memref<2x1600x32xf32, #tpu.memory_space<vmem>>, vector<1x1x16xf32>,
        %swap3A_2218 = vector.shape_cast %swap3A_2217 : vector<1x1x16xf32> to vector<16xf32>
        %swap3A_2219 = vector.shape_cast %add3A_2212 : vector<16xf32> to vector<1x1x16xf32>
        tpu.vector_store %arg8[%swap3A_2214, %swap3A_2215, %swap3A_2216], %swap3A_2219 {strides = array<i32>} : memref<2x1600x32xf32, #tpu.memory_space<vmem>>, vector<1x1x16xf32>,
        %add3A_2220 = arith.constant 600 : i32
        %add3A_2221 = arith.addi %add3A_2220, %add3A_2035 : i32
        %get3A_2222 = arith.constant 1 : i32
        %get3A_2223 = arith.index_cast %get3A_2222 : i32 to index
        %get3A_2224 = arith.index_cast %add3A_2221 : i32 to index
        %get3A_2225 = arith.constant 16 : index
        %get3A_2226 = tpu.vector_load %arg8[%get3A_2223, %get3A_2224, %get3A_2225] {strides = array<i32>} : memref<2x1600x32xf32, #tpu.memory_space<vmem>>, vector<1x1x16xf32>,
        %get3A_2227 = vector.shape_cast %get3A_2226 : vector<1x1x16xf32> to vector<16xf32>
        %add3A_2228 = arith.addf %get3A_2227, %get3A_2171 : vector<16xf32>
        %swap3A_2229 = arith.constant 1 : i32
        %swap3A_2230 = arith.index_cast %swap3A_2229 : i32 to index
        %swap3A_2231 = arith.index_cast %add3A_2221 : i32 to index
        %swap3A_2232 = arith.constant 16 : index
        %swap3A_2233 = tpu.vector_load %arg8[%swap3A_2230, %swap3A_2231, %swap3A_2232] {strides = array<i32>} : memref<2x1600x32xf32, #tpu.memory_space<vmem>>, vector<1x1x16xf32>,
        %swap3A_2234 = vector.shape_cast %swap3A_2233 : vector<1x1x16xf32> to vector<16xf32>
        %swap3A_2235 = vector.shape_cast %add3A_2228 : vector<16xf32> to vector<1x1x16xf32>
        tpu.vector_store %arg8[%swap3A_2230, %swap3A_2231, %swap3A_2232], %swap3A_2235 {strides = array<i32>} : memref<2x1600x32xf32, #tpu.memory_space<vmem>>, vector<1x1x16xf32>,
        %add3A_2236 = arith.constant 800 : i32
        %add3A_2237 = arith.addi %add3A_2236, %add3A_2035 : i32
        %get3A_2238 = arith.constant 1 : i32
        %get3A_2239 = arith.index_cast %get3A_2238 : i32 to index
        %get3A_2240 = arith.index_cast %add3A_2237 : i32 to index
        %get3A_2241 = arith.constant 16 : index
        %get3A_2242 = tpu.vector_load %arg8[%get3A_2239, %get3A_2240, %get3A_2241] {strides = array<i32>} : memref<2x1600x32xf32, #tpu.memory_space<vmem>>, vector<1x1x16xf32>,
        %get3A_2243 = vector.shape_cast %get3A_2242 : vector<1x1x16xf32> to vector<16xf32>
        %add3A_2244 = arith.addf %get3A_2243, %get3A_2171 : vector<16xf32>
        %swap3A_2245 = arith.constant 1 : i32
        %swap3A_2246 = arith.index_cast %swap3A_2245 : i32 to index
        %swap3A_2247 = arith.index_cast %add3A_2237 : i32 to index
        %swap3A_2248 = arith.constant 16 : index
        %swap3A_2249 = tpu.vector_load %arg8[%swap3A_2246, %swap3A_2247, %swap3A_2248] {strides = array<i32>} : memref<2x1600x32xf32, #tpu.memory_space<vmem>>, vector<1x1x16xf32>,
        %swap3A_2250 = vector.shape_cast %swap3A_2249 : vector<1x1x16xf32> to vector<16xf32>
        %swap3A_2251 = vector.shape_cast %add3A_2244 : vector<16xf32> to vector<1x1x16xf32>
        tpu.vector_store %arg8[%swap3A_2246, %swap3A_2247, %swap3A_2248], %swap3A_2251 {strides = array<i32>} : memref<2x1600x32xf32, #tpu.memory_space<vmem>>, vector<1x1x16xf32>,
        %add3A_2252 = arith.constant 1000 : i32
        %add3A_2253 = arith.addi %add3A_2252, %add3A_2035 : i32
        %get3A_2254 = arith.constant 1 : i32
        %get3A_2255 = arith.index_cast %get3A_2254 : i32 to index
        %get3A_2256 = arith.index_cast %add3A_2253 : i32 to index
        %get3A_2257 = arith.constant 16 : index
        %get3A_2258 = tpu.vector_load %arg8[%get3A_2255, %get3A_2256, %get3A_2257] {strides = array<i32>} : memref<2x1600x32xf32, #tpu.memory_space<vmem>>, vector<1x1x16xf32>,
        %get3A_2259 = vector.shape_cast %get3A_2258 : vector<1x1x16xf32> to vector<16xf32>
        %add3A_2260 = arith.addf %get3A_2259, %get3A_2171 : vector<16xf32>
        %swap3A_2261 = arith.constant 1 : i32
        %swap3A_2262 = arith.index_cast %swap3A_2261 : i32 to index
        %swap3A_2263 = arith.index_cast %add3A_2253 : i32 to index
        %swap3A_2264 = arith.constant 16 : index
        %swap3A_2265 = tpu.vector_load %arg8[%swap3A_2262, %swap3A_2263, %swap3A_2264] {strides = array<i32>} : memref<2x1600x32xf32, #tpu.memory_space<vmem>>, vector<1x1x16xf32>,
        %swap3A_2266 = vector.shape_cast %swap3A_2265 : vector<1x1x16xf32> to vector<16xf32>
        %swap3A_2267 = vector.shape_cast %add3A_2260 : vector<16xf32> to vector<1x1x16xf32>
        tpu.vector_store %arg8[%swap3A_2262, %swap3A_2263, %swap3A_2264], %swap3A_2267 {strides = array<i32>} : memref<2x1600x32xf32, #tpu.memory_space<vmem>>, vector<1x1x16xf32>,
        %add3A_2268 = arith.constant 1200 : i32
        %add3A_2269 = arith.addi %add3A_2268, %add3A_2035 : i32
        %get3A_2270 = arith.constant 1 : i32
        %get3A_2271 = arith.index_cast %get3A_2270 : i32 to index
        %get3A_2272 = arith.index_cast %add3A_2269 : i32 to index
        %get3A_2273 = arith.constant 16 : index
        %get3A_2274 = tpu.vector_load %arg8[%get3A_2271, %get3A_2272, %get3A_2273] {strides = array<i32>} : memref<2x1600x32xf32, #tpu.memory_space<vmem>>, vector<1x1x16xf32>,
        %get3A_2275 = vector.shape_cast %get3A_2274 : vector<1x1x16xf32> to vector<16xf32>
        %add3A_2276 = arith.addf %get3A_2275, %get3A_2171 : vector<16xf32>
        %swap3A_2277 = arith.constant 1 : i32
        %swap3A_2278 = arith.index_cast %swap3A_2277 : i32 to index
        %swap3A_2279 = arith.index_cast %add3A_2269 : i32 to index
        %swap3A_2280 = arith.constant 16 : index
        %swap3A_2281 = tpu.vector_load %arg8[%swap3A_2278, %swap3A_2279, %swap3A_2280] {strides = array<i32>} : memref<2x1600x32xf32, #tpu.memory_space<vmem>>, vector<1x1x16xf32>,
        %swap3A_2282 = vector.shape_cast %swap3A_2281 : vector<1x1x16xf32> to vector<16xf32>
        %swap3A_2283 = vector.shape_cast %add3A_2276 : vector<16xf32> to vector<1x1x16xf32>
        tpu.vector_store %arg8[%swap3A_2278, %swap3A_2279, %swap3A_2280], %swap3A_2283 {strides = array<i32>} : memref<2x1600x32xf32, #tpu.memory_space<vmem>>, vector<1x1x16xf32>,
        %add3A_2284 = arith.constant 1400 : i32
        %add3A_2285 = arith.addi %add3A_2284, %add3A_2035 : i32
        %get3A_2286 = arith.constant 1 : i32
        %get3A_2287 = arith.index_cast %get3A_2286 : i32 to index
        %get3A_2288 = arith.index_cast %add3A_2285 : i32 to index
        %get3A_2289 = arith.constant 16 : index
        %get3A_2290 = tpu.vector_load %arg8[%get3A_2287, %get3A_2288, %get3A_2289] {strides = array<i32>} : memref<2x1600x32xf32, #tpu.memory_space<vmem>>, vector<1x1x16xf32>,
        %get3A_2291 = vector.shape_cast %get3A_2290 : vector<1x1x16xf32> to vector<16xf32>
        %add3A_2292 = arith.addf %get3A_2291, %get3A_2171 : vector<16xf32>
        %swap3A_2293 = arith.constant 1 : i32
        %swap3A_2294 = arith.index_cast %swap3A_2293 : i32 to index
        %swap3A_2295 = arith.index_cast %add3A_2285 : i32 to index
        %swap3A_2296 = arith.constant 16 : index
        %swap3A_2297 = tpu.vector_load %arg8[%swap3A_2294, %swap3A_2295, %swap3A_2296] {strides = array<i32>} : memref<2x1600x32xf32, #tpu.memory_space<vmem>>, vector<1x1x16xf32>,
        %swap3A_2298 = vector.shape_cast %swap3A_2297 : vector<1x1x16xf32> to vector<16xf32>
        %swap3A_2299 = vector.shape_cast %add3A_2292 : vector<16xf32> to vector<1x1x16xf32>
        tpu.vector_store %arg8[%swap3A_2294, %swap3A_2295, %swap3A_2296], %swap3A_2299 {strides = array<i32>} : memref<2x1600x32xf32, #tpu.memory_space<vmem>>, vector<1x1x16xf32>,
      }
      %scan3A_138 = arith.constant 25 : i32
      %dma_start3A_139 = arith.constant 1 : i32
      %dma_start3A_140 = arith.constant 0 : i32
      %dma_start3A_141 = arith.constant 0 : i32
      %dma_start3A_142 = tpu.memref_slice %arg8[%dma_start3A_139, %dma_start3A_140, %dma_start3A_141] : memref<2x1600x32xf32, #tpu.memory_space<vmem>> -> memref<1x1600x32xf32, #tpu.memory_space<vmem>>
      %dma_start3A_143 = tpu.memref_squeeze %dma_start3A_142 : memref<1x1600x32xf32, #tpu.memory_space<vmem>> -> memref<1600x32xf32, #tpu.memory_space<vmem>>
      %dma_start3A_144 = arith.constant 0 : i32
      %dma_start3A_145 = tpu.memref_slice %arg5[%add3A_120, %dma_start3A_144] : memref<819200x32xf32, #tpu.memory_space<hbm>> -> memref<1600x32xf32, #tpu.memory_space<hbm>>
      %dma_start3A_146 = arith.constant 0 : i32
      %dma_start3A_147 = tpu.memref_slice %arg5[%add3A_120, %dma_start3A_146] : memref<819200x32xf32, #tpu.memory_space<hbm>> -> memref<1600x32xf32, #tpu.memory_space<hbm>>
      %dma_start3A_148 = arith.constant 0 : i32
      %dma_start3A_149 = arith.constant 0 : i32
      %dma_start3A_150 = tpu.memref_slice %arg8[%dma_start3A_139, %dma_start3A_148, %dma_start3A_149] : memref<2x1600x32xf32, #tpu.memory_space<vmem>> -> memref<1x1600x32xf32, #tpu.memory_space<vmem>>
      %dma_start3A_151 = tpu.memref_squeeze %dma_start3A_150 : memref<1x1600x32xf32, #tpu.memory_space<vmem>> -> memref<1600x32xf32, #tpu.memory_space<vmem>>
      tpu.enqueue_dma source(%dma_start3A_151 : memref<1600x32xf32, #tpu.memory_space<vmem>>) target(%dma_start3A_147 : memref<1600x32xf32, #tpu.memory_space<hbm>>) target_semaphore(%arg12 : memref<!tpu.dma_semaphore, #tpu.memory_space<semaphore_mem>>)
      %lt3A_152 = arith.constant 7 : i32
      %lt3A_153 = arith.cmpi slt, %scan3A_69, %lt3A_152 : i32
      %convert_element_type3A_154 = arith.extui %lt3A_153 : i1 to i32
      %cond3A_155 = arith.constant 0 : i32
      %cond3A_156 = arith.cmpi ne, %convert_element_type3A_154, %cond3A_155 : i32
      scf.if %cond3A_156 {
        %add3A_157 = arith.constant 3200 : i32
        %add3A_158 = arith.addi %add3A_120, %add3A_157 : i32
        %run_scoped3A_159 = arith.constant 1 : i32
        "tpu.region"() ({
          %run_scoped3A_185 = tpu.sem_alloc : memref<!tpu.dma_semaphore, #tpu.memory_space<semaphore_mem>>
          %dma_start3A_186 = arith.constant 0 : i32
          %dma_start3A_187 = tpu.memref_slice %arg7[%run_scoped3A_159, %dma_start3A_186] : memref<2x1600xi32, #tpu.memory_space<vmem>> -> memref<1x1600xi32, #tpu.memory_space<vmem>>
          %dma_start3A_188 = tpu.memref_squeeze %dma_start3A_187 : memref<1x1600xi32, #tpu.memory_space<vmem>> -> memref<1600xi32, #tpu.memory_space<vmem>>
          %dma_start3A_189 = tpu.memref_slice %arg2[%add3A_158] : memref<819200xi32, #tpu.memory_space<hbm>> -> memref<1600xi32, #tpu.memory_space<hbm>>
          %dma_start3A_190 = arith.constant 0 : i32
          %dma_start3A_191 = tpu.memref_slice %arg7[%run_scoped3A_159, %dma_start3A_190] : memref<2x1600xi32, #tpu.memory_space<vmem>> -> memref<1x1600xi32, #tpu.memory_space<vmem>>
          %dma_start3A_192 = tpu.memref_squeeze %dma_start3A_191 : memref<1x1600xi32, #tpu.memory_space<vmem>> -> memref<1600xi32, #tpu.memory_space<vmem>>
          %dma_start3A_193 = tpu.memref_slice %arg2[%add3A_158] : memref<819200xi32, #tpu.memory_space<hbm>> -> memref<1600xi32, #tpu.memory_space<hbm>>
          tpu.enqueue_dma source(%dma_start3A_193 : memref<1600xi32, #tpu.memory_space<hbm>>) target(%dma_start3A_192 : memref<1600xi32, #tpu.memory_space<vmem>>) target_semaphore(%run_scoped3A_185 : memref<!tpu.dma_semaphore, #tpu.memory_space<semaphore_mem>>)
          %dma_wait3A_194 = arith.constant 0 : i32
          %dma_wait3A_195 = tpu.memref_slice %arg7[%run_scoped3A_159, %dma_wait3A_194] : memref<2x1600xi32, #tpu.memory_space<vmem>> -> memref<1x1600xi32, #tpu.memory_space<vmem>>
          %dma_wait3A_196 = tpu.memref_squeeze %dma_wait3A_195 : memref<1x1600xi32, #tpu.memory_space<vmem>> -> memref<1600xi32, #tpu.memory_space<vmem>>
          %dma_wait3A_197 = tpu.memref_slice %arg2[%add3A_158] : memref<819200xi32, #tpu.memory_space<hbm>> -> memref<1600xi32, #tpu.memory_space<hbm>>
          %dma_wait3A_198 = arith.constant 0 : i32
          %dma_wait3A_199 = tpu.memref_slice %arg7[%run_scoped3A_159, %dma_wait3A_198] : memref<2x1600xi32, #tpu.memory_space<vmem>> -> memref<1x1600xi32, #tpu.memory_space<vmem>>
          %dma_wait3A_200 = tpu.memref_squeeze %dma_wait3A_199 : memref<1x1600xi32, #tpu.memory_space<vmem>> -> memref<1600xi32, #tpu.memory_space<vmem>>
          %dma_wait3A_201 = tpu.memref_slice %arg2[%add3A_158] : memref<819200xi32, #tpu.memory_space<hbm>> -> memref<1600xi32, #tpu.memory_space<hbm>>
          tpu.wait_dma2 semaphore(%run_scoped3A_185 : memref<!tpu.dma_semaphore, #tpu.memory_space<semaphore_mem>>) src(%dma_wait3A_201 : memref<1600xi32, #tpu.memory_space<hbm>>) dst(%dma_wait3A_200 : memref<1600xi32, #tpu.memory_space<vmem>>)
          tpu.yield
        }) : () -> ()
        %dma_wait3A_160 = arith.constant 1 : i32
        %dma_wait3A_161 = arith.constant 0 : i32
        %dma_wait3A_162 = arith.constant 0 : i32
        %dma_wait3A_163 = tpu.memref_slice %arg8[%dma_wait3A_160, %dma_wait3A_161, %dma_wait3A_162] : memref<2x1600x32xf32, #tpu.memory_space<vmem>> -> memref<1x1600x32xf32, #tpu.memory_space<vmem>>
        %dma_wait3A_164 = tpu.memref_squeeze %dma_wait3A_163 : memref<1x1600x32xf32, #tpu.memory_space<vmem>> -> memref<1600x32xf32, #tpu.memory_space<vmem>>
        %dma_wait3A_165 = arith.constant 0 : i32
        %dma_wait3A_166 = tpu.memref_slice %arg5[%add3A_120, %dma_wait3A_165] : memref<819200x32xf32, #tpu.memory_space<hbm>> -> memref<1600x32xf32, #tpu.memory_space<hbm>>
        %dma_wait3A_167 = arith.constant 0 : i32
        %dma_wait3A_168 = tpu.memref_slice %arg5[%add3A_120, %dma_wait3A_167] : memref<819200x32xf32, #tpu.memory_space<hbm>> -> memref<1600x32xf32, #tpu.memory_space<hbm>>
        %dma_wait3A_169 = arith.constant 0 : i32
        %dma_wait3A_170 = arith.constant 0 : i32
        %dma_wait3A_171 = tpu.memref_slice %arg8[%dma_wait3A_160, %dma_wait3A_169, %dma_wait3A_170] : memref<2x1600x32xf32, #tpu.memory_space<vmem>> -> memref<1x1600x32xf32, #tpu.memory_space<vmem>>
        %dma_wait3A_172 = tpu.memref_squeeze %dma_wait3A_171 : memref<1x1600x32xf32, #tpu.memory_space<vmem>> -> memref<1600x32xf32, #tpu.memory_space<vmem>>
        tpu.wait_dma2 semaphore(%arg12 : memref<!tpu.dma_semaphore, #tpu.memory_space<semaphore_mem>>) src(%dma_wait3A_172 : memref<1600x32xf32, #tpu.memory_space<vmem>>) dst(%dma_wait3A_168 : memref<1600x32xf32, #tpu.memory_space<hbm>>)
        %dma_start3A_173 = arith.constant 1 : i32
        %dma_start3A_174 = arith.constant 1 : i32
        %dma_start3A_175 = arith.constant 0 : i32
        %dma_start3A_176 = arith.constant 0 : i32
        %dma_start3A_177 = tpu.memref_slice %arg8[%dma_start3A_174, %dma_start3A_175, %dma_start3A_176] : memref<2x1600x32xf32, #tpu.memory_space<vmem>> -> memref<1x1600x32xf32, #tpu.memory_space<vmem>>
        %dma_start3A_178 = tpu.memref_squeeze %dma_start3A_177 : memref<1x1600x32xf32, #tpu.memory_space<vmem>> -> memref<1600x32xf32, #tpu.memory_space<vmem>>
        %dma_start3A_179 = arith.constant 0 : i32
        %dma_start3A_180 = tpu.memref_slice %arg7[%dma_start3A_173, %dma_start3A_179] : memref<2x1600xi32, #tpu.memory_space<vmem>> -> memref<1x1600xi32, #tpu.memory_space<vmem>>
        %dma_start3A_181 = tpu.memref_squeeze %dma_start3A_180 : memref<1x1600xi32, #tpu.memory_space<vmem>> -> memref<1600xi32, #tpu.memory_space<vmem>>
        %dma_start3A_182 = arith.constant 0 : i32
        %dma_start3A_183 = arith.constant 0 : i32
        %dma_start3A_184 = tpu.memref_slice %arg3[%dma_start3A_182, %dma_start3A_183] : memref<1000000x32xf32, #tpu.memory_space<hbm>> -> memref<1000000x32xf32, #tpu.memory_space<hbm>>
        tpu.enqueue_indirect_dma source(%dma_start3A_184 : memref<1000000x32xf32, #tpu.memory_space<hbm>>) target(%dma_start3A_178 : memref<1600x32xf32, #tpu.memory_space<vmem>>) offsets(%dma_start3A_181 : memref<1600xi32, #tpu.memory_space<vmem>>) semaphore(%arg10 : memref<!tpu.dma_semaphore, #tpu.memory_space<semaphore_mem>>)
      } else {
      }
    }
    %scan3A_39 = arith.constant 8 : i32
    %dma_wait3A = arith.constant 0 : i32
    %dma_wait3A_40 = arith.constant 0 : i32
    %dma_wait3A_41 = arith.constant 0 : i32
    %dma_wait3A_42 = tpu.memref_slice %arg8[%dma_wait3A, %dma_wait3A_40, %dma_wait3A_41] : memref<2x1600x32xf32, #tpu.memory_space<vmem>> -> memref<1x1600x32xf32, #tpu.memory_space<vmem>>
    %dma_wait3A_43 = tpu.memref_squeeze %dma_wait3A_42 : memref<1x1600x32xf32, #tpu.memory_space<vmem>> -> memref<1600x32xf32, #tpu.memory_space<vmem>>
    %dma_wait3A_44 = arith.constant 0 : i32
    %dma_wait3A_45 = arith.constant 0 : i32
    %dma_wait3A_46 = tpu.memref_slice %arg5[%dma_wait3A_44, %dma_wait3A_45] : memref<819200x32xf32, #tpu.memory_space<hbm>> -> memref<1600x32xf32, #tpu.memory_space<hbm>>
    %dma_wait3A_47 = arith.constant 0 : i32
    %dma_wait3A_48 = arith.constant 0 : i32
    %dma_wait3A_49 = tpu.memref_slice %arg5[%dma_wait3A_47, %dma_wait3A_48] : memref<819200x32xf32, #tpu.memory_space<hbm>> -> memref<1600x32xf32, #tpu.memory_space<hbm>>
    %dma_wait3A_50 = arith.constant 0 : i32
    %dma_wait3A_51 = arith.constant 0 : i32
    %dma_wait3A_52 = tpu.memref_slice %arg8[%dma_wait3A, %dma_wait3A_50, %dma_wait3A_51] : memref<2x1600x32xf32, #tpu.memory_space<vmem>> -> memref<1x1600x32xf32, #tpu.memory_space<vmem>>
    %dma_wait3A_53 = tpu.memref_squeeze %dma_wait3A_52 : memref<1x1600x32xf32, #tpu.memory_space<vmem>> -> memref<1600x32xf32, #tpu.memory_space<vmem>>
    tpu.wait_dma2 semaphore(%arg11 : memref<!tpu.dma_semaphore, #tpu.memory_space<semaphore_mem>>) src(%dma_wait3A_53 : memref<1600x32xf32, #tpu.memory_space<vmem>>) dst(%dma_wait3A_49 : memref<1600x32xf32, #tpu.memory_space<hbm>>)
    %dma_wait3A_54 = arith.constant 1 : i32
    %dma_wait3A_55 = arith.constant 0 : i32
    %dma_wait3A_56 = arith.constant 0 : i32
    %dma_wait3A_57 = tpu.memref_slice %arg8[%dma_wait3A_54, %dma_wait3A_55, %dma_wait3A_56] : memref<2x1600x32xf32, #tpu.memory_space<vmem>> -> memref<1x1600x32xf32, #tpu.memory_space<vmem>>
    %dma_wait3A_58 = tpu.memref_squeeze %dma_wait3A_57 : memref<1x1600x32xf32, #tpu.memory_space<vmem>> -> memref<1600x32xf32, #tpu.memory_space<vmem>>
    %dma_wait3A_59 = arith.constant 0 : i32
    %dma_wait3A_60 = arith.constant 0 : i32
    %dma_wait3A_61 = tpu.memref_slice %arg5[%dma_wait3A_59, %dma_wait3A_60] : memref<819200x32xf32, #tpu.memory_space<hbm>> -> memref<1600x32xf32, #tpu.memory_space<hbm>>
    %dma_wait3A_62 = arith.constant 0 : i32
    %dma_wait3A_63 = arith.constant 0 : i32
    %dma_wait3A_64 = tpu.memref_slice %arg5[%dma_wait3A_62, %dma_wait3A_63] : memref<819200x32xf32, #tpu.memory_space<hbm>> -> memref<1600x32xf32, #tpu.memory_space<hbm>>
    %dma_wait3A_65 = arith.constant 0 : i32
    %dma_wait3A_66 = arith.constant 0 : i32
    %dma_wait3A_67 = tpu.memref_slice %arg8[%dma_wait3A_54, %dma_wait3A_65, %dma_wait3A_66] : memref<2x1600x32xf32, #tpu.memory_space<vmem>> -> memref<1x1600x32xf32, #tpu.memory_space<vmem>>
    %dma_wait3A_68 = tpu.memref_squeeze %dma_wait3A_67 : memref<1x1600x32xf32, #tpu.memory_space<vmem>> -> memref<1600x32xf32, #tpu.memory_space<vmem>>
    tpu.wait_dma2 semaphore(%arg12 : memref<!tpu.dma_semaphore, #tpu.memory_space<semaphore_mem>>) src(%dma_wait3A_68 : memref<1600x32xf32, #tpu.memory_space<vmem>>) dst(%dma_wait3A_64 : memref<1600x32xf32, #tpu.memory_space<hbm>>)
    return
  }
}

</mosaic_0001>

<sc_bundles>
// kernel: kernel.3.cloned.1.call-start
scs
__scs_entry_jumppad:
0x0: {  	(pc) =	sbr.rel $0x88, $3  }
0x1: {  	(tag) =	ssettag $0x0;
	lr =	simm.s32 $0x1  }
0x2: {  	[smem:$0x3F9E] =	sst lr;
	_ =	strace $0xD0000000  }
0x3: {  	_ = 	snop  }
0x4: {  	_ = 	snop  }
0x5: {  	_ = 	snop  }
0x6: {  	_ = 	snop  }
0x7: {  	_ = 	snop  }
__scs_overlays_trampoline_lowered:
0x8: {  	[smem:$0x3FAD] =	sst s0  }
0x9: {  	[smem:$0x3FAE] =	sst s1  }
0xa: {  	[smem:$0x3FAF] =	sst s2  }
0xb: {  	[smem:$0x3FB0] =	sst s3  }
0xc: {  	[smem:$0x3FB1] =	sst s4  }
0xd: {  	[smem:$0x3FB2] =	sst s5  }
0xe: {  	[smem:$0x3FB3] =	sst s6  }
0xf: {  	[smem:$0x3FB4] =	sst s7  }
0x10: {  	[smem:$0x3FB5] =	sst s8  }
0x11: {  	[smem:$0x3FB6] =	sst s9;
	s0 =	simm.s32 @!p0 $0x0  }
0x12: {  	s1 =	sld [smem:$0x3F9C];
	s0 =	simm.s32 @p0 $0x1  }
0x13: {  	[smem:$0x3FB7] =	sst s0;
	s0 =	simm.s32 @!p1 $0x0  }
0x14: {  	s2 =	sld [smem:$0x3F9B];
	s0 =	simm.s32 @p1 $0x1  }
0x15: {  	[smem:$0x3FB8] =	sst s0;
	s0 =	simm.s32 @!p2 $0x0  }
0x16: {  	s3 =	sld [smem:$0x3FDB];
	s0 =	simm.s32 @p2 $0x1  }
0x17: {  	s4 =	simm.s32 $0x1BF5;
	[smem:$0x3FBA] =	sst s0  }
0x18: {  	s0 =	sld [smem:$0x3F9D];
	_ =	swait.ge [sflag:s4], $0x0  }
0x19: {  	s7 =	sld [smem:$0x3F9E]  }
0x1a: {  	s8 =	sadd.s32 $0xFFFFE003, lr  }
0x1b: {  	s9 =	sadd.s32 $0xFFFFFEF7, lr;
	s5 =	simm.s32 $0xFFFFFFFF;
	p2 =	slt.u32 s8, $0xFFFFF086  }
0x1c: {  	p1 =	slt.u32 s9, $0xF7A;
	s5 =	simm.s32 @!p2 $0x0  }
0x1d: {  	s5 =	simm.s32 @p1 $0x1;
	p0 =	seq.s32 s7, s2  }
0x1e: {  	s7 =	smul.u32 @!p0 $0xF7A, s2;
	p2 =	seq.s32 @!p0 s5, $0x0  }
0x1f: {  	s9 =	smul.u32 $0xF7A, s1;
	s8 =	simm.s32 @!p0 $0x1BF5;
	p2 =	por !p2, p0  }
0x20: {  	[sflag:s8] =	ssyncset.s32 @!p0 $0xFFFFF086;
	s6 =	sadd.s32 @!p0 s3, s7;
	s7 =	simm.s32 @!p0 $0x108  }
0x21: {  	s3 =	sadd.s32 s3, s9;
	s6 =	sadd.s32 @!p0 $0x88, s6;
	s7 =	simm.s32 @p2 $0x1082  }
0x22: {  	[simem:s7], [sflag:s8] =	dma.local @!p0 [hbm:s6], $0xF7A  }
0x23: {  	s9 =	sor.u32 $0xD0000000, s2;
	s6 =	simm.s32 $0x108;
	_ =	swait.ge @!p0 [sflag:s8], $0x0  }
0x24: {  	s3 =	sadd.s32 $0x88, s3;
	s6 =	simm.s32 @!p1 $0x1082;
	[sflag:s4] =	ssyncset.s32 $0xFFFFF086  }
0x25: {  	[simem:s6], [sflag:s4] =	dma.local [hbm:s3], $0xF7A  }
0x26: {  	[smem:$0x3F9E] =	sst s1;
	(tag) =	ssettag s2;
	_ =	strace s9  }
0x27: {  	s1 =	sld [smem:$0x3FAE]  }
0x28: {  	s2 =	sld [smem:$0x3FAF]  }
0x29: {  	s4 =	sld [smem:$0x3FB1]  }
0x2a: {  	p0 =	seq.s32 s5, $0x0;
	s5 =	sld [smem:$0x3FB2]  }
0x2b: {  	s6 =	sld [smem:$0x3FB3]  }
0x2c: {  	s7 =	sld [smem:$0x3FB4]  }
0x2d: {  	s3 =	simm.s32 $0x108;
	s8 =	sld [smem:$0x3FB5]  }
0x2e: {  	s3 =	simm.s32 @!p0 $0x1082;
	s9 =	sld [smem:$0x3FB6]  }
0x2f: {  	lr =	sadd.s32 s0, s3;
	s0 =	sld [smem:$0x3FAD]  }
0x30: {  	s3 =	sld [smem:$0x3FB0]  }
0x31: {  	[smem:$0x3FB9] =	sst s10  }
0x32: {  	s10 =	sld [smem:$0x3FB7];
	_ =	sdelay $0x3  }
0x33: {  	p0 =	seq.s32 s10, $0x1;
	s10 =	sld [smem:$0x3FB9];
	_ =	sdelay $0x3  }
0x34: {  	[smem:$0x3FB9] =	sst s10  }
0x35: {  	s10 =	sld [smem:$0x3FB8];
	_ =	sdelay $0x3  }
0x36: {  	p1 =	seq.s32 s10, $0x1;
	s10 =	sld [smem:$0x3FB9];
	_ =	sdelay $0x3  }
0x37: {  	[smem:$0x3FB9] =	sst s10  }
0x38: {  	s10 =	sld [smem:$0x3FBA]  }
0x39: {  	_ = 	snop;
	(pc) =	sbr.ind lr, $3  }
0x3a: {  	_ = 	snop  }
0x3b: {  	_ = 	snop  }
0x3c: {  	p2 =	seq.s32 s10, $0x1;
	s10 =	sld [smem:$0x3FB9]  }
0x3d: {  	_ =	shalt  }
0x3e: {  	_ =	shalt  }
0x3f: {  	_ =	shalt  }
0x40: {  	_ =	shalt  }
0x41: {  	_ =	shalt  }
0x42: {  	_ =	shalt  }
0x43: {  	_ =	shalt  }
0x44: {  	_ =	shalt  }
0x45: {  	_ =	shalt  }
0x46: {  	_ =	shalt  }
0x47: {  	_ =	shalt  }
0x48: {  	_ =	shalt  }
0x49: {  	_ =	shalt  }
0x4a: {  	_ =	shalt  }
0x4b: {  	_ =	shalt  }
0x4c: {  	_ =	shalt  }
0x4d: {  	_ =	shalt  }
0x4e: {  	_ =	shalt  }
0x4f: {  	_ =	shalt  }
0x50: {  	_ =	shalt  }
0x51: {  	_ =	shalt  }
0x52: {  	_ =	shalt  }
0x53: {  	_ =	shalt  }
0x54: {  	_ =	shalt  }
0x55: {  	_ =	shalt  }
0x56: {  	_ =	shalt  }
0x57: {  	_ =	shalt  }
0x58: {  	_ =	shalt  }
0x59: {  	_ =	shalt  }
0x5a: {  	_ =	shalt  }
0x5b: {  	_ =	shalt  }
0x5c: {  	_ =	shalt  }
0x5d: {  	_ =	shalt  }
0x5e: {  	_ =	shalt  }
0x5f: {  	_ =	shalt  }
0x60: {  	_ =	shalt  }
0x61: {  	_ =	shalt  }
0x62: {  	_ =	shalt  }
0x63: {  	_ =	shalt  }
0x64: {  	_ =	shalt  }
0x65: {  	_ =	shalt  }
0x66: {  	_ =	shalt  }
0x67: {  	_ =	shalt  }
0x68: {  	_ =	shalt  }
0x69: {  	_ =	shalt  }
0x6a: {  	_ =	shalt  }
0x6b: {  	_ =	shalt  }
0x6c: {  	_ =	shalt  }
0x6d: {  	_ =	shalt  }
0x6e: {  	_ =	shalt  }
0x6f: {  	_ =	shalt  }
0x70: {  	_ =	shalt  }
0x71: {  	_ =	shalt  }
0x72: {  	_ =	shalt  }
0x73: {  	_ =	shalt  }
0x74: {  	_ =	shalt  }
0x75: {  	_ =	shalt  }
0x76: {  	_ =	shalt  }
0x77: {  	_ =	shalt  }
0x78: {  	_ =	shalt  }
0x79: {  	_ =	shalt  }
0x7a: {  	_ =	shalt  }
0x7b: {  	_ =	shalt  }
0x7c: {  	_ =	shalt  }
0x7d: {  	_ =	shalt  }
0x7e: {  	_ =	shalt  }
0x7f: {  	_ =	shalt  }
0x80: {  	_ =	shalt  }
0x81: {  	_ =	shalt  }
0x82: {  	_ =	shalt  }
0x83: {  	_ =	shalt  }
0x84: {  	_ =	shalt  }
0x85: {  	_ =	shalt  }
0x86: {  	_ =	shalt  }
0x87: {  	_ =	shalt  }
.Lfunc_end0:
.L_simem_size_0:
called_computation.1_lowered:
.L_overlay_start_0:
0x88: {  	s2 =	sld [smem:$0x3FD9]  }
0x89: {  	s3 =	sld [smem:$0x3FFE];
	_ =	sdelay $0x1  }
0x8a: {  	s1 =	srdreg.scid  }
0x8b: {  	s0 =	sand.u32 $0x1, s1  }
0x8c: {  	s17 =	sshll.u32 s0, $0xA;
	s2 =	sadd.s32 s3, s2  }
0x8d: {  	s2 =	sadd.s32 s2, s17  }
0x8e: {  	[smem:$0x3FC5] =	sst s2  }
0x8f: {  	_ = 	snop  }
0x90: {  	s2 =	sld [smem:$0x3FD0];
	(tm) =	ssettm $0x1  }
0x91: {  	s18 =	sld [smem:$0x3FFB];
	_ =	sdelay $0x3  }
0x92: {  	_ =	strace s18  }
0x93: {  	s3 =	sld [smem:$0x3FFC];
	_ =	sdelay $0x3  }
0x94: {  	_ =	strace s3  }
0x95: {  	s3 =	sld [smem:$0x3FFD];
	_ =	sdelay $0x3  }
0x96: {  	_ =	strace s3  }
0x97: {  	_ =	strace $0x8FFFFFFF  }
0x98: {  	s19 =	sld [smem:$0x3FDB];
	_ =	sdelay $0x1  }
0x99: {  	s4 =	simm.s32 $_scs_section_size  }
0x9a: {  	s5 =	simm.s32 $_size__tile_overlayer_lowered;
	s6 =	simm.s32 $_tile_overlayer_lowered  }
0x9b: {  	s22 =	simm.s32 $0x1BFF;
	s21 =	sshll.u32 s6, $0x1;
	s3 =	sadd.s32 s4, s19  }
0x9c: {  	s7 =	simm.s32 $0x0;
	s20 =	sshll.u32 s5, $0x1;
	s5 =	sadd.s32 s21, s3  }
0x9d: {  	[timem:s7], [sflag:s22] =	dma.local [hbm:s5], s20  }
0x9e: {  	_ =	swait.ge [sflag:s22], s20  }
0x9f: {  	s4 =	ssub.s32 $0x0, s20;
	[sflag:s22] =	ssyncset.done $0x0  }
0xa0: {  	[sflag:s22] =	ssyncadd.s32 s4;
	_ =	sdelay $0x1  }
0xa1: {  	s23 =	simm.s32 $0x1B8B  }
0xa2: {  	_ =	swait.ge [sflag:s23], $0x1  }
0xa3: {  	[sflag:s23] =	ssyncset.done $0x0  }
0xa4: {  	s25 =	simm.s32 $0x1B8E;
	s24 =	sld [smem:$0x3FFE];
	[sflag:s23] =	ssyncadd.s32 $0xFFFFFFFF  }
0xa5: {  	s26 =	simm.s32 $execute0_lowered;
	[smem:$0x3FD2] =	sst s25  }
0xa6: {  	s5 =	sshll.u32 s26, $0x1;
	_ =	strace $0x80000046;
	[dreg:$0x1] =	wrdreg $0xFFFFFFFF  }
0xa7: {  	s28 =	simm.s32 $_size_execute0_lowered;
	s3 =	sadd.s32 s3, s5;
	[dreg:$0x0] =	wrdreg $0x0  }
0xa8: {  	s5 =	sshll.u32 s28, $0x1;
	[dreg:$0x2] =	wrdreg s3  }
0xa9: {  	[dreg:$0x3] =	wrdreg s5  }
0xaa: {  	[dreg:$0x4] =	wrdreg $0xC0  }
0xab: {  	_ =	task [dreg:s7], $0x5FFFF  }
0xac: {  	[dreg:$0x1] =	wrdreg $0xFFFFFFFF  }
0xad: {  	[dreg:$0x0] =	wrdreg $0x60  }
0xae: {  	[dreg:$0x2] =	wrdreg s24  }
0xaf: {  	[dreg:$0x3] =	wrdreg s2  }
0xb0: {  	[dreg:$0x4] =	wrdreg $0x9  }
0xb1: {  	_ =	task.clear_ibuf [dreg:s7], $0x5FFFF;
	_ =	strace $0x90000046  }
0xb2: {  	s29 =	simm.s32 $0x9;
	_ =	strace $0x80000048  }
0xb3: {  	_ =	swait.ge [sflag:s29], $0x1  }
0xb4: {  	[sflag:s29] =	ssyncadd.s32 $0xFFFFFFFF  }
0xb5: {  	_ =	strace $0x90000048  }
0xb6: {  	_ =	sfence  }
0xb7: {  	s30 =	sld [smem:$0x0];
	_ =	sdelay $0x2  }
0xb8: {  	s31 =	sshll.u32 s1, $0xD;
	s1 =	sshrl.u32 s1, $0x2  }
0xb9: {  	s3 =	sand.u32 $0x4000, s31;
	s1 =	sadd.s32 s1, s30  }
0xba: {  	s0 =	sor.u32 s3, s0;
	s1 =	sshll.u32 s1, $0x11  }
0xbb: {  	s0 =	sor.u32 s1, s0  }
0xbc: {  	s0 =	sadd.s32 $0x8F2B, s0  }
0xbd: {  	[sflag:s0] =	ssyncadd.remote.s32 $0x1  }
0xbe: {  	_ =	sfence.sel $0xFFFF  }
0xbf: {  	[dreg:$0x0] =	wrdreg $0xFFFFFFFF;
	(pc) =	sbr.abs _section_cstart, $3  }
0xc0: {  	[dreg:$0x1] =	wrdreg $0xFFFFFFFF  }
0xc1: {  	_ =	task.clear_ibuf [dreg:s7], $0x2FFFF;
	_ =	strace $0x9FFFFFFF  }
0xc2: {  	(tm) =	ssettm $0x7FFFFFFF  }
0xc3: {  	_ =	shalt  }
tec
execute0_lowered:
.L_overlay_start_1:
0x0: {  	(tag) =	ssettag $0x1  }
0x1: {  	s7 =	rddreg [dreg:$0x0]  }
0x2: {  	s1 =	srdreg.scid;
	s0 =	stileid.u32  }
0x3: {  	s2 =	rddreg [dreg:$0x1];
	s3 =	simm.s32 $0x0;
	s14 =	simm.s32 $0x640  }
0x4: {  	s15 =	simm.s32 $0x2580;
	s16 =	simm.s32 $0x1F40;
	s17 =	simm.s32 $0xED80  }
0x5: {  	s18 =	simm.s32 $0x1;
	s19 =	simm.s32 $0x2;
	s20 =	simm.s32 $0x3  }
0x6: {  	s21 =	simm.s32 $0x4;
	s8 =	sand.u32 $0x1, s1;
	s4 =	sshll.u32 s0, $0x1  }
0x7: {  	s22 =	simm.s32 $0x0;
	s1 =	rddreg [dreg:$0x2];
	s4 =	sor.u32 s8, s4  }
0x8: {  	[smem:$0x7FF] =	sst s3;
	s5 =	sadd.s32 $0xC00, s7;
	s4 =	smul.u32 $0x6400, s4  }
.Ltmp0:
0x9: {  	s6 =	sadd.s32 $0xF43000, s7;
	s9 =	ssub.s32 $0x2, s8;
	(pc) =	sbr.rel .LBB2_1-.Ltmp0, $4  }
0xa: {  	s7 =	sadd.s32 $0x19C00, s7;
	_ =	strace $0x80000047;
	s10 =	sshrl.u32 s9, $0x1  }
0xb: {  	s13 =	ssub.s32 s9, s10;
	s8 =	sadd.s32 $0x640, s4;
	s11 =	sshrl.u32 s4, $0x3  }
0xc: {  	s12 =	sshrl.u32 s8, $0x3;
	s9 =	sadd.s32 s5, s11;
	s11 =	smax.u32 s13, $0x1  }
0xd: {  	s13 =	simm.s32 $0x1900;
	s10 =	sadd.s32 s5, s12;
	s12 =	simm.s32 $0x5  }
.LBB2_8:
0xe: {  	s22 =	sadd.s32 $0x1, s22  }
0xf: {  	_ =	swait.ge [sflag:s20], $0xC800;
	p0 =	sne.s32 s22, s11  }
.Ltmp1:
0x10: {  	[sflag:s20] =	ssyncset.done $0x0;
	(pc) =	sbr.rel @!p0 .LBB2_9-.Ltmp1, $4  }
0x11: {  	[sflag:s20] =	ssyncadd.s32 $0xFFFF3800  }
0x12: {  	_ =	swait.ge [sflag:s21], $0xC800  }
0x13: {  	[sflag:s21] =	ssyncset.done $0x0  }
0x14: {  	[sflag:s21] =	ssyncadd.s32 $0xFFFF3800  }
.LBB2_1:
0x15: {  	[tilespmem:s3], [sflag:$0x5] =	stream.linear.gather [hbm4b:s7+s3], $0x1900, $0x38;
	[tilespmem:$0x1B580] =	vst v63  }
0x16: {  	_ =	swait.ge [sflag:s12], $0x1900  }
0x17: {  	[sflag:s12] =	ssyncset.done $0x0  }
0x18: {  	[sflag:s12] =	ssyncadd.s32 $0xFFFFE700  }
0x19: {  	[tilespmem:s13], [sflag:$0x5] =	stream.linear.gather [hbm4b:s9+s3], $0x640, $0x38;
	[tilespmem:$0x1B580] =	vst v63  }
0x1a: {  	_ =	swait.ge [sflag:s12], $0x640  }
0x1b: {  	[sflag:s12] =	ssyncset.done $0x0  }
0x1c: {  	[sflag:s12] =	ssyncadd.s32 $0xFFFFF9C0  }
0x1d: {  	[tilespmem:s15], [sflag:$0x1] =	stream.indirect.gather [hbm4b:s6+s14], $0x20, s13, s14, $0xb8;
	[tilespmem:$0x1B580] =	vst v63  }
0x1e: {  	_ = 	snop  }
0x1f: {  	[tilespmem:s16], [sflag:$0x5] =	stream.linear.gather [hbm4b:s10+s3], $0x640, $0x38;
	[tilespmem:$0x1B580] =	vst v63  }
0x20: {  	_ =	swait.ge [sflag:s12], $0x640  }
0x21: {  	[sflag:s12] =	ssyncset.done $0x0  }
0x22: {  	s23 =	simm.s32 $0x0;
	[sflag:s12] =	ssyncadd.s32 $0xFFFFF9C0  }
0x23: {  	[tilespmem:s17], [sflag:$0x2] =	stream.indirect.gather [hbm4b:s6+s14], $0x20, s16, s14, $0xb8;
	[tilespmem:$0x1B580] =	vst v63  }
.LBB2_2:
0x24: {  	_ =	swait.ge [sflag:s18], $0xC800  }
0x25: {  	[sflag:s18] =	ssyncset.done $0x0  }
0x26: {  	s25 =	simm.s32 $0x0;
	[sflag:s18] =	ssyncadd.s32 $0xFFFF3800  }
0x27: {  	v12 =	vld [tilespmem:s25+$0x0]  }
0x28: {  	v13 =	vld [tilespmem:s25+$0x10]  }
0x29: {  	v14 =	vld [tilespmem:s25+$0x20]  }
0x2a: {  	v15 =	vld [tilespmem:s25+$0x30]  }
0x2b: {  	v11 =	vld [tilespmem:s25+$0x40]  }
0x2c: {  	v10 =	vld [tilespmem:s25+$0x50]  }
0x2d: {  	v9 =	vld [tilespmem:s25+$0x60]  }
0x2e: {  	v8 =	vld [tilespmem:s25+$0x70]  }
0x2f: {  	v7 =	vld [tilespmem:s25+$0x80]  }
0x30: {  	v6 =	vld [tilespmem:s25+$0x90]  }
0x31: {  	v5 =	vld [tilespmem:s25+$0xA0]  }
0x32: {  	v16 =	vld [tilespmem:s25+$0x2580]  }
0x33: {  	v17 =	vld [tilespmem:s25+$0x3E80]  }
0x34: {  	v18 =	vld [tilespmem:s25+$0x5780]  }
0x35: {  	v19 =	vld [tilespmem:s25+$0x7080]  }
0x36: {  	v20 =	vld [tilespmem:s25+$0x8980]  }
0x37: {  	v21 =	vld [tilespmem:s25+$0xA280]  }
0x38: {  	v22 =	vld [tilespmem:s25+$0xBB80]  }
0x39: {  	v47 =	vld [tilespmem:s25+$0xD480]  }
0x3a: {  	v48 =	vld [tilespmem:s25+$0x2590]  }
0x3b: {  	v49 =	vld [tilespmem:s25+$0x3E90]  }
0x3c: {  	v50 =	vld [tilespmem:s25+$0x5790]  }
0x3d: {  	v51 =	vld [tilespmem:s25+$0x7090];
	v16 =	vadd.f32 v16, v12  }
0x3e: {  	v52 =	vld [tilespmem:s25+$0x8990];
	v17 =	vadd.f32 v17, v12  }
0x3f: {  	v53 =	vld [tilespmem:s25+$0xA290];
	v18 =	vadd.f32 v18, v12;
	[tilespmem:s25+$0x2580] =	vst v16  }
0x40: {  	v56 =	vld [tilespmem:s25+$0x25A0];
	v19 =	vadd.f32 v19, v12;
	[tilespmem:s25+$0x3E80] =	vst v17  }
0x41: {  	v57 =	vld [tilespmem:s25+$0x3EA0];
	v20 =	vadd.f32 v20, v12;
	[tilespmem:s25+$0x5780] =	vst v18  }
0x42: {  	v58 =	vld [tilespmem:s25+$0x57A0];
	v21 =	vadd.f32 v21, v12;
	[tilespmem:s25+$0x7080] =	vst v19  }
0x43: {  	v59 =	vld [tilespmem:s25+$0x70A0];
	v22 =	vadd.f32 v22, v12;
	[tilespmem:s25+$0x8980] =	vst v20  }
0x44: {  	v27 =	vld [tilespmem:s25+$0x25B0];
	v12 =	vadd.f32 v47, v12;
	[tilespmem:s25+$0xA280] =	vst v21  }
0x45: {  	v29 =	vld [tilespmem:s25+$0x3EB0];
	v62 =	vadd.f32 v56, v14;
	[tilespmem:s25+$0xBB80] =	vst v22  }
0x46: {  	v30 =	vld [tilespmem:s25+$0x57B0];
	v24 =	vadd.f32 v57, v14;
	[tilespmem:s25+$0xD480] =	vst v12  }
0x47: {  	v39 =	vld [tilespmem:s25+$0x25C0];
	v26 =	vadd.f32 v58, v14;
	[tilespmem:s25+$0x25A0] =	vst v62  }
0x48: {  	v40 =	vld [tilespmem:s25+$0x3EC0];
	v28 =	vadd.f32 v59, v14;
	[tilespmem:s25+$0x3EA0] =	vst v24  }
0x49: {  	v54 =	vld [tilespmem:s25+$0xBB90];
	v34 =	vadd.f32 v27, v15;
	[tilespmem:s25+$0x57A0] =	vst v26  }
0x4a: {  	v55 =	vld [tilespmem:s25+$0xD490];
	v36 =	vadd.f32 v29, v15;
	[tilespmem:s25+$0x70A0] =	vst v28  }
0x4b: {  	v60 =	vld [tilespmem:s25+$0x89A0];
	v38 =	vadd.f32 v30, v15;
	[tilespmem:s25+$0x25B0] =	vst v34  }
0x4c: {  	v61 =	vld [tilespmem:s25+$0xA2A0];
	v45 =	vadd.f32 v39, v11;
	[tilespmem:s25+$0x3EB0] =	vst v36  }
0x4d: {  	v63 =	vld [tilespmem:s25+$0xBBA0];
	v47 =	vadd.f32 v40, v11;
	[tilespmem:s25+$0x57B0] =	vst v38  }
0x4e: {  	v25 =	vld [tilespmem:s25+$0xD4A0];
	v17 =	vadd.f32 v48, v13;
	[tilespmem:s25+$0x25C0] =	vst v45  }
0x4f: {  	v31 =	vld [tilespmem:s25+$0x70B0];
	v18 =	vadd.f32 v49, v13;
	[tilespmem:s25+$0x3EC0] =	vst v47  }
0x50: {  	v32 =	vld [tilespmem:s25+$0x89B0];
	v19 =	vadd.f32 v50, v13;
	[tilespmem:s25+$0x2590] =	vst v17  }
0x51: {  	v33 =	vld [tilespmem:s25+$0xA2B0];
	v20 =	vadd.f32 v51, v13;
	[tilespmem:s25+$0x3E90] =	vst v18  }
0x52: {  	v35 =	vld [tilespmem:s25+$0xBBB0];
	v21 =	vadd.f32 v52, v13;
	[tilespmem:s25+$0x5790] =	vst v19  }
0x53: {  	v37 =	vld [tilespmem:s25+$0xD4B0];
	v16 =	vadd.f32 v53, v13;
	[tilespmem:s25+$0x7090] =	vst v20  }
0x54: {  	v41 =	vld [tilespmem:s25+$0x57C0];
	v12 =	vadd.f32 v54, v13;
	[tilespmem:s25+$0x8990] =	vst v21  }
0x55: {  	v30 =	vld [tilespmem:s25+$0x2600];
	v13 =	vadd.f32 v55, v13;
	[tilespmem:s25+$0xA290] =	vst v16  }
0x56: {  	v40 =	vld [tilespmem:s25+$0x2610];
	[tilespmem:s25+$0xBB90] =	vst v12;
	v16 =	vadd.f32 v60, v14  }
0x57: {  	v42 =	vld [tilespmem:s25+$0x70C0];
	[tilespmem:s25+$0xD490] =	vst v13;
	v12 =	vadd.f32 v61, v14  }
0x58: {  	v43 =	vld [tilespmem:s25+$0x89C0];
	v13 =	vadd.f32 v63, v14;
	[tilespmem:s25+$0x89A0] =	vst v16  }
0x59: {  	v44 =	vld [tilespmem:s25+$0xA2C0];
	v14 =	vadd.f32 v25, v14;
	[tilespmem:s25+$0xA2A0] =	vst v12  }
0x5a: {  	v46 =	vld [tilespmem:s25+$0xBBC0];
	v36 =	vadd.f32 v30, v7;
	[tilespmem:s25+$0xBBA0] =	vst v13  }
0x5b: {  	v23 =	vld [tilespmem:s25+$0x3EF0];
	v45 =	vadd.f32 v40, v6;
	[tilespmem:s25+$0xD4A0] =	vst v14  }
0x5c: {  	v49 =	vld [tilespmem:s25+$0x25D0];
	v16 =	vadd.f32 v31, v15;
	[tilespmem:s25+$0x2600] =	vst v36  }
0x5d: {  	v56 =	vld [tilespmem:s25+$0xBBD0];
	v12 =	vadd.f32 v32, v15;
	[tilespmem:s25+$0x2610] =	vst v45  }
0x5e: {  	v57 =	vld [tilespmem:s25+$0xD4D0];
	v13 =	vadd.f32 v33, v15;
	[tilespmem:s25+$0x70B0] =	vst v16  }
0x5f: {  	v58 =	vld [tilespmem:s25+$0x25E0];
	v14 =	vadd.f32 v35, v15;
	[tilespmem:s25+$0x89B0] =	vst v12  }
0x60: {  	v59 =	vld [tilespmem:s25+$0x3EE0];
	v15 =	vadd.f32 v37, v15;
	[tilespmem:s25+$0xA2B0] =	vst v13  }
0x61: {  	v27 =	vld [tilespmem:s25+$0xA2F0];
	v55 =	vadd.f32 v49, v10;
	[tilespmem:s25+$0xBBB0] =	vst v14  }
0x62: {  	v48 =	vld [tilespmem:s25+$0xD4C0];
	[tilespmem:s25+$0xD4B0] =	vst v15;
	v16 =	vadd.f32 v41, v11  }
0x63: {  	v50 =	vld [tilespmem:s25+$0x3ED0];
	v12 =	vadd.f32 v42, v11;
	[tilespmem:s25+$0x25D0] =	vst v55  }
0x64: {  	v51 =	vld [tilespmem:s25+$0x57D0];
	v13 =	vadd.f32 v43, v11;
	[tilespmem:s25+$0x57C0] =	vst v16  }
0x65: {  	v52 =	vld [tilespmem:s25+$0x70D0];
	v14 =	vadd.f32 v44, v11;
	[tilespmem:s25+$0x70C0] =	vst v12  }
0x66: {  	v53 =	vld [tilespmem:s25+$0x89D0];
	v15 =	vadd.f32 v46, v11;
	[tilespmem:s25+$0x89C0] =	vst v13  }
0x67: {  	v54 =	vld [tilespmem:s25+$0xA2D0];
	v11 =	vadd.f32 v48, v11;
	[tilespmem:s25+$0xA2C0] =	vst v14  }
0x68: {  	v29 =	vld [tilespmem:s25+$0xD4F0];
	[tilespmem:s25+$0xBBC0] =	vst v15;
	v16 =	vadd.f32 v50, v10  }
0x69: {  	v62 =	vld [tilespmem:s25+$0x89E0];
	[tilespmem:s25+$0xD4C0] =	vst v11;
	v12 =	vadd.f32 v51, v10  }
0x6a: {  	v31 =	vld [tilespmem:s25+$0x3F00];
	v13 =	vadd.f32 v52, v10;
	[tilespmem:s25+$0x3ED0] =	vst v16  }
0x6b: {  	v32 =	vld [tilespmem:s25+$0x5800];
	v14 =	vadd.f32 v53, v10;
	[tilespmem:s25+$0x57D0] =	vst v12  }
0x6c: {  	v22 =	vld [tilespmem:s25+$0x25F0];
	v15 =	vadd.f32 v54, v10;
	[tilespmem:s25+$0x70D0] =	vst v13  }
0x6d: {  	v60 =	vld [tilespmem:s25+$0x57E0];
	v11 =	vadd.f32 v56, v10;
	[tilespmem:s25+$0x89D0] =	vst v14  }
0x6e: {  	v61 =	vld [tilespmem:s25+$0x70E0];
	v10 =	vadd.f32 v57, v10;
	[tilespmem:s25+$0xA2D0] =	vst v15  }
0x6f: {  	v63 =	vld [tilespmem:s25+$0xA2E0];
	v37 =	vadd.f32 v31, v7;
	[tilespmem:s25+$0xBBD0] =	vst v11  }
0x70: {  	v20 =	vld [tilespmem:s25+$0xBBE0];
	v39 =	vadd.f32 v32, v7;
	[tilespmem:s25+$0xD4D0] =	vst v10  }
0x71: {  	v21 =	vld [tilespmem:s25+$0xD4E0];
	v16 =	vadd.f32 v58, v9;
	[tilespmem:s25+$0x3F00] =	vst v37  }
0x72: {  	v41 =	vld [tilespmem:s25+$0x3F10];
	v12 =	vadd.f32 v59, v9;
	[tilespmem:s25+$0x5800] =	vst v39  }
0x73: {  	v48 =	vld [tilespmem:s25+$0x2620];
	v13 =	vadd.f32 v60, v9;
	[tilespmem:s25+$0x25E0] =	vst v16  }
0x74: {  	v24 =	vld [tilespmem:s25+$0x57F0];
	v14 =	vadd.f32 v61, v9;
	[tilespmem:s25+$0x3EE0] =	vst v12  }
0x75: {  	v25 =	vld [tilespmem:s25+$0x70F0];
	v15 =	vadd.f32 v62, v9;
	[tilespmem:s25+$0x57E0] =	vst v13  }
0x76: {  	v26 =	vld [tilespmem:s25+$0x89F0];
	v11 =	vadd.f32 v63, v9;
	[tilespmem:s25+$0x70E0] =	vst v14  }
0x77: {  	v28 =	vld [tilespmem:s25+$0xBBF0];
	v10 =	vadd.f32 v20, v9;
	v9 =	vadd.f32 v21, v9;
	[tilespmem:s25+$0x89E0] =	vst v15  }
0x78: {  	v4 =	vld [tilespmem:s25+$0xB0];
	v46 =	vadd.f32 v41, v6;
	v52 =	vadd.f32 v48, v5;
	[tilespmem:s25+$0xA2E0] =	vst v11  }
0x79: {  	v3 =	vld [tilespmem:s25+$0xC0];
	[tilespmem:s25+$0xBBE0] =	vst v10;
	v12 =	vadd.f32 v22, v8;
	v13 =	vadd.f32 v23, v8  }
0x7a: {  	v2 =	vld [tilespmem:s25+$0xD0];
	[tilespmem:s25+$0xD4E0] =	vst v9;
	v14 =	vadd.f32 v24, v8;
	v15 =	vadd.f32 v25, v8  }
0x7b: {  	v34 =	vld [tilespmem:s25+$0x8A00];
	v11 =	vadd.f32 v26, v8;
	v10 =	vadd.f32 v27, v8;
	[tilespmem:s25+$0x3F10] =	vst v46  }
0x7c: {  	v38 =	vld [tilespmem:s25+$0xD500];
	v9 =	vadd.f32 v28, v8;
	v8 =	vadd.f32 v29, v8;
	[tilespmem:s25+$0x2620] =	vst v52  }
0x7d: {  	v33 =	vld [tilespmem:s25+$0x7100];
	[tilespmem:s25+$0x25F0] =	vst v12  }
0x7e: {  	[tilespmem:s25+$0xD4F0] =	vst v8;
	v8 =	vld [tilespmem:s25+$0xBC00]  }
0x7f: {  	v35 =	vld [tilespmem:s25+$0xA300];
	[tilespmem:s25+$0x3EF0] =	vst v13  }
0x80: {  	v1 =	vld [tilespmem:s25+$0xE0];
	[tilespmem:s25+$0x57F0] =	vst v14  }
0x81: {  	v0 =	vld [tilespmem:s25+$0xF0];
	[tilespmem:s25+$0x70F0] =	vst v15  }
0x82: {  	v47 =	vld [tilespmem:s25+$0xD510];
	[tilespmem:s25+$0x89F0] =	vst v11;
	v11 =	vadd.f32 v33, v7  }
0x83: {  	v42 =	vld [tilespmem:s25+$0x5810];
	[tilespmem:s25+$0xA2F0] =	vst v10;
	v10 =	vadd.f32 v34, v7;
	v8 =	vadd.f32 v8, v7  }
0x84: {  	v43 =	vld [tilespmem:s25+$0x7110];
	[tilespmem:s25+$0xBBF0] =	vst v9;
	v9 =	vadd.f32 v35, v7;
	v7 =	vadd.f32 v38, v7  }
0x85: {  	[tilespmem:s25+$0xBC00] =	vst v8;
	v8 =	vld [tilespmem:s25+$0xA310]  }
0x86: {  	[tilespmem:s25+$0xD500] =	vst v7;
	v7 =	vld [tilespmem:s25+$0xBC10]  }
0x87: {  	v44 =	vld [tilespmem:s25+$0x8A10];
	[tilespmem:s25+$0x7100] =	vst v11  }
0x88: {  	v49 =	vld [tilespmem:s25+$0x3F20];
	[tilespmem:s25+$0x8A00] =	vst v10;
	v11 =	vadd.f32 v42, v6  }
0x89: {  	v55 =	vld [tilespmem:s25+$0x3F30];
	[tilespmem:s25+$0xA300] =	vst v9;
	v10 =	vadd.f32 v43, v6  }
0x8a: {  	v50 =	vld [tilespmem:s25+$0x5820];
	[tilespmem:s25+$0x5810] =	vst v11;
	v8 =	vadd.f32 v8, v6  }
0x8b: {  	v51 =	vld [tilespmem:s25+$0x7120];
	[tilespmem:s25+$0x7110] =	vst v10;
	v7 =	vadd.f32 v7, v6  }
0x8c: {  	v9 =	vadd.f32 v44, v6;
	v6 =	vadd.f32 v47, v6;
	[tilespmem:s25+$0xA310] =	vst v8;
	v8 =	vld [tilespmem:s25+$0x8A20]  }
0x8d: {  	[tilespmem:s25+$0xBC10] =	vst v7;
	v7 =	vld [tilespmem:s25+$0xA320]  }
0x8e: {  	v11 =	vadd.f32 v49, v5;
	[tilespmem:s25+$0xD510] =	vst v6;
	v6 =	vld [tilespmem:s25+$0xBC20]  }
0x8f: {  	v53 =	vld [tilespmem:s25+$0xD520];
	[tilespmem:s25+$0x8A10] =	vst v9;
	v10 =	vadd.f32 v50, v5  }
0x90: {  	v54 =	vld [tilespmem:s25+$0x2630];
	v9 =	vadd.f32 v51, v5;
	[tilespmem:s25+$0x3F20] =	vst v11  }
0x91: {  	v56 =	vld [tilespmem:s25+$0x5830];
	[tilespmem:s25+$0x5820] =	vst v10;
	v8 =	vadd.f32 v8, v5  }
0x92: {  	v57 =	vld [tilespmem:s25+$0xD530];
	[tilespmem:s25+$0x7120] =	vst v9;
	v7 =	vadd.f32 v7, v5  }
0x93: {  	v6 =	vadd.f32 v6, v5;
	[tilespmem:s25+$0x8A20] =	vst v8;
	v8 =	vld [tilespmem:s25+$0x7130]  }
0x94: {  	v5 =	vadd.f32 v53, v5;
	[tilespmem:s25+$0xA320] =	vst v7;
	v7 =	vld [tilespmem:s25+$0x8A30]  }
0x95: {  	v11 =	vadd.f32 v54, v4;
	[tilespmem:s25+$0xBC20] =	vst v6;
	v6 =	vld [tilespmem:s25+$0xA330]  }
0x96: {  	v10 =	vadd.f32 v55, v4;
	[tilespmem:s25+$0xD520] =	vst v5;
	v5 =	vld [tilespmem:s25+$0xBC30]  }
0x97: {  	v58 =	vld [tilespmem:s25+$0x2640];
	v9 =	vadd.f32 v56, v4;
	[tilespmem:s25+$0x2630] =	vst v11  }
0x98: {  	v59 =	vld [tilespmem:s25+$0x3F40];
	[tilespmem:s25+$0x3F30] =	vst v10;
	v8 =	vadd.f32 v8, v4  }
0x99: {  	v60 =	vld [tilespmem:s25+$0xD540];
	[tilespmem:s25+$0x5830] =	vst v9;
	v7 =	vadd.f32 v7, v4  }
0x9a: {  	v6 =	vadd.f32 v6, v4;
	[tilespmem:s25+$0x7130] =	vst v8;
	v8 =	vld [tilespmem:s25+$0x5840]  }
0x9b: {  	v5 =	vadd.f32 v5, v4;
	[tilespmem:s25+$0x8A30] =	vst v7;
	v7 =	vld [tilespmem:s25+$0x7140]  }
0x9c: {  	v4 =	vadd.f32 v57, v4;
	[tilespmem:s25+$0xA330] =	vst v6;
	v6 =	vld [tilespmem:s25+$0x8A40]  }
0x9d: {  	v10 =	vadd.f32 v58, v3;
	[tilespmem:s25+$0xBC30] =	vst v5;
	v5 =	vld [tilespmem:s25+$0xA340]  }
0x9e: {  	v9 =	vadd.f32 v59, v3;
	[tilespmem:s25+$0xD530] =	vst v4;
	v4 =	vld [tilespmem:s25+$0xBC40]  }
0x9f: {  	v61 =	vld [tilespmem:s25+$0x2650];
	[tilespmem:s25+$0x2640] =	vst v10;
	v8 =	vadd.f32 v8, v3  }
0xa0: {  	v62 =	vld [tilespmem:s25+$0xD550];
	[tilespmem:s25+$0x3F40] =	vst v9;
	v7 =	vadd.f32 v7, v3  }
0xa1: {  	v6 =	vadd.f32 v6, v3;
	[tilespmem:s25+$0x5840] =	vst v8;
	v8 =	vld [tilespmem:s25+$0x3F50]  }
0xa2: {  	v5 =	vadd.f32 v5, v3;
	[tilespmem:s25+$0x7140] =	vst v7;
	v7 =	vld [tilespmem:s25+$0x5850]  }
0xa3: {  	v4 =	vadd.f32 v4, v3;
	[tilespmem:s25+$0x8A40] =	vst v6;
	v6 =	vld [tilespmem:s25+$0x7150]  }
0xa4: {  	v3 =	vadd.f32 v60, v3;
	[tilespmem:s25+$0xA340] =	vst v5;
	v5 =	vld [tilespmem:s25+$0x8A50]  }
0xa5: {  	v9 =	vadd.f32 v61, v2;
	[tilespmem:s25+$0xBC40] =	vst v4;
	v4 =	vld [tilespmem:s25+$0xA350]  }
0xa6: {  	[tilespmem:s25+$0xD540] =	vst v3;
	v3 =	vld [tilespmem:s25+$0xBC50];
	v8 =	vadd.f32 v8, v2  }
0xa7: {  	v63 =	vld [tilespmem:s25+$0xA360];
	[tilespmem:s25+$0x2650] =	vst v9;
	v7 =	vadd.f32 v7, v2  }
0xa8: {  	v6 =	vadd.f32 v6, v2;
	[tilespmem:s25+$0x3F50] =	vst v8;
	v8 =	vld [tilespmem:s25+$0x2660]  }
0xa9: {  	v5 =	vadd.f32 v5, v2;
	[tilespmem:s25+$0x5850] =	vst v7;
	v7 =	vld [tilespmem:s25+$0x3F60]  }
0xaa: {  	v4 =	vadd.f32 v4, v2;
	[tilespmem:s25+$0x7150] =	vst v6  }
0xab: {  	v3 =	vadd.f32 v3, v2;
	v6 =	vld [tilespmem:s25+$0x5860];
	[tilespmem:s25+$0x8A50] =	vst v5  }
0xac: {  	v2 =	vadd.f32 v62, v2;
	v5 =	vld [tilespmem:s25+$0x7160];
	[tilespmem:s25+$0xA350] =	vst v4  }
0xad: {  	v9 =	vadd.f32 v63, v1;
	v4 =	vld [tilespmem:s25+$0x8A60];
	[tilespmem:s25+$0xBC50] =	vst v3  }
0xae: {  	[tilespmem:s25+$0xD550] =	vst v2;
	v3 =	vadd.f32 v8, v1;
	v2 =	vadd.f32 v7, v1;
	v7 =	vld [tilespmem:s25+$0xD560]  }
0xaf: {  	[tilespmem:s25+$0xA360] =	vst v9;
	v8 =	vld [tilespmem:s25+$0xBC60]  }
0xb0: {  	[tilespmem:s25+$0x2660] =	vst v3;
	v3 =	vadd.f32 v6, v1;
	v6 =	vld [tilespmem:s25+$0x2670]  }
0xb1: {  	[tilespmem:s25+$0x3F60] =	vst v2;
	v2 =	vadd.f32 v5, v1;
	v5 =	vld [tilespmem:s25+$0x3F70]  }
0xb2: {  	v4 =	vadd.f32 v4, v1;
	[tilespmem:s25+$0x5860] =	vst v3;
	v3 =	vld [tilespmem:s25+$0x5870]  }
0xb3: {  	[tilespmem:s25+$0x7160] =	vst v2;
	v2 =	vld [tilespmem:s25+$0x7170];
	v7 =	vadd.f32 v7, v1  }
0xb4: {  	[tilespmem:s25+$0x8A60] =	vst v4;
	v4 =	vld [tilespmem:s25+$0x8A70];
	v8 =	vadd.f32 v8, v1  }
0xb5: {  	v1 =	vld [tilespmem:s25+$0xA370];
	[tilespmem:s25+$0xD560] =	vst v7;
	v7 =	vadd.f32 v6, v0  }
0xb6: {  	s24 =	simm.s32 $0x1;
	[tilespmem:s25+$0xBC60] =	vst v8;
	v6 =	vadd.f32 v5, v0;
	v5 =	vld [tilespmem:s25+$0xBC70]  }
.LBB2_3:
0xb7: {  	s26 =	sshll.u32 s24, $0x8;
	p0 =	sne.s32 s24, $0x18;
	[tilespmem:s25+$0x2670] =	vst v7;
	v3 =	vadd.f32 v3, v0;
	v7 =	vld [tilespmem:s25+$0xD570]  }
0xb8: {  	v14 =	vld [tilespmem:s26+$0x0];
	[tilespmem:s25+$0x3F70] =	vst v6;
	v2 =	vadd.f32 v2, v0  }
0xb9: {  	v15 =	vld [tilespmem:s26+$0x10];
	[tilespmem:s25+$0x5870] =	vst v3;
	v3 =	vadd.f32 v4, v0  }
0xba: {  	v13 =	vld [tilespmem:s26+$0x20];
	[tilespmem:s25+$0x7170] =	vst v2;
	v1 =	vadd.f32 v1, v0  }
0xbb: {  	v12 =	vld [tilespmem:s26+$0x30];
	[tilespmem:s25+$0x8A70] =	vst v3;
	v2 =	vadd.f32 v5, v0  }
0xbc: {  	v11 =	vld [tilespmem:s26+$0x40];
	[tilespmem:s25+$0xA370] =	vst v1;
	v0 =	vadd.f32 v7, v0  }
0xbd: {  	v10 =	vld [tilespmem:s26+$0x50];
	[tilespmem:s25+$0xBC70] =	vst v2  }
0xbe: {  	v9 =	vld [tilespmem:s26+$0x60];
	[tilespmem:s25+$0xD570] =	vst v0;
	s25 =	smov.u32 s26  }
0xbf: {  	v8 =	vld [tilespmem:s25+$0x70]  }
0xc0: {  	v7 =	vld [tilespmem:s25+$0x80]  }
0xc1: {  	v6 =	vld [tilespmem:s25+$0x90]  }
0xc2: {  	v5 =	vld [tilespmem:s25+$0xA0]  }
0xc3: {  	v4 =	vld [tilespmem:s25+$0xB0]  }
0xc4: {  	v3 =	vld [tilespmem:s25+$0xC0]  }
0xc5: {  	v2 =	vld [tilespmem:s25+$0xD0]  }
0xc6: {  	v1 =	vld [tilespmem:s25+$0xE0]  }
0xc7: {  	v0 =	vld [tilespmem:s25+$0xF0]  }
0xc8: {  	v16 =	vld [tilespmem:s25+$0x2580]  }
0xc9: {  	v17 =	vld [tilespmem:s25+$0x3E80]  }
0xca: {  	v18 =	vld [tilespmem:s25+$0x5780]  }
0xcb: {  	v19 =	vld [tilespmem:s25+$0x7080]  }
0xcc: {  	v20 =	vld [tilespmem:s25+$0x8980]  }
0xcd: {  	v16 =	vadd.f32 v16, v14;
	v21 =	vld [tilespmem:s25+$0xA280]  }
0xce: {  	v17 =	vadd.f32 v17, v14;
	v22 =	vld [tilespmem:s25+$0xBB80]  }
0xcf: {  	[tilespmem:s25+$0x2580] =	vst v16;
	v16 =	vadd.f32 v18, v14;
	v18 =	vld [tilespmem:s25+$0xD480]  }
0xd0: {  	[tilespmem:s25+$0x3E80] =	vst v17;
	v17 =	vadd.f32 v19, v14;
	v19 =	vld [tilespmem:s25+$0x2590]  }
0xd1: {  	[tilespmem:s25+$0x5780] =	vst v16;
	v16 =	vadd.f32 v20, v14;
	v20 =	vld [tilespmem:s25+$0x3E90]  }
0xd2: {  	[tilespmem:s25+$0x7080] =	vst v17;
	v17 =	vadd.f32 v21, v14;
	v21 =	vld [tilespmem:s25+$0x5790]  }
0xd3: {  	[tilespmem:s25+$0x8980] =	vst v16;
	v16 =	vadd.f32 v22, v14;
	v22 =	vld [tilespmem:s25+$0x7090]  }
0xd4: {  	[tilespmem:s25+$0xA280] =	vst v17;
	v14 =	vadd.f32 v18, v14;
	v17 =	vld [tilespmem:s25+$0x8990]  }
0xd5: {  	[tilespmem:s25+$0xBB80] =	vst v16;
	v16 =	vadd.f32 v19, v15;
	v18 =	vld [tilespmem:s25+$0xA290]  }
0xd6: {  	[tilespmem:s25+$0xD480] =	vst v14;
	v14 =	vadd.f32 v20, v15;
	v19 =	vld [tilespmem:s25+$0xBB90]  }
0xd7: {  	[tilespmem:s25+$0x2590] =	vst v16;
	v16 =	vadd.f32 v21, v15;
	v20 =	vld [tilespmem:s25+$0xD490]  }
0xd8: {  	[tilespmem:s25+$0x3E90] =	vst v14;
	v14 =	vadd.f32 v22, v15;
	v21 =	vld [tilespmem:s25+$0x25A0]  }
0xd9: {  	[tilespmem:s25+$0x5790] =	vst v16;
	v16 =	vadd.f32 v17, v15;
	v17 =	vld [tilespmem:s25+$0x3EA0]  }
0xda: {  	[tilespmem:s25+$0x7090] =	vst v14;
	v14 =	vadd.f32 v18, v15;
	v18 =	vld [tilespmem:s25+$0x57A0]  }
0xdb: {  	[tilespmem:s25+$0x8990] =	vst v16;
	v16 =	vadd.f32 v19, v15;
	v19 =	vld [tilespmem:s25+$0x70A0]  }
0xdc: {  	[tilespmem:s25+$0xA290] =	vst v14;
	v14 =	vadd.f32 v20, v15;
	v15 =	vld [tilespmem:s25+$0x89A0]  }
0xdd: {  	[tilespmem:s25+$0xBB90] =	vst v16;
	v16 =	vadd.f32 v21, v13;
	v20 =	vld [tilespmem:s25+$0xA2A0]  }
0xde: {  	[tilespmem:s25+$0xD490] =	vst v14;
	v14 =	vadd.f32 v17, v13;
	v17 =	vld [tilespmem:s25+$0xBBA0]  }
0xdf: {  	[tilespmem:s25+$0x25A0] =	vst v16;
	v16 =	vadd.f32 v18, v13;
	v18 =	vld [tilespmem:s25+$0xD4A0]  }
0xe0: {  	[tilespmem:s25+$0x3EA0] =	vst v14;
	v14 =	vadd.f32 v19, v13;
	v19 =	vld [tilespmem:s25+$0x25B0]  }
0xe1: {  	[tilespmem:s25+$0x57A0] =	vst v16;
	v15 =	vadd.f32 v15, v13;
	v16 =	vld [tilespmem:s25+$0x3EB0]  }
0xe2: {  	[tilespmem:s25+$0x70A0] =	vst v14;
	v14 =	vadd.f32 v20, v13;
	v20 =	vld [tilespmem:s25+$0x57B0]  }
0xe3: {  	[tilespmem:s25+$0x89A0] =	vst v15;
	v15 =	vadd.f32 v17, v13;
	v17 =	vld [tilespmem:s25+$0x70B0]  }
0xe4: {  	[tilespmem:s25+$0xA2A0] =	vst v14;
	v13 =	vadd.f32 v18, v13;
	v14 =	vld [tilespmem:s25+$0x89B0]  }
0xe5: {  	[tilespmem:s25+$0xBBA0] =	vst v15;
	v15 =	vadd.f32 v19, v12;
	v18 =	vld [tilespmem:s25+$0xA2B0]  }
0xe6: {  	[tilespmem:s25+$0xD4A0] =	vst v13;
	v13 =	vadd.f32 v16, v12;
	v16 =	vld [tilespmem:s25+$0xBBB0]  }
0xe7: {  	[tilespmem:s25+$0x25B0] =	vst v15;
	v15 =	vadd.f32 v20, v12;
	v19 =	vld [tilespmem:s25+$0xD4B0]  }
0xe8: {  	[tilespmem:s25+$0x3EB0] =	vst v13;
	v13 =	vadd.f32 v17, v12;
	v17 =	vld [tilespmem:s25+$0x25C0]  }
0xe9: {  	[tilespmem:s25+$0x57B0] =	vst v15;
	v14 =	vadd.f32 v14, v12;
	v15 =	vld [tilespmem:s25+$0x3EC0]  }
0xea: {  	[tilespmem:s25+$0x70B0] =	vst v13;
	v13 =	vadd.f32 v18, v12;
	v18 =	vld [tilespmem:s25+$0x57C0]  }
0xeb: {  	[tilespmem:s25+$0x89B0] =	vst v14;
	v14 =	vadd.f32 v16, v12;
	v16 =	vld [tilespmem:s25+$0x70C0]  }
0xec: {  	[tilespmem:s25+$0xA2B0] =	vst v13;
	v12 =	vadd.f32 v19, v12;
	v13 =	vld [tilespmem:s25+$0x89C0]  }
0xed: {  	[tilespmem:s25+$0xBBB0] =	vst v14;
	v14 =	vadd.f32 v17, v11;
	v17 =	vld [tilespmem:s25+$0xA2C0]  }
0xee: {  	[tilespmem:s25+$0xD4B0] =	vst v12;
	v12 =	vadd.f32 v15, v11;
	v15 =	vld [tilespmem:s25+$0xBBC0]  }
0xef: {  	[tilespmem:s25+$0x25C0] =	vst v14;
	v14 =	vadd.f32 v18, v11;
	v18 =	vld [tilespmem:s25+$0xD4C0]  }
0xf0: {  	[tilespmem:s25+$0x3EC0] =	vst v12;
	v12 =	vadd.f32 v16, v11;
	v16 =	vld [tilespmem:s25+$0x25D0]  }
0xf1: {  	[tilespmem:s25+$0x57C0] =	vst v14;
	v13 =	vadd.f32 v13, v11;
	v14 =	vld [tilespmem:s25+$0x3ED0]  }
0xf2: {  	[tilespmem:s25+$0x70C0] =	vst v12;
	v12 =	vadd.f32 v17, v11;
	v17 =	vld [tilespmem:s25+$0x57D0]  }
0xf3: {  	[tilespmem:s25+$0x89C0] =	vst v13;
	v13 =	vadd.f32 v15, v11;
	v15 =	vld [tilespmem:s25+$0x70D0]  }
0xf4: {  	[tilespmem:s25+$0xA2C0] =	vst v12;
	v11 =	vadd.f32 v18, v11;
	v12 =	vld [tilespmem:s25+$0x89D0]  }
0xf5: {  	[tilespmem:s25+$0xBBC0] =	vst v13;
	v13 =	vadd.f32 v16, v10;
	v16 =	vld [tilespmem:s25+$0xA2D0]  }
0xf6: {  	[tilespmem:s25+$0xD4C0] =	vst v11;
	v11 =	vadd.f32 v14, v10;
	v14 =	vld [tilespmem:s25+$0xBBD0]  }
0xf7: {  	[tilespmem:s25+$0x25D0] =	vst v13;
	v13 =	vadd.f32 v17, v10;
	v17 =	vld [tilespmem:s25+$0xD4D0]  }
0xf8: {  	[tilespmem:s25+$0x3ED0] =	vst v11;
	v11 =	vadd.f32 v15, v10;
	v15 =	vld [tilespmem:s25+$0x25E0]  }
0xf9: {  	[tilespmem:s25+$0x57D0] =	vst v13;
	v12 =	vadd.f32 v12, v10;
	v13 =	vld [tilespmem:s25+$0x3EE0]  }
0xfa: {  	[tilespmem:s25+$0x70D0] =	vst v11;
	v11 =	vadd.f32 v16, v10;
	v16 =	vld [tilespmem:s25+$0x57E0]  }
0xfb: {  	[tilespmem:s25+$0x89D0] =	vst v12;
	v12 =	vadd.f32 v14, v10;
	v14 =	vld [tilespmem:s25+$0x70E0]  }
0xfc: {  	[tilespmem:s25+$0xA2D0] =	vst v11;
	v10 =	vadd.f32 v17, v10;
	v11 =	vld [tilespmem:s25+$0x89E0]  }
0xfd: {  	[tilespmem:s25+$0xBBD0] =	vst v12;
	v12 =	vadd.f32 v15, v9;
	v15 =	vld [tilespmem:s25+$0xA2E0]  }
0xfe: {  	[tilespmem:s25+$0xD4D0] =	vst v10;
	v10 =	vadd.f32 v13, v9;
	v13 =	vld [tilespmem:s25+$0xBBE0]  }
0xff: {  	[tilespmem:s25+$0x25E0] =	vst v12;
	v12 =	vadd.f32 v16, v9;
	v16 =	vld [tilespmem:s25+$0xD4E0]  }
0x100: {  	[tilespmem:s25+$0x3EE0] =	vst v10;
	v10 =	vadd.f32 v14, v9;
	v14 =	vld [tilespmem:s25+$0x25F0]  }
0x101: {  	[tilespmem:s25+$0x57E0] =	vst v12;
	v11 =	vadd.f32 v11, v9;
	v12 =	vld [tilespmem:s25+$0x3EF0]  }
0x102: {  	[tilespmem:s25+$0x70E0] =	vst v10;
	v10 =	vadd.f32 v15, v9;
	v15 =	vld [tilespmem:s25+$0x57F0]  }
0x103: {  	[tilespmem:s25+$0x89E0] =	vst v11;
	v11 =	vadd.f32 v13, v9;
	v13 =	vld [tilespmem:s25+$0x70F0]  }
0x104: {  	[tilespmem:s25+$0xA2E0] =	vst v10;
	v9 =	vadd.f32 v16, v9;
	v10 =	vld [tilespmem:s25+$0x89F0]  }
0x105: {  	[tilespmem:s25+$0xBBE0] =	vst v11;
	v11 =	vadd.f32 v14, v8;
	v14 =	vld [tilespmem:s25+$0xA2F0]  }
0x106: {  	[tilespmem:s25+$0xD4E0] =	vst v9;
	v9 =	vadd.f32 v12, v8;
	v12 =	vld [tilespmem:s25+$0xBBF0]  }
0x107: {  	[tilespmem:s25+$0x25F0] =	vst v11;
	v11 =	vadd.f32 v15, v8;
	v15 =	vld [tilespmem:s25+$0xD4F0]  }
0x108: {  	[tilespmem:s25+$0x3EF0] =	vst v9;
	v9 =	vadd.f32 v13, v8;
	v13 =	vld [tilespmem:s25+$0x2600]  }
0x109: {  	[tilespmem:s25+$0x57F0] =	vst v11;
	v10 =	vadd.f32 v10, v8;
	v11 =	vld [tilespmem:s25+$0x3F00]  }
0x10a: {  	[tilespmem:s25+$0x70F0] =	vst v9;
	v9 =	vadd.f32 v14, v8;
	v14 =	vld [tilespmem:s25+$0x5800]  }
0x10b: {  	[tilespmem:s25+$0x89F0] =	vst v10;
	v10 =	vadd.f32 v12, v8;
	v12 =	vld [tilespmem:s25+$0x7100]  }
0x10c: {  	[tilespmem:s25+$0xA2F0] =	vst v9;
	v8 =	vadd.f32 v15, v8;
	v9 =	vld [tilespmem:s25+$0x8A00]  }
0x10d: {  	[tilespmem:s25+$0xBBF0] =	vst v10;
	v10 =	vadd.f32 v13, v7;
	v13 =	vld [tilespmem:s25+$0xA300]  }
0x10e: {  	[tilespmem:s25+$0xD4F0] =	vst v8;
	v8 =	vadd.f32 v11, v7;
	v11 =	vld [tilespmem:s25+$0xBC00]  }
0x10f: {  	[tilespmem:s25+$0x2600] =	vst v10;
	v10 =	vadd.f32 v14, v7;
	v14 =	vld [tilespmem:s25+$0xD500]  }
0x110: {  	[tilespmem:s25+$0x3F00] =	vst v8;
	v8 =	vadd.f32 v12, v7;
	v12 =	vld [tilespmem:s25+$0x2610]  }
0x111: {  	[tilespmem:s25+$0x5800] =	vst v10;
	v9 =	vadd.f32 v9, v7;
	v10 =	vld [tilespmem:s25+$0x3F10]  }
0x112: {  	[tilespmem:s25+$0x7100] =	vst v8;
	v8 =	vadd.f32 v13, v7;
	v13 =	vld [tilespmem:s25+$0x5810]  }
0x113: {  	[tilespmem:s25+$0x8A00] =	vst v9;
	v9 =	vadd.f32 v11, v7;
	v11 =	vld [tilespmem:s25+$0x7110]  }
0x114: {  	[tilespmem:s25+$0xA300] =	vst v8;
	v7 =	vadd.f32 v14, v7;
	v8 =	vld [tilespmem:s25+$0x8A10]  }
0x115: {  	[tilespmem:s25+$0xBC00] =	vst v9;
	v9 =	vadd.f32 v12, v6;
	v12 =	vld [tilespmem:s25+$0xA310]  }
0x116: {  	[tilespmem:s25+$0xD500] =	vst v7;
	v7 =	vadd.f32 v10, v6;
	v10 =	vld [tilespmem:s25+$0xBC10]  }
0x117: {  	[tilespmem:s25+$0x2610] =	vst v9;
	v9 =	vadd.f32 v13, v6;
	v13 =	vld [tilespmem:s25+$0xD510]  }
0x118: {  	[tilespmem:s25+$0x3F10] =	vst v7;
	v7 =	vadd.f32 v11, v6;
	v11 =	vld [tilespmem:s25+$0x2620]  }
0x119: {  	[tilespmem:s25+$0x5810] =	vst v9;
	v8 =	vadd.f32 v8, v6;
	v9 =	vld [tilespmem:s25+$0x3F20]  }
0x11a: {  	[tilespmem:s25+$0x7110] =	vst v7;
	v7 =	vadd.f32 v12, v6;
	v12 =	vld [tilespmem:s25+$0x5820]  }
0x11b: {  	[tilespmem:s25+$0x8A10] =	vst v8;
	v8 =	vadd.f32 v10, v6;
	v10 =	vld [tilespmem:s25+$0x7120]  }
0x11c: {  	[tilespmem:s25+$0xA310] =	vst v7;
	v6 =	vadd.f32 v13, v6;
	v7 =	vld [tilespmem:s25+$0x8A20]  }
0x11d: {  	[tilespmem:s25+$0xBC10] =	vst v8;
	v8 =	vadd.f32 v11, v5;
	v11 =	vld [tilespmem:s25+$0xA320]  }
0x11e: {  	[tilespmem:s25+$0xD510] =	vst v6;
	v6 =	vadd.f32 v9, v5;
	v9 =	vld [tilespmem:s25+$0xBC20]  }
0x11f: {  	[tilespmem:s25+$0x2620] =	vst v8;
	v8 =	vadd.f32 v12, v5;
	v12 =	vld [tilespmem:s25+$0xD520]  }
0x120: {  	[tilespmem:s25+$0x3F20] =	vst v6;
	v6 =	vadd.f32 v10, v5;
	v10 =	vld [tilespmem:s25+$0x2630]  }
0x121: {  	[tilespmem:s25+$0x5820] =	vst v8;
	v7 =	vadd.f32 v7, v5;
	v8 =	vld [tilespmem:s25+$0x3F30]  }
0x122: {  	[tilespmem:s25+$0x7120] =	vst v6;
	v6 =	vadd.f32 v11, v5;
	v11 =	vld [tilespmem:s25+$0x5830]  }
0x123: {  	[tilespmem:s25+$0x8A20] =	vst v7;
	v7 =	vadd.f32 v9, v5;
	v9 =	vld [tilespmem:s25+$0x7130]  }
0x124: {  	[tilespmem:s25+$0xA320] =	vst v6;
	v5 =	vadd.f32 v12, v5;
	v6 =	vld [tilespmem:s25+$0x8A30]  }
0x125: {  	[tilespmem:s25+$0xBC20] =	vst v7;
	v7 =	vadd.f32 v10, v4;
	v10 =	vld [tilespmem:s25+$0xA330]  }
0x126: {  	[tilespmem:s25+$0xD520] =	vst v5;
	v5 =	vadd.f32 v8, v4;
	v8 =	vld [tilespmem:s25+$0xBC30]  }
0x127: {  	[tilespmem:s25+$0x2630] =	vst v7;
	v7 =	vadd.f32 v11, v4;
	v11 =	vld [tilespmem:s25+$0xD530]  }
0x128: {  	[tilespmem:s25+$0x3F30] =	vst v5;
	v5 =	vadd.f32 v9, v4;
	v9 =	vld [tilespmem:s25+$0x2640]  }
0x129: {  	[tilespmem:s25+$0x5830] =	vst v7;
	v6 =	vadd.f32 v6, v4;
	v7 =	vld [tilespmem:s25+$0x3F40]  }
0x12a: {  	[tilespmem:s25+$0x7130] =	vst v5;
	v5 =	vadd.f32 v10, v4;
	v10 =	vld [tilespmem:s25+$0x5840]  }
0x12b: {  	[tilespmem:s25+$0x8A30] =	vst v6;
	v6 =	vadd.f32 v8, v4;
	v8 =	vld [tilespmem:s25+$0x7140]  }
0x12c: {  	[tilespmem:s25+$0xA330] =	vst v5;
	v4 =	vadd.f32 v11, v4;
	v5 =	vld [tilespmem:s25+$0x8A40]  }
0x12d: {  	[tilespmem:s25+$0xBC30] =	vst v6;
	v6 =	vadd.f32 v9, v3;
	v9 =	vld [tilespmem:s25+$0xA340]  }
0x12e: {  	[tilespmem:s25+$0xD530] =	vst v4;
	v4 =	vadd.f32 v7, v3;
	v7 =	vld [tilespmem:s25+$0xBC40]  }
0x12f: {  	[tilespmem:s25+$0x2640] =	vst v6;
	v6 =	vadd.f32 v10, v3;
	v10 =	vld [tilespmem:s25+$0xD540]  }
0x130: {  	[tilespmem:s25+$0x3F40] =	vst v4;
	v4 =	vadd.f32 v8, v3;
	v8 =	vld [tilespmem:s25+$0x2650]  }
0x131: {  	[tilespmem:s25+$0x5840] =	vst v6;
	v5 =	vadd.f32 v5, v3;
	v6 =	vld [tilespmem:s25+$0x3F50]  }
0x132: {  	[tilespmem:s25+$0x7140] =	vst v4;
	v4 =	vadd.f32 v9, v3;
	v9 =	vld [tilespmem:s25+$0x5850]  }
0x133: {  	[tilespmem:s25+$0x8A40] =	vst v5;
	v5 =	vadd.f32 v7, v3;
	v7 =	vld [tilespmem:s25+$0x7150]  }
0x134: {  	[tilespmem:s25+$0xA340] =	vst v4;
	v3 =	vadd.f32 v10, v3;
	v4 =	vld [tilespmem:s25+$0x8A50]  }
0x135: {  	[tilespmem:s25+$0xBC40] =	vst v5;
	v5 =	vadd.f32 v8, v2;
	v8 =	vld [tilespmem:s25+$0xA350]  }
0x136: {  	[tilespmem:s25+$0xD540] =	vst v3;
	v3 =	vadd.f32 v6, v2;
	v6 =	vld [tilespmem:s25+$0xBC50]  }
0x137: {  	[tilespmem:s25+$0x2650] =	vst v5;
	v5 =	vadd.f32 v9, v2;
	v9 =	vld [tilespmem:s25+$0xD550]  }
0x138: {  	[tilespmem:s25+$0x3F50] =	vst v3;
	v3 =	vadd.f32 v7, v2;
	v7 =	vld [tilespmem:s25+$0x2660]  }
0x139: {  	[tilespmem:s25+$0x5850] =	vst v5;
	v4 =	vadd.f32 v4, v2;
	v5 =	vld [tilespmem:s25+$0x3F60]  }
0x13a: {  	[tilespmem:s25+$0x7150] =	vst v3;
	v3 =	vadd.f32 v8, v2;
	v8 =	vld [tilespmem:s25+$0x5860]  }
0x13b: {  	[tilespmem:s25+$0x8A50] =	vst v4;
	v4 =	vadd.f32 v6, v2;
	v6 =	vld [tilespmem:s25+$0x7160]  }
0x13c: {  	[tilespmem:s25+$0xA350] =	vst v3;
	v2 =	vadd.f32 v9, v2;
	v3 =	vld [tilespmem:s25+$0x8A60]  }
0x13d: {  	[tilespmem:s25+$0xBC50] =	vst v4;
	v4 =	vadd.f32 v7, v1;
	v7 =	vld [tilespmem:s25+$0xA360]  }
0x13e: {  	[tilespmem:s25+$0xD550] =	vst v2;
	v2 =	vadd.f32 v5, v1;
	v5 =	vld [tilespmem:s25+$0xBC60]  }
0x13f: {  	[tilespmem:s25+$0x2660] =	vst v4;
	v4 =	vadd.f32 v8, v1;
	v8 =	vld [tilespmem:s25+$0xD560]  }
0x140: {  	[tilespmem:s25+$0x3F60] =	vst v2;
	v2 =	vadd.f32 v6, v1;
	v6 =	vld [tilespmem:s25+$0x2670]  }
0x141: {  	[tilespmem:s25+$0x5860] =	vst v4;
	v4 =	vadd.f32 v3, v1;
	v9 =	vld [tilespmem:s25+$0x3F70]  }
.Ltmp2:
0x142: {  	[tilespmem:s25+$0x7160] =	vst v2;
	v7 =	vadd.f32 v7, v1;
	v3 =	vld [tilespmem:s25+$0x5870];
	(pc) =	sbr.rel @p0 .LBB2_3-.Ltmp2, $4  }
0x143: {  	[tilespmem:s25+$0x8A60] =	vst v4;
	v5 =	vadd.f32 v5, v1;
	v2 =	vld [tilespmem:s25+$0x7170]  }
0x144: {  	[tilespmem:s25+$0xA360] =	vst v7;
	v8 =	vadd.f32 v8, v1;
	v4 =	vld [tilespmem:s25+$0x8A70]  }
0x145: {  	[tilespmem:s25+$0xBC60] =	vst v5;
	v7 =	vadd.f32 v6, v0;
	v1 =	vld [tilespmem:s25+$0xA370]  }
0x146: {  	s24 =	sadd.s32 $0x1, s24;
	[tilespmem:s25+$0xD560] =	vst v8;
	v6 =	vadd.f32 v9, v0;
	v5 =	vld [tilespmem:s25+$0xBC70]  }
0x147: {  	[tilespmem:s25+$0x2670] =	vst v7;
	v3 =	vadd.f32 v3, v0;
	v7 =	vld [tilespmem:s25+$0xD570]  }
0x148: {  	[tilespmem:s25+$0x3F70] =	vst v6;
	v2 =	vadd.f32 v2, v0  }
0x149: {  	[tilespmem:s25+$0x5870] =	vst v3;
	v3 =	vadd.f32 v4, v0  }
0x14a: {  	s24 =	smul.u32 $0xC80, s23;
	[tilespmem:s25+$0x7170] =	vst v2;
	v1 =	vadd.f32 v1, v0  }
0x14b: {  	[tilespmem:s25+$0x8A70] =	vst v3;
	v2 =	vadd.f32 v5, v0  }
0x14c: {  	s26 =	sadd.s32 s4, s24;
	[tilespmem:s25+$0xA370] =	vst v1;
	v0 =	vadd.f32 v7, v0  }
0x14d: {  	p0 =	seq.s32 s23, $0x7;
	s28 =	sshll.u32 s26, $0x2;
	[tilespmem:s25+$0xBC70] =	vst v2  }
0x14e: {  	s31 =	sadd.s32 s2, s28;
	[tilespmem:s25+$0xD570] =	vst v0;
	s25 =	sshrl.u32 @!p0 s26, $0x3  }
0x14f: {  	[hbm4b:s31+s3] =	stream.linear.scatter [tilespmem:s15], [sflag:$0x3], $0xC800, $0x38;
	[tilespmem:$0x1B580] =	vst v63  }
0x150: {  	s25 =	sadd.s32 @!p0 s5, s25  }
0x151: {  	s28 =	simm.s32 @!p0 $0x1900;
	s26 =	simm.s32 @!p0 $0x0;
	s25 =	sadd.s32 @!p0 $0x190, s25  }
0x152: {  	[tilespmem:s28], [sflag:$0x5] =	stream.linear.gather @!p0 [hbm4b:s25+s26], $0x640, $0x38;
	[tilespmem:$0x1B580] =	vst v63  }
0x153: {  	s25 =	simm.s32 @!p0 $0x5  }
0x154: {  	_ =	swait.ge @!p0 [sflag:s25], $0x640  }
0x155: {  	[sflag:s25] =	ssyncset.done @!p0 $0x0  }
0x156: {  	[sflag:s25] =	ssyncadd.s32 @!p0 $0xFFFFF9C0;
	s25 =	simm.s32 @!p0 $0x3  }
0x157: {  	_ =	swait.ge @!p0 [sflag:s25], $0xC800  }
0x158: {  	[sflag:s25] =	ssyncset.done @!p0 $0x0  }
0x159: {  	s26 =	simm.s32 @!p0 $0x2580;
	[sflag:s25] =	ssyncadd.s32 @!p0 $0xFFFF3800;
	s25 =	simm.s32 @!p0 $0x640  }
0x15a: {  	[tilespmem:s26], [sflag:$0x1] =	stream.indirect.gather @!p0 [hbm4b:s6+s25], $0x20, s28, s25, $0xb8;
	[tilespmem:$0x1B580] =	vst v63  }
0x15b: {  	_ =	swait.ge [sflag:s19], $0xC800  }
0x15c: {  	[sflag:s19] =	ssyncset.done $0x0  }
0x15d: {  	s25 =	simm.s32 $0x0;
	[sflag:s19] =	ssyncadd.s32 $0xFFFF3800  }
0x15e: {  	v12 =	vld [tilespmem:s25+$0x0]  }
0x15f: {  	v13 =	vld [tilespmem:s25+$0x10]  }
0x160: {  	v14 =	vld [tilespmem:s25+$0x20]  }
0x161: {  	v15 =	vld [tilespmem:s25+$0x30]  }
0x162: {  	v11 =	vld [tilespmem:s25+$0x40]  }
0x163: {  	v10 =	vld [tilespmem:s25+$0x50]  }
0x164: {  	v9 =	vld [tilespmem:s25+$0x60]  }
0x165: {  	v8 =	vld [tilespmem:s25+$0x70]  }
0x166: {  	v7 =	vld [tilespmem:s25+$0x80]  }
0x167: {  	v6 =	vld [tilespmem:s25+$0x90]  }
0x168: {  	v5 =	vld [tilespmem:s25+$0xA0]  }
0x169: {  	v16 =	vld [tilespmem:s25+$0xED80]  }
0x16a: {  	v17 =	vld [tilespmem:s25+$0x10680]  }
0x16b: {  	v18 =	vld [tilespmem:s25+$0x11F80]  }
0x16c: {  	v19 =	vld [tilespmem:s25+$0x13880]  }
0x16d: {  	v20 =	vld [tilespmem:s25+$0x15180]  }
0x16e: {  	v21 =	vld [tilespmem:s25+$0x16A80]  }
0x16f: {  	v22 =	vld [tilespmem:s25+$0x18380]  }
0x170: {  	v47 =	vld [tilespmem:s25+$0x19C80]  }
0x171: {  	v48 =	vld [tilespmem:s25+$0xED90]  }
0x172: {  	v49 =	vld [tilespmem:s25+$0x10690]  }
0x173: {  	v50 =	vld [tilespmem:s25+$0x11F90]  }
0x174: {  	v51 =	vld [tilespmem:s25+$0x13890];
	v16 =	vadd.f32 v16, v12  }
0x175: {  	v52 =	vld [tilespmem:s25+$0x15190];
	v17 =	vadd.f32 v17, v12  }
0x176: {  	v53 =	vld [tilespmem:s25+$0x16A90];
	v18 =	vadd.f32 v18, v12;
	[tilespmem:s25+$0xED80] =	vst v16  }
0x177: {  	v56 =	vld [tilespmem:s25+$0xEDA0];
	v19 =	vadd.f32 v19, v12;
	[tilespmem:s25+$0x10680] =	vst v17  }
0x178: {  	v57 =	vld [tilespmem:s25+$0x106A0];
	v20 =	vadd.f32 v20, v12;
	[tilespmem:s25+$0x11F80] =	vst v18  }
0x179: {  	v58 =	vld [tilespmem:s25+$0x11FA0];
	v21 =	vadd.f32 v21, v12;
	[tilespmem:s25+$0x13880] =	vst v19  }
0x17a: {  	v59 =	vld [tilespmem:s25+$0x138A0];
	v22 =	vadd.f32 v22, v12;
	[tilespmem:s25+$0x15180] =	vst v20  }
0x17b: {  	v27 =	vld [tilespmem:s25+$0xEDB0];
	v12 =	vadd.f32 v47, v12;
	[tilespmem:s25+$0x16A80] =	vst v21  }
0x17c: {  	v29 =	vld [tilespmem:s25+$0x106B0];
	v62 =	vadd.f32 v56, v14;
	[tilespmem:s25+$0x18380] =	vst v22  }
0x17d: {  	v30 =	vld [tilespmem:s25+$0x11FB0];
	v24 =	vadd.f32 v57, v14;
	[tilespmem:s25+$0x19C80] =	vst v12  }
0x17e: {  	v39 =	vld [tilespmem:s25+$0xEDC0];
	v26 =	vadd.f32 v58, v14;
	[tilespmem:s25+$0xEDA0] =	vst v62  }
0x17f: {  	v40 =	vld [tilespmem:s25+$0x106C0];
	v28 =	vadd.f32 v59, v14;
	[tilespmem:s25+$0x106A0] =	vst v24  }
0x180: {  	v54 =	vld [tilespmem:s25+$0x18390];
	v34 =	vadd.f32 v27, v15;
	[tilespmem:s25+$0x11FA0] =	vst v26  }
0x181: {  	v55 =	vld [tilespmem:s25+$0x19C90];
	v36 =	vadd.f32 v29, v15;
	[tilespmem:s25+$0x138A0] =	vst v28  }
0x182: {  	v60 =	vld [tilespmem:s25+$0x151A0];
	v38 =	vadd.f32 v30, v15;
	[tilespmem:s25+$0xEDB0] =	vst v34  }
0x183: {  	v61 =	vld [tilespmem:s25+$0x16AA0];
	v45 =	vadd.f32 v39, v11;
	[tilespmem:s25+$0x106B0] =	vst v36  }
0x184: {  	v63 =	vld [tilespmem:s25+$0x183A0];
	v47 =	vadd.f32 v40, v11;
	[tilespmem:s25+$0x11FB0] =	vst v38  }
0x185: {  	v25 =	vld [tilespmem:s25+$0x19CA0];
	v17 =	vadd.f32 v48, v13;
	[tilespmem:s25+$0xEDC0] =	vst v45  }
0x186: {  	v31 =	vld [tilespmem:s25+$0x138B0];
	v18 =	vadd.f32 v49, v13;
	[tilespmem:s25+$0x106C0] =	vst v47  }
0x187: {  	v32 =	vld [tilespmem:s25+$0x151B0];
	v19 =	vadd.f32 v50, v13;
	[tilespmem:s25+$0xED90] =	vst v17  }
0x188: {  	v33 =	vld [tilespmem:s25+$0x16AB0];
	v20 =	vadd.f32 v51, v13;
	[tilespmem:s25+$0x10690] =	vst v18  }
0x189: {  	v35 =	vld [tilespmem:s25+$0x183B0];
	v21 =	vadd.f32 v52, v13;
	[tilespmem:s25+$0x11F90] =	vst v19  }
0x18a: {  	v37 =	vld [tilespmem:s25+$0x19CB0];
	v16 =	vadd.f32 v53, v13;
	[tilespmem:s25+$0x13890] =	vst v20  }
0x18b: {  	v41 =	vld [tilespmem:s25+$0x11FC0];
	v12 =	vadd.f32 v54, v13;
	[tilespmem:s25+$0x15190] =	vst v21  }
0x18c: {  	v30 =	vld [tilespmem:s25+$0xEE00];
	v13 =	vadd.f32 v55, v13;
	[tilespmem:s25+$0x16A90] =	vst v16  }
0x18d: {  	v40 =	vld [tilespmem:s25+$0xEE10];
	[tilespmem:s25+$0x18390] =	vst v12;
	v16 =	vadd.f32 v60, v14  }
0x18e: {  	v42 =	vld [tilespmem:s25+$0x138C0];
	[tilespmem:s25+$0x19C90] =	vst v13;
	v12 =	vadd.f32 v61, v14  }
0x18f: {  	v43 =	vld [tilespmem:s25+$0x151C0];
	v13 =	vadd.f32 v63, v14;
	[tilespmem:s25+$0x151A0] =	vst v16  }
0x190: {  	v44 =	vld [tilespmem:s25+$0x16AC0];
	v14 =	vadd.f32 v25, v14;
	[tilespmem:s25+$0x16AA0] =	vst v12  }
0x191: {  	v46 =	vld [tilespmem:s25+$0x183C0];
	v36 =	vadd.f32 v30, v7;
	[tilespmem:s25+$0x183A0] =	vst v13  }
0x192: {  	v23 =	vld [tilespmem:s25+$0x106F0];
	v45 =	vadd.f32 v40, v6;
	[tilespmem:s25+$0x19CA0] =	vst v14  }
0x193: {  	v49 =	vld [tilespmem:s25+$0xEDD0];
	v16 =	vadd.f32 v31, v15;
	[tilespmem:s25+$0xEE00] =	vst v36  }
0x194: {  	v56 =	vld [tilespmem:s25+$0x183D0];
	v12 =	vadd.f32 v32, v15;
	[tilespmem:s25+$0xEE10] =	vst v45  }
0x195: {  	v57 =	vld [tilespmem:s25+$0x19CD0];
	v13 =	vadd.f32 v33, v15;
	[tilespmem:s25+$0x138B0] =	vst v16  }
0x196: {  	v58 =	vld [tilespmem:s25+$0xEDE0];
	v14 =	vadd.f32 v35, v15;
	[tilespmem:s25+$0x151B0] =	vst v12  }
0x197: {  	v59 =	vld [tilespmem:s25+$0x106E0];
	v15 =	vadd.f32 v37, v15;
	[tilespmem:s25+$0x16AB0] =	vst v13  }
0x198: {  	v27 =	vld [tilespmem:s25+$0x16AF0];
	v55 =	vadd.f32 v49, v10;
	[tilespmem:s25+$0x183B0] =	vst v14  }
0x199: {  	v48 =	vld [tilespmem:s25+$0x19CC0];
	[tilespmem:s25+$0x19CB0] =	vst v15;
	v16 =	vadd.f32 v41, v11  }
0x19a: {  	v50 =	vld [tilespmem:s25+$0x106D0];
	v12 =	vadd.f32 v42, v11;
	[tilespmem:s25+$0xEDD0] =	vst v55  }
0x19b: {  	v51 =	vld [tilespmem:s25+$0x11FD0];
	v13 =	vadd.f32 v43, v11;
	[tilespmem:s25+$0x11FC0] =	vst v16  }
0x19c: {  	v52 =	vld [tilespmem:s25+$0x138D0];
	v14 =	vadd.f32 v44, v11;
	[tilespmem:s25+$0x138C0] =	vst v12  }
0x19d: {  	v53 =	vld [tilespmem:s25+$0x151D0];
	v15 =	vadd.f32 v46, v11;
	[tilespmem:s25+$0x151C0] =	vst v13  }
0x19e: {  	v54 =	vld [tilespmem:s25+$0x16AD0];
	v11 =	vadd.f32 v48, v11;
	[tilespmem:s25+$0x16AC0] =	vst v14  }
0x19f: {  	v29 =	vld [tilespmem:s25+$0x19CF0];
	[tilespmem:s25+$0x183C0] =	vst v15;
	v16 =	vadd.f32 v50, v10  }
0x1a0: {  	v62 =	vld [tilespmem:s25+$0x151E0];
	[tilespmem:s25+$0x19CC0] =	vst v11;
	v12 =	vadd.f32 v51, v10  }
0x1a1: {  	v31 =	vld [tilespmem:s25+$0x10700];
	v13 =	vadd.f32 v52, v10;
	[tilespmem:s25+$0x106D0] =	vst v16  }
0x1a2: {  	v32 =	vld [tilespmem:s25+$0x12000];
	v14 =	vadd.f32 v53, v10;
	[tilespmem:s25+$0x11FD0] =	vst v12  }
0x1a3: {  	v22 =	vld [tilespmem:s25+$0xEDF0];
	v15 =	vadd.f32 v54, v10;
	[tilespmem:s25+$0x138D0] =	vst v13  }
0x1a4: {  	v60 =	vld [tilespmem:s25+$0x11FE0];
	v11 =	vadd.f32 v56, v10;
	[tilespmem:s25+$0x151D0] =	vst v14  }
0x1a5: {  	v61 =	vld [tilespmem:s25+$0x138E0];
	v10 =	vadd.f32 v57, v10;
	[tilespmem:s25+$0x16AD0] =	vst v15  }
0x1a6: {  	v63 =	vld [tilespmem:s25+$0x16AE0];
	v37 =	vadd.f32 v31, v7;
	[tilespmem:s25+$0x183D0] =	vst v11  }
0x1a7: {  	v20 =	vld [tilespmem:s25+$0x183E0];
	v39 =	vadd.f32 v32, v7;
	[tilespmem:s25+$0x19CD0] =	vst v10  }
0x1a8: {  	v21 =	vld [tilespmem:s25+$0x19CE0];
	v16 =	vadd.f32 v58, v9;
	[tilespmem:s25+$0x10700] =	vst v37  }
0x1a9: {  	v41 =	vld [tilespmem:s25+$0x10710];
	v12 =	vadd.f32 v59, v9;
	[tilespmem:s25+$0x12000] =	vst v39  }
0x1aa: {  	v48 =	vld [tilespmem:s25+$0xEE20];
	v13 =	vadd.f32 v60, v9;
	[tilespmem:s25+$0xEDE0] =	vst v16  }
0x1ab: {  	v24 =	vld [tilespmem:s25+$0x11FF0];
	v14 =	vadd.f32 v61, v9;
	[tilespmem:s25+$0x106E0] =	vst v12  }
0x1ac: {  	v25 =	vld [tilespmem:s25+$0x138F0];
	v15 =	vadd.f32 v62, v9;
	[tilespmem:s25+$0x11FE0] =	vst v13  }
0x1ad: {  	v26 =	vld [tilespmem:s25+$0x151F0];
	v11 =	vadd.f32 v63, v9;
	[tilespmem:s25+$0x138E0] =	vst v14  }
0x1ae: {  	v28 =	vld [tilespmem:s25+$0x183F0];
	v10 =	vadd.f32 v20, v9;
	v9 =	vadd.f32 v21, v9;
	[tilespmem:s25+$0x151E0] =	vst v15  }
0x1af: {  	v4 =	vld [tilespmem:s25+$0xB0];
	v46 =	vadd.f32 v41, v6;
	v52 =	vadd.f32 v48, v5;
	[tilespmem:s25+$0x16AE0] =	vst v11  }
0x1b0: {  	v3 =	vld [tilespmem:s25+$0xC0];
	[tilespmem:s25+$0x183E0] =	vst v10;
	v12 =	vadd.f32 v22, v8;
	v13 =	vadd.f32 v23, v8  }
0x1b1: {  	v2 =	vld [tilespmem:s25+$0xD0];
	[tilespmem:s25+$0x19CE0] =	vst v9;
	v14 =	vadd.f32 v24, v8;
	v15 =	vadd.f32 v25, v8  }
0x1b2: {  	v34 =	vld [tilespmem:s25+$0x15200];
	v11 =	vadd.f32 v26, v8;
	v10 =	vadd.f32 v27, v8;
	[tilespmem:s25+$0x10710] =	vst v46  }
0x1b3: {  	v38 =	vld [tilespmem:s25+$0x19D00];
	v9 =	vadd.f32 v28, v8;
	v8 =	vadd.f32 v29, v8;
	[tilespmem:s25+$0xEE20] =	vst v52  }
0x1b4: {  	v33 =	vld [tilespmem:s25+$0x13900];
	[tilespmem:s25+$0xEDF0] =	vst v12  }
0x1b5: {  	[tilespmem:s25+$0x19CF0] =	vst v8;
	v8 =	vld [tilespmem:s25+$0x18400]  }
0x1b6: {  	v35 =	vld [tilespmem:s25+$0x16B00];
	[tilespmem:s25+$0x106F0] =	vst v13  }
0x1b7: {  	v1 =	vld [tilespmem:s25+$0xE0];
	[tilespmem:s25+$0x11FF0] =	vst v14  }
0x1b8: {  	v0 =	vld [tilespmem:s25+$0xF0];
	[tilespmem:s25+$0x138F0] =	vst v15  }
0x1b9: {  	v47 =	vld [tilespmem:s25+$0x19D10];
	[tilespmem:s25+$0x151F0] =	vst v11;
	v11 =	vadd.f32 v33, v7  }
0x1ba: {  	v42 =	vld [tilespmem:s25+$0x12010];
	[tilespmem:s25+$0x16AF0] =	vst v10;
	v10 =	vadd.f32 v34, v7;
	v8 =	vadd.f32 v8, v7  }
0x1bb: {  	v43 =	vld [tilespmem:s25+$0x13910];
	[tilespmem:s25+$0x183F0] =	vst v9;
	v9 =	vadd.f32 v35, v7;
	v7 =	vadd.f32 v38, v7  }
0x1bc: {  	[tilespmem:s25+$0x18400] =	vst v8;
	v8 =	vld [tilespmem:s25+$0x16B10]  }
0x1bd: {  	[tilespmem:s25+$0x19D00] =	vst v7;
	v7 =	vld [tilespmem:s25+$0x18410]  }
0x1be: {  	v44 =	vld [tilespmem:s25+$0x15210];
	[tilespmem:s25+$0x13900] =	vst v11  }
0x1bf: {  	v49 =	vld [tilespmem:s25+$0x10720];
	[tilespmem:s25+$0x15200] =	vst v10;
	v11 =	vadd.f32 v42, v6  }
0x1c0: {  	v55 =	vld [tilespmem:s25+$0x10730];
	[tilespmem:s25+$0x16B00] =	vst v9;
	v10 =	vadd.f32 v43, v6  }
0x1c1: {  	v50 =	vld [tilespmem:s25+$0x12020];
	[tilespmem:s25+$0x12010] =	vst v11;
	v8 =	vadd.f32 v8, v6  }
0x1c2: {  	v51 =	vld [tilespmem:s25+$0x13920];
	[tilespmem:s25+$0x13910] =	vst v10;
	v7 =	vadd.f32 v7, v6  }
0x1c3: {  	v9 =	vadd.f32 v44, v6;
	v6 =	vadd.f32 v47, v6;
	[tilespmem:s25+$0x16B10] =	vst v8;
	v8 =	vld [tilespmem:s25+$0x15220]  }
0x1c4: {  	[tilespmem:s25+$0x18410] =	vst v7;
	v7 =	vld [tilespmem:s25+$0x16B20]  }
0x1c5: {  	v11 =	vadd.f32 v49, v5;
	[tilespmem:s25+$0x19D10] =	vst v6;
	v6 =	vld [tilespmem:s25+$0x18420]  }
0x1c6: {  	v53 =	vld [tilespmem:s25+$0x19D20];
	[tilespmem:s25+$0x15210] =	vst v9;
	v10 =	vadd.f32 v50, v5  }
0x1c7: {  	v54 =	vld [tilespmem:s25+$0xEE30];
	v9 =	vadd.f32 v51, v5;
	[tilespmem:s25+$0x10720] =	vst v11  }
0x1c8: {  	v56 =	vld [tilespmem:s25+$0x12030];
	[tilespmem:s25+$0x12020] =	vst v10;
	v8 =	vadd.f32 v8, v5  }
0x1c9: {  	v57 =	vld [tilespmem:s25+$0x19D30];
	[tilespmem:s25+$0x13920] =	vst v9;
	v7 =	vadd.f32 v7, v5  }
0x1ca: {  	v6 =	vadd.f32 v6, v5;
	[tilespmem:s25+$0x15220] =	vst v8;
	v8 =	vld [tilespmem:s25+$0x13930]  }
0x1cb: {  	v5 =	vadd.f32 v53, v5;
	[tilespmem:s25+$0x16B20] =	vst v7;
	v7 =	vld [tilespmem:s25+$0x15230]  }
0x1cc: {  	v11 =	vadd.f32 v54, v4;
	[tilespmem:s25+$0x18420] =	vst v6;
	v6 =	vld [tilespmem:s25+$0x16B30]  }
0x1cd: {  	v10 =	vadd.f32 v55, v4;
	[tilespmem:s25+$0x19D20] =	vst v5;
	v5 =	vld [tilespmem:s25+$0x18430]  }
0x1ce: {  	v58 =	vld [tilespmem:s25+$0xEE40];
	v9 =	vadd.f32 v56, v4;
	[tilespmem:s25+$0xEE30] =	vst v11  }
0x1cf: {  	v59 =	vld [tilespmem:s25+$0x10740];
	[tilespmem:s25+$0x10730] =	vst v10;
	v8 =	vadd.f32 v8, v4  }
0x1d0: {  	v60 =	vld [tilespmem:s25+$0x19D40];
	[tilespmem:s25+$0x12030] =	vst v9;
	v7 =	vadd.f32 v7, v4  }
0x1d1: {  	v6 =	vadd.f32 v6, v4;
	[tilespmem:s25+$0x13930] =	vst v8;
	v8 =	vld [tilespmem:s25+$0x12040]  }
0x1d2: {  	v5 =	vadd.f32 v5, v4;
	[tilespmem:s25+$0x15230] =	vst v7;
	v7 =	vld [tilespmem:s25+$0x13940]  }
0x1d3: {  	v4 =	vadd.f32 v57, v4;
	[tilespmem:s25+$0x16B30] =	vst v6;
	v6 =	vld [tilespmem:s25+$0x15240]  }
0x1d4: {  	v10 =	vadd.f32 v58, v3;
	[tilespmem:s25+$0x18430] =	vst v5;
	v5 =	vld [tilespmem:s25+$0x16B40]  }
0x1d5: {  	v9 =	vadd.f32 v59, v3;
	[tilespmem:s25+$0x19D30] =	vst v4;
	v4 =	vld [tilespmem:s25+$0x18440]  }
0x1d6: {  	v61 =	vld [tilespmem:s25+$0xEE50];
	[tilespmem:s25+$0xEE40] =	vst v10;
	v8 =	vadd.f32 v8, v3  }
0x1d7: {  	v62 =	vld [tilespmem:s25+$0x19D50];
	[tilespmem:s25+$0x10740] =	vst v9;
	v7 =	vadd.f32 v7, v3  }
0x1d8: {  	v6 =	vadd.f32 v6, v3;
	[tilespmem:s25+$0x12040] =	vst v8;
	v8 =	vld [tilespmem:s25+$0x10750]  }
0x1d9: {  	v5 =	vadd.f32 v5, v3;
	[tilespmem:s25+$0x13940] =	vst v7;
	v7 =	vld [tilespmem:s25+$0x12050]  }
0x1da: {  	v4 =	vadd.f32 v4, v3;
	[tilespmem:s25+$0x15240] =	vst v6;
	v6 =	vld [tilespmem:s25+$0x13950]  }
0x1db: {  	v3 =	vadd.f32 v60, v3;
	[tilespmem:s25+$0x16B40] =	vst v5;
	v5 =	vld [tilespmem:s25+$0x15250]  }
0x1dc: {  	v9 =	vadd.f32 v61, v2;
	[tilespmem:s25+$0x18440] =	vst v4;
	v4 =	vld [tilespmem:s25+$0x16B50]  }
0x1dd: {  	[tilespmem:s25+$0x19D40] =	vst v3;
	v3 =	vld [tilespmem:s25+$0x18450];
	v8 =	vadd.f32 v8, v2  }
0x1de: {  	v63 =	vld [tilespmem:s25+$0x16B60];
	[tilespmem:s25+$0xEE50] =	vst v9;
	v7 =	vadd.f32 v7, v2  }
0x1df: {  	v6 =	vadd.f32 v6, v2;
	[tilespmem:s25+$0x10750] =	vst v8;
	v8 =	vld [tilespmem:s25+$0xEE60]  }
0x1e0: {  	v5 =	vadd.f32 v5, v2;
	[tilespmem:s25+$0x12050] =	vst v7;
	v7 =	vld [tilespmem:s25+$0x10760]  }
0x1e1: {  	v4 =	vadd.f32 v4, v2;
	[tilespmem:s25+$0x13950] =	vst v6  }
0x1e2: {  	v3 =	vadd.f32 v3, v2;
	v6 =	vld [tilespmem:s25+$0x12060];
	[tilespmem:s25+$0x15250] =	vst v5  }
0x1e3: {  	v2 =	vadd.f32 v62, v2;
	v5 =	vld [tilespmem:s25+$0x13960];
	[tilespmem:s25+$0x16B50] =	vst v4  }
0x1e4: {  	v9 =	vadd.f32 v63, v1;
	v4 =	vld [tilespmem:s25+$0x15260];
	[tilespmem:s25+$0x18450] =	vst v3  }
0x1e5: {  	[tilespmem:s25+$0x19D50] =	vst v2;
	v3 =	vadd.f32 v8, v1;
	v2 =	vadd.f32 v7, v1;
	v7 =	vld [tilespmem:s25+$0x19D60]  }
0x1e6: {  	[tilespmem:s25+$0x16B60] =	vst v9;
	v8 =	vld [tilespmem:s25+$0x18460]  }
0x1e7: {  	[tilespmem:s25+$0xEE60] =	vst v3;
	v3 =	vadd.f32 v6, v1;
	v6 =	vld [tilespmem:s25+$0xEE70]  }
0x1e8: {  	[tilespmem:s25+$0x10760] =	vst v2;
	v2 =	vadd.f32 v5, v1;
	v5 =	vld [tilespmem:s25+$0x10770]  }
0x1e9: {  	v4 =	vadd.f32 v4, v1;
	[tilespmem:s25+$0x12060] =	vst v3;
	v3 =	vld [tilespmem:s25+$0x12070]  }
0x1ea: {  	[tilespmem:s25+$0x13960] =	vst v2;
	v2 =	vld [tilespmem:s25+$0x13970];
	v7 =	vadd.f32 v7, v1  }
0x1eb: {  	[tilespmem:s25+$0x15260] =	vst v4;
	v4 =	vld [tilespmem:s25+$0x15270];
	v8 =	vadd.f32 v8, v1  }
0x1ec: {  	v1 =	vld [tilespmem:s25+$0x16B70];
	[tilespmem:s25+$0x19D60] =	vst v7;
	v7 =	vadd.f32 v6, v0  }
0x1ed: {  	s26 =	simm.s32 $0x1;
	[tilespmem:s25+$0x18460] =	vst v8;
	v6 =	vadd.f32 v5, v0;
	v5 =	vld [tilespmem:s25+$0x18470]  }
.LBB2_5:
0x1ee: {  	s28 =	sshll.u32 s26, $0x8;
	p1 =	sne.s32 s26, $0x18;
	[tilespmem:s25+$0xEE70] =	vst v7;
	v3 =	vadd.f32 v3, v0;
	v7 =	vld [tilespmem:s25+$0x19D70]  }
0x1ef: {  	v14 =	vld [tilespmem:s28+$0x0];
	[tilespmem:s25+$0x10770] =	vst v6;
	v2 =	vadd.f32 v2, v0  }
0x1f0: {  	v15 =	vld [tilespmem:s28+$0x10];
	[tilespmem:s25+$0x12070] =	vst v3;
	v3 =	vadd.f32 v4, v0  }
0x1f1: {  	v13 =	vld [tilespmem:s28+$0x20];
	[tilespmem:s25+$0x13970] =	vst v2;
	v1 =	vadd.f32 v1, v0  }
0x1f2: {  	v12 =	vld [tilespmem:s28+$0x30];
	[tilespmem:s25+$0x15270] =	vst v3;
	v2 =	vadd.f32 v5, v0  }
0x1f3: {  	v11 =	vld [tilespmem:s28+$0x40];
	[tilespmem:s25+$0x16B70] =	vst v1;
	v0 =	vadd.f32 v7, v0  }
0x1f4: {  	v10 =	vld [tilespmem:s28+$0x50];
	[tilespmem:s25+$0x18470] =	vst v2  }
0x1f5: {  	v9 =	vld [tilespmem:s28+$0x60];
	[tilespmem:s25+$0x19D70] =	vst v0;
	s25 =	smov.u32 s28  }
0x1f6: {  	v8 =	vld [tilespmem:s25+$0x70]  }
0x1f7: {  	v7 =	vld [tilespmem:s25+$0x80]  }
0x1f8: {  	v6 =	vld [tilespmem:s25+$0x90]  }
0x1f9: {  	v5 =	vld [tilespmem:s25+$0xA0]  }
0x1fa: {  	v4 =	vld [tilespmem:s25+$0xB0]  }
0x1fb: {  	v3 =	vld [tilespmem:s25+$0xC0]  }
0x1fc: {  	v2 =	vld [tilespmem:s25+$0xD0]  }
0x1fd: {  	v1 =	vld [tilespmem:s25+$0xE0]  }
0x1fe: {  	v0 =	vld [tilespmem:s25+$0xF0]  }
0x1ff: {  	v16 =	vld [tilespmem:s25+$0xED80]  }
0x200: {  	v17 =	vld [tilespmem:s25+$0x10680]  }
0x201: {  	v18 =	vld [tilespmem:s25+$0x11F80]  }
0x202: {  	v19 =	vld [tilespmem:s25+$0x13880]  }
0x203: {  	v20 =	vld [tilespmem:s25+$0x15180]  }
0x204: {  	v16 =	vadd.f32 v16, v14;
	v21 =	vld [tilespmem:s25+$0x16A80]  }
0x205: {  	v17 =	vadd.f32 v17, v14;
	v22 =	vld [tilespmem:s25+$0x18380]  }
0x206: {  	[tilespmem:s25+$0xED80] =	vst v16;
	v16 =	vadd.f32 v18, v14;
	v18 =	vld [tilespmem:s25+$0x19C80]  }
0x207: {  	[tilespmem:s25+$0x10680] =	vst v17;
	v17 =	vadd.f32 v19, v14;
	v19 =	vld [tilespmem:s25+$0xED90]  }
0x208: {  	[tilespmem:s25+$0x11F80] =	vst v16;
	v16 =	vadd.f32 v20, v14;
	v20 =	vld [tilespmem:s25+$0x10690]  }
0x209: {  	[tilespmem:s25+$0x13880] =	vst v17;
	v17 =	vadd.f32 v21, v14;
	v21 =	vld [tilespmem:s25+$0x11F90]  }
0x20a: {  	[tilespmem:s25+$0x15180] =	vst v16;
	v16 =	vadd.f32 v22, v14;
	v22 =	vld [tilespmem:s25+$0x13890]  }
0x20b: {  	[tilespmem:s25+$0x16A80] =	vst v17;
	v14 =	vadd.f32 v18, v14;
	v17 =	vld [tilespmem:s25+$0x15190]  }
0x20c: {  	[tilespmem:s25+$0x18380] =	vst v16;
	v16 =	vadd.f32 v19, v15;
	v18 =	vld [tilespmem:s25+$0x16A90]  }
0x20d: {  	[tilespmem:s25+$0x19C80] =	vst v14;
	v14 =	vadd.f32 v20, v15;
	v19 =	vld [tilespmem:s25+$0x18390]  }
0x20e: {  	[tilespmem:s25+$0xED90] =	vst v16;
	v16 =	vadd.f32 v21, v15;
	v20 =	vld [tilespmem:s25+$0x19C90]  }
0x20f: {  	[tilespmem:s25+$0x10690] =	vst v14;
	v14 =	vadd.f32 v22, v15;
	v21 =	vld [tilespmem:s25+$0xEDA0]  }
0x210: {  	[tilespmem:s25+$0x11F90] =	vst v16;
	v16 =	vadd.f32 v17, v15;
	v17 =	vld [tilespmem:s25+$0x106A0]  }
0x211: {  	[tilespmem:s25+$0x13890] =	vst v14;
	v14 =	vadd.f32 v18, v15;
	v18 =	vld [tilespmem:s25+$0x11FA0]  }
0x212: {  	[tilespmem:s25+$0x15190] =	vst v16;
	v16 =	vadd.f32 v19, v15;
	v19 =	vld [tilespmem:s25+$0x138A0]  }
0x213: {  	[tilespmem:s25+$0x16A90] =	vst v14;
	v14 =	vadd.f32 v20, v15;
	v15 =	vld [tilespmem:s25+$0x151A0]  }
0x214: {  	[tilespmem:s25+$0x18390] =	vst v16;
	v16 =	vadd.f32 v21, v13;
	v20 =	vld [tilespmem:s25+$0x16AA0]  }
0x215: {  	[tilespmem:s25+$0x19C90] =	vst v14;
	v14 =	vadd.f32 v17, v13;
	v17 =	vld [tilespmem:s25+$0x183A0]  }
0x216: {  	[tilespmem:s25+$0xEDA0] =	vst v16;
	v16 =	vadd.f32 v18, v13;
	v18 =	vld [tilespmem:s25+$0x19CA0]  }
0x217: {  	[tilespmem:s25+$0x106A0] =	vst v14;
	v14 =	vadd.f32 v19, v13;
	v19 =	vld [tilespmem:s25+$0xEDB0]  }
0x218: {  	[tilespmem:s25+$0x11FA0] =	vst v16;
	v15 =	vadd.f32 v15, v13;
	v16 =	vld [tilespmem:s25+$0x106B0]  }
0x219: {  	[tilespmem:s25+$0x138A0] =	vst v14;
	v14 =	vadd.f32 v20, v13;
	v20 =	vld [tilespmem:s25+$0x11FB0]  }
0x21a: {  	[tilespmem:s25+$0x151A0] =	vst v15;
	v15 =	vadd.f32 v17, v13;
	v17 =	vld [tilespmem:s25+$0x138B0]  }
0x21b: {  	[tilespmem:s25+$0x16AA0] =	vst v14;
	v13 =	vadd.f32 v18, v13;
	v14 =	vld [tilespmem:s25+$0x151B0]  }
0x21c: {  	[tilespmem:s25+$0x183A0] =	vst v15;
	v15 =	vadd.f32 v19, v12;
	v18 =	vld [tilespmem:s25+$0x16AB0]  }
0x21d: {  	[tilespmem:s25+$0x19CA0] =	vst v13;
	v13 =	vadd.f32 v16, v12;
	v16 =	vld [tilespmem:s25+$0x183B0]  }
0x21e: {  	[tilespmem:s25+$0xEDB0] =	vst v15;
	v15 =	vadd.f32 v20, v12;
	v19 =	vld [tilespmem:s25+$0x19CB0]  }
0x21f: {  	[tilespmem:s25+$0x106B0] =	vst v13;
	v13 =	vadd.f32 v17, v12;
	v17 =	vld [tilespmem:s25+$0xEDC0]  }
0x220: {  	[tilespmem:s25+$0x11FB0] =	vst v15;
	v14 =	vadd.f32 v14, v12;
	v15 =	vld [tilespmem:s25+$0x106C0]  }
0x221: {  	[tilespmem:s25+$0x138B0] =	vst v13;
	v13 =	vadd.f32 v18, v12;
	v18 =	vld [tilespmem:s25+$0x11FC0]  }
0x222: {  	[tilespmem:s25+$0x151B0] =	vst v14;
	v14 =	vadd.f32 v16, v12;
	v16 =	vld [tilespmem:s25+$0x138C0]  }
0x223: {  	[tilespmem:s25+$0x16AB0] =	vst v13;
	v12 =	vadd.f32 v19, v12;
	v13 =	vld [tilespmem:s25+$0x151C0]  }
0x224: {  	[tilespmem:s25+$0x183B0] =	vst v14;
	v14 =	vadd.f32 v17, v11;
	v17 =	vld [tilespmem:s25+$0x16AC0]  }
0x225: {  	[tilespmem:s25+$0x19CB0] =	vst v12;
	v12 =	vadd.f32 v15, v11;
	v15 =	vld [tilespmem:s25+$0x183C0]  }
0x226: {  	[tilespmem:s25+$0xEDC0] =	vst v14;
	v14 =	vadd.f32 v18, v11;
	v18 =	vld [tilespmem:s25+$0x19CC0]  }
0x227: {  	[tilespmem:s25+$0x106C0] =	vst v12;
	v12 =	vadd.f32 v16, v11;
	v16 =	vld [tilespmem:s25+$0xEDD0]  }
0x228: {  	[tilespmem:s25+$0x11FC0] =	vst v14;
	v13 =	vadd.f32 v13, v11;
	v14 =	vld [tilespmem:s25+$0x106D0]  }
0x229: {  	[tilespmem:s25+$0x138C0] =	vst v12;
	v12 =	vadd.f32 v17, v11;
	v17 =	vld [tilespmem:s25+$0x11FD0]  }
0x22a: {  	[tilespmem:s25+$0x151C0] =	vst v13;
	v13 =	vadd.f32 v15, v11;
	v15 =	vld [tilespmem:s25+$0x138D0]  }
0x22b: {  	[tilespmem:s25+$0x16AC0] =	vst v12;
	v11 =	vadd.f32 v18, v11;
	v12 =	vld [tilespmem:s25+$0x151D0]  }
0x22c: {  	[tilespmem:s25+$0x183C0] =	vst v13;
	v13 =	vadd.f32 v16, v10;
	v16 =	vld [tilespmem:s25+$0x16AD0]  }
0x22d: {  	[tilespmem:s25+$0x19CC0] =	vst v11;
	v11 =	vadd.f32 v14, v10;
	v14 =	vld [tilespmem:s25+$0x183D0]  }
0x22e: {  	[tilespmem:s25+$0xEDD0] =	vst v13;
	v13 =	vadd.f32 v17, v10;
	v17 =	vld [tilespmem:s25+$0x19CD0]  }
0x22f: {  	[tilespmem:s25+$0x106D0] =	vst v11;
	v11 =	vadd.f32 v15, v10;
	v15 =	vld [tilespmem:s25+$0xEDE0]  }
0x230: {  	[tilespmem:s25+$0x11FD0] =	vst v13;
	v12 =	vadd.f32 v12, v10;
	v13 =	vld [tilespmem:s25+$0x106E0]  }
0x231: {  	[tilespmem:s25+$0x138D0] =	vst v11;
	v11 =	vadd.f32 v16, v10;
	v16 =	vld [tilespmem:s25+$0x11FE0]  }
0x232: {  	[tilespmem:s25+$0x151D0] =	vst v12;
	v12 =	vadd.f32 v14, v10;
	v14 =	vld [tilespmem:s25+$0x138E0]  }
0x233: {  	[tilespmem:s25+$0x16AD0] =	vst v11;
	v10 =	vadd.f32 v17, v10;
	v11 =	vld [tilespmem:s25+$0x151E0]  }
0x234: {  	[tilespmem:s25+$0x183D0] =	vst v12;
	v12 =	vadd.f32 v15, v9;
	v15 =	vld [tilespmem:s25+$0x16AE0]  }
0x235: {  	[tilespmem:s25+$0x19CD0] =	vst v10;
	v10 =	vadd.f32 v13, v9;
	v13 =	vld [tilespmem:s25+$0x183E0]  }
0x236: {  	[tilespmem:s25+$0xEDE0] =	vst v12;
	v12 =	vadd.f32 v16, v9;
	v16 =	vld [tilespmem:s25+$0x19CE0]  }
0x237: {  	[tilespmem:s25+$0x106E0] =	vst v10;
	v10 =	vadd.f32 v14, v9;
	v14 =	vld [tilespmem:s25+$0xEDF0]  }
0x238: {  	[tilespmem:s25+$0x11FE0] =	vst v12;
	v11 =	vadd.f32 v11, v9;
	v12 =	vld [tilespmem:s25+$0x106F0]  }
0x239: {  	[tilespmem:s25+$0x138E0] =	vst v10;
	v10 =	vadd.f32 v15, v9;
	v15 =	vld [tilespmem:s25+$0x11FF0]  }
0x23a: {  	[tilespmem:s25+$0x151E0] =	vst v11;
	v11 =	vadd.f32 v13, v9;
	v13 =	vld [tilespmem:s25+$0x138F0]  }
0x23b: {  	[tilespmem:s25+$0x16AE0] =	vst v10;
	v9 =	vadd.f32 v16, v9;
	v10 =	vld [tilespmem:s25+$0x151F0]  }
0x23c: {  	[tilespmem:s25+$0x183E0] =	vst v11;
	v11 =	vadd.f32 v14, v8;
	v14 =	vld [tilespmem:s25+$0x16AF0]  }
0x23d: {  	[tilespmem:s25+$0x19CE0] =	vst v9;
	v9 =	vadd.f32 v12, v8;
	v12 =	vld [tilespmem:s25+$0x183F0]  }
0x23e: {  	[tilespmem:s25+$0xEDF0] =	vst v11;
	v11 =	vadd.f32 v15, v8;
	v15 =	vld [tilespmem:s25+$0x19CF0]  }
0x23f: {  	[tilespmem:s25+$0x106F0] =	vst v9;
	v9 =	vadd.f32 v13, v8;
	v13 =	vld [tilespmem:s25+$0xEE00]  }
0x240: {  	[tilespmem:s25+$0x11FF0] =	vst v11;
	v10 =	vadd.f32 v10, v8;
	v11 =	vld [tilespmem:s25+$0x10700]  }
0x241: {  	[tilespmem:s25+$0x138F0] =	vst v9;
	v9 =	vadd.f32 v14, v8;
	v14 =	vld [tilespmem:s25+$0x12000]  }
0x242: {  	[tilespmem:s25+$0x151F0] =	vst v10;
	v10 =	vadd.f32 v12, v8;
	v12 =	vld [tilespmem:s25+$0x13900]  }
0x243: {  	[tilespmem:s25+$0x16AF0] =	vst v9;
	v8 =	vadd.f32 v15, v8;
	v9 =	vld [tilespmem:s25+$0x15200]  }
0x244: {  	[tilespmem:s25+$0x183F0] =	vst v10;
	v10 =	vadd.f32 v13, v7;
	v13 =	vld [tilespmem:s25+$0x16B00]  }
0x245: {  	[tilespmem:s25+$0x19CF0] =	vst v8;
	v8 =	vadd.f32 v11, v7;
	v11 =	vld [tilespmem:s25+$0x18400]  }
0x246: {  	[tilespmem:s25+$0xEE00] =	vst v10;
	v10 =	vadd.f32 v14, v7;
	v14 =	vld [tilespmem:s25+$0x19D00]  }
0x247: {  	[tilespmem:s25+$0x10700] =	vst v8;
	v8 =	vadd.f32 v12, v7;
	v12 =	vld [tilespmem:s25+$0xEE10]  }
0x248: {  	[tilespmem:s25+$0x12000] =	vst v10;
	v9 =	vadd.f32 v9, v7;
	v10 =	vld [tilespmem:s25+$0x10710]  }
0x249: {  	[tilespmem:s25+$0x13900] =	vst v8;
	v8 =	vadd.f32 v13, v7;
	v13 =	vld [tilespmem:s25+$0x12010]  }
0x24a: {  	[tilespmem:s25+$0x15200] =	vst v9;
	v9 =	vadd.f32 v11, v7;
	v11 =	vld [tilespmem:s25+$0x13910]  }
0x24b: {  	[tilespmem:s25+$0x16B00] =	vst v8;
	v7 =	vadd.f32 v14, v7;
	v8 =	vld [tilespmem:s25+$0x15210]  }
0x24c: {  	[tilespmem:s25+$0x18400] =	vst v9;
	v9 =	vadd.f32 v12, v6;
	v12 =	vld [tilespmem:s25+$0x16B10]  }
0x24d: {  	[tilespmem:s25+$0x19D00] =	vst v7;
	v7 =	vadd.f32 v10, v6;
	v10 =	vld [tilespmem:s25+$0x18410]  }
0x24e: {  	[tilespmem:s25+$0xEE10] =	vst v9;
	v9 =	vadd.f32 v13, v6;
	v13 =	vld [tilespmem:s25+$0x19D10]  }
0x24f: {  	[tilespmem:s25+$0x10710] =	vst v7;
	v7 =	vadd.f32 v11, v6;
	v11 =	vld [tilespmem:s25+$0xEE20]  }
0x250: {  	[tilespmem:s25+$0x12010] =	vst v9;
	v8 =	vadd.f32 v8, v6;
	v9 =	vld [tilespmem:s25+$0x10720]  }
0x251: {  	[tilespmem:s25+$0x13910] =	vst v7;
	v7 =	vadd.f32 v12, v6;
	v12 =	vld [tilespmem:s25+$0x12020]  }
0x252: {  	[tilespmem:s25+$0x15210] =	vst v8;
	v8 =	vadd.f32 v10, v6;
	v10 =	vld [tilespmem:s25+$0x13920]  }
0x253: {  	[tilespmem:s25+$0x16B10] =	vst v7;
	v6 =	vadd.f32 v13, v6;
	v7 =	vld [tilespmem:s25+$0x15220]  }
0x254: {  	[tilespmem:s25+$0x18410] =	vst v8;
	v8 =	vadd.f32 v11, v5;
	v11 =	vld [tilespmem:s25+$0x16B20]  }
0x255: {  	[tilespmem:s25+$0x19D10] =	vst v6;
	v6 =	vadd.f32 v9, v5;
	v9 =	vld [tilespmem:s25+$0x18420]  }
0x256: {  	[tilespmem:s25+$0xEE20] =	vst v8;
	v8 =	vadd.f32 v12, v5;
	v12 =	vld [tilespmem:s25+$0x19D20]  }
0x257: {  	[tilespmem:s25+$0x10720] =	vst v6;
	v6 =	vadd.f32 v10, v5;
	v10 =	vld [tilespmem:s25+$0xEE30]  }
0x258: {  	[tilespmem:s25+$0x12020] =	vst v8;
	v7 =	vadd.f32 v7, v5;
	v8 =	vld [tilespmem:s25+$0x10730]  }
0x259: {  	[tilespmem:s25+$0x13920] =	vst v6;
	v6 =	vadd.f32 v11, v5;
	v11 =	vld [tilespmem:s25+$0x12030]  }
0x25a: {  	[tilespmem:s25+$0x15220] =	vst v7;
	v7 =	vadd.f32 v9, v5;
	v9 =	vld [tilespmem:s25+$0x13930]  }
0x25b: {  	[tilespmem:s25+$0x16B20] =	vst v6;
	v5 =	vadd.f32 v12, v5;
	v6 =	vld [tilespmem:s25+$0x15230]  }
0x25c: {  	[tilespmem:s25+$0x18420] =	vst v7;
	v7 =	vadd.f32 v10, v4;
	v10 =	vld [tilespmem:s25+$0x16B30]  }
0x25d: {  	[tilespmem:s25+$0x19D20] =	vst v5;
	v5 =	vadd.f32 v8, v4;
	v8 =	vld [tilespmem:s25+$0x18430]  }
0x25e: {  	[tilespmem:s25+$0xEE30] =	vst v7;
	v7 =	vadd.f32 v11, v4;
	v11 =	vld [tilespmem:s25+$0x19D30]  }
0x25f: {  	[tilespmem:s25+$0x10730] =	vst v5;
	v5 =	vadd.f32 v9, v4;
	v9 =	vld [tilespmem:s25+$0xEE40]  }
0x260: {  	[tilespmem:s25+$0x12030] =	vst v7;
	v6 =	vadd.f32 v6, v4;
	v7 =	vld [tilespmem:s25+$0x10740]  }
0x261: {  	[tilespmem:s25+$0x13930] =	vst v5;
	v5 =	vadd.f32 v10, v4;
	v10 =	vld [tilespmem:s25+$0x12040]  }
0x262: {  	[tilespmem:s25+$0x15230] =	vst v6;
	v6 =	vadd.f32 v8, v4;
	v8 =	vld [tilespmem:s25+$0x13940]  }
0x263: {  	[tilespmem:s25+$0x16B30] =	vst v5;
	v4 =	vadd.f32 v11, v4;
	v5 =	vld [tilespmem:s25+$0x15240]  }
0x264: {  	[tilespmem:s25+$0x18430] =	vst v6;
	v6 =	vadd.f32 v9, v3;
	v9 =	vld [tilespmem:s25+$0x16B40]  }
0x265: {  	[tilespmem:s25+$0x19D30] =	vst v4;
	v4 =	vadd.f32 v7, v3;
	v7 =	vld [tilespmem:s25+$0x18440]  }
0x266: {  	[tilespmem:s25+$0xEE40] =	vst v6;
	v6 =	vadd.f32 v10, v3;
	v10 =	vld [tilespmem:s25+$0x19D40]  }
0x267: {  	[tilespmem:s25+$0x10740] =	vst v4;
	v4 =	vadd.f32 v8, v3;
	v8 =	vld [tilespmem:s25+$0xEE50]  }
0x268: {  	[tilespmem:s25+$0x12040] =	vst v6;
	v5 =	vadd.f32 v5, v3;
	v6 =	vld [tilespmem:s25+$0x10750]  }
0x269: {  	[tilespmem:s25+$0x13940] =	vst v4;
	v4 =	vadd.f32 v9, v3;
	v9 =	vld [tilespmem:s25+$0x12050]  }
0x26a: {  	[tilespmem:s25+$0x15240] =	vst v5;
	v5 =	vadd.f32 v7, v3;
	v7 =	vld [tilespmem:s25+$0x13950]  }
0x26b: {  	[tilespmem:s25+$0x16B40] =	vst v4;
	v3 =	vadd.f32 v10, v3;
	v4 =	vld [tilespmem:s25+$0x15250]  }
0x26c: {  	[tilespmem:s25+$0x18440] =	vst v5;
	v5 =	vadd.f32 v8, v2;
	v8 =	vld [tilespmem:s25+$0x16B50]  }
0x26d: {  	[tilespmem:s25+$0x19D40] =	vst v3;
	v3 =	vadd.f32 v6, v2;
	v6 =	vld [tilespmem:s25+$0x18450]  }
0x26e: {  	[tilespmem:s25+$0xEE50] =	vst v5;
	v5 =	vadd.f32 v9, v2;
	v9 =	vld [tilespmem:s25+$0x19D50]  }
0x26f: {  	[tilespmem:s25+$0x10750] =	vst v3;
	v3 =	vadd.f32 v7, v2;
	v7 =	vld [tilespmem:s25+$0xEE60]  }
0x270: {  	[tilespmem:s25+$0x12050] =	vst v5;
	v4 =	vadd.f32 v4, v2;
	v5 =	vld [tilespmem:s25+$0x10760]  }
0x271: {  	[tilespmem:s25+$0x13950] =	vst v3;
	v3 =	vadd.f32 v8, v2;
	v8 =	vld [tilespmem:s25+$0x12060]  }
0x272: {  	[tilespmem:s25+$0x15250] =	vst v4;
	v4 =	vadd.f32 v6, v2;
	v6 =	vld [tilespmem:s25+$0x13960]  }
0x273: {  	[tilespmem:s25+$0x16B50] =	vst v3;
	v2 =	vadd.f32 v9, v2;
	v3 =	vld [tilespmem:s25+$0x15260]  }
0x274: {  	[tilespmem:s25+$0x18450] =	vst v4;
	v4 =	vadd.f32 v7, v1;
	v7 =	vld [tilespmem:s25+$0x16B60]  }
0x275: {  	[tilespmem:s25+$0x19D50] =	vst v2;
	v2 =	vadd.f32 v5, v1;
	v5 =	vld [tilespmem:s25+$0x18460]  }
0x276: {  	[tilespmem:s25+$0xEE60] =	vst v4;
	v4 =	vadd.f32 v8, v1;
	v8 =	vld [tilespmem:s25+$0x19D60]  }
0x277: {  	[tilespmem:s25+$0x10760] =	vst v2;
	v2 =	vadd.f32 v6, v1;
	v6 =	vld [tilespmem:s25+$0xEE70]  }
0x278: {  	[tilespmem:s25+$0x12060] =	vst v4;
	v4 =	vadd.f32 v3, v1;
	v9 =	vld [tilespmem:s25+$0x10770]  }
.Ltmp3:
0x279: {  	[tilespmem:s25+$0x13960] =	vst v2;
	v7 =	vadd.f32 v7, v1;
	v3 =	vld [tilespmem:s25+$0x12070];
	(pc) =	sbr.rel @p1 .LBB2_5-.Ltmp3, $4  }
0x27a: {  	[tilespmem:s25+$0x15260] =	vst v4;
	v5 =	vadd.f32 v5, v1;
	v2 =	vld [tilespmem:s25+$0x13970]  }
0x27b: {  	[tilespmem:s25+$0x16B60] =	vst v7;
	v8 =	vadd.f32 v8, v1;
	v4 =	vld [tilespmem:s25+$0x15270]  }
0x27c: {  	[tilespmem:s25+$0x18460] =	vst v5;
	v7 =	vadd.f32 v6, v0;
	v1 =	vld [tilespmem:s25+$0x16B70]  }
0x27d: {  	s26 =	sadd.s32 $0x1, s26;
	[tilespmem:s25+$0x19D60] =	vst v8;
	v6 =	vadd.f32 v9, v0;
	v5 =	vld [tilespmem:s25+$0x18470]  }
0x27e: {  	[tilespmem:s25+$0xEE70] =	vst v7;
	v3 =	vadd.f32 v3, v0;
	v60 =	vld [tilespmem:s25+$0x19D70]  }
0x27f: {  	[tilespmem:s25+$0x10770] =	vst v6;
	v2 =	vadd.f32 v2, v0  }
0x280: {  	[tilespmem:s25+$0x12070] =	vst v3;
	v61 =	vadd.f32 v4, v0  }
0x281: {  	[tilespmem:s25+$0x13970] =	vst v2;
	v1 =	vadd.f32 v1, v0  }
.Ltmp4:
0x282: {  	s24 =	sadd.s32 s24, s8;
	[tilespmem:s25+$0x15270] =	vst v61;
	v62 =	vadd.f32 v5, v0;
	(pc) =	sbr.rel @p0 .LBB2_8-.Ltmp4, $4  }
0x283: {  	s26 =	sshll.u32 s24, $0x2;
	[tilespmem:s25+$0x16B70] =	vst v1;
	v63 =	vadd.f32 v60, v0  }
0x284: {  	s26 =	sand.u32 $0x1FFFFF00, s26;
	[tilespmem:s25+$0x18470] =	vst v62  }
0x285: {  	s31 =	sadd.s32 s2, s26;
	[tilespmem:s25+$0x19D70] =	vst v63  }
0x286: {  	[hbm4b:s31+s3] =	stream.linear.scatter [tilespmem:s17], [sflag:$0x4], $0xC800, $0x38;
	[tilespmem:$0x1B580] =	vst v63  }
0x287: {  	s24 =	sshrl.u32 s24, $0x3  }
0x288: {  	s24 =	sadd.s32 s5, s24  }
0x289: {  	s24 =	sadd.s32 $0x190, s24  }
0x28a: {  	[tilespmem:s16], [sflag:$0x5] =	stream.linear.gather [hbm4b:s24+s3], $0x640, $0x38;
	[tilespmem:$0x1B580] =	vst v63  }
0x28b: {  	_ =	swait.ge [sflag:s12], $0x640  }
0x28c: {  	[sflag:s12] =	ssyncset.done $0x0  }
.Ltmp5:
0x28d: {  	[sflag:s12] =	ssyncadd.s32 $0xFFFFF9C0;
	(pc) =	sbr.rel .LBB2_2-.Ltmp5, $4  }
0x28e: {  	_ =	swait.ge [sflag:s21], $0xC800  }
0x28f: {  	[sflag:s21] =	ssyncset.done $0x0  }
0x290: {  	s23 =	sadd.s32 $0x1, s23;
	[sflag:s21] =	ssyncadd.s32 $0xFFFF3800  }
0x291: {  	[tilespmem:s17], [sflag:$0x2] =	stream.indirect.gather [hbm4b:s6+s14], $0x20, s16, s14, $0xb8;
	[tilespmem:$0x1B580] =	vst v63  }
.LBB2_9:
0x292: {  	_ =	sfence.sel $0x180000  }
0x293: {  	[bflag:$0x0] =	sbarrier.arrive $0xFFFF  }
0x294: {  	p0 =	sne.s32 s0, $0x0;
	_ =	strace $0x90000047  }
0x295: {  	s0 =	sadd.s32 @!p0 $0x100000, s1;
	[bflag:$0x2] =	sbarrier.arrive $0xFFFF  }
0x296: {  	[sflag:s0] =	ssyncadd.tile.s32 @!p0 $0x1;
	_ =	shalt  }
.Lfunc_end2:
_tile_overlayer_lowered:
.L_overlay_start_2:
0x297: {  	(tag) =	ssettag $0x2  }
0x298: {  	s0 =	rddreg [dreg:$0x0];
	s2 =	stileid.u32  }
0x299: {  	s1 =	rddreg [dreg:$0x1];
	p0 =	sne.s32 s2, $0x0  }
0x29a: {  	s3 =	rddreg [dreg:$0x2];
	[bflag:$0x3] =	sbarrier.arrive $0xFFFF;
	s2 =	simm.s32 @!p0 $0x1C05  }
0x29b: {  	[timem:s3], [sflag:s2] =	dma.local @!p0 [hbm:s0], s1  }
0x29c: {  	s0 =	simm.s32 @!p0 $0x5  }
0x29d: {  	_ =	swait.ge @!p0 [sflag:s0], s1  }
0x29e: {  	s1 =	ssub.s32 @!p0 $0x0, s1;
	[sflag:s0] =	ssyncset.done @!p0 $0x0  }
0x29f: {  	[sflag:s0] =	ssyncadd.s32 @!p0 s1  }
0x2a0: {  	[bflag:$0x3] =	sbarrier.arrive $0xFFFF  }
0x2a1: {  	_ =	shalt  }

// kernel: sparse-core-data-format-call.cloned.1.call-start
scs
called_computation_lowered:
.L_overlay_start_0:
0x0: {  	s2 =	sld [smem:$0x3FD9]  }
0x1: {  	s3 =	sld [smem:$0x3FFE];
	_ =	sdelay $0x1  }
0x2: {  	s1 =	srdreg.scid  }
0x3: {  	s0 =	sand.u32 $0x1, s1  }
0x4: {  	s18 =	sshll.u32 s0, $0xA;
	s2 =	sadd.s32 s3, s2  }
0x5: {  	s2 =	sadd.s32 s2, s18  }
0x6: {  	[smem:$0x3FC5] =	sst s2  }
0x7: {  	_ = 	snop  }
0x8: {  	s2 =	sld [smem:$0x3FD0];
	(tm) =	ssettm $0x1  }
0x9: {  	s19 =	sld [smem:$0x3FFB];
	_ =	sdelay $0x3  }
0xa: {  	_ =	strace s19  }
0xb: {  	s3 =	sld [smem:$0x3FFC];
	_ =	sdelay $0x3  }
0xc: {  	_ =	strace s3  }
0xd: {  	s3 =	sld [smem:$0x3FFD];
	_ =	sdelay $0x3  }
0xe: {  	_ =	strace s3  }
0xf: {  	_ =	strace $0x8FFFFFFF  }
0x10: {  	s20 =	sld [smem:$0x3FDB];
	_ =	sdelay $0x1  }
0x11: {  	s4 =	simm.s32 $_scs_section_size  }
0x12: {  	s5 =	simm.s32 $_size__tile_overlayer_lowered;
	s6 =	simm.s32 $_tile_overlayer_lowered  }
0x13: {  	s23 =	simm.s32 $0x1BFF;
	s22 =	sshll.u32 s6, $0x1;
	s3 =	sadd.s32 s4, s20  }
0x14: {  	s7 =	simm.s32 $0x0;
	s21 =	sshll.u32 s5, $0x1;
	s5 =	sadd.s32 s22, s3  }
0x15: {  	[timem:s7], [sflag:s23] =	dma.local [hbm:s5], s21  }
0x16: {  	_ =	swait.ge [sflag:s23], s21  }
0x17: {  	s4 =	ssub.s32 $0x0, s21;
	[sflag:s23] =	ssyncset.done $0x0  }
0x18: {  	[sflag:s23] =	ssyncadd.s32 s4;
	_ =	sdelay $0x1  }
0x19: {  	s24 =	simm.s32 $0x1B8B  }
0x1a: {  	_ =	swait.ge [sflag:s24], $0x1  }
0x1b: {  	[sflag:s24] =	ssyncset.done $0x0  }
0x1c: {  	s26 =	simm.s32 $0x1B8E;
	s25 =	sld [smem:$0x3FFE];
	[sflag:s24] =	ssyncadd.s32 $0xFFFFFFFF  }
0x1d: {  	s27 =	simm.s32 $execute0_lowered;
	[smem:$0x3FD2] =	sst s26  }
0x1e: {  	s5 =	sshll.u32 s27, $0x1;
	_ =	strace $0x80000049;
	[dreg:$0x1] =	wrdreg $0xFFFFFFFF  }
0x1f: {  	s28 =	simm.s32 $_size_execute0_lowered;
	s3 =	sadd.s32 s3, s5;
	[dreg:$0x0] =	wrdreg $0x0  }
0x20: {  	s5 =	sshll.u32 s28, $0x1;
	[dreg:$0x2] =	wrdreg s3  }
0x21: {  	[dreg:$0x3] =	wrdreg s5  }
0x22: {  	[dreg:$0x4] =	wrdreg $0xC0  }
0x23: {  	_ =	task [dreg:s7], $0x5FFFF  }
0x24: {  	[dreg:$0x1] =	wrdreg $0xFFFFFFFF  }
0x25: {  	[dreg:$0x0] =	wrdreg $0x60  }
0x26: {  	[dreg:$0x2] =	wrdreg s25  }
0x27: {  	[dreg:$0x3] =	wrdreg s2  }
0x28: {  	[dreg:$0x4] =	wrdreg $0x9  }
0x29: {  	_ =	task.clear_ibuf [dreg:s7], $0x5FFFF;
	_ =	strace $0x90000049  }
0x2a: {  	s29 =	simm.s32 $0x9;
	_ =	strace $0x8000004B  }
0x2b: {  	_ =	swait.ge [sflag:s29], $0x1  }
0x2c: {  	[sflag:s29] =	ssyncadd.s32 $0xFFFFFFFF  }
0x2d: {  	_ =	strace $0x9000004B  }
0x2e: {  	_ =	sfence  }
0x2f: {  	s30 =	sld [smem:$0x0];
	_ =	sdelay $0x2  }
0x30: {  	s31 =	sshll.u32 s1, $0xD;
	s1 =	sshrl.u32 s1, $0x2  }
0x31: {  	s3 =	sand.u32 $0x4000, s31;
	s1 =	sadd.s32 s1, s30  }
0x32: {  	s0 =	sor.u32 s3, s0;
	s1 =	sshll.u32 s1, $0x11  }
0x33: {  	s0 =	sor.u32 s1, s0  }
0x34: {  	s0 =	sadd.s32 $0x8F2B, s0  }
0x35: {  	[sflag:s0] =	ssyncadd.remote.s32 $0x1  }
0x36: {  	_ =	sfence.sel $0xFFFF  }
0x37: {  	[dreg:$0x0] =	wrdreg $0xFFFFFFFF;
	(pc) =	sbr.abs _section_cstart, $3  }
0x38: {  	[dreg:$0x1] =	wrdreg $0xFFFFFFFF  }
0x39: {  	_ =	task.clear_ibuf [dreg:s7], $0x2FFFF;
	_ =	strace $0x9FFFFFFF  }
0x3a: {  	(tm) =	ssettm $0x7FFFFFFF  }
0x3b: {  	_ =	shalt  }
tec
execute0_lowered:
.L_overlay_start_1:
0x0: {  	(tag) =	ssettag $0x1  }
0x1: {  	s0 =	srdreg.scid  }
0x2: {  	s1 =	sshll.u32 s0, $0x4  }
0x3: {  	s0 =	stileid.u32;
	s1 =	sand.u32 $0x10, s1  }
0x4: {  	s1 =	sor.u32 s0, s1  }
0x5: {  	s6 =	rddreg [dreg:$0x0];
	s4 =	simm.s32 $0x1;
	s2 =	sshll.u32 s1, $0x7  }
0x6: {  	s7 =	simm.s32 $0x2;
	s12 =	simm.s32 $0x0;
	s1 =	ssub.s32 $0x1000, s2  }
0x7: {  	s8 =	simm.s32 $0x8000;
	s13 =	simm.s32 $0x0;
	s3 =	sand.u32 $0xF80, s1  }
0x8: {  	s9 =	simm.s32 $0x0;
	s5 =	sshrl.u32 s1, $0xC;
	p0 =	sne.s32 s3, $0x0  }
.Ltmp0:
0x9: {  	s1 =	rddreg [dreg:$0x2];
	s4 =	simm.s32 @!p0 $0x0;
	(pc) =	sbr.rel .LBB1_1-.Ltmp0, $4  }
0xa: {  	s11 =	simm.s32 $0x0;
	s3 =	rddreg [dreg:$0x1];
	s5 =	sadd.s32 s4, s5  }
0xb: {  	_ =	strace $0x8000004A;
	s4 =	simm.s32 $0x1;
	s5 =	smul.u32 $0xC8, s5  }
0xc: {  	s6 =	sadd.s32 $0xC00, s6;
	s10 =	smov.u32 s2;
	[sflag:s4] =	ssyncpa.u1 $0x0  }
0xd: {  	p0 =	por $0x0, $0x0;
	[sflag:s7] =	ssyncpa.u1 $0x0;
	s7 =	sor.u32 $0x1, s5  }
.LBB1_4:
0xe: {  	s16 =	sshll.u32 s13, $0x3;
	s17 =	sand.u32 $0x78, s13  }
0xf: {  	s30 =	sand.u32 $0x3E00, s13;
	s12 =	sshll.u32 s12, $0xE;
	s16 =	sand.u32 $0xC00, s16  }
0x10: {  	s31 =	sand.u32 $0x7, s13;
	s16 =	sor.u32 s17, s16;
	s17 =	sadd.s32 s3, s30  }
0x11: {  	s13 =	sshll.u32 s31, $0x12;
	s16 =	sshrl.u32 s16, $0x3;
	s12 =	sadd.s32 s12, s17  }
0x12: {  	[tilespmem:s15+$0x0 ss:$0x81] =	vst.msk $0xffff, v0;
	s13 =	sor.u32 $0x400, s13;
	s12 =	sadd.s32 s16, s12  }
0x13: {  	[hbm4b:s12+s13] =	stream.strided.scatter [tilespmem:s14], [sflag:$0x2], $0x1000, s8, s13, $0x20;
	[tilespmem:$0x4040] =	vst v63  }
.LBB1_5:
0x14: {  	s14 =	sadd.s32 $0x1, s9  }
0x15: {  	s12 =	sadd.s32 $0x1000, s10;
	s16 =	smov.u32 s10;
	p2 =	sgt.s32 s14, $0xC7  }
0x16: {  	s16 =	smov.u32 @p2 s12  }
0x17: {  	s14 =	simm.s32 @p2 $0x0;
	p2 =	sgt.s32 s16, $0xFFF  }
0x18: {  	s16 =	smov.u32 @p2 s2;
	p2 =	sne.s32 s11, s7  }
.Ltmp1:
0x19: {  	p1 =	slt.u32 s11, $0x2;
	(pc) =	sbr.rel @!p2 .LBB1_6-.Ltmp1, $4  }
0x1a: {  	s15 =	simm.s32 @!p1 $0x2  }
0x1b: {  	s13 =	smov.u32 s10;
	p0 =	por !p0, !p0;
	_ =	swait.ge @!p1 [sflag:s15], $0x1000  }
0x1c: {  	s12 =	smov.u32 s9;
	[sflag:s15] =	ssyncset.done @!p1 $0x0;
	s9 =	smov.u32 s14  }
0x1d: {  	s11 =	sadd.s32 $0x1, s11;
	[sflag:s15] =	ssyncadd.s32 @!p1 $0xFFFFF000;
	s10 =	smov.u32 s16  }
.LBB1_1:
0x1e: {  	p1 =	sge.u32 s11, s5  }
0x1f: {  	s14 =	sand.u32 @!p1 $0x1FFFFFF, s9  }
0x20: {  	s15 =	smulhi.u32 @!p1 $0x147AE15, s14;
	_ =	sdelay $0x1  }
0x21: {  	s15 =	smul.u32 @!p1 $0xC8, s15  }
0x22: {  	s16 =	sxor.u32 @!p1 $0xFFFFFFFF, s11;
	s17 =	smul.u32 @!p1 $0xC80, s10  }
0x23: {  	s31 =	sadd.s32 $0xFFFFFFFF, s11;
	s16 =	sshll.u32 @!p1 s16, $0xC;
	s14 =	ssub.s32 @!p1 s14, s15  }
0x24: {  	s15 =	sand.u32 @!p1 $0x1000, s16;
	s16 =	sadd.s32 @!p1 s6, s17;
	s14 =	sshll.u32 @!p1 s14, $0x4  }
0x25: {  	s17 =	simm.s32 @!p1 $0x6400;
	s14 =	sadd.s32 @!p1 s14, s16;
	s16 =	simm.s32 @!p1 $0x20  }
0x26: {  	[tilespmem:s15], [sflag:$0x1] =	stream.strided.gather @!p1 [hbm4b:s14+s16], $0x1000, s17, s16, $0x38;
	[tilespmem:$0x4040] =	vst v63  }
0x27: {  	p1 =	sge.u32 s31, s5  }
.Ltmp2:
0x28: {  	_ = 	snop;
	(pc) =	sbr.rel @p1 .LBB1_5-.Ltmp2, $1  }
0x29: {  	_ =	sdelay $0x3  }
0x2a: {  	s14 =	simm.s32 $0x1  }
0x2b: {  	_ =	swait.ge [sflag:s4], $0x1000;
	s14 =	simm.s32 @!p0 $0x0  }
0x2c: {  	[sflag:s4] =	ssyncset.done $0x0;
	s15 =	sshll.u32 s14, $0xC  }
0x2d: {  	[sflag:s4] =	ssyncadd.s32 $0xFFFFF000;
	s18 =	sor.u32 $0x10, s15  }
0x2e: {  	s14 =	smul.u32 $0x4080, s14;
	v1 =	vld [tilespmem:s18+$0x0]  }
0x2f: {  	s30 =	sand.u32 $0x1, s11;
	v0 =	vld [tilespmem:s18+$0xFFFFFFF0]  }
0x30: {  	s15 =	smul.u32 $0x4080, s30;
	s14 =	sshrl.u32 s14, $0x2  }
0x31: {  	s16 =	sor.u32 $0x2000, s14  }
0x32: {  	s31 =	sshrl.u32 s15, $0x2;
	s15 =	sadd.s32 $0x0, s16  }
0x33: {  	s17 =	simm.s32 $0x4;
	s18 =	sadd.s32 $0x20, s18;
	s14 =	sor.u32 $0x2000, s31;
	[tilespmem:s15+$0x810 ss:$0x81] =	vst.msk $0xffff, v1  }
.LBB1_3:
0x34: {  	v1 =	vld [tilespmem:s18+$0x0];
	p1 =	sne.s32 s17, $0x1FC;
	[tilespmem:s15+$0x0 ss:$0x81] =	vst.msk $0xffff, v0;
	s15 =	smov.u32 s17;
	s17 =	sadd.s32 $0x4, s17  }
.Ltmp3:
0x35: {  	v0 =	vld [tilespmem:s18+$0xFFFFFFF0];
	(pc) =	sbr.rel @p1 .LBB1_3-.Ltmp3, $4  }
0x36: {  	_ = 	snop  }
0x37: {  	s15 =	sshra.s32 s15, $0x2  }
0x38: {  	s15 =	sadd.s32 s15, s16  }
0x39: {  	s18 =	sadd.s32 $0x20, s18;
	[tilespmem:s15+$0x810 ss:$0x81] =	vst.msk $0xffff, v1  }
.Ltmp4:
0x3a: {  	_ = 	snop;
	(pc) =	sbr.rel .LBB1_4-.Ltmp4, $1  }
0x3b: {  	_ =	sdelay $0x3  }
.LBB1_6:
0x3c: {  	_ =	sfence.sel $0x180000  }
0x3d: {  	s2 =	simm.s32 $0x1;
	[bflag:$0x0] =	sbarrier.arrive $0xFFFF  }
0x3e: {  	s31 =	simm.s32 $0x2;
	[sflag:s2] =	ssyncpa.u1 $0x1  }
0x3f: {  	[sflag:s31] =	ssyncpa.u1 $0x1  }
0x40: {  	p0 =	sne.s32 s0, $0x0;
	_ =	strace $0x9000004A  }
0x41: {  	s0 =	sadd.s32 @!p0 $0x100000, s1;
	[bflag:$0x2] =	sbarrier.arrive $0xFFFF  }
0x42: {  	[sflag:s0] =	ssyncadd.tile.s32 @!p0 $0x1;
	_ =	shalt  }
.Lfunc_end1:
_tile_overlayer_lowered:
.L_overlay_start_2:
0x43: {  	(tag) =	ssettag $0x2  }
0x44: {  	s0 =	rddreg [dreg:$0x0];
	s2 =	stileid.u32  }
0x45: {  	s1 =	rddreg [dreg:$0x1];
	p0 =	sne.s32 s2, $0x0  }
0x46: {  	s3 =	rddreg [dreg:$0x2];
	[bflag:$0x3] =	sbarrier.arrive $0xFFFF;
	s2 =	simm.s32 @!p0 $0x1C01  }
0x47: {  	[timem:s3], [sflag:s2] =	dma.local @!p0 [hbm:s0], s1  }
0x48: {  	s0 =	simm.s32 @!p0 $0x1  }
0x49: {  	_ =	swait.ge @!p0 [sflag:s0], s1  }
0x4a: {  	s1 =	ssub.s32 @!p0 $0x0, s1;
	[sflag:s0] =	ssyncset.done @!p0 $0x0  }
0x4b: {  	[sflag:s0] =	ssyncadd.s32 @!p0 s1  }
0x4c: {  	[bflag:$0x3] =	sbarrier.arrive $0xFFFF  }
0x4d: {  	_ =	shalt  }

</sc_bundles>
